<compile_context>
chip_gen: v7x
topology: tpu7x:2x2x1
jax: 0.10.2.dev20260603
libtpu: 0.0.44.dev20260713+nightly
codegen_flags: <defaults>
</compile_context>

<pallas_src>
import functools

import jax
import jax.numpy as jnp
from jax import lax
from jax.experimental import pallas as pl
from jax.experimental.pallas import tpu as pltpu
from jax.experimental.pallas import tpu_sc as plsc


def kernel(uEmbeds, iEmbeds, ancs, poss, negs):
    B = ancs.shape[0]
    D = uEmbeds.shape[1]
    uT = uEmbeds.T
    iT = iEmbeds.T

    CH = 8
    NBUF = 2

    info = plsc.get_sparse_core_info()
    nc, ns = info.num_cores, info.num_subcores
    nw = nc * ns
    b_per_w = B // nw
    n_chunks = b_per_w // CH
    mesh = plsc.VectorSubcoreMesh(core_axis_name="c", subcore_axis_name="s")

    @functools.partial(
        pl.kernel,
        mesh=mesh,
        out_type=jax.ShapeDtypeStruct((B,), jnp.float32),
        compiler_params=pltpu.CompilerParams(
            needs_layout_passes=False, use_tc_tiling_on_sc=True),
        scratch_types=[
            pltpu.VMEM((b_per_w + 16,), jnp.int32),
            pltpu.VMEM((b_per_w + 16,), jnp.int32),
            pltpu.VMEM((b_per_w + 16,), jnp.int32),
            pltpu.VMEM((NBUF, CH * D, 128), jnp.float32),
            pltpu.VMEM((NBUF, CH * D, 128), jnp.float32),
            pltpu.VMEM((NBUF, CH * D, 128), jnp.float32),
            pltpu.VMEM((b_per_w,), jnp.float32),
            pltpu.SemaphoreType.DMA,
            pltpu.SemaphoreType.DMA,
            pltpu.SemaphoreType.DMA,
            pltpu.SemaphoreType.DMA,
            pltpu.SemaphoreType.DMA,
            pltpu.SemaphoreType.DMA,
        ],
    )
    def mf_scores(u_hbm, i_hbm, anc_hbm, pos_hbm, neg_hbm, out_hbm,
                  ids_a, ids_p, ids_n, la, lp, ln, out_v,
                  sem_a0, sem_p0, sem_n0, sem_a1, sem_p1, sem_n1):
        sems = ((sem_a0, sem_p0, sem_n0), (sem_a1, sem_p1, sem_n1))
        wid = lax.axis_index("s") * nc + lax.axis_index("c")
        base = wid * b_per_w
        pltpu.sync_copy(anc_hbm.at[pl.ds(base, b_per_w)], ids_a.at[pl.ds(0, b_per_w)])
        pltpu.sync_copy(pos_hbm.at[pl.ds(base, b_per_w)], ids_p.at[pl.ds(0, b_per_w)])
        pltpu.sync_copy(neg_hbm.at[pl.ds(base, b_per_w)], ids_n.at[pl.ds(0, b_per_w)])
        zeros16 = jnp.zeros((16,), jnp.int32)
        ids_a[pl.ds(b_per_w, 16)] = zeros16
        ids_p[pl.ds(b_per_w, 16)] = zeros16
        ids_n[pl.ds(b_per_w, 16)] = zeros16

        lane = lax.iota(jnp.int32, 16)
        low = lane < CH

        def fire(c, q):
            s = c * CH
            va = ids_a[pl.ds(s, 16)]
            vp = ids_p[pl.ds(s, 16)]
            vn = ids_n[pl.ds(s, 16)]
            sa, sp, sn = sems[q]
            for k in range(CH):
                ba = pl.multiple_of((va[k] >> 7) * 128, 128)
                bp = pl.multiple_of((vp[k] >> 7) * 128, 128)
                bn = pl.multiple_of((vn[k] >> 7) * 128, 128)
                pltpu.async_copy(
                    u_hbm.at[:, pl.ds(ba, 128)],
                    la.at[q, pl.ds(k * D, D), :], sa)
                pltpu.async_copy(
                    i_hbm.at[:, pl.ds(bp, 128)],
                    lp.at[q, pl.ds(k * D, D), :], sp)
                pltpu.async_copy(
                    i_hbm.at[:, pl.ds(bn, 128)],
                    ln.at[q, pl.ds(k * D, D), :], sn)

        def drain(q):
            sa, sp, sn = sems[q]
            for k in range(CH):
                pltpu.make_async_copy(
                    u_hbm.at[:, pl.ds(0, 128)],
                    la.at[q, pl.ds(k * D, D), :], sa).wait()
                pltpu.make_async_copy(
                    i_hbm.at[:, pl.ds(0, 128)],
                    lp.at[q, pl.ds(k * D, D), :], sp).wait()
                pltpu.make_async_copy(
                    i_hbm.at[:, pl.ds(0, 128)],
                    ln.at[q, pl.ds(k * D, D), :], sn).wait()

        def extract(c, q):
            s = c * CH
            va = ids_a[pl.ds(s, 16)]
            vp = ids_p[pl.ds(s, 16)]
            vn = ids_n[pl.ds(s, 16)]
            pa = va & 127
            pp = vp & 127
            pn = vn & 127
            slot = jnp.where(low, lane, 0) * D
            acc = jnp.zeros((16,), jnp.float32)
            for l in range(D):
                rows = slot + l
                a = plsc.load_gather(la.at[q], [rows, pa])
                p = plsc.load_gather(lp.at[q], [rows, pp])
                n = plsc.load_gather(ln.at[q], [rows, pn])
                acc = acc + a * (p - n)
            plsc.store_scatter(out_v, [s + lane], acc, mask=low)

        fire(0, 0)

        def pair_body(j2, carry):
            e = j2 * 2
            fire(e + 1, 1)
            drain(0)
            extract(e, 0)

            @pl.when(j2 < n_chunks // 2 - 1)
            def _():
                fire(e + 2, 0)

            drain(1)
            extract(e + 1, 1)
            return carry

        lax.fori_loop(0, n_chunks // 2, pair_body, 0)
        pltpu.sync_copy(out_v, out_hbm.at[pl.ds(base, b_per_w)])

    return mf_scores(uT, iT, ancs, poss, negs)

# --- scband reference (transcript-rebuilt; emitter-appended) ---
"""Pipeline reference for scband-mf-59742995087657 (READ-ONLY COPY).

The authoritative reference and input builder live on the scoring server;
editing this copy changes nothing except your own understanding.
"""

import jax, jax.numpy as jnp
import numpy as np

USER = 1000000
ITEM = 1000000
LATDIM = 16
BATCH = 16384


def setup_inputs(seed: int = 0) -> dict:
    key = jax.random.key(seed)
    k1, k2, k3, k4, k5 = jax.random.split(key, 5)
    # xavier_uniform init: limit = sqrt(6 / (fan_in + fan_out))
    lim_u = float(np.sqrt(6.0 / (USER + LATDIM)))
    lim_i = float(np.sqrt(6.0 / (ITEM + LATDIM)))
    uEmbeds = jax.random.uniform(k1, (USER, LATDIM), minval=-lim_u, maxval=lim_u, dtype=jnp.float32)
    iEmbeds = jax.random.uniform(k2, (ITEM, LATDIM), minval=-lim_i, maxval=lim_i, dtype=jnp.float32)
    ancs = jax.random.randint(k3, (BATCH,), 0, USER, dtype=jnp.int64 if jax.config.jax_enable_x64 else jnp.int32)
    poss = jax.random.randint(k4, (BATCH,), 0, ITEM, dtype=jnp.int64 if jax.config.jax_enable_x64 else jnp.int32)
    negs = jax.random.randint(k5, (BATCH,), 0, ITEM, dtype=jnp.int64 if jax.config.jax_enable_x64 else jnp.int32)
    return {"uEmbeds": uEmbeds, "iEmbeds": iEmbeds, "ancs": ancs, "poss": poss, "negs": negs}


def reference(uEmbeds, iEmbeds, ancs, poss, negs):
    # MF.pairPredictwEmbeds: gather user/item embeddings, BPR pair scores.
    ancEmbeds = jnp.take(uEmbeds, ancs, axis=0)
    posEmbeds = jnp.take(iEmbeds, poss, axis=0)
    negEmbeds = jnp.take(iEmbeds, negs, axis=0)
    posScores = jnp.sum(ancEmbeds * posEmbeds, axis=-1)
    negScores = jnp.sum(ancEmbeds * negEmbeds, axis=-1)
    return posScores - negScores

if __name__ == "__main__":
    import jax
    _d = setup_inputs()
    print(jax.jit(kernel)(*tuple(_d.values())))

</pallas_src>

<mosaic_0001>
#map = affine_map<(d0, d1) -> (0, 0)>
#map1 = affine_map<(d0, d1) -> (0)>
module attributes {stable_mosaic.version = 14 : i64} {
  func.func @mf_scores(%arg0: i32, %arg1: i32, %arg2: memref<16x1000000xf32, #tpu.memory_space<hbm>>, %arg3: memref<16x1000000xf32, #tpu.memory_space<hbm>>, %arg4: memref<16384xi32, #tpu.memory_space<hbm>>, %arg5: memref<16384xi32, #tpu.memory_space<hbm>>, %arg6: memref<16384xi32, #tpu.memory_space<hbm>>, %arg7: memref<16384xf32, #tpu.memory_space<hbm>>, %arg8: memref<528xi32, #tpu.memory_space<vmem>>, %arg9: memref<528xi32, #tpu.memory_space<vmem>>, %arg10: memref<528xi32, #tpu.memory_space<vmem>>, %arg11: memref<2x128x128xf32, #tpu.memory_space<vmem>>, %arg12: memref<2x128x128xf32, #tpu.memory_space<vmem>>, %arg13: memref<2x128x128xf32, #tpu.memory_space<vmem>>, %arg14: memref<512xf32, #tpu.memory_space<vmem>>, %arg15: memref<!tpu.dma_semaphore, #tpu.memory_space<semaphore_mem>>, %arg16: memref<!tpu.dma_semaphore, #tpu.memory_space<semaphore_mem>>, %arg17: memref<!tpu.dma_semaphore, #tpu.memory_space<semaphore_mem>>, %arg18: memref<!tpu.dma_semaphore, #tpu.memory_space<semaphore_mem>>, %arg19: memref<!tpu.dma_semaphore, #tpu.memory_space<semaphore_mem>>, %arg20: memref<!tpu.dma_semaphore, #tpu.memory_space<semaphore_mem>>) attributes {dimension_semantics = [#tpu.dimension_semantics<core_parallel>, #tpu.dimension_semantics<subcore_parallel>], iteration_bounds = array<i64: 2, 16>, scalar_prefetch = 0 : i64, scratch_operands = 13 : i64, tpu.core_type = #tpu.core_type<sc_vector_subcore>, window_params = [{transform_indices = #map}, {transform_indices = #map}, {transform_indices = #map1}, {transform_indices = #map1}, {transform_indices = #map1}, {transform_indices = #map1}]} {
    %mul3A = arith.constant 2 : i32
    %mul3A_0 = arith.muli %arg1, %mul3A : i32
    %add3A = arith.addi %mul3A_0, %arg0 : i32
    %mul3A_1 = arith.constant 512 : i32
    %mul3A_2 = arith.muli %add3A, %mul3A_1 : i32
    "tpu.region"() ({
      %run_scoped3A = tpu.sem_alloc : memref<!tpu.dma_semaphore, #tpu.memory_space<semaphore_mem>>
      %dma_start3A_496 = arith.constant 0 : i32
      %dma_start3A_497 = tpu.memref_slice %arg8[%dma_start3A_496] : memref<528xi32, #tpu.memory_space<vmem>> -> memref<512xi32, #tpu.memory_space<vmem>>
      %dma_start3A_498 = tpu.memref_slice %arg4[%mul3A_2] : memref<16384xi32, #tpu.memory_space<hbm>> -> memref<512xi32, #tpu.memory_space<hbm>>
      %dma_start3A_499 = arith.constant 0 : i32
      %dma_start3A_500 = tpu.memref_slice %arg8[%dma_start3A_499] : memref<528xi32, #tpu.memory_space<vmem>> -> memref<512xi32, #tpu.memory_space<vmem>>
      %dma_start3A_501 = tpu.memref_slice %arg4[%mul3A_2] : memref<16384xi32, #tpu.memory_space<hbm>> -> memref<512xi32, #tpu.memory_space<hbm>>
      tpu.enqueue_dma source(%dma_start3A_501 : memref<512xi32, #tpu.memory_space<hbm>>) target(%dma_start3A_500 : memref<512xi32, #tpu.memory_space<vmem>>) target_semaphore(%run_scoped3A : memref<!tpu.dma_semaphore, #tpu.memory_space<semaphore_mem>>)
      %dma_wait3A = arith.constant 0 : i32
      %dma_wait3A_502 = tpu.memref_slice %arg8[%dma_wait3A] : memref<528xi32, #tpu.memory_space<vmem>> -> memref<512xi32, #tpu.memory_space<vmem>>
      %dma_wait3A_503 = tpu.memref_slice %arg4[%mul3A_2] : memref<16384xi32, #tpu.memory_space<hbm>> -> memref<512xi32, #tpu.memory_space<hbm>>
      %dma_wait3A_504 = arith.constant 0 : i32
      %dma_wait3A_505 = tpu.memref_slice %arg8[%dma_wait3A_504] : memref<528xi32, #tpu.memory_space<vmem>> -> memref<512xi32, #tpu.memory_space<vmem>>
      %dma_wait3A_506 = tpu.memref_slice %arg4[%mul3A_2] : memref<16384xi32, #tpu.memory_space<hbm>> -> memref<512xi32, #tpu.memory_space<hbm>>
      tpu.wait_dma2 semaphore(%run_scoped3A : memref<!tpu.dma_semaphore, #tpu.memory_space<semaphore_mem>>) src(%dma_wait3A_506 : memref<512xi32, #tpu.memory_space<hbm>>) dst(%dma_wait3A_505 : memref<512xi32, #tpu.memory_space<vmem>>)
      tpu.yield
    }) : () -> ()
    "tpu.region"() ({
      %run_scoped3A = tpu.sem_alloc : memref<!tpu.dma_semaphore, #tpu.memory_space<semaphore_mem>>
      %dma_start3A_496 = arith.constant 0 : i32
      %dma_start3A_497 = tpu.memref_slice %arg9[%dma_start3A_496] : memref<528xi32, #tpu.memory_space<vmem>> -> memref<512xi32, #tpu.memory_space<vmem>>
      %dma_start3A_498 = tpu.memref_slice %arg5[%mul3A_2] : memref<16384xi32, #tpu.memory_space<hbm>> -> memref<512xi32, #tpu.memory_space<hbm>>
      %dma_start3A_499 = arith.constant 0 : i32
      %dma_start3A_500 = tpu.memref_slice %arg9[%dma_start3A_499] : memref<528xi32, #tpu.memory_space<vmem>> -> memref<512xi32, #tpu.memory_space<vmem>>
      %dma_start3A_501 = tpu.memref_slice %arg5[%mul3A_2] : memref<16384xi32, #tpu.memory_space<hbm>> -> memref<512xi32, #tpu.memory_space<hbm>>
      tpu.enqueue_dma source(%dma_start3A_501 : memref<512xi32, #tpu.memory_space<hbm>>) target(%dma_start3A_500 : memref<512xi32, #tpu.memory_space<vmem>>) target_semaphore(%run_scoped3A : memref<!tpu.dma_semaphore, #tpu.memory_space<semaphore_mem>>)
      %dma_wait3A = arith.constant 0 : i32
      %dma_wait3A_502 = tpu.memref_slice %arg9[%dma_wait3A] : memref<528xi32, #tpu.memory_space<vmem>> -> memref<512xi32, #tpu.memory_space<vmem>>
      %dma_wait3A_503 = tpu.memref_slice %arg5[%mul3A_2] : memref<16384xi32, #tpu.memory_space<hbm>> -> memref<512xi32, #tpu.memory_space<hbm>>
      %dma_wait3A_504 = arith.constant 0 : i32
      %dma_wait3A_505 = tpu.memref_slice %arg9[%dma_wait3A_504] : memref<528xi32, #tpu.memory_space<vmem>> -> memref<512xi32, #tpu.memory_space<vmem>>
      %dma_wait3A_506 = tpu.memref_slice %arg5[%mul3A_2] : memref<16384xi32, #tpu.memory_space<hbm>> -> memref<512xi32, #tpu.memory_space<hbm>>
      tpu.wait_dma2 semaphore(%run_scoped3A : memref<!tpu.dma_semaphore, #tpu.memory_space<semaphore_mem>>) src(%dma_wait3A_506 : memref<512xi32, #tpu.memory_space<hbm>>) dst(%dma_wait3A_505 : memref<512xi32, #tpu.memory_space<vmem>>)
      tpu.yield
    }) : () -> ()
    "tpu.region"() ({
      %run_scoped3A = tpu.sem_alloc : memref<!tpu.dma_semaphore, #tpu.memory_space<semaphore_mem>>
      %dma_start3A_496 = arith.constant 0 : i32
      %dma_start3A_497 = tpu.memref_slice %arg10[%dma_start3A_496] : memref<528xi32, #tpu.memory_space<vmem>> -> memref<512xi32, #tpu.memory_space<vmem>>
      %dma_start3A_498 = tpu.memref_slice %arg6[%mul3A_2] : memref<16384xi32, #tpu.memory_space<hbm>> -> memref<512xi32, #tpu.memory_space<hbm>>
      %dma_start3A_499 = arith.constant 0 : i32
      %dma_start3A_500 = tpu.memref_slice %arg10[%dma_start3A_499] : memref<528xi32, #tpu.memory_space<vmem>> -> memref<512xi32, #tpu.memory_space<vmem>>
      %dma_start3A_501 = tpu.memref_slice %arg6[%mul3A_2] : memref<16384xi32, #tpu.memory_space<hbm>> -> memref<512xi32, #tpu.memory_space<hbm>>
      tpu.enqueue_dma source(%dma_start3A_501 : memref<512xi32, #tpu.memory_space<hbm>>) target(%dma_start3A_500 : memref<512xi32, #tpu.memory_space<vmem>>) target_semaphore(%run_scoped3A : memref<!tpu.dma_semaphore, #tpu.memory_space<semaphore_mem>>)
      %dma_wait3A = arith.constant 0 : i32
      %dma_wait3A_502 = tpu.memref_slice %arg10[%dma_wait3A] : memref<528xi32, #tpu.memory_space<vmem>> -> memref<512xi32, #tpu.memory_space<vmem>>
      %dma_wait3A_503 = tpu.memref_slice %arg6[%mul3A_2] : memref<16384xi32, #tpu.memory_space<hbm>> -> memref<512xi32, #tpu.memory_space<hbm>>
      %dma_wait3A_504 = arith.constant 0 : i32
      %dma_wait3A_505 = tpu.memref_slice %arg10[%dma_wait3A_504] : memref<528xi32, #tpu.memory_space<vmem>> -> memref<512xi32, #tpu.memory_space<vmem>>
      %dma_wait3A_506 = tpu.memref_slice %arg6[%mul3A_2] : memref<16384xi32, #tpu.memory_space<hbm>> -> memref<512xi32, #tpu.memory_space<hbm>>
      tpu.wait_dma2 semaphore(%run_scoped3A : memref<!tpu.dma_semaphore, #tpu.memory_space<semaphore_mem>>) src(%dma_wait3A_506 : memref<512xi32, #tpu.memory_space<hbm>>) dst(%dma_wait3A_505 : memref<512xi32, #tpu.memory_space<vmem>>)
      tpu.yield
    }) : () -> ()
    %broadcast_in_dim3A = arith.constant 0 : i32
    %broadcast_in_dim3A_3 = vector.broadcast %broadcast_in_dim3A : i32 to vector<16xi32>
    %swap3A = arith.constant 512 : index
    %swap3A_4 = tpu.vector_load %arg8[%swap3A] {strides = array<i32>} : memref<528xi32, #tpu.memory_space<vmem>>, vector<16xi32>,
    tpu.vector_store %arg8[%swap3A], %broadcast_in_dim3A_3 {strides = array<i32>} : memref<528xi32, #tpu.memory_space<vmem>>, vector<16xi32>,
    %swap3A_5 = arith.constant 512 : index
    %swap3A_6 = tpu.vector_load %arg9[%swap3A_5] {strides = array<i32>} : memref<528xi32, #tpu.memory_space<vmem>>, vector<16xi32>,
    tpu.vector_store %arg9[%swap3A_5], %broadcast_in_dim3A_3 {strides = array<i32>} : memref<528xi32, #tpu.memory_space<vmem>>, vector<16xi32>,
    %swap3A_7 = arith.constant 512 : index
    %swap3A_8 = tpu.vector_load %arg10[%swap3A_7] {strides = array<i32>} : memref<528xi32, #tpu.memory_space<vmem>>, vector<16xi32>,
    tpu.vector_store %arg10[%swap3A_7], %broadcast_in_dim3A_3 {strides = array<i32>} : memref<528xi32, #tpu.memory_space<vmem>>, vector<16xi32>,
    %iota3A = tpu.iota {dimensions = array<i32: 0>} : vector<16xi32>
    %lt3A = arith.constant 8 : i32
    %lt3A_9 = vector.broadcast %lt3A : i32 to vector<16xi32>
    %lt3A_10 = arith.cmpi slt, %iota3A, %lt3A_9 : vector<16xi32>
    %get3A = arith.constant 0 : index
    %get3A_11 = tpu.vector_load %arg8[%get3A] {strides = array<i32>} : memref<528xi32, #tpu.memory_space<vmem>>, vector<16xi32>,
    %get3A_12 = arith.constant 0 : index
    %get3A_13 = tpu.vector_load %arg9[%get3A_12] {strides = array<i32>} : memref<528xi32, #tpu.memory_space<vmem>>, vector<16xi32>,
    %get3A_14 = arith.constant 0 : index
    %get3A_15 = tpu.vector_load %arg10[%get3A_14] {strides = array<i32>} : memref<528xi32, #tpu.memory_space<vmem>>, vector<16xi32>,
    %slice3A = vector.extract_strided_slice %get3A_11 {offsets = [0], sizes = [1], strides = [1]} : vector<16xi32> to vector<1xi32>
    %squeeze3A = vector.extract %slice3A[0] : i32 from vector<1xi32>
    %shift_right_arithmetic3A = arith.constant 7 : i32
    %shift_right_arithmetic3A_16 = arith.shrsi %squeeze3A, %shift_right_arithmetic3A : i32
    %mul3A_17 = arith.constant 128 : i32
    %mul3A_18 = arith.muli %shift_right_arithmetic3A_16, %mul3A_17 : i32
    %multiple_of3A = tpu.assume_multiple %mul3A_18, 128 : i32
    %slice3A_19 = vector.extract_strided_slice %get3A_13 {offsets = [0], sizes = [1], strides = [1]} : vector<16xi32> to vector<1xi32>
    %squeeze3A_20 = vector.extract %slice3A_19[0] : i32 from vector<1xi32>
    %shift_right_arithmetic3A_21 = arith.constant 7 : i32
    %shift_right_arithmetic3A_22 = arith.shrsi %squeeze3A_20, %shift_right_arithmetic3A_21 : i32
    %mul3A_23 = arith.constant 128 : i32
    %mul3A_24 = arith.muli %shift_right_arithmetic3A_22, %mul3A_23 : i32
    %multiple_of3A_25 = tpu.assume_multiple %mul3A_24, 128 : i32
    %slice3A_26 = vector.extract_strided_slice %get3A_15 {offsets = [0], sizes = [1], strides = [1]} : vector<16xi32> to vector<1xi32>
    %squeeze3A_27 = vector.extract %slice3A_26[0] : i32 from vector<1xi32>
    %shift_right_arithmetic3A_28 = arith.constant 7 : i32
    %shift_right_arithmetic3A_29 = arith.shrsi %squeeze3A_27, %shift_right_arithmetic3A_28 : i32
    %mul3A_30 = arith.constant 128 : i32
    %mul3A_31 = arith.muli %shift_right_arithmetic3A_29, %mul3A_30 : i32
    %multiple_of3A_32 = tpu.assume_multiple %mul3A_31, 128 : i32
    %dma_start3A = arith.constant 0 : i32
    %dma_start3A_33 = arith.constant 0 : i32
    %dma_start3A_34 = arith.constant 0 : i32
    %dma_start3A_35 = tpu.memref_slice %arg11[%dma_start3A, %dma_start3A_33, %dma_start3A_34] : memref<2x128x128xf32, #tpu.memory_space<vmem>> -> memref<1x16x128xf32, #tpu.memory_space<vmem>>
    %dma_start3A_36 = tpu.memref_squeeze %dma_start3A_35 : memref<1x16x128xf32, #tpu.memory_space<vmem>> -> memref<16x128xf32, #tpu.memory_space<vmem>>
    %dma_start3A_37 = arith.constant 0 : i32
    %dma_start3A_38 = tpu.memref_slice %arg2[%dma_start3A_37, %multiple_of3A] : memref<16x1000000xf32, #tpu.memory_space<hbm>> -> memref<16x128xf32, #tpu.memory_space<hbm>>
    %dma_start3A_39 = arith.constant 0 : i32
    %dma_start3A_40 = arith.constant 0 : i32
    %dma_start3A_41 = tpu.memref_slice %arg11[%dma_start3A, %dma_start3A_39, %dma_start3A_40] : memref<2x128x128xf32, #tpu.memory_space<vmem>> -> memref<1x16x128xf32, #tpu.memory_space<vmem>>
    %dma_start3A_42 = tpu.memref_squeeze %dma_start3A_41 : memref<1x16x128xf32, #tpu.memory_space<vmem>> -> memref<16x128xf32, #tpu.memory_space<vmem>>
    %dma_start3A_43 = arith.constant 0 : i32
    %dma_start3A_44 = tpu.memref_slice %arg2[%dma_start3A_43, %multiple_of3A] : memref<16x1000000xf32, #tpu.memory_space<hbm>> -> memref<16x128xf32, #tpu.memory_space<hbm>>
    tpu.enqueue_dma source(%dma_start3A_44 : memref<16x128xf32, #tpu.memory_space<hbm>>) target(%dma_start3A_42 : memref<16x128xf32, #tpu.memory_space<vmem>>) target_semaphore(%arg15 : memref<!tpu.dma_semaphore, #tpu.memory_space<semaphore_mem>>)
    %dma_start3A_45 = arith.constant 0 : i32
    %dma_start3A_46 = arith.constant 0 : i32
    %dma_start3A_47 = arith.constant 0 : i32
    %dma_start3A_48 = tpu.memref_slice %arg12[%dma_start3A_45, %dma_start3A_46, %dma_start3A_47] : memref<2x128x128xf32, #tpu.memory_space<vmem>> -> memref<1x16x128xf32, #tpu.memory_space<vmem>>
    %dma_start3A_49 = tpu.memref_squeeze %dma_start3A_48 : memref<1x16x128xf32, #tpu.memory_space<vmem>> -> memref<16x128xf32, #tpu.memory_space<vmem>>
    %dma_start3A_50 = arith.constant 0 : i32
    %dma_start3A_51 = tpu.memref_slice %arg3[%dma_start3A_50, %multiple_of3A_25] : memref<16x1000000xf32, #tpu.memory_space<hbm>> -> memref<16x128xf32, #tpu.memory_space<hbm>>
    %dma_start3A_52 = arith.constant 0 : i32
    %dma_start3A_53 = arith.constant 0 : i32
    %dma_start3A_54 = tpu.memref_slice %arg12[%dma_start3A_45, %dma_start3A_52, %dma_start3A_53] : memref<2x128x128xf32, #tpu.memory_space<vmem>> -> memref<1x16x128xf32, #tpu.memory_space<vmem>>
    %dma_start3A_55 = tpu.memref_squeeze %dma_start3A_54 : memref<1x16x128xf32, #tpu.memory_space<vmem>> -> memref<16x128xf32, #tpu.memory_space<vmem>>
    %dma_start3A_56 = arith.constant 0 : i32
    %dma_start3A_57 = tpu.memref_slice %arg3[%dma_start3A_56, %multiple_of3A_25] : memref<16x1000000xf32, #tpu.memory_space<hbm>> -> memref<16x128xf32, #tpu.memory_space<hbm>>
    tpu.enqueue_dma source(%dma_start3A_57 : memref<16x128xf32, #tpu.memory_space<hbm>>) target(%dma_start3A_55 : memref<16x128xf32, #tpu.memory_space<vmem>>) target_semaphore(%arg16 : memref<!tpu.dma_semaphore, #tpu.memory_space<semaphore_mem>>)
    %dma_start3A_58 = arith.constant 0 : i32
    %dma_start3A_59 = arith.constant 0 : i32
    %dma_start3A_60 = arith.constant 0 : i32
    %dma_start3A_61 = tpu.memref_slice %arg13[%dma_start3A_58, %dma_start3A_59, %dma_start3A_60] : memref<2x128x128xf32, #tpu.memory_space<vmem>> -> memref<1x16x128xf32, #tpu.memory_space<vmem>>
    %dma_start3A_62 = tpu.memref_squeeze %dma_start3A_61 : memref<1x16x128xf32, #tpu.memory_space<vmem>> -> memref<16x128xf32, #tpu.memory_space<vmem>>
    %dma_start3A_63 = arith.constant 0 : i32
    %dma_start3A_64 = tpu.memref_slice %arg3[%dma_start3A_63, %multiple_of3A_32] : memref<16x1000000xf32, #tpu.memory_space<hbm>> -> memref<16x128xf32, #tpu.memory_space<hbm>>
    %dma_start3A_65 = arith.constant 0 : i32
    %dma_start3A_66 = arith.constant 0 : i32
    %dma_start3A_67 = tpu.memref_slice %arg13[%dma_start3A_58, %dma_start3A_65, %dma_start3A_66] : memref<2x128x128xf32, #tpu.memory_space<vmem>> -> memref<1x16x128xf32, #tpu.memory_space<vmem>>
    %dma_start3A_68 = tpu.memref_squeeze %dma_start3A_67 : memref<1x16x128xf32, #tpu.memory_space<vmem>> -> memref<16x128xf32, #tpu.memory_space<vmem>>
    %dma_start3A_69 = arith.constant 0 : i32
    %dma_start3A_70 = tpu.memref_slice %arg3[%dma_start3A_69, %multiple_of3A_32] : memref<16x1000000xf32, #tpu.memory_space<hbm>> -> memref<16x128xf32, #tpu.memory_space<hbm>>
    tpu.enqueue_dma source(%dma_start3A_70 : memref<16x128xf32, #tpu.memory_space<hbm>>) target(%dma_start3A_68 : memref<16x128xf32, #tpu.memory_space<vmem>>) target_semaphore(%arg17 : memref<!tpu.dma_semaphore, #tpu.memory_space<semaphore_mem>>)
    %slice3A_71 = vector.extract_strided_slice %get3A_11 {offsets = [1], sizes = [1], strides = [1]} : vector<16xi32> to vector<1xi32>
    %squeeze3A_72 = vector.extract %slice3A_71[0] : i32 from vector<1xi32>
    %shift_right_arithmetic3A_73 = arith.constant 7 : i32
    %shift_right_arithmetic3A_74 = arith.shrsi %squeeze3A_72, %shift_right_arithmetic3A_73 : i32
    %mul3A_75 = arith.constant 128 : i32
    %mul3A_76 = arith.muli %shift_right_arithmetic3A_74, %mul3A_75 : i32
    %multiple_of3A_77 = tpu.assume_multiple %mul3A_76, 128 : i32
    %slice3A_78 = vector.extract_strided_slice %get3A_13 {offsets = [1], sizes = [1], strides = [1]} : vector<16xi32> to vector<1xi32>
    %squeeze3A_79 = vector.extract %slice3A_78[0] : i32 from vector<1xi32>
    %shift_right_arithmetic3A_80 = arith.constant 7 : i32
    %shift_right_arithmetic3A_81 = arith.shrsi %squeeze3A_79, %shift_right_arithmetic3A_80 : i32
    %mul3A_82 = arith.constant 128 : i32
    %mul3A_83 = arith.muli %shift_right_arithmetic3A_81, %mul3A_82 : i32
    %multiple_of3A_84 = tpu.assume_multiple %mul3A_83, 128 : i32
    %slice3A_85 = vector.extract_strided_slice %get3A_15 {offsets = [1], sizes = [1], strides = [1]} : vector<16xi32> to vector<1xi32>
    %squeeze3A_86 = vector.extract %slice3A_85[0] : i32 from vector<1xi32>
    %shift_right_arithmetic3A_87 = arith.constant 7 : i32
    %shift_right_arithmetic3A_88 = arith.shrsi %squeeze3A_86, %shift_right_arithmetic3A_87 : i32
    %mul3A_89 = arith.constant 128 : i32
    %mul3A_90 = arith.muli %shift_right_arithmetic3A_88, %mul3A_89 : i32
    %multiple_of3A_91 = tpu.assume_multiple %mul3A_90, 128 : i32
    %dma_start3A_92 = arith.constant 0 : i32
    %dma_start3A_93 = arith.constant 16 : i32
    %dma_start3A_94 = arith.constant 0 : i32
    %dma_start3A_95 = tpu.memref_slice %arg11[%dma_start3A_92, %dma_start3A_93, %dma_start3A_94] : memref<2x128x128xf32, #tpu.memory_space<vmem>> -> memref<1x16x128xf32, #tpu.memory_space<vmem>>
    %dma_start3A_96 = tpu.memref_squeeze %dma_start3A_95 : memref<1x16x128xf32, #tpu.memory_space<vmem>> -> memref<16x128xf32, #tpu.memory_space<vmem>>
    %dma_start3A_97 = arith.constant 0 : i32
    %dma_start3A_98 = tpu.memref_slice %arg2[%dma_start3A_97, %multiple_of3A_77] : memref<16x1000000xf32, #tpu.memory_space<hbm>> -> memref<16x128xf32, #tpu.memory_space<hbm>>
    %dma_start3A_99 = arith.constant 16 : i32
    %dma_start3A_100 = arith.constant 0 : i32
    %dma_start3A_101 = tpu.memref_slice %arg11[%dma_start3A_92, %dma_start3A_99, %dma_start3A_100] : memref<2x128x128xf32, #tpu.memory_space<vmem>> -> memref<1x16x128xf32, #tpu.memory_space<vmem>>
    %dma_start3A_102 = tpu.memref_squeeze %dma_start3A_101 : memref<1x16x128xf32, #tpu.memory_space<vmem>> -> memref<16x128xf32, #tpu.memory_space<vmem>>
    %dma_start3A_103 = arith.constant 0 : i32
    %dma_start3A_104 = tpu.memref_slice %arg2[%dma_start3A_103, %multiple_of3A_77] : memref<16x1000000xf32, #tpu.memory_space<hbm>> -> memref<16x128xf32, #tpu.memory_space<hbm>>
    tpu.enqueue_dma source(%dma_start3A_104 : memref<16x128xf32, #tpu.memory_space<hbm>>) target(%dma_start3A_102 : memref<16x128xf32, #tpu.memory_space<vmem>>) target_semaphore(%arg15 : memref<!tpu.dma_semaphore, #tpu.memory_space<semaphore_mem>>)
    %dma_start3A_105 = arith.constant 0 : i32
    %dma_start3A_106 = arith.constant 16 : i32
    %dma_start3A_107 = arith.constant 0 : i32
    %dma_start3A_108 = tpu.memref_slice %arg12[%dma_start3A_105, %dma_start3A_106, %dma_start3A_107] : memref<2x128x128xf32, #tpu.memory_space<vmem>> -> memref<1x16x128xf32, #tpu.memory_space<vmem>>
    %dma_start3A_109 = tpu.memref_squeeze %dma_start3A_108 : memref<1x16x128xf32, #tpu.memory_space<vmem>> -> memref<16x128xf32, #tpu.memory_space<vmem>>
    %dma_start3A_110 = arith.constant 0 : i32
    %dma_start3A_111 = tpu.memref_slice %arg3[%dma_start3A_110, %multiple_of3A_84] : memref<16x1000000xf32, #tpu.memory_space<hbm>> -> memref<16x128xf32, #tpu.memory_space<hbm>>
    %dma_start3A_112 = arith.constant 16 : i32
    %dma_start3A_113 = arith.constant 0 : i32
    %dma_start3A_114 = tpu.memref_slice %arg12[%dma_start3A_105, %dma_start3A_112, %dma_start3A_113] : memref<2x128x128xf32, #tpu.memory_space<vmem>> -> memref<1x16x128xf32, #tpu.memory_space<vmem>>
    %dma_start3A_115 = tpu.memref_squeeze %dma_start3A_114 : memref<1x16x128xf32, #tpu.memory_space<vmem>> -> memref<16x128xf32, #tpu.memory_space<vmem>>
    %dma_start3A_116 = arith.constant 0 : i32
    %dma_start3A_117 = tpu.memref_slice %arg3[%dma_start3A_116, %multiple_of3A_84] : memref<16x1000000xf32, #tpu.memory_space<hbm>> -> memref<16x128xf32, #tpu.memory_space<hbm>>
    tpu.enqueue_dma source(%dma_start3A_117 : memref<16x128xf32, #tpu.memory_space<hbm>>) target(%dma_start3A_115 : memref<16x128xf32, #tpu.memory_space<vmem>>) target_semaphore(%arg16 : memref<!tpu.dma_semaphore, #tpu.memory_space<semaphore_mem>>)
    %dma_start3A_118 = arith.constant 0 : i32
    %dma_start3A_119 = arith.constant 16 : i32
    %dma_start3A_120 = arith.constant 0 : i32
    %dma_start3A_121 = tpu.memref_slice %arg13[%dma_start3A_118, %dma_start3A_119, %dma_start3A_120] : memref<2x128x128xf32, #tpu.memory_space<vmem>> -> memref<1x16x128xf32, #tpu.memory_space<vmem>>
    %dma_start3A_122 = tpu.memref_squeeze %dma_start3A_121 : memref<1x16x128xf32, #tpu.memory_space<vmem>> -> memref<16x128xf32, #tpu.memory_space<vmem>>
    %dma_start3A_123 = arith.constant 0 : i32
    %dma_start3A_124 = tpu.memref_slice %arg3[%dma_start3A_123, %multiple_of3A_91] : memref<16x1000000xf32, #tpu.memory_space<hbm>> -> memref<16x128xf32, #tpu.memory_space<hbm>>
    %dma_start3A_125 = arith.constant 16 : i32
    %dma_start3A_126 = arith.constant 0 : i32
    %dma_start3A_127 = tpu.memref_slice %arg13[%dma_start3A_118, %dma_start3A_125, %dma_start3A_126] : memref<2x128x128xf32, #tpu.memory_space<vmem>> -> memref<1x16x128xf32, #tpu.memory_space<vmem>>
    %dma_start3A_128 = tpu.memref_squeeze %dma_start3A_127 : memref<1x16x128xf32, #tpu.memory_space<vmem>> -> memref<16x128xf32, #tpu.memory_space<vmem>>
    %dma_start3A_129 = arith.constant 0 : i32
    %dma_start3A_130 = tpu.memref_slice %arg3[%dma_start3A_129, %multiple_of3A_91] : memref<16x1000000xf32, #tpu.memory_space<hbm>> -> memref<16x128xf32, #tpu.memory_space<hbm>>
    tpu.enqueue_dma source(%dma_start3A_130 : memref<16x128xf32, #tpu.memory_space<hbm>>) target(%dma_start3A_128 : memref<16x128xf32, #tpu.memory_space<vmem>>) target_semaphore(%arg17 : memref<!tpu.dma_semaphore, #tpu.memory_space<semaphore_mem>>)
    %slice3A_131 = vector.extract_strided_slice %get3A_11 {offsets = [2], sizes = [1], strides = [1]} : vector<16xi32> to vector<1xi32>
    %squeeze3A_132 = vector.extract %slice3A_131[0] : i32 from vector<1xi32>
    %shift_right_arithmetic3A_133 = arith.constant 7 : i32
    %shift_right_arithmetic3A_134 = arith.shrsi %squeeze3A_132, %shift_right_arithmetic3A_133 : i32
    %mul3A_135 = arith.constant 128 : i32
    %mul3A_136 = arith.muli %shift_right_arithmetic3A_134, %mul3A_135 : i32
    %multiple_of3A_137 = tpu.assume_multiple %mul3A_136, 128 : i32
    %slice3A_138 = vector.extract_strided_slice %get3A_13 {offsets = [2], sizes = [1], strides = [1]} : vector<16xi32> to vector<1xi32>
    %squeeze3A_139 = vector.extract %slice3A_138[0] : i32 from vector<1xi32>
    %shift_right_arithmetic3A_140 = arith.constant 7 : i32
    %shift_right_arithmetic3A_141 = arith.shrsi %squeeze3A_139, %shift_right_arithmetic3A_140 : i32
    %mul3A_142 = arith.constant 128 : i32
    %mul3A_143 = arith.muli %shift_right_arithmetic3A_141, %mul3A_142 : i32
    %multiple_of3A_144 = tpu.assume_multiple %mul3A_143, 128 : i32
    %slice3A_145 = vector.extract_strided_slice %get3A_15 {offsets = [2], sizes = [1], strides = [1]} : vector<16xi32> to vector<1xi32>
    %squeeze3A_146 = vector.extract %slice3A_145[0] : i32 from vector<1xi32>
    %shift_right_arithmetic3A_147 = arith.constant 7 : i32
    %shift_right_arithmetic3A_148 = arith.shrsi %squeeze3A_146, %shift_right_arithmetic3A_147 : i32
    %mul3A_149 = arith.constant 128 : i32
    %mul3A_150 = arith.muli %shift_right_arithmetic3A_148, %mul3A_149 : i32
    %multiple_of3A_151 = tpu.assume_multiple %mul3A_150, 128 : i32
    %dma_start3A_152 = arith.constant 0 : i32
    %dma_start3A_153 = arith.constant 32 : i32
    %dma_start3A_154 = arith.constant 0 : i32
    %dma_start3A_155 = tpu.memref_slice %arg11[%dma_start3A_152, %dma_start3A_153, %dma_start3A_154] : memref<2x128x128xf32, #tpu.memory_space<vmem>> -> memref<1x16x128xf32, #tpu.memory_space<vmem>>
    %dma_start3A_156 = tpu.memref_squeeze %dma_start3A_155 : memref<1x16x128xf32, #tpu.memory_space<vmem>> -> memref<16x128xf32, #tpu.memory_space<vmem>>
    %dma_start3A_157 = arith.constant 0 : i32
    %dma_start3A_158 = tpu.memref_slice %arg2[%dma_start3A_157, %multiple_of3A_137] : memref<16x1000000xf32, #tpu.memory_space<hbm>> -> memref<16x128xf32, #tpu.memory_space<hbm>>
    %dma_start3A_159 = arith.constant 32 : i32
    %dma_start3A_160 = arith.constant 0 : i32
    %dma_start3A_161 = tpu.memref_slice %arg11[%dma_start3A_152, %dma_start3A_159, %dma_start3A_160] : memref<2x128x128xf32, #tpu.memory_space<vmem>> -> memref<1x16x128xf32, #tpu.memory_space<vmem>>
    %dma_start3A_162 = tpu.memref_squeeze %dma_start3A_161 : memref<1x16x128xf32, #tpu.memory_space<vmem>> -> memref<16x128xf32, #tpu.memory_space<vmem>>
    %dma_start3A_163 = arith.constant 0 : i32
    %dma_start3A_164 = tpu.memref_slice %arg2[%dma_start3A_163, %multiple_of3A_137] : memref<16x1000000xf32, #tpu.memory_space<hbm>> -> memref<16x128xf32, #tpu.memory_space<hbm>>
    tpu.enqueue_dma source(%dma_start3A_164 : memref<16x128xf32, #tpu.memory_space<hbm>>) target(%dma_start3A_162 : memref<16x128xf32, #tpu.memory_space<vmem>>) target_semaphore(%arg15 : memref<!tpu.dma_semaphore, #tpu.memory_space<semaphore_mem>>)
    %dma_start3A_165 = arith.constant 0 : i32
    %dma_start3A_166 = arith.constant 32 : i32
    %dma_start3A_167 = arith.constant 0 : i32
    %dma_start3A_168 = tpu.memref_slice %arg12[%dma_start3A_165, %dma_start3A_166, %dma_start3A_167] : memref<2x128x128xf32, #tpu.memory_space<vmem>> -> memref<1x16x128xf32, #tpu.memory_space<vmem>>
    %dma_start3A_169 = tpu.memref_squeeze %dma_start3A_168 : memref<1x16x128xf32, #tpu.memory_space<vmem>> -> memref<16x128xf32, #tpu.memory_space<vmem>>
    %dma_start3A_170 = arith.constant 0 : i32
    %dma_start3A_171 = tpu.memref_slice %arg3[%dma_start3A_170, %multiple_of3A_144] : memref<16x1000000xf32, #tpu.memory_space<hbm>> -> memref<16x128xf32, #tpu.memory_space<hbm>>
    %dma_start3A_172 = arith.constant 32 : i32
    %dma_start3A_173 = arith.constant 0 : i32
    %dma_start3A_174 = tpu.memref_slice %arg12[%dma_start3A_165, %dma_start3A_172, %dma_start3A_173] : memref<2x128x128xf32, #tpu.memory_space<vmem>> -> memref<1x16x128xf32, #tpu.memory_space<vmem>>
    %dma_start3A_175 = tpu.memref_squeeze %dma_start3A_174 : memref<1x16x128xf32, #tpu.memory_space<vmem>> -> memref<16x128xf32, #tpu.memory_space<vmem>>
    %dma_start3A_176 = arith.constant 0 : i32
    %dma_start3A_177 = tpu.memref_slice %arg3[%dma_start3A_176, %multiple_of3A_144] : memref<16x1000000xf32, #tpu.memory_space<hbm>> -> memref<16x128xf32, #tpu.memory_space<hbm>>
    tpu.enqueue_dma source(%dma_start3A_177 : memref<16x128xf32, #tpu.memory_space<hbm>>) target(%dma_start3A_175 : memref<16x128xf32, #tpu.memory_space<vmem>>) target_semaphore(%arg16 : memref<!tpu.dma_semaphore, #tpu.memory_space<semaphore_mem>>)
    %dma_start3A_178 = arith.constant 0 : i32
    %dma_start3A_179 = arith.constant 32 : i32
    %dma_start3A_180 = arith.constant 0 : i32
    %dma_start3A_181 = tpu.memref_slice %arg13[%dma_start3A_178, %dma_start3A_179, %dma_start3A_180] : memref<2x128x128xf32, #tpu.memory_space<vmem>> -> memref<1x16x128xf32, #tpu.memory_space<vmem>>
    %dma_start3A_182 = tpu.memref_squeeze %dma_start3A_181 : memref<1x16x128xf32, #tpu.memory_space<vmem>> -> memref<16x128xf32, #tpu.memory_space<vmem>>
    %dma_start3A_183 = arith.constant 0 : i32
    %dma_start3A_184 = tpu.memref_slice %arg3[%dma_start3A_183, %multiple_of3A_151] : memref<16x1000000xf32, #tpu.memory_space<hbm>> -> memref<16x128xf32, #tpu.memory_space<hbm>>
    %dma_start3A_185 = arith.constant 32 : i32
    %dma_start3A_186 = arith.constant 0 : i32
    %dma_start3A_187 = tpu.memref_slice %arg13[%dma_start3A_178, %dma_start3A_185, %dma_start3A_186] : memref<2x128x128xf32, #tpu.memory_space<vmem>> -> memref<1x16x128xf32, #tpu.memory_space<vmem>>
    %dma_start3A_188 = tpu.memref_squeeze %dma_start3A_187 : memref<1x16x128xf32, #tpu.memory_space<vmem>> -> memref<16x128xf32, #tpu.memory_space<vmem>>
    %dma_start3A_189 = arith.constant 0 : i32
    %dma_start3A_190 = tpu.memref_slice %arg3[%dma_start3A_189, %multiple_of3A_151] : memref<16x1000000xf32, #tpu.memory_space<hbm>> -> memref<16x128xf32, #tpu.memory_space<hbm>>
    tpu.enqueue_dma source(%dma_start3A_190 : memref<16x128xf32, #tpu.memory_space<hbm>>) target(%dma_start3A_188 : memref<16x128xf32, #tpu.memory_space<vmem>>) target_semaphore(%arg17 : memref<!tpu.dma_semaphore, #tpu.memory_space<semaphore_mem>>)
    %slice3A_191 = vector.extract_strided_slice %get3A_11 {offsets = [3], sizes = [1], strides = [1]} : vector<16xi32> to vector<1xi32>
    %squeeze3A_192 = vector.extract %slice3A_191[0] : i32 from vector<1xi32>
    %shift_right_arithmetic3A_193 = arith.constant 7 : i32
    %shift_right_arithmetic3A_194 = arith.shrsi %squeeze3A_192, %shift_right_arithmetic3A_193 : i32
    %mul3A_195 = arith.constant 128 : i32
    %mul3A_196 = arith.muli %shift_right_arithmetic3A_194, %mul3A_195 : i32
    %multiple_of3A_197 = tpu.assume_multiple %mul3A_196, 128 : i32
    %slice3A_198 = vector.extract_strided_slice %get3A_13 {offsets = [3], sizes = [1], strides = [1]} : vector<16xi32> to vector<1xi32>
    %squeeze3A_199 = vector.extract %slice3A_198[0] : i32 from vector<1xi32>
    %shift_right_arithmetic3A_200 = arith.constant 7 : i32
    %shift_right_arithmetic3A_201 = arith.shrsi %squeeze3A_199, %shift_right_arithmetic3A_200 : i32
    %mul3A_202 = arith.constant 128 : i32
    %mul3A_203 = arith.muli %shift_right_arithmetic3A_201, %mul3A_202 : i32
    %multiple_of3A_204 = tpu.assume_multiple %mul3A_203, 128 : i32
    %slice3A_205 = vector.extract_strided_slice %get3A_15 {offsets = [3], sizes = [1], strides = [1]} : vector<16xi32> to vector<1xi32>
    %squeeze3A_206 = vector.extract %slice3A_205[0] : i32 from vector<1xi32>
    %shift_right_arithmetic3A_207 = arith.constant 7 : i32
    %shift_right_arithmetic3A_208 = arith.shrsi %squeeze3A_206, %shift_right_arithmetic3A_207 : i32
    %mul3A_209 = arith.constant 128 : i32
    %mul3A_210 = arith.muli %shift_right_arithmetic3A_208, %mul3A_209 : i32
    %multiple_of3A_211 = tpu.assume_multiple %mul3A_210, 128 : i32
    %dma_start3A_212 = arith.constant 0 : i32
    %dma_start3A_213 = arith.constant 48 : i32
    %dma_start3A_214 = arith.constant 0 : i32
    %dma_start3A_215 = tpu.memref_slice %arg11[%dma_start3A_212, %dma_start3A_213, %dma_start3A_214] : memref<2x128x128xf32, #tpu.memory_space<vmem>> -> memref<1x16x128xf32, #tpu.memory_space<vmem>>
    %dma_start3A_216 = tpu.memref_squeeze %dma_start3A_215 : memref<1x16x128xf32, #tpu.memory_space<vmem>> -> memref<16x128xf32, #tpu.memory_space<vmem>>
    %dma_start3A_217 = arith.constant 0 : i32
    %dma_start3A_218 = tpu.memref_slice %arg2[%dma_start3A_217, %multiple_of3A_197] : memref<16x1000000xf32, #tpu.memory_space<hbm>> -> memref<16x128xf32, #tpu.memory_space<hbm>>
    %dma_start3A_219 = arith.constant 48 : i32
    %dma_start3A_220 = arith.constant 0 : i32
    %dma_start3A_221 = tpu.memref_slice %arg11[%dma_start3A_212, %dma_start3A_219, %dma_start3A_220] : memref<2x128x128xf32, #tpu.memory_space<vmem>> -> memref<1x16x128xf32, #tpu.memory_space<vmem>>
    %dma_start3A_222 = tpu.memref_squeeze %dma_start3A_221 : memref<1x16x128xf32, #tpu.memory_space<vmem>> -> memref<16x128xf32, #tpu.memory_space<vmem>>
    %dma_start3A_223 = arith.constant 0 : i32
    %dma_start3A_224 = tpu.memref_slice %arg2[%dma_start3A_223, %multiple_of3A_197] : memref<16x1000000xf32, #tpu.memory_space<hbm>> -> memref<16x128xf32, #tpu.memory_space<hbm>>
    tpu.enqueue_dma source(%dma_start3A_224 : memref<16x128xf32, #tpu.memory_space<hbm>>) target(%dma_start3A_222 : memref<16x128xf32, #tpu.memory_space<vmem>>) target_semaphore(%arg15 : memref<!tpu.dma_semaphore, #tpu.memory_space<semaphore_mem>>)
    %dma_start3A_225 = arith.constant 0 : i32
    %dma_start3A_226 = arith.constant 48 : i32
    %dma_start3A_227 = arith.constant 0 : i32
    %dma_start3A_228 = tpu.memref_slice %arg12[%dma_start3A_225, %dma_start3A_226, %dma_start3A_227] : memref<2x128x128xf32, #tpu.memory_space<vmem>> -> memref<1x16x128xf32, #tpu.memory_space<vmem>>
    %dma_start3A_229 = tpu.memref_squeeze %dma_start3A_228 : memref<1x16x128xf32, #tpu.memory_space<vmem>> -> memref<16x128xf32, #tpu.memory_space<vmem>>
    %dma_start3A_230 = arith.constant 0 : i32
    %dma_start3A_231 = tpu.memref_slice %arg3[%dma_start3A_230, %multiple_of3A_204] : memref<16x1000000xf32, #tpu.memory_space<hbm>> -> memref<16x128xf32, #tpu.memory_space<hbm>>
    %dma_start3A_232 = arith.constant 48 : i32
    %dma_start3A_233 = arith.constant 0 : i32
    %dma_start3A_234 = tpu.memref_slice %arg12[%dma_start3A_225, %dma_start3A_232, %dma_start3A_233] : memref<2x128x128xf32, #tpu.memory_space<vmem>> -> memref<1x16x128xf32, #tpu.memory_space<vmem>>
    %dma_start3A_235 = tpu.memref_squeeze %dma_start3A_234 : memref<1x16x128xf32, #tpu.memory_space<vmem>> -> memref<16x128xf32, #tpu.memory_space<vmem>>
    %dma_start3A_236 = arith.constant 0 : i32
    %dma_start3A_237 = tpu.memref_slice %arg3[%dma_start3A_236, %multiple_of3A_204] : memref<16x1000000xf32, #tpu.memory_space<hbm>> -> memref<16x128xf32, #tpu.memory_space<hbm>>
    tpu.enqueue_dma source(%dma_start3A_237 : memref<16x128xf32, #tpu.memory_space<hbm>>) target(%dma_start3A_235 : memref<16x128xf32, #tpu.memory_space<vmem>>) target_semaphore(%arg16 : memref<!tpu.dma_semaphore, #tpu.memory_space<semaphore_mem>>)
    %dma_start3A_238 = arith.constant 0 : i32
    %dma_start3A_239 = arith.constant 48 : i32
    %dma_start3A_240 = arith.constant 0 : i32
    %dma_start3A_241 = tpu.memref_slice %arg13[%dma_start3A_238, %dma_start3A_239, %dma_start3A_240] : memref<2x128x128xf32, #tpu.memory_space<vmem>> -> memref<1x16x128xf32, #tpu.memory_space<vmem>>
    %dma_start3A_242 = tpu.memref_squeeze %dma_start3A_241 : memref<1x16x128xf32, #tpu.memory_space<vmem>> -> memref<16x128xf32, #tpu.memory_space<vmem>>
    %dma_start3A_243 = arith.constant 0 : i32
    %dma_start3A_244 = tpu.memref_slice %arg3[%dma_start3A_243, %multiple_of3A_211] : memref<16x1000000xf32, #tpu.memory_space<hbm>> -> memref<16x128xf32, #tpu.memory_space<hbm>>
    %dma_start3A_245 = arith.constant 48 : i32
    %dma_start3A_246 = arith.constant 0 : i32
    %dma_start3A_247 = tpu.memref_slice %arg13[%dma_start3A_238, %dma_start3A_245, %dma_start3A_246] : memref<2x128x128xf32, #tpu.memory_space<vmem>> -> memref<1x16x128xf32, #tpu.memory_space<vmem>>
    %dma_start3A_248 = tpu.memref_squeeze %dma_start3A_247 : memref<1x16x128xf32, #tpu.memory_space<vmem>> -> memref<16x128xf32, #tpu.memory_space<vmem>>
    %dma_start3A_249 = arith.constant 0 : i32
    %dma_start3A_250 = tpu.memref_slice %arg3[%dma_start3A_249, %multiple_of3A_211] : memref<16x1000000xf32, #tpu.memory_space<hbm>> -> memref<16x128xf32, #tpu.memory_space<hbm>>
    tpu.enqueue_dma source(%dma_start3A_250 : memref<16x128xf32, #tpu.memory_space<hbm>>) target(%dma_start3A_248 : memref<16x128xf32, #tpu.memory_space<vmem>>) target_semaphore(%arg17 : memref<!tpu.dma_semaphore, #tpu.memory_space<semaphore_mem>>)
    %slice3A_251 = vector.extract_strided_slice %get3A_11 {offsets = [4], sizes = [1], strides = [1]} : vector<16xi32> to vector<1xi32>
    %squeeze3A_252 = vector.extract %slice3A_251[0] : i32 from vector<1xi32>
    %shift_right_arithmetic3A_253 = arith.constant 7 : i32
    %shift_right_arithmetic3A_254 = arith.shrsi %squeeze3A_252, %shift_right_arithmetic3A_253 : i32
    %mul3A_255 = arith.constant 128 : i32
    %mul3A_256 = arith.muli %shift_right_arithmetic3A_254, %mul3A_255 : i32
    %multiple_of3A_257 = tpu.assume_multiple %mul3A_256, 128 : i32
    %slice3A_258 = vector.extract_strided_slice %get3A_13 {offsets = [4], sizes = [1], strides = [1]} : vector<16xi32> to vector<1xi32>
    %squeeze3A_259 = vector.extract %slice3A_258[0] : i32 from vector<1xi32>
    %shift_right_arithmetic3A_260 = arith.constant 7 : i32
    %shift_right_arithmetic3A_261 = arith.shrsi %squeeze3A_259, %shift_right_arithmetic3A_260 : i32
    %mul3A_262 = arith.constant 128 : i32
    %mul3A_263 = arith.muli %shift_right_arithmetic3A_261, %mul3A_262 : i32
    %multiple_of3A_264 = tpu.assume_multiple %mul3A_263, 128 : i32
    %slice3A_265 = vector.extract_strided_slice %get3A_15 {offsets = [4], sizes = [1], strides = [1]} : vector<16xi32> to vector<1xi32>
    %squeeze3A_266 = vector.extract %slice3A_265[0] : i32 from vector<1xi32>
    %shift_right_arithmetic3A_267 = arith.constant 7 : i32
    %shift_right_arithmetic3A_268 = arith.shrsi %squeeze3A_266, %shift_right_arithmetic3A_267 : i32
    %mul3A_269 = arith.constant 128 : i32
    %mul3A_270 = arith.muli %shift_right_arithmetic3A_268, %mul3A_269 : i32
    %multiple_of3A_271 = tpu.assume_multiple %mul3A_270, 128 : i32
    %dma_start3A_272 = arith.constant 0 : i32
    %dma_start3A_273 = arith.constant 64 : i32
    %dma_start3A_274 = arith.constant 0 : i32
    %dma_start3A_275 = tpu.memref_slice %arg11[%dma_start3A_272, %dma_start3A_273, %dma_start3A_274] : memref<2x128x128xf32, #tpu.memory_space<vmem>> -> memref<1x16x128xf32, #tpu.memory_space<vmem>>
    %dma_start3A_276 = tpu.memref_squeeze %dma_start3A_275 : memref<1x16x128xf32, #tpu.memory_space<vmem>> -> memref<16x128xf32, #tpu.memory_space<vmem>>
    %dma_start3A_277 = arith.constant 0 : i32
    %dma_start3A_278 = tpu.memref_slice %arg2[%dma_start3A_277, %multiple_of3A_257] : memref<16x1000000xf32, #tpu.memory_space<hbm>> -> memref<16x128xf32, #tpu.memory_space<hbm>>
    %dma_start3A_279 = arith.constant 64 : i32
    %dma_start3A_280 = arith.constant 0 : i32
    %dma_start3A_281 = tpu.memref_slice %arg11[%dma_start3A_272, %dma_start3A_279, %dma_start3A_280] : memref<2x128x128xf32, #tpu.memory_space<vmem>> -> memref<1x16x128xf32, #tpu.memory_space<vmem>>
    %dma_start3A_282 = tpu.memref_squeeze %dma_start3A_281 : memref<1x16x128xf32, #tpu.memory_space<vmem>> -> memref<16x128xf32, #tpu.memory_space<vmem>>
    %dma_start3A_283 = arith.constant 0 : i32
    %dma_start3A_284 = tpu.memref_slice %arg2[%dma_start3A_283, %multiple_of3A_257] : memref<16x1000000xf32, #tpu.memory_space<hbm>> -> memref<16x128xf32, #tpu.memory_space<hbm>>
    tpu.enqueue_dma source(%dma_start3A_284 : memref<16x128xf32, #tpu.memory_space<hbm>>) target(%dma_start3A_282 : memref<16x128xf32, #tpu.memory_space<vmem>>) target_semaphore(%arg15 : memref<!tpu.dma_semaphore, #tpu.memory_space<semaphore_mem>>)
    %dma_start3A_285 = arith.constant 0 : i32
    %dma_start3A_286 = arith.constant 64 : i32
    %dma_start3A_287 = arith.constant 0 : i32
    %dma_start3A_288 = tpu.memref_slice %arg12[%dma_start3A_285, %dma_start3A_286, %dma_start3A_287] : memref<2x128x128xf32, #tpu.memory_space<vmem>> -> memref<1x16x128xf32, #tpu.memory_space<vmem>>
    %dma_start3A_289 = tpu.memref_squeeze %dma_start3A_288 : memref<1x16x128xf32, #tpu.memory_space<vmem>> -> memref<16x128xf32, #tpu.memory_space<vmem>>
    %dma_start3A_290 = arith.constant 0 : i32
    %dma_start3A_291 = tpu.memref_slice %arg3[%dma_start3A_290, %multiple_of3A_264] : memref<16x1000000xf32, #tpu.memory_space<hbm>> -> memref<16x128xf32, #tpu.memory_space<hbm>>
    %dma_start3A_292 = arith.constant 64 : i32
    %dma_start3A_293 = arith.constant 0 : i32
    %dma_start3A_294 = tpu.memref_slice %arg12[%dma_start3A_285, %dma_start3A_292, %dma_start3A_293] : memref<2x128x128xf32, #tpu.memory_space<vmem>> -> memref<1x16x128xf32, #tpu.memory_space<vmem>>
    %dma_start3A_295 = tpu.memref_squeeze %dma_start3A_294 : memref<1x16x128xf32, #tpu.memory_space<vmem>> -> memref<16x128xf32, #tpu.memory_space<vmem>>
    %dma_start3A_296 = arith.constant 0 : i32
    %dma_start3A_297 = tpu.memref_slice %arg3[%dma_start3A_296, %multiple_of3A_264] : memref<16x1000000xf32, #tpu.memory_space<hbm>> -> memref<16x128xf32, #tpu.memory_space<hbm>>
    tpu.enqueue_dma source(%dma_start3A_297 : memref<16x128xf32, #tpu.memory_space<hbm>>) target(%dma_start3A_295 : memref<16x128xf32, #tpu.memory_space<vmem>>) target_semaphore(%arg16 : memref<!tpu.dma_semaphore, #tpu.memory_space<semaphore_mem>>)
    %dma_start3A_298 = arith.constant 0 : i32
    %dma_start3A_299 = arith.constant 64 : i32
    %dma_start3A_300 = arith.constant 0 : i32
    %dma_start3A_301 = tpu.memref_slice %arg13[%dma_start3A_298, %dma_start3A_299, %dma_start3A_300] : memref<2x128x128xf32, #tpu.memory_space<vmem>> -> memref<1x16x128xf32, #tpu.memory_space<vmem>>
    %dma_start3A_302 = tpu.memref_squeeze %dma_start3A_301 : memref<1x16x128xf32, #tpu.memory_space<vmem>> -> memref<16x128xf32, #tpu.memory_space<vmem>>
    %dma_start3A_303 = arith.constant 0 : i32
    %dma_start3A_304 = tpu.memref_slice %arg3[%dma_start3A_303, %multiple_of3A_271] : memref<16x1000000xf32, #tpu.memory_space<hbm>> -> memref<16x128xf32, #tpu.memory_space<hbm>>
    %dma_start3A_305 = arith.constant 64 : i32
    %dma_start3A_306 = arith.constant 0 : i32
    %dma_start3A_307 = tpu.memref_slice %arg13[%dma_start3A_298, %dma_start3A_305, %dma_start3A_306] : memref<2x128x128xf32, #tpu.memory_space<vmem>> -> memref<1x16x128xf32, #tpu.memory_space<vmem>>
    %dma_start3A_308 = tpu.memref_squeeze %dma_start3A_307 : memref<1x16x128xf32, #tpu.memory_space<vmem>> -> memref<16x128xf32, #tpu.memory_space<vmem>>
    %dma_start3A_309 = arith.constant 0 : i32
    %dma_start3A_310 = tpu.memref_slice %arg3[%dma_start3A_309, %multiple_of3A_271] : memref<16x1000000xf32, #tpu.memory_space<hbm>> -> memref<16x128xf32, #tpu.memory_space<hbm>>
    tpu.enqueue_dma source(%dma_start3A_310 : memref<16x128xf32, #tpu.memory_space<hbm>>) target(%dma_start3A_308 : memref<16x128xf32, #tpu.memory_space<vmem>>) target_semaphore(%arg17 : memref<!tpu.dma_semaphore, #tpu.memory_space<semaphore_mem>>)
    %slice3A_311 = vector.extract_strided_slice %get3A_11 {offsets = [5], sizes = [1], strides = [1]} : vector<16xi32> to vector<1xi32>
    %squeeze3A_312 = vector.extract %slice3A_311[0] : i32 from vector<1xi32>
    %shift_right_arithmetic3A_313 = arith.constant 7 : i32
    %shift_right_arithmetic3A_314 = arith.shrsi %squeeze3A_312, %shift_right_arithmetic3A_313 : i32
    %mul3A_315 = arith.constant 128 : i32
    %mul3A_316 = arith.muli %shift_right_arithmetic3A_314, %mul3A_315 : i32
    %multiple_of3A_317 = tpu.assume_multiple %mul3A_316, 128 : i32
    %slice3A_318 = vector.extract_strided_slice %get3A_13 {offsets = [5], sizes = [1], strides = [1]} : vector<16xi32> to vector<1xi32>
    %squeeze3A_319 = vector.extract %slice3A_318[0] : i32 from vector<1xi32>
    %shift_right_arithmetic3A_320 = arith.constant 7 : i32
    %shift_right_arithmetic3A_321 = arith.shrsi %squeeze3A_319, %shift_right_arithmetic3A_320 : i32
    %mul3A_322 = arith.constant 128 : i32
    %mul3A_323 = arith.muli %shift_right_arithmetic3A_321, %mul3A_322 : i32
    %multiple_of3A_324 = tpu.assume_multiple %mul3A_323, 128 : i32
    %slice3A_325 = vector.extract_strided_slice %get3A_15 {offsets = [5], sizes = [1], strides = [1]} : vector<16xi32> to vector<1xi32>
    %squeeze3A_326 = vector.extract %slice3A_325[0] : i32 from vector<1xi32>
    %shift_right_arithmetic3A_327 = arith.constant 7 : i32
    %shift_right_arithmetic3A_328 = arith.shrsi %squeeze3A_326, %shift_right_arithmetic3A_327 : i32
    %mul3A_329 = arith.constant 128 : i32
    %mul3A_330 = arith.muli %shift_right_arithmetic3A_328, %mul3A_329 : i32
    %multiple_of3A_331 = tpu.assume_multiple %mul3A_330, 128 : i32
    %dma_start3A_332 = arith.constant 0 : i32
    %dma_start3A_333 = arith.constant 80 : i32
    %dma_start3A_334 = arith.constant 0 : i32
    %dma_start3A_335 = tpu.memref_slice %arg11[%dma_start3A_332, %dma_start3A_333, %dma_start3A_334] : memref<2x128x128xf32, #tpu.memory_space<vmem>> -> memref<1x16x128xf32, #tpu.memory_space<vmem>>
    %dma_start3A_336 = tpu.memref_squeeze %dma_start3A_335 : memref<1x16x128xf32, #tpu.memory_space<vmem>> -> memref<16x128xf32, #tpu.memory_space<vmem>>
    %dma_start3A_337 = arith.constant 0 : i32
    %dma_start3A_338 = tpu.memref_slice %arg2[%dma_start3A_337, %multiple_of3A_317] : memref<16x1000000xf32, #tpu.memory_space<hbm>> -> memref<16x128xf32, #tpu.memory_space<hbm>>
    %dma_start3A_339 = arith.constant 80 : i32
    %dma_start3A_340 = arith.constant 0 : i32
    %dma_start3A_341 = tpu.memref_slice %arg11[%dma_start3A_332, %dma_start3A_339, %dma_start3A_340] : memref<2x128x128xf32, #tpu.memory_space<vmem>> -> memref<1x16x128xf32, #tpu.memory_space<vmem>>
    %dma_start3A_342 = tpu.memref_squeeze %dma_start3A_341 : memref<1x16x128xf32, #tpu.memory_space<vmem>> -> memref<16x128xf32, #tpu.memory_space<vmem>>
    %dma_start3A_343 = arith.constant 0 : i32
    %dma_start3A_344 = tpu.memref_slice %arg2[%dma_start3A_343, %multiple_of3A_317] : memref<16x1000000xf32, #tpu.memory_space<hbm>> -> memref<16x128xf32, #tpu.memory_space<hbm>>
    tpu.enqueue_dma source(%dma_start3A_344 : memref<16x128xf32, #tpu.memory_space<hbm>>) target(%dma_start3A_342 : memref<16x128xf32, #tpu.memory_space<vmem>>) target_semaphore(%arg15 : memref<!tpu.dma_semaphore, #tpu.memory_space<semaphore_mem>>)
    %dma_start3A_345 = arith.constant 0 : i32
    %dma_start3A_346 = arith.constant 80 : i32
    %dma_start3A_347 = arith.constant 0 : i32
    %dma_start3A_348 = tpu.memref_slice %arg12[%dma_start3A_345, %dma_start3A_346, %dma_start3A_347] : memref<2x128x128xf32, #tpu.memory_space<vmem>> -> memref<1x16x128xf32, #tpu.memory_space<vmem>>
    %dma_start3A_349 = tpu.memref_squeeze %dma_start3A_348 : memref<1x16x128xf32, #tpu.memory_space<vmem>> -> memref<16x128xf32, #tpu.memory_space<vmem>>
    %dma_start3A_350 = arith.constant 0 : i32
    %dma_start3A_351 = tpu.memref_slice %arg3[%dma_start3A_350, %multiple_of3A_324] : memref<16x1000000xf32, #tpu.memory_space<hbm>> -> memref<16x128xf32, #tpu.memory_space<hbm>>
    %dma_start3A_352 = arith.constant 80 : i32
    %dma_start3A_353 = arith.constant 0 : i32
    %dma_start3A_354 = tpu.memref_slice %arg12[%dma_start3A_345, %dma_start3A_352, %dma_start3A_353] : memref<2x128x128xf32, #tpu.memory_space<vmem>> -> memref<1x16x128xf32, #tpu.memory_space<vmem>>
    %dma_start3A_355 = tpu.memref_squeeze %dma_start3A_354 : memref<1x16x128xf32, #tpu.memory_space<vmem>> -> memref<16x128xf32, #tpu.memory_space<vmem>>
    %dma_start3A_356 = arith.constant 0 : i32
    %dma_start3A_357 = tpu.memref_slice %arg3[%dma_start3A_356, %multiple_of3A_324] : memref<16x1000000xf32, #tpu.memory_space<hbm>> -> memref<16x128xf32, #tpu.memory_space<hbm>>
    tpu.enqueue_dma source(%dma_start3A_357 : memref<16x128xf32, #tpu.memory_space<hbm>>) target(%dma_start3A_355 : memref<16x128xf32, #tpu.memory_space<vmem>>) target_semaphore(%arg16 : memref<!tpu.dma_semaphore, #tpu.memory_space<semaphore_mem>>)
    %dma_start3A_358 = arith.constant 0 : i32
    %dma_start3A_359 = arith.constant 80 : i32
    %dma_start3A_360 = arith.constant 0 : i32
    %dma_start3A_361 = tpu.memref_slice %arg13[%dma_start3A_358, %dma_start3A_359, %dma_start3A_360] : memref<2x128x128xf32, #tpu.memory_space<vmem>> -> memref<1x16x128xf32, #tpu.memory_space<vmem>>
    %dma_start3A_362 = tpu.memref_squeeze %dma_start3A_361 : memref<1x16x128xf32, #tpu.memory_space<vmem>> -> memref<16x128xf32, #tpu.memory_space<vmem>>
    %dma_start3A_363 = arith.constant 0 : i32
    %dma_start3A_364 = tpu.memref_slice %arg3[%dma_start3A_363, %multiple_of3A_331] : memref<16x1000000xf32, #tpu.memory_space<hbm>> -> memref<16x128xf32, #tpu.memory_space<hbm>>
    %dma_start3A_365 = arith.constant 80 : i32
    %dma_start3A_366 = arith.constant 0 : i32
    %dma_start3A_367 = tpu.memref_slice %arg13[%dma_start3A_358, %dma_start3A_365, %dma_start3A_366] : memref<2x128x128xf32, #tpu.memory_space<vmem>> -> memref<1x16x128xf32, #tpu.memory_space<vmem>>
    %dma_start3A_368 = tpu.memref_squeeze %dma_start3A_367 : memref<1x16x128xf32, #tpu.memory_space<vmem>> -> memref<16x128xf32, #tpu.memory_space<vmem>>
    %dma_start3A_369 = arith.constant 0 : i32
    %dma_start3A_370 = tpu.memref_slice %arg3[%dma_start3A_369, %multiple_of3A_331] : memref<16x1000000xf32, #tpu.memory_space<hbm>> -> memref<16x128xf32, #tpu.memory_space<hbm>>
    tpu.enqueue_dma source(%dma_start3A_370 : memref<16x128xf32, #tpu.memory_space<hbm>>) target(%dma_start3A_368 : memref<16x128xf32, #tpu.memory_space<vmem>>) target_semaphore(%arg17 : memref<!tpu.dma_semaphore, #tpu.memory_space<semaphore_mem>>)
    %slice3A_371 = vector.extract_strided_slice %get3A_11 {offsets = [6], sizes = [1], strides = [1]} : vector<16xi32> to vector<1xi32>
    %squeeze3A_372 = vector.extract %slice3A_371[0] : i32 from vector<1xi32>
    %shift_right_arithmetic3A_373 = arith.constant 7 : i32
    %shift_right_arithmetic3A_374 = arith.shrsi %squeeze3A_372, %shift_right_arithmetic3A_373 : i32
    %mul3A_375 = arith.constant 128 : i32
    %mul3A_376 = arith.muli %shift_right_arithmetic3A_374, %mul3A_375 : i32
    %multiple_of3A_377 = tpu.assume_multiple %mul3A_376, 128 : i32
    %slice3A_378 = vector.extract_strided_slice %get3A_13 {offsets = [6], sizes = [1], strides = [1]} : vector<16xi32> to vector<1xi32>
    %squeeze3A_379 = vector.extract %slice3A_378[0] : i32 from vector<1xi32>
    %shift_right_arithmetic3A_380 = arith.constant 7 : i32
    %shift_right_arithmetic3A_381 = arith.shrsi %squeeze3A_379, %shift_right_arithmetic3A_380 : i32
    %mul3A_382 = arith.constant 128 : i32
    %mul3A_383 = arith.muli %shift_right_arithmetic3A_381, %mul3A_382 : i32
    %multiple_of3A_384 = tpu.assume_multiple %mul3A_383, 128 : i32
    %slice3A_385 = vector.extract_strided_slice %get3A_15 {offsets = [6], sizes = [1], strides = [1]} : vector<16xi32> to vector<1xi32>
    %squeeze3A_386 = vector.extract %slice3A_385[0] : i32 from vector<1xi32>
    %shift_right_arithmetic3A_387 = arith.constant 7 : i32
    %shift_right_arithmetic3A_388 = arith.shrsi %squeeze3A_386, %shift_right_arithmetic3A_387 : i32
    %mul3A_389 = arith.constant 128 : i32
    %mul3A_390 = arith.muli %shift_right_arithmetic3A_388, %mul3A_389 : i32
    %multiple_of3A_391 = tpu.assume_multiple %mul3A_390, 128 : i32
    %dma_start3A_392 = arith.constant 0 : i32
    %dma_start3A_393 = arith.constant 96 : i32
    %dma_start3A_394 = arith.constant 0 : i32
    %dma_start3A_395 = tpu.memref_slice %arg11[%dma_start3A_392, %dma_start3A_393, %dma_start3A_394] : memref<2x128x128xf32, #tpu.memory_space<vmem>> -> memref<1x16x128xf32, #tpu.memory_space<vmem>>
    %dma_start3A_396 = tpu.memref_squeeze %dma_start3A_395 : memref<1x16x128xf32, #tpu.memory_space<vmem>> -> memref<16x128xf32, #tpu.memory_space<vmem>>
    %dma_start3A_397 = arith.constant 0 : i32
    %dma_start3A_398 = tpu.memref_slice %arg2[%dma_start3A_397, %multiple_of3A_377] : memref<16x1000000xf32, #tpu.memory_space<hbm>> -> memref<16x128xf32, #tpu.memory_space<hbm>>
    %dma_start3A_399 = arith.constant 96 : i32
    %dma_start3A_400 = arith.constant 0 : i32
    %dma_start3A_401 = tpu.memref_slice %arg11[%dma_start3A_392, %dma_start3A_399, %dma_start3A_400] : memref<2x128x128xf32, #tpu.memory_space<vmem>> -> memref<1x16x128xf32, #tpu.memory_space<vmem>>
    %dma_start3A_402 = tpu.memref_squeeze %dma_start3A_401 : memref<1x16x128xf32, #tpu.memory_space<vmem>> -> memref<16x128xf32, #tpu.memory_space<vmem>>
    %dma_start3A_403 = arith.constant 0 : i32
    %dma_start3A_404 = tpu.memref_slice %arg2[%dma_start3A_403, %multiple_of3A_377] : memref<16x1000000xf32, #tpu.memory_space<hbm>> -> memref<16x128xf32, #tpu.memory_space<hbm>>
    tpu.enqueue_dma source(%dma_start3A_404 : memref<16x128xf32, #tpu.memory_space<hbm>>) target(%dma_start3A_402 : memref<16x128xf32, #tpu.memory_space<vmem>>) target_semaphore(%arg15 : memref<!tpu.dma_semaphore, #tpu.memory_space<semaphore_mem>>)
    %dma_start3A_405 = arith.constant 0 : i32
    %dma_start3A_406 = arith.constant 96 : i32
    %dma_start3A_407 = arith.constant 0 : i32
    %dma_start3A_408 = tpu.memref_slice %arg12[%dma_start3A_405, %dma_start3A_406, %dma_start3A_407] : memref<2x128x128xf32, #tpu.memory_space<vmem>> -> memref<1x16x128xf32, #tpu.memory_space<vmem>>
    %dma_start3A_409 = tpu.memref_squeeze %dma_start3A_408 : memref<1x16x128xf32, #tpu.memory_space<vmem>> -> memref<16x128xf32, #tpu.memory_space<vmem>>
    %dma_start3A_410 = arith.constant 0 : i32
    %dma_start3A_411 = tpu.memref_slice %arg3[%dma_start3A_410, %multiple_of3A_384] : memref<16x1000000xf32, #tpu.memory_space<hbm>> -> memref<16x128xf32, #tpu.memory_space<hbm>>
    %dma_start3A_412 = arith.constant 96 : i32
    %dma_start3A_413 = arith.constant 0 : i32
    %dma_start3A_414 = tpu.memref_slice %arg12[%dma_start3A_405, %dma_start3A_412, %dma_start3A_413] : memref<2x128x128xf32, #tpu.memory_space<vmem>> -> memref<1x16x128xf32, #tpu.memory_space<vmem>>
    %dma_start3A_415 = tpu.memref_squeeze %dma_start3A_414 : memref<1x16x128xf32, #tpu.memory_space<vmem>> -> memref<16x128xf32, #tpu.memory_space<vmem>>
    %dma_start3A_416 = arith.constant 0 : i32
    %dma_start3A_417 = tpu.memref_slice %arg3[%dma_start3A_416, %multiple_of3A_384] : memref<16x1000000xf32, #tpu.memory_space<hbm>> -> memref<16x128xf32, #tpu.memory_space<hbm>>
    tpu.enqueue_dma source(%dma_start3A_417 : memref<16x128xf32, #tpu.memory_space<hbm>>) target(%dma_start3A_415 : memref<16x128xf32, #tpu.memory_space<vmem>>) target_semaphore(%arg16 : memref<!tpu.dma_semaphore, #tpu.memory_space<semaphore_mem>>)
    %dma_start3A_418 = arith.constant 0 : i32
    %dma_start3A_419 = arith.constant 96 : i32
    %dma_start3A_420 = arith.constant 0 : i32
    %dma_start3A_421 = tpu.memref_slice %arg13[%dma_start3A_418, %dma_start3A_419, %dma_start3A_420] : memref<2x128x128xf32, #tpu.memory_space<vmem>> -> memref<1x16x128xf32, #tpu.memory_space<vmem>>
    %dma_start3A_422 = tpu.memref_squeeze %dma_start3A_421 : memref<1x16x128xf32, #tpu.memory_space<vmem>> -> memref<16x128xf32, #tpu.memory_space<vmem>>
    %dma_start3A_423 = arith.constant 0 : i32
    %dma_start3A_424 = tpu.memref_slice %arg3[%dma_start3A_423, %multiple_of3A_391] : memref<16x1000000xf32, #tpu.memory_space<hbm>> -> memref<16x128xf32, #tpu.memory_space<hbm>>
    %dma_start3A_425 = arith.constant 96 : i32
    %dma_start3A_426 = arith.constant 0 : i32
    %dma_start3A_427 = tpu.memref_slice %arg13[%dma_start3A_418, %dma_start3A_425, %dma_start3A_426] : memref<2x128x128xf32, #tpu.memory_space<vmem>> -> memref<1x16x128xf32, #tpu.memory_space<vmem>>
    %dma_start3A_428 = tpu.memref_squeeze %dma_start3A_427 : memref<1x16x128xf32, #tpu.memory_space<vmem>> -> memref<16x128xf32, #tpu.memory_space<vmem>>
    %dma_start3A_429 = arith.constant 0 : i32
    %dma_start3A_430 = tpu.memref_slice %arg3[%dma_start3A_429, %multiple_of3A_391] : memref<16x1000000xf32, #tpu.memory_space<hbm>> -> memref<16x128xf32, #tpu.memory_space<hbm>>
    tpu.enqueue_dma source(%dma_start3A_430 : memref<16x128xf32, #tpu.memory_space<hbm>>) target(%dma_start3A_428 : memref<16x128xf32, #tpu.memory_space<vmem>>) target_semaphore(%arg17 : memref<!tpu.dma_semaphore, #tpu.memory_space<semaphore_mem>>)
    %slice3A_431 = vector.extract_strided_slice %get3A_11 {offsets = [7], sizes = [1], strides = [1]} : vector<16xi32> to vector<1xi32>
    %squeeze3A_432 = vector.extract %slice3A_431[0] : i32 from vector<1xi32>
    %shift_right_arithmetic3A_433 = arith.constant 7 : i32
    %shift_right_arithmetic3A_434 = arith.shrsi %squeeze3A_432, %shift_right_arithmetic3A_433 : i32
    %mul3A_435 = arith.constant 128 : i32
    %mul3A_436 = arith.muli %shift_right_arithmetic3A_434, %mul3A_435 : i32
    %multiple_of3A_437 = tpu.assume_multiple %mul3A_436, 128 : i32
    %slice3A_438 = vector.extract_strided_slice %get3A_13 {offsets = [7], sizes = [1], strides = [1]} : vector<16xi32> to vector<1xi32>
    %squeeze3A_439 = vector.extract %slice3A_438[0] : i32 from vector<1xi32>
    %shift_right_arithmetic3A_440 = arith.constant 7 : i32
    %shift_right_arithmetic3A_441 = arith.shrsi %squeeze3A_439, %shift_right_arithmetic3A_440 : i32
    %mul3A_442 = arith.constant 128 : i32
    %mul3A_443 = arith.muli %shift_right_arithmetic3A_441, %mul3A_442 : i32
    %multiple_of3A_444 = tpu.assume_multiple %mul3A_443, 128 : i32
    %slice3A_445 = vector.extract_strided_slice %get3A_15 {offsets = [7], sizes = [1], strides = [1]} : vector<16xi32> to vector<1xi32>
    %squeeze3A_446 = vector.extract %slice3A_445[0] : i32 from vector<1xi32>
    %shift_right_arithmetic3A_447 = arith.constant 7 : i32
    %shift_right_arithmetic3A_448 = arith.shrsi %squeeze3A_446, %shift_right_arithmetic3A_447 : i32
    %mul3A_449 = arith.constant 128 : i32
    %mul3A_450 = arith.muli %shift_right_arithmetic3A_448, %mul3A_449 : i32
    %multiple_of3A_451 = tpu.assume_multiple %mul3A_450, 128 : i32
    %dma_start3A_452 = arith.constant 0 : i32
    %dma_start3A_453 = arith.constant 112 : i32
    %dma_start3A_454 = arith.constant 0 : i32
    %dma_start3A_455 = tpu.memref_slice %arg11[%dma_start3A_452, %dma_start3A_453, %dma_start3A_454] : memref<2x128x128xf32, #tpu.memory_space<vmem>> -> memref<1x16x128xf32, #tpu.memory_space<vmem>>
    %dma_start3A_456 = tpu.memref_squeeze %dma_start3A_455 : memref<1x16x128xf32, #tpu.memory_space<vmem>> -> memref<16x128xf32, #tpu.memory_space<vmem>>
    %dma_start3A_457 = arith.constant 0 : i32
    %dma_start3A_458 = tpu.memref_slice %arg2[%dma_start3A_457, %multiple_of3A_437] : memref<16x1000000xf32, #tpu.memory_space<hbm>> -> memref<16x128xf32, #tpu.memory_space<hbm>>
    %dma_start3A_459 = arith.constant 112 : i32
    %dma_start3A_460 = arith.constant 0 : i32
    %dma_start3A_461 = tpu.memref_slice %arg11[%dma_start3A_452, %dma_start3A_459, %dma_start3A_460] : memref<2x128x128xf32, #tpu.memory_space<vmem>> -> memref<1x16x128xf32, #tpu.memory_space<vmem>>
    %dma_start3A_462 = tpu.memref_squeeze %dma_start3A_461 : memref<1x16x128xf32, #tpu.memory_space<vmem>> -> memref<16x128xf32, #tpu.memory_space<vmem>>
    %dma_start3A_463 = arith.constant 0 : i32
    %dma_start3A_464 = tpu.memref_slice %arg2[%dma_start3A_463, %multiple_of3A_437] : memref<16x1000000xf32, #tpu.memory_space<hbm>> -> memref<16x128xf32, #tpu.memory_space<hbm>>
    tpu.enqueue_dma source(%dma_start3A_464 : memref<16x128xf32, #tpu.memory_space<hbm>>) target(%dma_start3A_462 : memref<16x128xf32, #tpu.memory_space<vmem>>) target_semaphore(%arg15 : memref<!tpu.dma_semaphore, #tpu.memory_space<semaphore_mem>>)
    %dma_start3A_465 = arith.constant 0 : i32
    %dma_start3A_466 = arith.constant 112 : i32
    %dma_start3A_467 = arith.constant 0 : i32
    %dma_start3A_468 = tpu.memref_slice %arg12[%dma_start3A_465, %dma_start3A_466, %dma_start3A_467] : memref<2x128x128xf32, #tpu.memory_space<vmem>> -> memref<1x16x128xf32, #tpu.memory_space<vmem>>
    %dma_start3A_469 = tpu.memref_squeeze %dma_start3A_468 : memref<1x16x128xf32, #tpu.memory_space<vmem>> -> memref<16x128xf32, #tpu.memory_space<vmem>>
    %dma_start3A_470 = arith.constant 0 : i32
    %dma_start3A_471 = tpu.memref_slice %arg3[%dma_start3A_470, %multiple_of3A_444] : memref<16x1000000xf32, #tpu.memory_space<hbm>> -> memref<16x128xf32, #tpu.memory_space<hbm>>
    %dma_start3A_472 = arith.constant 112 : i32
    %dma_start3A_473 = arith.constant 0 : i32
    %dma_start3A_474 = tpu.memref_slice %arg12[%dma_start3A_465, %dma_start3A_472, %dma_start3A_473] : memref<2x128x128xf32, #tpu.memory_space<vmem>> -> memref<1x16x128xf32, #tpu.memory_space<vmem>>
    %dma_start3A_475 = tpu.memref_squeeze %dma_start3A_474 : memref<1x16x128xf32, #tpu.memory_space<vmem>> -> memref<16x128xf32, #tpu.memory_space<vmem>>
    %dma_start3A_476 = arith.constant 0 : i32
    %dma_start3A_477 = tpu.memref_slice %arg3[%dma_start3A_476, %multiple_of3A_444] : memref<16x1000000xf32, #tpu.memory_space<hbm>> -> memref<16x128xf32, #tpu.memory_space<hbm>>
    tpu.enqueue_dma source(%dma_start3A_477 : memref<16x128xf32, #tpu.memory_space<hbm>>) target(%dma_start3A_475 : memref<16x128xf32, #tpu.memory_space<vmem>>) target_semaphore(%arg16 : memref<!tpu.dma_semaphore, #tpu.memory_space<semaphore_mem>>)
    %dma_start3A_478 = arith.constant 0 : i32
    %dma_start3A_479 = arith.constant 112 : i32
    %dma_start3A_480 = arith.constant 0 : i32
    %dma_start3A_481 = tpu.memref_slice %arg13[%dma_start3A_478, %dma_start3A_479, %dma_start3A_480] : memref<2x128x128xf32, #tpu.memory_space<vmem>> -> memref<1x16x128xf32, #tpu.memory_space<vmem>>
    %dma_start3A_482 = tpu.memref_squeeze %dma_start3A_481 : memref<1x16x128xf32, #tpu.memory_space<vmem>> -> memref<16x128xf32, #tpu.memory_space<vmem>>
    %dma_start3A_483 = arith.constant 0 : i32
    %dma_start3A_484 = tpu.memref_slice %arg3[%dma_start3A_483, %multiple_of3A_451] : memref<16x1000000xf32, #tpu.memory_space<hbm>> -> memref<16x128xf32, #tpu.memory_space<hbm>>
    %dma_start3A_485 = arith.constant 112 : i32
    %dma_start3A_486 = arith.constant 0 : i32
    %dma_start3A_487 = tpu.memref_slice %arg13[%dma_start3A_478, %dma_start3A_485, %dma_start3A_486] : memref<2x128x128xf32, #tpu.memory_space<vmem>> -> memref<1x16x128xf32, #tpu.memory_space<vmem>>
    %dma_start3A_488 = tpu.memref_squeeze %dma_start3A_487 : memref<1x16x128xf32, #tpu.memory_space<vmem>> -> memref<16x128xf32, #tpu.memory_space<vmem>>
    %dma_start3A_489 = arith.constant 0 : i32
    %dma_start3A_490 = tpu.memref_slice %arg3[%dma_start3A_489, %multiple_of3A_451] : memref<16x1000000xf32, #tpu.memory_space<hbm>> -> memref<16x128xf32, #tpu.memory_space<hbm>>
    tpu.enqueue_dma source(%dma_start3A_490 : memref<16x128xf32, #tpu.memory_space<hbm>>) target(%dma_start3A_488 : memref<16x128xf32, #tpu.memory_space<vmem>>) target_semaphore(%arg17 : memref<!tpu.dma_semaphore, #tpu.memory_space<semaphore_mem>>)
    %scan3A = arith.constant 0 : i32
    %scan3A_491 = arith.constant 0 : i32
    %scan3A_492 = arith.constant 32 : i32
    %scan3A_493 = arith.addi %scan3A_491, %scan3A_492 : i32
    %scan3A_494 = arith.constant 1 : i32
    scf.for %scan3A_496 = %scan3A_491 to %scan3A_493 step %scan3A_494  : i32 {
      %mul3A_497 = arith.constant 2 : i32
      %mul3A_498 = arith.muli %scan3A_496, %mul3A_497 : i32
      %add3A_499 = arith.constant 1 : i32
      %add3A_500 = arith.addi %mul3A_498, %add3A_499 : i32
      %mul3A_501 = arith.constant 8 : i32
      %mul3A_502 = arith.muli %add3A_500, %mul3A_501 : i32
      %get3A_503 = arith.index_cast %mul3A_502 : i32 to index
      %get3A_504 = tpu.vector_load %arg8[%get3A_503] {strides = array<i32>} : memref<528xi32, #tpu.memory_space<vmem>>, vector<16xi32>,
      %get3A_505 = arith.index_cast %mul3A_502 : i32 to index
      %get3A_506 = tpu.vector_load %arg9[%get3A_505] {strides = array<i32>} : memref<528xi32, #tpu.memory_space<vmem>>, vector<16xi32>,
      %get3A_507 = arith.index_cast %mul3A_502 : i32 to index
      %get3A_508 = tpu.vector_load %arg10[%get3A_507] {strides = array<i32>} : memref<528xi32, #tpu.memory_space<vmem>>, vector<16xi32>,
      %slice3A_509 = vector.extract_strided_slice %get3A_504 {offsets = [0], sizes = [1], strides = [1]} : vector<16xi32> to vector<1xi32>
      %squeeze3A_510 = vector.extract %slice3A_509[0] : i32 from vector<1xi32>
      %shift_right_arithmetic3A_511 = arith.constant 7 : i32
      %shift_right_arithmetic3A_512 = arith.shrsi %squeeze3A_510, %shift_right_arithmetic3A_511 : i32
      %mul3A_513 = arith.constant 128 : i32
      %mul3A_514 = arith.muli %shift_right_arithmetic3A_512, %mul3A_513 : i32
      %multiple_of3A_515 = tpu.assume_multiple %mul3A_514, 128 : i32
      %slice3A_516 = vector.extract_strided_slice %get3A_506 {offsets = [0], sizes = [1], strides = [1]} : vector<16xi32> to vector<1xi32>
      %squeeze3A_517 = vector.extract %slice3A_516[0] : i32 from vector<1xi32>
      %shift_right_arithmetic3A_518 = arith.constant 7 : i32
      %shift_right_arithmetic3A_519 = arith.shrsi %squeeze3A_517, %shift_right_arithmetic3A_518 : i32
      %mul3A_520 = arith.constant 128 : i32
      %mul3A_521 = arith.muli %shift_right_arithmetic3A_519, %mul3A_520 : i32
      %multiple_of3A_522 = tpu.assume_multiple %mul3A_521, 128 : i32
      %slice3A_523 = vector.extract_strided_slice %get3A_508 {offsets = [0], sizes = [1], strides = [1]} : vector<16xi32> to vector<1xi32>
      %squeeze3A_524 = vector.extract %slice3A_523[0] : i32 from vector<1xi32>
      %shift_right_arithmetic3A_525 = arith.constant 7 : i32
      %shift_right_arithmetic3A_526 = arith.shrsi %squeeze3A_524, %shift_right_arithmetic3A_525 : i32
      %mul3A_527 = arith.constant 128 : i32
      %mul3A_528 = arith.muli %shift_right_arithmetic3A_526, %mul3A_527 : i32
      %multiple_of3A_529 = tpu.assume_multiple %mul3A_528, 128 : i32
      %dma_start3A_530 = arith.constant 1 : i32
      %dma_start3A_531 = arith.constant 0 : i32
      %dma_start3A_532 = arith.constant 0 : i32
      %dma_start3A_533 = tpu.memref_slice %arg11[%dma_start3A_530, %dma_start3A_531, %dma_start3A_532] : memref<2x128x128xf32, #tpu.memory_space<vmem>> -> memref<1x16x128xf32, #tpu.memory_space<vmem>>
      %dma_start3A_534 = tpu.memref_squeeze %dma_start3A_533 : memref<1x16x128xf32, #tpu.memory_space<vmem>> -> memref<16x128xf32, #tpu.memory_space<vmem>>
      %dma_start3A_535 = arith.constant 0 : i32
      %dma_start3A_536 = tpu.memref_slice %arg2[%dma_start3A_535, %multiple_of3A_515] : memref<16x1000000xf32, #tpu.memory_space<hbm>> -> memref<16x128xf32, #tpu.memory_space<hbm>>
      %dma_start3A_537 = arith.constant 0 : i32
      %dma_start3A_538 = arith.constant 0 : i32
      %dma_start3A_539 = tpu.memref_slice %arg11[%dma_start3A_530, %dma_start3A_537, %dma_start3A_538] : memref<2x128x128xf32, #tpu.memory_space<vmem>> -> memref<1x16x128xf32, #tpu.memory_space<vmem>>
      %dma_start3A_540 = tpu.memref_squeeze %dma_start3A_539 : memref<1x16x128xf32, #tpu.memory_space<vmem>> -> memref<16x128xf32, #tpu.memory_space<vmem>>
      %dma_start3A_541 = arith.constant 0 : i32
      %dma_start3A_542 = tpu.memref_slice %arg2[%dma_start3A_541, %multiple_of3A_515] : memref<16x1000000xf32, #tpu.memory_space<hbm>> -> memref<16x128xf32, #tpu.memory_space<hbm>>
      tpu.enqueue_dma source(%dma_start3A_542 : memref<16x128xf32, #tpu.memory_space<hbm>>) target(%dma_start3A_540 : memref<16x128xf32, #tpu.memory_space<vmem>>) target_semaphore(%arg18 : memref<!tpu.dma_semaphore, #tpu.memory_space<semaphore_mem>>)
      %dma_start3A_543 = arith.constant 1 : i32
      %dma_start3A_544 = arith.constant 0 : i32
      %dma_start3A_545 = arith.constant 0 : i32
      %dma_start3A_546 = tpu.memref_slice %arg12[%dma_start3A_543, %dma_start3A_544, %dma_start3A_545] : memref<2x128x128xf32, #tpu.memory_space<vmem>> -> memref<1x16x128xf32, #tpu.memory_space<vmem>>
      %dma_start3A_547 = tpu.memref_squeeze %dma_start3A_546 : memref<1x16x128xf32, #tpu.memory_space<vmem>> -> memref<16x128xf32, #tpu.memory_space<vmem>>
      %dma_start3A_548 = arith.constant 0 : i32
      %dma_start3A_549 = tpu.memref_slice %arg3[%dma_start3A_548, %multiple_of3A_522] : memref<16x1000000xf32, #tpu.memory_space<hbm>> -> memref<16x128xf32, #tpu.memory_space<hbm>>
      %dma_start3A_550 = arith.constant 0 : i32
      %dma_start3A_551 = arith.constant 0 : i32
      %dma_start3A_552 = tpu.memref_slice %arg12[%dma_start3A_543, %dma_start3A_550, %dma_start3A_551] : memref<2x128x128xf32, #tpu.memory_space<vmem>> -> memref<1x16x128xf32, #tpu.memory_space<vmem>>
      %dma_start3A_553 = tpu.memref_squeeze %dma_start3A_552 : memref<1x16x128xf32, #tpu.memory_space<vmem>> -> memref<16x128xf32, #tpu.memory_space<vmem>>
      %dma_start3A_554 = arith.constant 0 : i32
      %dma_start3A_555 = tpu.memref_slice %arg3[%dma_start3A_554, %multiple_of3A_522] : memref<16x1000000xf32, #tpu.memory_space<hbm>> -> memref<16x128xf32, #tpu.memory_space<hbm>>
      tpu.enqueue_dma source(%dma_start3A_555 : memref<16x128xf32, #tpu.memory_space<hbm>>) target(%dma_start3A_553 : memref<16x128xf32, #tpu.memory_space<vmem>>) target_semaphore(%arg19 : memref<!tpu.dma_semaphore, #tpu.memory_space<semaphore_mem>>)
      %dma_start3A_556 = arith.constant 1 : i32
      %dma_start3A_557 = arith.constant 0 : i32
      %dma_start3A_558 = arith.constant 0 : i32
      %dma_start3A_559 = tpu.memref_slice %arg13[%dma_start3A_556, %dma_start3A_557, %dma_start3A_558] : memref<2x128x128xf32, #tpu.memory_space<vmem>> -> memref<1x16x128xf32, #tpu.memory_space<vmem>>
      %dma_start3A_560 = tpu.memref_squeeze %dma_start3A_559 : memref<1x16x128xf32, #tpu.memory_space<vmem>> -> memref<16x128xf32, #tpu.memory_space<vmem>>
      %dma_start3A_561 = arith.constant 0 : i32
      %dma_start3A_562 = tpu.memref_slice %arg3[%dma_start3A_561, %multiple_of3A_529] : memref<16x1000000xf32, #tpu.memory_space<hbm>> -> memref<16x128xf32, #tpu.memory_space<hbm>>
      %dma_start3A_563 = arith.constant 0 : i32
      %dma_start3A_564 = arith.constant 0 : i32
      %dma_start3A_565 = tpu.memref_slice %arg13[%dma_start3A_556, %dma_start3A_563, %dma_start3A_564] : memref<2x128x128xf32, #tpu.memory_space<vmem>> -> memref<1x16x128xf32, #tpu.memory_space<vmem>>
      %dma_start3A_566 = tpu.memref_squeeze %dma_start3A_565 : memref<1x16x128xf32, #tpu.memory_space<vmem>> -> memref<16x128xf32, #tpu.memory_space<vmem>>
      %dma_start3A_567 = arith.constant 0 : i32
      %dma_start3A_568 = tpu.memref_slice %arg3[%dma_start3A_567, %multiple_of3A_529] : memref<16x1000000xf32, #tpu.memory_space<hbm>> -> memref<16x128xf32, #tpu.memory_space<hbm>>
      tpu.enqueue_dma source(%dma_start3A_568 : memref<16x128xf32, #tpu.memory_space<hbm>>) target(%dma_start3A_566 : memref<16x128xf32, #tpu.memory_space<vmem>>) target_semaphore(%arg20 : memref<!tpu.dma_semaphore, #tpu.memory_space<semaphore_mem>>)
      %slice3A_569 = vector.extract_strided_slice %get3A_504 {offsets = [1], sizes = [1], strides = [1]} : vector<16xi32> to vector<1xi32>
      %squeeze3A_570 = vector.extract %slice3A_569[0] : i32 from vector<1xi32>
      %shift_right_arithmetic3A_571 = arith.constant 7 : i32
      %shift_right_arithmetic3A_572 = arith.shrsi %squeeze3A_570, %shift_right_arithmetic3A_571 : i32
      %mul3A_573 = arith.constant 128 : i32
      %mul3A_574 = arith.muli %shift_right_arithmetic3A_572, %mul3A_573 : i32
      %multiple_of3A_575 = tpu.assume_multiple %mul3A_574, 128 : i32
      %slice3A_576 = vector.extract_strided_slice %get3A_506 {offsets = [1], sizes = [1], strides = [1]} : vector<16xi32> to vector<1xi32>
      %squeeze3A_577 = vector.extract %slice3A_576[0] : i32 from vector<1xi32>
      %shift_right_arithmetic3A_578 = arith.constant 7 : i32
      %shift_right_arithmetic3A_579 = arith.shrsi %squeeze3A_577, %shift_right_arithmetic3A_578 : i32
      %mul3A_580 = arith.constant 128 : i32
      %mul3A_581 = arith.muli %shift_right_arithmetic3A_579, %mul3A_580 : i32
      %multiple_of3A_582 = tpu.assume_multiple %mul3A_581, 128 : i32
      %slice3A_583 = vector.extract_strided_slice %get3A_508 {offsets = [1], sizes = [1], strides = [1]} : vector<16xi32> to vector<1xi32>
      %squeeze3A_584 = vector.extract %slice3A_583[0] : i32 from vector<1xi32>
      %shift_right_arithmetic3A_585 = arith.constant 7 : i32
      %shift_right_arithmetic3A_586 = arith.shrsi %squeeze3A_584, %shift_right_arithmetic3A_585 : i32
      %mul3A_587 = arith.constant 128 : i32
      %mul3A_588 = arith.muli %shift_right_arithmetic3A_586, %mul3A_587 : i32
      %multiple_of3A_589 = tpu.assume_multiple %mul3A_588, 128 : i32
      %dma_start3A_590 = arith.constant 1 : i32
      %dma_start3A_591 = arith.constant 16 : i32
      %dma_start3A_592 = arith.constant 0 : i32
      %dma_start3A_593 = tpu.memref_slice %arg11[%dma_start3A_590, %dma_start3A_591, %dma_start3A_592] : memref<2x128x128xf32, #tpu.memory_space<vmem>> -> memref<1x16x128xf32, #tpu.memory_space<vmem>>
      %dma_start3A_594 = tpu.memref_squeeze %dma_start3A_593 : memref<1x16x128xf32, #tpu.memory_space<vmem>> -> memref<16x128xf32, #tpu.memory_space<vmem>>
      %dma_start3A_595 = arith.constant 0 : i32
      %dma_start3A_596 = tpu.memref_slice %arg2[%dma_start3A_595, %multiple_of3A_575] : memref<16x1000000xf32, #tpu.memory_space<hbm>> -> memref<16x128xf32, #tpu.memory_space<hbm>>
      %dma_start3A_597 = arith.constant 16 : i32
      %dma_start3A_598 = arith.constant 0 : i32
      %dma_start3A_599 = tpu.memref_slice %arg11[%dma_start3A_590, %dma_start3A_597, %dma_start3A_598] : memref<2x128x128xf32, #tpu.memory_space<vmem>> -> memref<1x16x128xf32, #tpu.memory_space<vmem>>
      %dma_start3A_600 = tpu.memref_squeeze %dma_start3A_599 : memref<1x16x128xf32, #tpu.memory_space<vmem>> -> memref<16x128xf32, #tpu.memory_space<vmem>>
      %dma_start3A_601 = arith.constant 0 : i32
      %dma_start3A_602 = tpu.memref_slice %arg2[%dma_start3A_601, %multiple_of3A_575] : memref<16x1000000xf32, #tpu.memory_space<hbm>> -> memref<16x128xf32, #tpu.memory_space<hbm>>
      tpu.enqueue_dma source(%dma_start3A_602 : memref<16x128xf32, #tpu.memory_space<hbm>>) target(%dma_start3A_600 : memref<16x128xf32, #tpu.memory_space<vmem>>) target_semaphore(%arg18 : memref<!tpu.dma_semaphore, #tpu.memory_space<semaphore_mem>>)
      %dma_start3A_603 = arith.constant 1 : i32
      %dma_start3A_604 = arith.constant 16 : i32
      %dma_start3A_605 = arith.constant 0 : i32
      %dma_start3A_606 = tpu.memref_slice %arg12[%dma_start3A_603, %dma_start3A_604, %dma_start3A_605] : memref<2x128x128xf32, #tpu.memory_space<vmem>> -> memref<1x16x128xf32, #tpu.memory_space<vmem>>
      %dma_start3A_607 = tpu.memref_squeeze %dma_start3A_606 : memref<1x16x128xf32, #tpu.memory_space<vmem>> -> memref<16x128xf32, #tpu.memory_space<vmem>>
      %dma_start3A_608 = arith.constant 0 : i32
      %dma_start3A_609 = tpu.memref_slice %arg3[%dma_start3A_608, %multiple_of3A_582] : memref<16x1000000xf32, #tpu.memory_space<hbm>> -> memref<16x128xf32, #tpu.memory_space<hbm>>
      %dma_start3A_610 = arith.constant 16 : i32
      %dma_start3A_611 = arith.constant 0 : i32
      %dma_start3A_612 = tpu.memref_slice %arg12[%dma_start3A_603, %dma_start3A_610, %dma_start3A_611] : memref<2x128x128xf32, #tpu.memory_space<vmem>> -> memref<1x16x128xf32, #tpu.memory_space<vmem>>
      %dma_start3A_613 = tpu.memref_squeeze %dma_start3A_612 : memref<1x16x128xf32, #tpu.memory_space<vmem>> -> memref<16x128xf32, #tpu.memory_space<vmem>>
      %dma_start3A_614 = arith.constant 0 : i32
      %dma_start3A_615 = tpu.memref_slice %arg3[%dma_start3A_614, %multiple_of3A_582] : memref<16x1000000xf32, #tpu.memory_space<hbm>> -> memref<16x128xf32, #tpu.memory_space<hbm>>
      tpu.enqueue_dma source(%dma_start3A_615 : memref<16x128xf32, #tpu.memory_space<hbm>>) target(%dma_start3A_613 : memref<16x128xf32, #tpu.memory_space<vmem>>) target_semaphore(%arg19 : memref<!tpu.dma_semaphore, #tpu.memory_space<semaphore_mem>>)
      %dma_start3A_616 = arith.constant 1 : i32
      %dma_start3A_617 = arith.constant 16 : i32
      %dma_start3A_618 = arith.constant 0 : i32
      %dma_start3A_619 = tpu.memref_slice %arg13[%dma_start3A_616, %dma_start3A_617, %dma_start3A_618] : memref<2x128x128xf32, #tpu.memory_space<vmem>> -> memref<1x16x128xf32, #tpu.memory_space<vmem>>
      %dma_start3A_620 = tpu.memref_squeeze %dma_start3A_619 : memref<1x16x128xf32, #tpu.memory_space<vmem>> -> memref<16x128xf32, #tpu.memory_space<vmem>>
      %dma_start3A_621 = arith.constant 0 : i32
      %dma_start3A_622 = tpu.memref_slice %arg3[%dma_start3A_621, %multiple_of3A_589] : memref<16x1000000xf32, #tpu.memory_space<hbm>> -> memref<16x128xf32, #tpu.memory_space<hbm>>
      %dma_start3A_623 = arith.constant 16 : i32
      %dma_start3A_624 = arith.constant 0 : i32
      %dma_start3A_625 = tpu.memref_slice %arg13[%dma_start3A_616, %dma_start3A_623, %dma_start3A_624] : memref<2x128x128xf32, #tpu.memory_space<vmem>> -> memref<1x16x128xf32, #tpu.memory_space<vmem>>
      %dma_start3A_626 = tpu.memref_squeeze %dma_start3A_625 : memref<1x16x128xf32, #tpu.memory_space<vmem>> -> memref<16x128xf32, #tpu.memory_space<vmem>>
      %dma_start3A_627 = arith.constant 0 : i32
      %dma_start3A_628 = tpu.memref_slice %arg3[%dma_start3A_627, %multiple_of3A_589] : memref<16x1000000xf32, #tpu.memory_space<hbm>> -> memref<16x128xf32, #tpu.memory_space<hbm>>
      tpu.enqueue_dma source(%dma_start3A_628 : memref<16x128xf32, #tpu.memory_space<hbm>>) target(%dma_start3A_626 : memref<16x128xf32, #tpu.memory_space<vmem>>) target_semaphore(%arg20 : memref<!tpu.dma_semaphore, #tpu.memory_space<semaphore_mem>>)
      %slice3A_629 = vector.extract_strided_slice %get3A_504 {offsets = [2], sizes = [1], strides = [1]} : vector<16xi32> to vector<1xi32>
      %squeeze3A_630 = vector.extract %slice3A_629[0] : i32 from vector<1xi32>
      %shift_right_arithmetic3A_631 = arith.constant 7 : i32
      %shift_right_arithmetic3A_632 = arith.shrsi %squeeze3A_630, %shift_right_arithmetic3A_631 : i32
      %mul3A_633 = arith.constant 128 : i32
      %mul3A_634 = arith.muli %shift_right_arithmetic3A_632, %mul3A_633 : i32
      %multiple_of3A_635 = tpu.assume_multiple %mul3A_634, 128 : i32
      %slice3A_636 = vector.extract_strided_slice %get3A_506 {offsets = [2], sizes = [1], strides = [1]} : vector<16xi32> to vector<1xi32>
      %squeeze3A_637 = vector.extract %slice3A_636[0] : i32 from vector<1xi32>
      %shift_right_arithmetic3A_638 = arith.constant 7 : i32
      %shift_right_arithmetic3A_639 = arith.shrsi %squeeze3A_637, %shift_right_arithmetic3A_638 : i32
      %mul3A_640 = arith.constant 128 : i32
      %mul3A_641 = arith.muli %shift_right_arithmetic3A_639, %mul3A_640 : i32
      %multiple_of3A_642 = tpu.assume_multiple %mul3A_641, 128 : i32
      %slice3A_643 = vector.extract_strided_slice %get3A_508 {offsets = [2], sizes = [1], strides = [1]} : vector<16xi32> to vector<1xi32>
      %squeeze3A_644 = vector.extract %slice3A_643[0] : i32 from vector<1xi32>
      %shift_right_arithmetic3A_645 = arith.constant 7 : i32
      %shift_right_arithmetic3A_646 = arith.shrsi %squeeze3A_644, %shift_right_arithmetic3A_645 : i32
      %mul3A_647 = arith.constant 128 : i32
      %mul3A_648 = arith.muli %shift_right_arithmetic3A_646, %mul3A_647 : i32
      %multiple_of3A_649 = tpu.assume_multiple %mul3A_648, 128 : i32
      %dma_start3A_650 = arith.constant 1 : i32
      %dma_start3A_651 = arith.constant 32 : i32
      %dma_start3A_652 = arith.constant 0 : i32
      %dma_start3A_653 = tpu.memref_slice %arg11[%dma_start3A_650, %dma_start3A_651, %dma_start3A_652] : memref<2x128x128xf32, #tpu.memory_space<vmem>> -> memref<1x16x128xf32, #tpu.memory_space<vmem>>
      %dma_start3A_654 = tpu.memref_squeeze %dma_start3A_653 : memref<1x16x128xf32, #tpu.memory_space<vmem>> -> memref<16x128xf32, #tpu.memory_space<vmem>>
      %dma_start3A_655 = arith.constant 0 : i32
      %dma_start3A_656 = tpu.memref_slice %arg2[%dma_start3A_655, %multiple_of3A_635] : memref<16x1000000xf32, #tpu.memory_space<hbm>> -> memref<16x128xf32, #tpu.memory_space<hbm>>
      %dma_start3A_657 = arith.constant 32 : i32
      %dma_start3A_658 = arith.constant 0 : i32
      %dma_start3A_659 = tpu.memref_slice %arg11[%dma_start3A_650, %dma_start3A_657, %dma_start3A_658] : memref<2x128x128xf32, #tpu.memory_space<vmem>> -> memref<1x16x128xf32, #tpu.memory_space<vmem>>
      %dma_start3A_660 = tpu.memref_squeeze %dma_start3A_659 : memref<1x16x128xf32, #tpu.memory_space<vmem>> -> memref<16x128xf32, #tpu.memory_space<vmem>>
      %dma_start3A_661 = arith.constant 0 : i32
      %dma_start3A_662 = tpu.memref_slice %arg2[%dma_start3A_661, %multiple_of3A_635] : memref<16x1000000xf32, #tpu.memory_space<hbm>> -> memref<16x128xf32, #tpu.memory_space<hbm>>
      tpu.enqueue_dma source(%dma_start3A_662 : memref<16x128xf32, #tpu.memory_space<hbm>>) target(%dma_start3A_660 : memref<16x128xf32, #tpu.memory_space<vmem>>) target_semaphore(%arg18 : memref<!tpu.dma_semaphore, #tpu.memory_space<semaphore_mem>>)
      %dma_start3A_663 = arith.constant 1 : i32
      %dma_start3A_664 = arith.constant 32 : i32
      %dma_start3A_665 = arith.constant 0 : i32
      %dma_start3A_666 = tpu.memref_slice %arg12[%dma_start3A_663, %dma_start3A_664, %dma_start3A_665] : memref<2x128x128xf32, #tpu.memory_space<vmem>> -> memref<1x16x128xf32, #tpu.memory_space<vmem>>
      %dma_start3A_667 = tpu.memref_squeeze %dma_start3A_666 : memref<1x16x128xf32, #tpu.memory_space<vmem>> -> memref<16x128xf32, #tpu.memory_space<vmem>>
      %dma_start3A_668 = arith.constant 0 : i32
      %dma_start3A_669 = tpu.memref_slice %arg3[%dma_start3A_668, %multiple_of3A_642] : memref<16x1000000xf32, #tpu.memory_space<hbm>> -> memref<16x128xf32, #tpu.memory_space<hbm>>
      %dma_start3A_670 = arith.constant 32 : i32
      %dma_start3A_671 = arith.constant 0 : i32
      %dma_start3A_672 = tpu.memref_slice %arg12[%dma_start3A_663, %dma_start3A_670, %dma_start3A_671] : memref<2x128x128xf32, #tpu.memory_space<vmem>> -> memref<1x16x128xf32, #tpu.memory_space<vmem>>
      %dma_start3A_673 = tpu.memref_squeeze %dma_start3A_672 : memref<1x16x128xf32, #tpu.memory_space<vmem>> -> memref<16x128xf32, #tpu.memory_space<vmem>>
      %dma_start3A_674 = arith.constant 0 : i32
      %dma_start3A_675 = tpu.memref_slice %arg3[%dma_start3A_674, %multiple_of3A_642] : memref<16x1000000xf32, #tpu.memory_space<hbm>> -> memref<16x128xf32, #tpu.memory_space<hbm>>
      tpu.enqueue_dma source(%dma_start3A_675 : memref<16x128xf32, #tpu.memory_space<hbm>>) target(%dma_start3A_673 : memref<16x128xf32, #tpu.memory_space<vmem>>) target_semaphore(%arg19 : memref<!tpu.dma_semaphore, #tpu.memory_space<semaphore_mem>>)
      %dma_start3A_676 = arith.constant 1 : i32
      %dma_start3A_677 = arith.constant 32 : i32
      %dma_start3A_678 = arith.constant 0 : i32
      %dma_start3A_679 = tpu.memref_slice %arg13[%dma_start3A_676, %dma_start3A_677, %dma_start3A_678] : memref<2x128x128xf32, #tpu.memory_space<vmem>> -> memref<1x16x128xf32, #tpu.memory_space<vmem>>
      %dma_start3A_680 = tpu.memref_squeeze %dma_start3A_679 : memref<1x16x128xf32, #tpu.memory_space<vmem>> -> memref<16x128xf32, #tpu.memory_space<vmem>>
      %dma_start3A_681 = arith.constant 0 : i32
      %dma_start3A_682 = tpu.memref_slice %arg3[%dma_start3A_681, %multiple_of3A_649] : memref<16x1000000xf32, #tpu.memory_space<hbm>> -> memref<16x128xf32, #tpu.memory_space<hbm>>
      %dma_start3A_683 = arith.constant 32 : i32
      %dma_start3A_684 = arith.constant 0 : i32
      %dma_start3A_685 = tpu.memref_slice %arg13[%dma_start3A_676, %dma_start3A_683, %dma_start3A_684] : memref<2x128x128xf32, #tpu.memory_space<vmem>> -> memref<1x16x128xf32, #tpu.memory_space<vmem>>
      %dma_start3A_686 = tpu.memref_squeeze %dma_start3A_685 : memref<1x16x128xf32, #tpu.memory_space<vmem>> -> memref<16x128xf32, #tpu.memory_space<vmem>>
      %dma_start3A_687 = arith.constant 0 : i32
      %dma_start3A_688 = tpu.memref_slice %arg3[%dma_start3A_687, %multiple_of3A_649] : memref<16x1000000xf32, #tpu.memory_space<hbm>> -> memref<16x128xf32, #tpu.memory_space<hbm>>
      tpu.enqueue_dma source(%dma_start3A_688 : memref<16x128xf32, #tpu.memory_space<hbm>>) target(%dma_start3A_686 : memref<16x128xf32, #tpu.memory_space<vmem>>) target_semaphore(%arg20 : memref<!tpu.dma_semaphore, #tpu.memory_space<semaphore_mem>>)
      %slice3A_689 = vector.extract_strided_slice %get3A_504 {offsets = [3], sizes = [1], strides = [1]} : vector<16xi32> to vector<1xi32>
      %squeeze3A_690 = vector.extract %slice3A_689[0] : i32 from vector<1xi32>
      %shift_right_arithmetic3A_691 = arith.constant 7 : i32
      %shift_right_arithmetic3A_692 = arith.shrsi %squeeze3A_690, %shift_right_arithmetic3A_691 : i32
      %mul3A_693 = arith.constant 128 : i32
      %mul3A_694 = arith.muli %shift_right_arithmetic3A_692, %mul3A_693 : i32
      %multiple_of3A_695 = tpu.assume_multiple %mul3A_694, 128 : i32
      %slice3A_696 = vector.extract_strided_slice %get3A_506 {offsets = [3], sizes = [1], strides = [1]} : vector<16xi32> to vector<1xi32>
      %squeeze3A_697 = vector.extract %slice3A_696[0] : i32 from vector<1xi32>
      %shift_right_arithmetic3A_698 = arith.constant 7 : i32
      %shift_right_arithmetic3A_699 = arith.shrsi %squeeze3A_697, %shift_right_arithmetic3A_698 : i32
      %mul3A_700 = arith.constant 128 : i32
      %mul3A_701 = arith.muli %shift_right_arithmetic3A_699, %mul3A_700 : i32
      %multiple_of3A_702 = tpu.assume_multiple %mul3A_701, 128 : i32
      %slice3A_703 = vector.extract_strided_slice %get3A_508 {offsets = [3], sizes = [1], strides = [1]} : vector<16xi32> to vector<1xi32>
      %squeeze3A_704 = vector.extract %slice3A_703[0] : i32 from vector<1xi32>
      %shift_right_arithmetic3A_705 = arith.constant 7 : i32
      %shift_right_arithmetic3A_706 = arith.shrsi %squeeze3A_704, %shift_right_arithmetic3A_705 : i32
      %mul3A_707 = arith.constant 128 : i32
      %mul3A_708 = arith.muli %shift_right_arithmetic3A_706, %mul3A_707 : i32
      %multiple_of3A_709 = tpu.assume_multiple %mul3A_708, 128 : i32
      %dma_start3A_710 = arith.constant 1 : i32
      %dma_start3A_711 = arith.constant 48 : i32
      %dma_start3A_712 = arith.constant 0 : i32
      %dma_start3A_713 = tpu.memref_slice %arg11[%dma_start3A_710, %dma_start3A_711, %dma_start3A_712] : memref<2x128x128xf32, #tpu.memory_space<vmem>> -> memref<1x16x128xf32, #tpu.memory_space<vmem>>
      %dma_start3A_714 = tpu.memref_squeeze %dma_start3A_713 : memref<1x16x128xf32, #tpu.memory_space<vmem>> -> memref<16x128xf32, #tpu.memory_space<vmem>>
      %dma_start3A_715 = arith.constant 0 : i32
      %dma_start3A_716 = tpu.memref_slice %arg2[%dma_start3A_715, %multiple_of3A_695] : memref<16x1000000xf32, #tpu.memory_space<hbm>> -> memref<16x128xf32, #tpu.memory_space<hbm>>
      %dma_start3A_717 = arith.constant 48 : i32
      %dma_start3A_718 = arith.constant 0 : i32
      %dma_start3A_719 = tpu.memref_slice %arg11[%dma_start3A_710, %dma_start3A_717, %dma_start3A_718] : memref<2x128x128xf32, #tpu.memory_space<vmem>> -> memref<1x16x128xf32, #tpu.memory_space<vmem>>
      %dma_start3A_720 = tpu.memref_squeeze %dma_start3A_719 : memref<1x16x128xf32, #tpu.memory_space<vmem>> -> memref<16x128xf32, #tpu.memory_space<vmem>>
      %dma_start3A_721 = arith.constant 0 : i32
      %dma_start3A_722 = tpu.memref_slice %arg2[%dma_start3A_721, %multiple_of3A_695] : memref<16x1000000xf32, #tpu.memory_space<hbm>> -> memref<16x128xf32, #tpu.memory_space<hbm>>
      tpu.enqueue_dma source(%dma_start3A_722 : memref<16x128xf32, #tpu.memory_space<hbm>>) target(%dma_start3A_720 : memref<16x128xf32, #tpu.memory_space<vmem>>) target_semaphore(%arg18 : memref<!tpu.dma_semaphore, #tpu.memory_space<semaphore_mem>>)
      %dma_start3A_723 = arith.constant 1 : i32
      %dma_start3A_724 = arith.constant 48 : i32
      %dma_start3A_725 = arith.constant 0 : i32
      %dma_start3A_726 = tpu.memref_slice %arg12[%dma_start3A_723, %dma_start3A_724, %dma_start3A_725] : memref<2x128x128xf32, #tpu.memory_space<vmem>> -> memref<1x16x128xf32, #tpu.memory_space<vmem>>
      %dma_start3A_727 = tpu.memref_squeeze %dma_start3A_726 : memref<1x16x128xf32, #tpu.memory_space<vmem>> -> memref<16x128xf32, #tpu.memory_space<vmem>>
      %dma_start3A_728 = arith.constant 0 : i32
      %dma_start3A_729 = tpu.memref_slice %arg3[%dma_start3A_728, %multiple_of3A_702] : memref<16x1000000xf32, #tpu.memory_space<hbm>> -> memref<16x128xf32, #tpu.memory_space<hbm>>
      %dma_start3A_730 = arith.constant 48 : i32
      %dma_start3A_731 = arith.constant 0 : i32
      %dma_start3A_732 = tpu.memref_slice %arg12[%dma_start3A_723, %dma_start3A_730, %dma_start3A_731] : memref<2x128x128xf32, #tpu.memory_space<vmem>> -> memref<1x16x128xf32, #tpu.memory_space<vmem>>
      %dma_start3A_733 = tpu.memref_squeeze %dma_start3A_732 : memref<1x16x128xf32, #tpu.memory_space<vmem>> -> memref<16x128xf32, #tpu.memory_space<vmem>>
      %dma_start3A_734 = arith.constant 0 : i32
      %dma_start3A_735 = tpu.memref_slice %arg3[%dma_start3A_734, %multiple_of3A_702] : memref<16x1000000xf32, #tpu.memory_space<hbm>> -> memref<16x128xf32, #tpu.memory_space<hbm>>
      tpu.enqueue_dma source(%dma_start3A_735 : memref<16x128xf32, #tpu.memory_space<hbm>>) target(%dma_start3A_733 : memref<16x128xf32, #tpu.memory_space<vmem>>) target_semaphore(%arg19 : memref<!tpu.dma_semaphore, #tpu.memory_space<semaphore_mem>>)
      %dma_start3A_736 = arith.constant 1 : i32
      %dma_start3A_737 = arith.constant 48 : i32
      %dma_start3A_738 = arith.constant 0 : i32
      %dma_start3A_739 = tpu.memref_slice %arg13[%dma_start3A_736, %dma_start3A_737, %dma_start3A_738] : memref<2x128x128xf32, #tpu.memory_space<vmem>> -> memref<1x16x128xf32, #tpu.memory_space<vmem>>
      %dma_start3A_740 = tpu.memref_squeeze %dma_start3A_739 : memref<1x16x128xf32, #tpu.memory_space<vmem>> -> memref<16x128xf32, #tpu.memory_space<vmem>>
      %dma_start3A_741 = arith.constant 0 : i32
      %dma_start3A_742 = tpu.memref_slice %arg3[%dma_start3A_741, %multiple_of3A_709] : memref<16x1000000xf32, #tpu.memory_space<hbm>> -> memref<16x128xf32, #tpu.memory_space<hbm>>
      %dma_start3A_743 = arith.constant 48 : i32
      %dma_start3A_744 = arith.constant 0 : i32
      %dma_start3A_745 = tpu.memref_slice %arg13[%dma_start3A_736, %dma_start3A_743, %dma_start3A_744] : memref<2x128x128xf32, #tpu.memory_space<vmem>> -> memref<1x16x128xf32, #tpu.memory_space<vmem>>
      %dma_start3A_746 = tpu.memref_squeeze %dma_start3A_745 : memref<1x16x128xf32, #tpu.memory_space<vmem>> -> memref<16x128xf32, #tpu.memory_space<vmem>>
      %dma_start3A_747 = arith.constant 0 : i32
      %dma_start3A_748 = tpu.memref_slice %arg3[%dma_start3A_747, %multiple_of3A_709] : memref<16x1000000xf32, #tpu.memory_space<hbm>> -> memref<16x128xf32, #tpu.memory_space<hbm>>
      tpu.enqueue_dma source(%dma_start3A_748 : memref<16x128xf32, #tpu.memory_space<hbm>>) target(%dma_start3A_746 : memref<16x128xf32, #tpu.memory_space<vmem>>) target_semaphore(%arg20 : memref<!tpu.dma_semaphore, #tpu.memory_space<semaphore_mem>>)
      %slice3A_749 = vector.extract_strided_slice %get3A_504 {offsets = [4], sizes = [1], strides = [1]} : vector<16xi32> to vector<1xi32>
      %squeeze3A_750 = vector.extract %slice3A_749[0] : i32 from vector<1xi32>
      %shift_right_arithmetic3A_751 = arith.constant 7 : i32
      %shift_right_arithmetic3A_752 = arith.shrsi %squeeze3A_750, %shift_right_arithmetic3A_751 : i32
      %mul3A_753 = arith.constant 128 : i32
      %mul3A_754 = arith.muli %shift_right_arithmetic3A_752, %mul3A_753 : i32
      %multiple_of3A_755 = tpu.assume_multiple %mul3A_754, 128 : i32
      %slice3A_756 = vector.extract_strided_slice %get3A_506 {offsets = [4], sizes = [1], strides = [1]} : vector<16xi32> to vector<1xi32>
      %squeeze3A_757 = vector.extract %slice3A_756[0] : i32 from vector<1xi32>
      %shift_right_arithmetic3A_758 = arith.constant 7 : i32
      %shift_right_arithmetic3A_759 = arith.shrsi %squeeze3A_757, %shift_right_arithmetic3A_758 : i32
      %mul3A_760 = arith.constant 128 : i32
      %mul3A_761 = arith.muli %shift_right_arithmetic3A_759, %mul3A_760 : i32
      %multiple_of3A_762 = tpu.assume_multiple %mul3A_761, 128 : i32
      %slice3A_763 = vector.extract_strided_slice %get3A_508 {offsets = [4], sizes = [1], strides = [1]} : vector<16xi32> to vector<1xi32>
      %squeeze3A_764 = vector.extract %slice3A_763[0] : i32 from vector<1xi32>
      %shift_right_arithmetic3A_765 = arith.constant 7 : i32
      %shift_right_arithmetic3A_766 = arith.shrsi %squeeze3A_764, %shift_right_arithmetic3A_765 : i32
      %mul3A_767 = arith.constant 128 : i32
      %mul3A_768 = arith.muli %shift_right_arithmetic3A_766, %mul3A_767 : i32
      %multiple_of3A_769 = tpu.assume_multiple %mul3A_768, 128 : i32
      %dma_start3A_770 = arith.constant 1 : i32
      %dma_start3A_771 = arith.constant 64 : i32
      %dma_start3A_772 = arith.constant 0 : i32
      %dma_start3A_773 = tpu.memref_slice %arg11[%dma_start3A_770, %dma_start3A_771, %dma_start3A_772] : memref<2x128x128xf32, #tpu.memory_space<vmem>> -> memref<1x16x128xf32, #tpu.memory_space<vmem>>
      %dma_start3A_774 = tpu.memref_squeeze %dma_start3A_773 : memref<1x16x128xf32, #tpu.memory_space<vmem>> -> memref<16x128xf32, #tpu.memory_space<vmem>>
      %dma_start3A_775 = arith.constant 0 : i32
      %dma_start3A_776 = tpu.memref_slice %arg2[%dma_start3A_775, %multiple_of3A_755] : memref<16x1000000xf32, #tpu.memory_space<hbm>> -> memref<16x128xf32, #tpu.memory_space<hbm>>
      %dma_start3A_777 = arith.constant 64 : i32
      %dma_start3A_778 = arith.constant 0 : i32
      %dma_start3A_779 = tpu.memref_slice %arg11[%dma_start3A_770, %dma_start3A_777, %dma_start3A_778] : memref<2x128x128xf32, #tpu.memory_space<vmem>> -> memref<1x16x128xf32, #tpu.memory_space<vmem>>
      %dma_start3A_780 = tpu.memref_squeeze %dma_start3A_779 : memref<1x16x128xf32, #tpu.memory_space<vmem>> -> memref<16x128xf32, #tpu.memory_space<vmem>>
      %dma_start3A_781 = arith.constant 0 : i32
      %dma_start3A_782 = tpu.memref_slice %arg2[%dma_start3A_781, %multiple_of3A_755] : memref<16x1000000xf32, #tpu.memory_space<hbm>> -> memref<16x128xf32, #tpu.memory_space<hbm>>
      tpu.enqueue_dma source(%dma_start3A_782 : memref<16x128xf32, #tpu.memory_space<hbm>>) target(%dma_start3A_780 : memref<16x128xf32, #tpu.memory_space<vmem>>) target_semaphore(%arg18 : memref<!tpu.dma_semaphore, #tpu.memory_space<semaphore_mem>>)
      %dma_start3A_783 = arith.constant 1 : i32
      %dma_start3A_784 = arith.constant 64 : i32
      %dma_start3A_785 = arith.constant 0 : i32
      %dma_start3A_786 = tpu.memref_slice %arg12[%dma_start3A_783, %dma_start3A_784, %dma_start3A_785] : memref<2x128x128xf32, #tpu.memory_space<vmem>> -> memref<1x16x128xf32, #tpu.memory_space<vmem>>
      %dma_start3A_787 = tpu.memref_squeeze %dma_start3A_786 : memref<1x16x128xf32, #tpu.memory_space<vmem>> -> memref<16x128xf32, #tpu.memory_space<vmem>>
      %dma_start3A_788 = arith.constant 0 : i32
      %dma_start3A_789 = tpu.memref_slice %arg3[%dma_start3A_788, %multiple_of3A_762] : memref<16x1000000xf32, #tpu.memory_space<hbm>> -> memref<16x128xf32, #tpu.memory_space<hbm>>
      %dma_start3A_790 = arith.constant 64 : i32
      %dma_start3A_791 = arith.constant 0 : i32
      %dma_start3A_792 = tpu.memref_slice %arg12[%dma_start3A_783, %dma_start3A_790, %dma_start3A_791] : memref<2x128x128xf32, #tpu.memory_space<vmem>> -> memref<1x16x128xf32, #tpu.memory_space<vmem>>
      %dma_start3A_793 = tpu.memref_squeeze %dma_start3A_792 : memref<1x16x128xf32, #tpu.memory_space<vmem>> -> memref<16x128xf32, #tpu.memory_space<vmem>>
      %dma_start3A_794 = arith.constant 0 : i32
      %dma_start3A_795 = tpu.memref_slice %arg3[%dma_start3A_794, %multiple_of3A_762] : memref<16x1000000xf32, #tpu.memory_space<hbm>> -> memref<16x128xf32, #tpu.memory_space<hbm>>
      tpu.enqueue_dma source(%dma_start3A_795 : memref<16x128xf32, #tpu.memory_space<hbm>>) target(%dma_start3A_793 : memref<16x128xf32, #tpu.memory_space<vmem>>) target_semaphore(%arg19 : memref<!tpu.dma_semaphore, #tpu.memory_space<semaphore_mem>>)
      %dma_start3A_796 = arith.constant 1 : i32
      %dma_start3A_797 = arith.constant 64 : i32
      %dma_start3A_798 = arith.constant 0 : i32
      %dma_start3A_799 = tpu.memref_slice %arg13[%dma_start3A_796, %dma_start3A_797, %dma_start3A_798] : memref<2x128x128xf32, #tpu.memory_space<vmem>> -> memref<1x16x128xf32, #tpu.memory_space<vmem>>
      %dma_start3A_800 = tpu.memref_squeeze %dma_start3A_799 : memref<1x16x128xf32, #tpu.memory_space<vmem>> -> memref<16x128xf32, #tpu.memory_space<vmem>>
      %dma_start3A_801 = arith.constant 0 : i32
      %dma_start3A_802 = tpu.memref_slice %arg3[%dma_start3A_801, %multiple_of3A_769] : memref<16x1000000xf32, #tpu.memory_space<hbm>> -> memref<16x128xf32, #tpu.memory_space<hbm>>
      %dma_start3A_803 = arith.constant 64 : i32
      %dma_start3A_804 = arith.constant 0 : i32
      %dma_start3A_805 = tpu.memref_slice %arg13[%dma_start3A_796, %dma_start3A_803, %dma_start3A_804] : memref<2x128x128xf32, #tpu.memory_space<vmem>> -> memref<1x16x128xf32, #tpu.memory_space<vmem>>
      %dma_start3A_806 = tpu.memref_squeeze %dma_start3A_805 : memref<1x16x128xf32, #tpu.memory_space<vmem>> -> memref<16x128xf32, #tpu.memory_space<vmem>>
      %dma_start3A_807 = arith.constant 0 : i32
      %dma_start3A_808 = tpu.memref_slice %arg3[%dma_start3A_807, %multiple_of3A_769] : memref<16x1000000xf32, #tpu.memory_space<hbm>> -> memref<16x128xf32, #tpu.memory_space<hbm>>
      tpu.enqueue_dma source(%dma_start3A_808 : memref<16x128xf32, #tpu.memory_space<hbm>>) target(%dma_start3A_806 : memref<16x128xf32, #tpu.memory_space<vmem>>) target_semaphore(%arg20 : memref<!tpu.dma_semaphore, #tpu.memory_space<semaphore_mem>>)
      %slice3A_809 = vector.extract_strided_slice %get3A_504 {offsets = [5], sizes = [1], strides = [1]} : vector<16xi32> to vector<1xi32>
      %squeeze3A_810 = vector.extract %slice3A_809[0] : i32 from vector<1xi32>
      %shift_right_arithmetic3A_811 = arith.constant 7 : i32
      %shift_right_arithmetic3A_812 = arith.shrsi %squeeze3A_810, %shift_right_arithmetic3A_811 : i32
      %mul3A_813 = arith.constant 128 : i32
      %mul3A_814 = arith.muli %shift_right_arithmetic3A_812, %mul3A_813 : i32
      %multiple_of3A_815 = tpu.assume_multiple %mul3A_814, 128 : i32
      %slice3A_816 = vector.extract_strided_slice %get3A_506 {offsets = [5], sizes = [1], strides = [1]} : vector<16xi32> to vector<1xi32>
      %squeeze3A_817 = vector.extract %slice3A_816[0] : i32 from vector<1xi32>
      %shift_right_arithmetic3A_818 = arith.constant 7 : i32
      %shift_right_arithmetic3A_819 = arith.shrsi %squeeze3A_817, %shift_right_arithmetic3A_818 : i32
      %mul3A_820 = arith.constant 128 : i32
      %mul3A_821 = arith.muli %shift_right_arithmetic3A_819, %mul3A_820 : i32
      %multiple_of3A_822 = tpu.assume_multiple %mul3A_821, 128 : i32
      %slice3A_823 = vector.extract_strided_slice %get3A_508 {offsets = [5], sizes = [1], strides = [1]} : vector<16xi32> to vector<1xi32>
      %squeeze3A_824 = vector.extract %slice3A_823[0] : i32 from vector<1xi32>
      %shift_right_arithmetic3A_825 = arith.constant 7 : i32
      %shift_right_arithmetic3A_826 = arith.shrsi %squeeze3A_824, %shift_right_arithmetic3A_825 : i32
      %mul3A_827 = arith.constant 128 : i32
      %mul3A_828 = arith.muli %shift_right_arithmetic3A_826, %mul3A_827 : i32
      %multiple_of3A_829 = tpu.assume_multiple %mul3A_828, 128 : i32
      %dma_start3A_830 = arith.constant 1 : i32
      %dma_start3A_831 = arith.constant 80 : i32
      %dma_start3A_832 = arith.constant 0 : i32
      %dma_start3A_833 = tpu.memref_slice %arg11[%dma_start3A_830, %dma_start3A_831, %dma_start3A_832] : memref<2x128x128xf32, #tpu.memory_space<vmem>> -> memref<1x16x128xf32, #tpu.memory_space<vmem>>
      %dma_start3A_834 = tpu.memref_squeeze %dma_start3A_833 : memref<1x16x128xf32, #tpu.memory_space<vmem>> -> memref<16x128xf32, #tpu.memory_space<vmem>>
      %dma_start3A_835 = arith.constant 0 : i32
      %dma_start3A_836 = tpu.memref_slice %arg2[%dma_start3A_835, %multiple_of3A_815] : memref<16x1000000xf32, #tpu.memory_space<hbm>> -> memref<16x128xf32, #tpu.memory_space<hbm>>
      %dma_start3A_837 = arith.constant 80 : i32
      %dma_start3A_838 = arith.constant 0 : i32
      %dma_start3A_839 = tpu.memref_slice %arg11[%dma_start3A_830, %dma_start3A_837, %dma_start3A_838] : memref<2x128x128xf32, #tpu.memory_space<vmem>> -> memref<1x16x128xf32, #tpu.memory_space<vmem>>
      %dma_start3A_840 = tpu.memref_squeeze %dma_start3A_839 : memref<1x16x128xf32, #tpu.memory_space<vmem>> -> memref<16x128xf32, #tpu.memory_space<vmem>>
      %dma_start3A_841 = arith.constant 0 : i32
      %dma_start3A_842 = tpu.memref_slice %arg2[%dma_start3A_841, %multiple_of3A_815] : memref<16x1000000xf32, #tpu.memory_space<hbm>> -> memref<16x128xf32, #tpu.memory_space<hbm>>
      tpu.enqueue_dma source(%dma_start3A_842 : memref<16x128xf32, #tpu.memory_space<hbm>>) target(%dma_start3A_840 : memref<16x128xf32, #tpu.memory_space<vmem>>) target_semaphore(%arg18 : memref<!tpu.dma_semaphore, #tpu.memory_space<semaphore_mem>>)
      %dma_start3A_843 = arith.constant 1 : i32
      %dma_start3A_844 = arith.constant 80 : i32
      %dma_start3A_845 = arith.constant 0 : i32
      %dma_start3A_846 = tpu.memref_slice %arg12[%dma_start3A_843, %dma_start3A_844, %dma_start3A_845] : memref<2x128x128xf32, #tpu.memory_space<vmem>> -> memref<1x16x128xf32, #tpu.memory_space<vmem>>
      %dma_start3A_847 = tpu.memref_squeeze %dma_start3A_846 : memref<1x16x128xf32, #tpu.memory_space<vmem>> -> memref<16x128xf32, #tpu.memory_space<vmem>>
      %dma_start3A_848 = arith.constant 0 : i32
      %dma_start3A_849 = tpu.memref_slice %arg3[%dma_start3A_848, %multiple_of3A_822] : memref<16x1000000xf32, #tpu.memory_space<hbm>> -> memref<16x128xf32, #tpu.memory_space<hbm>>
      %dma_start3A_850 = arith.constant 80 : i32
      %dma_start3A_851 = arith.constant 0 : i32
      %dma_start3A_852 = tpu.memref_slice %arg12[%dma_start3A_843, %dma_start3A_850, %dma_start3A_851] : memref<2x128x128xf32, #tpu.memory_space<vmem>> -> memref<1x16x128xf32, #tpu.memory_space<vmem>>
      %dma_start3A_853 = tpu.memref_squeeze %dma_start3A_852 : memref<1x16x128xf32, #tpu.memory_space<vmem>> -> memref<16x128xf32, #tpu.memory_space<vmem>>
      %dma_start3A_854 = arith.constant 0 : i32
      %dma_start3A_855 = tpu.memref_slice %arg3[%dma_start3A_854, %multiple_of3A_822] : memref<16x1000000xf32, #tpu.memory_space<hbm>> -> memref<16x128xf32, #tpu.memory_space<hbm>>
      tpu.enqueue_dma source(%dma_start3A_855 : memref<16x128xf32, #tpu.memory_space<hbm>>) target(%dma_start3A_853 : memref<16x128xf32, #tpu.memory_space<vmem>>) target_semaphore(%arg19 : memref<!tpu.dma_semaphore, #tpu.memory_space<semaphore_mem>>)
      %dma_start3A_856 = arith.constant 1 : i32
      %dma_start3A_857 = arith.constant 80 : i32
      %dma_start3A_858 = arith.constant 0 : i32
      %dma_start3A_859 = tpu.memref_slice %arg13[%dma_start3A_856, %dma_start3A_857, %dma_start3A_858] : memref<2x128x128xf32, #tpu.memory_space<vmem>> -> memref<1x16x128xf32, #tpu.memory_space<vmem>>
      %dma_start3A_860 = tpu.memref_squeeze %dma_start3A_859 : memref<1x16x128xf32, #tpu.memory_space<vmem>> -> memref<16x128xf32, #tpu.memory_space<vmem>>
      %dma_start3A_861 = arith.constant 0 : i32
      %dma_start3A_862 = tpu.memref_slice %arg3[%dma_start3A_861, %multiple_of3A_829] : memref<16x1000000xf32, #tpu.memory_space<hbm>> -> memref<16x128xf32, #tpu.memory_space<hbm>>
      %dma_start3A_863 = arith.constant 80 : i32
      %dma_start3A_864 = arith.constant 0 : i32
      %dma_start3A_865 = tpu.memref_slice %arg13[%dma_start3A_856, %dma_start3A_863, %dma_start3A_864] : memref<2x128x128xf32, #tpu.memory_space<vmem>> -> memref<1x16x128xf32, #tpu.memory_space<vmem>>
      %dma_start3A_866 = tpu.memref_squeeze %dma_start3A_865 : memref<1x16x128xf32, #tpu.memory_space<vmem>> -> memref<16x128xf32, #tpu.memory_space<vmem>>
      %dma_start3A_867 = arith.constant 0 : i32
      %dma_start3A_868 = tpu.memref_slice %arg3[%dma_start3A_867, %multiple_of3A_829] : memref<16x1000000xf32, #tpu.memory_space<hbm>> -> memref<16x128xf32, #tpu.memory_space<hbm>>
      tpu.enqueue_dma source(%dma_start3A_868 : memref<16x128xf32, #tpu.memory_space<hbm>>) target(%dma_start3A_866 : memref<16x128xf32, #tpu.memory_space<vmem>>) target_semaphore(%arg20 : memref<!tpu.dma_semaphore, #tpu.memory_space<semaphore_mem>>)
      %slice3A_869 = vector.extract_strided_slice %get3A_504 {offsets = [6], sizes = [1], strides = [1]} : vector<16xi32> to vector<1xi32>
      %squeeze3A_870 = vector.extract %slice3A_869[0] : i32 from vector<1xi32>
      %shift_right_arithmetic3A_871 = arith.constant 7 : i32
      %shift_right_arithmetic3A_872 = arith.shrsi %squeeze3A_870, %shift_right_arithmetic3A_871 : i32
      %mul3A_873 = arith.constant 128 : i32
      %mul3A_874 = arith.muli %shift_right_arithmetic3A_872, %mul3A_873 : i32
      %multiple_of3A_875 = tpu.assume_multiple %mul3A_874, 128 : i32
      %slice3A_876 = vector.extract_strided_slice %get3A_506 {offsets = [6], sizes = [1], strides = [1]} : vector<16xi32> to vector<1xi32>
      %squeeze3A_877 = vector.extract %slice3A_876[0] : i32 from vector<1xi32>
      %shift_right_arithmetic3A_878 = arith.constant 7 : i32
      %shift_right_arithmetic3A_879 = arith.shrsi %squeeze3A_877, %shift_right_arithmetic3A_878 : i32
      %mul3A_880 = arith.constant 128 : i32
      %mul3A_881 = arith.muli %shift_right_arithmetic3A_879, %mul3A_880 : i32
      %multiple_of3A_882 = tpu.assume_multiple %mul3A_881, 128 : i32
      %slice3A_883 = vector.extract_strided_slice %get3A_508 {offsets = [6], sizes = [1], strides = [1]} : vector<16xi32> to vector<1xi32>
      %squeeze3A_884 = vector.extract %slice3A_883[0] : i32 from vector<1xi32>
      %shift_right_arithmetic3A_885 = arith.constant 7 : i32
      %shift_right_arithmetic3A_886 = arith.shrsi %squeeze3A_884, %shift_right_arithmetic3A_885 : i32
      %mul3A_887 = arith.constant 128 : i32
      %mul3A_888 = arith.muli %shift_right_arithmetic3A_886, %mul3A_887 : i32
      %multiple_of3A_889 = tpu.assume_multiple %mul3A_888, 128 : i32
      %dma_start3A_890 = arith.constant 1 : i32
      %dma_start3A_891 = arith.constant 96 : i32
      %dma_start3A_892 = arith.constant 0 : i32
      %dma_start3A_893 = tpu.memref_slice %arg11[%dma_start3A_890, %dma_start3A_891, %dma_start3A_892] : memref<2x128x128xf32, #tpu.memory_space<vmem>> -> memref<1x16x128xf32, #tpu.memory_space<vmem>>
      %dma_start3A_894 = tpu.memref_squeeze %dma_start3A_893 : memref<1x16x128xf32, #tpu.memory_space<vmem>> -> memref<16x128xf32, #tpu.memory_space<vmem>>
      %dma_start3A_895 = arith.constant 0 : i32
      %dma_start3A_896 = tpu.memref_slice %arg2[%dma_start3A_895, %multiple_of3A_875] : memref<16x1000000xf32, #tpu.memory_space<hbm>> -> memref<16x128xf32, #tpu.memory_space<hbm>>
      %dma_start3A_897 = arith.constant 96 : i32
      %dma_start3A_898 = arith.constant 0 : i32
      %dma_start3A_899 = tpu.memref_slice %arg11[%dma_start3A_890, %dma_start3A_897, %dma_start3A_898] : memref<2x128x128xf32, #tpu.memory_space<vmem>> -> memref<1x16x128xf32, #tpu.memory_space<vmem>>
      %dma_start3A_900 = tpu.memref_squeeze %dma_start3A_899 : memref<1x16x128xf32, #tpu.memory_space<vmem>> -> memref<16x128xf32, #tpu.memory_space<vmem>>
      %dma_start3A_901 = arith.constant 0 : i32
      %dma_start3A_902 = tpu.memref_slice %arg2[%dma_start3A_901, %multiple_of3A_875] : memref<16x1000000xf32, #tpu.memory_space<hbm>> -> memref<16x128xf32, #tpu.memory_space<hbm>>
      tpu.enqueue_dma source(%dma_start3A_902 : memref<16x128xf32, #tpu.memory_space<hbm>>) target(%dma_start3A_900 : memref<16x128xf32, #tpu.memory_space<vmem>>) target_semaphore(%arg18 : memref<!tpu.dma_semaphore, #tpu.memory_space<semaphore_mem>>)
      %dma_start3A_903 = arith.constant 1 : i32
      %dma_start3A_904 = arith.constant 96 : i32
      %dma_start3A_905 = arith.constant 0 : i32
      %dma_start3A_906 = tpu.memref_slice %arg12[%dma_start3A_903, %dma_start3A_904, %dma_start3A_905] : memref<2x128x128xf32, #tpu.memory_space<vmem>> -> memref<1x16x128xf32, #tpu.memory_space<vmem>>
      %dma_start3A_907 = tpu.memref_squeeze %dma_start3A_906 : memref<1x16x128xf32, #tpu.memory_space<vmem>> -> memref<16x128xf32, #tpu.memory_space<vmem>>
      %dma_start3A_908 = arith.constant 0 : i32
      %dma_start3A_909 = tpu.memref_slice %arg3[%dma_start3A_908, %multiple_of3A_882] : memref<16x1000000xf32, #tpu.memory_space<hbm>> -> memref<16x128xf32, #tpu.memory_space<hbm>>
      %dma_start3A_910 = arith.constant 96 : i32
      %dma_start3A_911 = arith.constant 0 : i32
      %dma_start3A_912 = tpu.memref_slice %arg12[%dma_start3A_903, %dma_start3A_910, %dma_start3A_911] : memref<2x128x128xf32, #tpu.memory_space<vmem>> -> memref<1x16x128xf32, #tpu.memory_space<vmem>>
      %dma_start3A_913 = tpu.memref_squeeze %dma_start3A_912 : memref<1x16x128xf32, #tpu.memory_space<vmem>> -> memref<16x128xf32, #tpu.memory_space<vmem>>
      %dma_start3A_914 = arith.constant 0 : i32
      %dma_start3A_915 = tpu.memref_slice %arg3[%dma_start3A_914, %multiple_of3A_882] : memref<16x1000000xf32, #tpu.memory_space<hbm>> -> memref<16x128xf32, #tpu.memory_space<hbm>>
      tpu.enqueue_dma source(%dma_start3A_915 : memref<16x128xf32, #tpu.memory_space<hbm>>) target(%dma_start3A_913 : memref<16x128xf32, #tpu.memory_space<vmem>>) target_semaphore(%arg19 : memref<!tpu.dma_semaphore, #tpu.memory_space<semaphore_mem>>)
      %dma_start3A_916 = arith.constant 1 : i32
      %dma_start3A_917 = arith.constant 96 : i32
      %dma_start3A_918 = arith.constant 0 : i32
      %dma_start3A_919 = tpu.memref_slice %arg13[%dma_start3A_916, %dma_start3A_917, %dma_start3A_918] : memref<2x128x128xf32, #tpu.memory_space<vmem>> -> memref<1x16x128xf32, #tpu.memory_space<vmem>>
      %dma_start3A_920 = tpu.memref_squeeze %dma_start3A_919 : memref<1x16x128xf32, #tpu.memory_space<vmem>> -> memref<16x128xf32, #tpu.memory_space<vmem>>
      %dma_start3A_921 = arith.constant 0 : i32
      %dma_start3A_922 = tpu.memref_slice %arg3[%dma_start3A_921, %multiple_of3A_889] : memref<16x1000000xf32, #tpu.memory_space<hbm>> -> memref<16x128xf32, #tpu.memory_space<hbm>>
      %dma_start3A_923 = arith.constant 96 : i32
      %dma_start3A_924 = arith.constant 0 : i32
      %dma_start3A_925 = tpu.memref_slice %arg13[%dma_start3A_916, %dma_start3A_923, %dma_start3A_924] : memref<2x128x128xf32, #tpu.memory_space<vmem>> -> memref<1x16x128xf32, #tpu.memory_space<vmem>>
      %dma_start3A_926 = tpu.memref_squeeze %dma_start3A_925 : memref<1x16x128xf32, #tpu.memory_space<vmem>> -> memref<16x128xf32, #tpu.memory_space<vmem>>
      %dma_start3A_927 = arith.constant 0 : i32
      %dma_start3A_928 = tpu.memref_slice %arg3[%dma_start3A_927, %multiple_of3A_889] : memref<16x1000000xf32, #tpu.memory_space<hbm>> -> memref<16x128xf32, #tpu.memory_space<hbm>>
      tpu.enqueue_dma source(%dma_start3A_928 : memref<16x128xf32, #tpu.memory_space<hbm>>) target(%dma_start3A_926 : memref<16x128xf32, #tpu.memory_space<vmem>>) target_semaphore(%arg20 : memref<!tpu.dma_semaphore, #tpu.memory_space<semaphore_mem>>)
      %slice3A_929 = vector.extract_strided_slice %get3A_504 {offsets = [7], sizes = [1], strides = [1]} : vector<16xi32> to vector<1xi32>
      %squeeze3A_930 = vector.extract %slice3A_929[0] : i32 from vector<1xi32>
      %shift_right_arithmetic3A_931 = arith.constant 7 : i32
      %shift_right_arithmetic3A_932 = arith.shrsi %squeeze3A_930, %shift_right_arithmetic3A_931 : i32
      %mul3A_933 = arith.constant 128 : i32
      %mul3A_934 = arith.muli %shift_right_arithmetic3A_932, %mul3A_933 : i32
      %multiple_of3A_935 = tpu.assume_multiple %mul3A_934, 128 : i32
      %slice3A_936 = vector.extract_strided_slice %get3A_506 {offsets = [7], sizes = [1], strides = [1]} : vector<16xi32> to vector<1xi32>
      %squeeze3A_937 = vector.extract %slice3A_936[0] : i32 from vector<1xi32>
      %shift_right_arithmetic3A_938 = arith.constant 7 : i32
      %shift_right_arithmetic3A_939 = arith.shrsi %squeeze3A_937, %shift_right_arithmetic3A_938 : i32
      %mul3A_940 = arith.constant 128 : i32
      %mul3A_941 = arith.muli %shift_right_arithmetic3A_939, %mul3A_940 : i32
      %multiple_of3A_942 = tpu.assume_multiple %mul3A_941, 128 : i32
      %slice3A_943 = vector.extract_strided_slice %get3A_508 {offsets = [7], sizes = [1], strides = [1]} : vector<16xi32> to vector<1xi32>
      %squeeze3A_944 = vector.extract %slice3A_943[0] : i32 from vector<1xi32>
      %shift_right_arithmetic3A_945 = arith.constant 7 : i32
      %shift_right_arithmetic3A_946 = arith.shrsi %squeeze3A_944, %shift_right_arithmetic3A_945 : i32
      %mul3A_947 = arith.constant 128 : i32
      %mul3A_948 = arith.muli %shift_right_arithmetic3A_946, %mul3A_947 : i32
      %multiple_of3A_949 = tpu.assume_multiple %mul3A_948, 128 : i32
      %dma_start3A_950 = arith.constant 1 : i32
      %dma_start3A_951 = arith.constant 112 : i32
      %dma_start3A_952 = arith.constant 0 : i32
      %dma_start3A_953 = tpu.memref_slice %arg11[%dma_start3A_950, %dma_start3A_951, %dma_start3A_952] : memref<2x128x128xf32, #tpu.memory_space<vmem>> -> memref<1x16x128xf32, #tpu.memory_space<vmem>>
      %dma_start3A_954 = tpu.memref_squeeze %dma_start3A_953 : memref<1x16x128xf32, #tpu.memory_space<vmem>> -> memref<16x128xf32, #tpu.memory_space<vmem>>
      %dma_start3A_955 = arith.constant 0 : i32
      %dma_start3A_956 = tpu.memref_slice %arg2[%dma_start3A_955, %multiple_of3A_935] : memref<16x1000000xf32, #tpu.memory_space<hbm>> -> memref<16x128xf32, #tpu.memory_space<hbm>>
      %dma_start3A_957 = arith.constant 112 : i32
      %dma_start3A_958 = arith.constant 0 : i32
      %dma_start3A_959 = tpu.memref_slice %arg11[%dma_start3A_950, %dma_start3A_957, %dma_start3A_958] : memref<2x128x128xf32, #tpu.memory_space<vmem>> -> memref<1x16x128xf32, #tpu.memory_space<vmem>>
      %dma_start3A_960 = tpu.memref_squeeze %dma_start3A_959 : memref<1x16x128xf32, #tpu.memory_space<vmem>> -> memref<16x128xf32, #tpu.memory_space<vmem>>
      %dma_start3A_961 = arith.constant 0 : i32
      %dma_start3A_962 = tpu.memref_slice %arg2[%dma_start3A_961, %multiple_of3A_935] : memref<16x1000000xf32, #tpu.memory_space<hbm>> -> memref<16x128xf32, #tpu.memory_space<hbm>>
      tpu.enqueue_dma source(%dma_start3A_962 : memref<16x128xf32, #tpu.memory_space<hbm>>) target(%dma_start3A_960 : memref<16x128xf32, #tpu.memory_space<vmem>>) target_semaphore(%arg18 : memref<!tpu.dma_semaphore, #tpu.memory_space<semaphore_mem>>)
      %dma_start3A_963 = arith.constant 1 : i32
      %dma_start3A_964 = arith.constant 112 : i32
      %dma_start3A_965 = arith.constant 0 : i32
      %dma_start3A_966 = tpu.memref_slice %arg12[%dma_start3A_963, %dma_start3A_964, %dma_start3A_965] : memref<2x128x128xf32, #tpu.memory_space<vmem>> -> memref<1x16x128xf32, #tpu.memory_space<vmem>>
      %dma_start3A_967 = tpu.memref_squeeze %dma_start3A_966 : memref<1x16x128xf32, #tpu.memory_space<vmem>> -> memref<16x128xf32, #tpu.memory_space<vmem>>
      %dma_start3A_968 = arith.constant 0 : i32
      %dma_start3A_969 = tpu.memref_slice %arg3[%dma_start3A_968, %multiple_of3A_942] : memref<16x1000000xf32, #tpu.memory_space<hbm>> -> memref<16x128xf32, #tpu.memory_space<hbm>>
      %dma_start3A_970 = arith.constant 112 : i32
      %dma_start3A_971 = arith.constant 0 : i32
      %dma_start3A_972 = tpu.memref_slice %arg12[%dma_start3A_963, %dma_start3A_970, %dma_start3A_971] : memref<2x128x128xf32, #tpu.memory_space<vmem>> -> memref<1x16x128xf32, #tpu.memory_space<vmem>>
      %dma_start3A_973 = tpu.memref_squeeze %dma_start3A_972 : memref<1x16x128xf32, #tpu.memory_space<vmem>> -> memref<16x128xf32, #tpu.memory_space<vmem>>
      %dma_start3A_974 = arith.constant 0 : i32
      %dma_start3A_975 = tpu.memref_slice %arg3[%dma_start3A_974, %multiple_of3A_942] : memref<16x1000000xf32, #tpu.memory_space<hbm>> -> memref<16x128xf32, #tpu.memory_space<hbm>>
      tpu.enqueue_dma source(%dma_start3A_975 : memref<16x128xf32, #tpu.memory_space<hbm>>) target(%dma_start3A_973 : memref<16x128xf32, #tpu.memory_space<vmem>>) target_semaphore(%arg19 : memref<!tpu.dma_semaphore, #tpu.memory_space<semaphore_mem>>)
      %dma_start3A_976 = arith.constant 1 : i32
      %dma_start3A_977 = arith.constant 112 : i32
      %dma_start3A_978 = arith.constant 0 : i32
      %dma_start3A_979 = tpu.memref_slice %arg13[%dma_start3A_976, %dma_start3A_977, %dma_start3A_978] : memref<2x128x128xf32, #tpu.memory_space<vmem>> -> memref<1x16x128xf32, #tpu.memory_space<vmem>>
      %dma_start3A_980 = tpu.memref_squeeze %dma_start3A_979 : memref<1x16x128xf32, #tpu.memory_space<vmem>> -> memref<16x128xf32, #tpu.memory_space<vmem>>
      %dma_start3A_981 = arith.constant 0 : i32
      %dma_start3A_982 = tpu.memref_slice %arg3[%dma_start3A_981, %multiple_of3A_949] : memref<16x1000000xf32, #tpu.memory_space<hbm>> -> memref<16x128xf32, #tpu.memory_space<hbm>>
      %dma_start3A_983 = arith.constant 112 : i32
      %dma_start3A_984 = arith.constant 0 : i32
      %dma_start3A_985 = tpu.memref_slice %arg13[%dma_start3A_976, %dma_start3A_983, %dma_start3A_984] : memref<2x128x128xf32, #tpu.memory_space<vmem>> -> memref<1x16x128xf32, #tpu.memory_space<vmem>>
      %dma_start3A_986 = tpu.memref_squeeze %dma_start3A_985 : memref<1x16x128xf32, #tpu.memory_space<vmem>> -> memref<16x128xf32, #tpu.memory_space<vmem>>
      %dma_start3A_987 = arith.constant 0 : i32
      %dma_start3A_988 = tpu.memref_slice %arg3[%dma_start3A_987, %multiple_of3A_949] : memref<16x1000000xf32, #tpu.memory_space<hbm>> -> memref<16x128xf32, #tpu.memory_space<hbm>>
      tpu.enqueue_dma source(%dma_start3A_988 : memref<16x128xf32, #tpu.memory_space<hbm>>) target(%dma_start3A_986 : memref<16x128xf32, #tpu.memory_space<vmem>>) target_semaphore(%arg20 : memref<!tpu.dma_semaphore, #tpu.memory_space<semaphore_mem>>)
      %dma_wait3A = arith.constant 0 : i32
      %dma_wait3A_989 = arith.constant 0 : i32
      %dma_wait3A_990 = arith.constant 0 : i32
      %dma_wait3A_991 = tpu.memref_slice %arg11[%dma_wait3A, %dma_wait3A_989, %dma_wait3A_990] : memref<2x128x128xf32, #tpu.memory_space<vmem>> -> memref<1x16x128xf32, #tpu.memory_space<vmem>>
      %dma_wait3A_992 = tpu.memref_squeeze %dma_wait3A_991 : memref<1x16x128xf32, #tpu.memory_space<vmem>> -> memref<16x128xf32, #tpu.memory_space<vmem>>
      %dma_wait3A_993 = arith.constant 0 : i32
      %dma_wait3A_994 = arith.constant 0 : i32
      %dma_wait3A_995 = tpu.memref_slice %arg2[%dma_wait3A_993, %dma_wait3A_994] : memref<16x1000000xf32, #tpu.memory_space<hbm>> -> memref<16x128xf32, #tpu.memory_space<hbm>>
      %dma_wait3A_996 = arith.constant 0 : i32
      %dma_wait3A_997 = arith.constant 0 : i32
      %dma_wait3A_998 = tpu.memref_slice %arg11[%dma_wait3A, %dma_wait3A_996, %dma_wait3A_997] : memref<2x128x128xf32, #tpu.memory_space<vmem>> -> memref<1x16x128xf32, #tpu.memory_space<vmem>>
      %dma_wait3A_999 = tpu.memref_squeeze %dma_wait3A_998 : memref<1x16x128xf32, #tpu.memory_space<vmem>> -> memref<16x128xf32, #tpu.memory_space<vmem>>
      %dma_wait3A_1000 = arith.constant 0 : i32
      %dma_wait3A_1001 = arith.constant 0 : i32
      %dma_wait3A_1002 = tpu.memref_slice %arg2[%dma_wait3A_1000, %dma_wait3A_1001] : memref<16x1000000xf32, #tpu.memory_space<hbm>> -> memref<16x128xf32, #tpu.memory_space<hbm>>
      tpu.wait_dma2 semaphore(%arg15 : memref<!tpu.dma_semaphore, #tpu.memory_space<semaphore_mem>>) src(%dma_wait3A_1002 : memref<16x128xf32, #tpu.memory_space<hbm>>) dst(%dma_wait3A_999 : memref<16x128xf32, #tpu.memory_space<vmem>>)
      %dma_wait3A_1003 = arith.constant 0 : i32
      %dma_wait3A_1004 = arith.constant 0 : i32
      %dma_wait3A_1005 = arith.constant 0 : i32
      %dma_wait3A_1006 = tpu.memref_slice %arg12[%dma_wait3A_1003, %dma_wait3A_1004, %dma_wait3A_1005] : memref<2x128x128xf32, #tpu.memory_space<vmem>> -> memref<1x16x128xf32, #tpu.memory_space<vmem>>
      %dma_wait3A_1007 = tpu.memref_squeeze %dma_wait3A_1006 : memref<1x16x128xf32, #tpu.memory_space<vmem>> -> memref<16x128xf32, #tpu.memory_space<vmem>>
      %dma_wait3A_1008 = arith.constant 0 : i32
      %dma_wait3A_1009 = arith.constant 0 : i32
      %dma_wait3A_1010 = tpu.memref_slice %arg3[%dma_wait3A_1008, %dma_wait3A_1009] : memref<16x1000000xf32, #tpu.memory_space<hbm>> -> memref<16x128xf32, #tpu.memory_space<hbm>>
      %dma_wait3A_1011 = arith.constant 0 : i32
      %dma_wait3A_1012 = arith.constant 0 : i32
      %dma_wait3A_1013 = tpu.memref_slice %arg12[%dma_wait3A_1003, %dma_wait3A_1011, %dma_wait3A_1012] : memref<2x128x128xf32, #tpu.memory_space<vmem>> -> memref<1x16x128xf32, #tpu.memory_space<vmem>>
      %dma_wait3A_1014 = tpu.memref_squeeze %dma_wait3A_1013 : memref<1x16x128xf32, #tpu.memory_space<vmem>> -> memref<16x128xf32, #tpu.memory_space<vmem>>
      %dma_wait3A_1015 = arith.constant 0 : i32
      %dma_wait3A_1016 = arith.constant 0 : i32
      %dma_wait3A_1017 = tpu.memref_slice %arg3[%dma_wait3A_1015, %dma_wait3A_1016] : memref<16x1000000xf32, #tpu.memory_space<hbm>> -> memref<16x128xf32, #tpu.memory_space<hbm>>
      tpu.wait_dma2 semaphore(%arg16 : memref<!tpu.dma_semaphore, #tpu.memory_space<semaphore_mem>>) src(%dma_wait3A_1017 : memref<16x128xf32, #tpu.memory_space<hbm>>) dst(%dma_wait3A_1014 : memref<16x128xf32, #tpu.memory_space<vmem>>)
      %dma_wait3A_1018 = arith.constant 0 : i32
      %dma_wait3A_1019 = arith.constant 0 : i32
      %dma_wait3A_1020 = arith.constant 0 : i32
      %dma_wait3A_1021 = tpu.memref_slice %arg13[%dma_wait3A_1018, %dma_wait3A_1019, %dma_wait3A_1020] : memref<2x128x128xf32, #tpu.memory_space<vmem>> -> memref<1x16x128xf32, #tpu.memory_space<vmem>>
      %dma_wait3A_1022 = tpu.memref_squeeze %dma_wait3A_1021 : memref<1x16x128xf32, #tpu.memory_space<vmem>> -> memref<16x128xf32, #tpu.memory_space<vmem>>
      %dma_wait3A_1023 = arith.constant 0 : i32
      %dma_wait3A_1024 = arith.constant 0 : i32
      %dma_wait3A_1025 = tpu.memref_slice %arg3[%dma_wait3A_1023, %dma_wait3A_1024] : memref<16x1000000xf32, #tpu.memory_space<hbm>> -> memref<16x128xf32, #tpu.memory_space<hbm>>
      %dma_wait3A_1026 = arith.constant 0 : i32
      %dma_wait3A_1027 = arith.constant 0 : i32
      %dma_wait3A_1028 = tpu.memref_slice %arg13[%dma_wait3A_1018, %dma_wait3A_1026, %dma_wait3A_1027] : memref<2x128x128xf32, #tpu.memory_space<vmem>> -> memref<1x16x128xf32, #tpu.memory_space<vmem>>
      %dma_wait3A_1029 = tpu.memref_squeeze %dma_wait3A_1028 : memref<1x16x128xf32, #tpu.memory_space<vmem>> -> memref<16x128xf32, #tpu.memory_space<vmem>>
      %dma_wait3A_1030 = arith.constant 0 : i32
      %dma_wait3A_1031 = arith.constant 0 : i32
      %dma_wait3A_1032 = tpu.memref_slice %arg3[%dma_wait3A_1030, %dma_wait3A_1031] : memref<16x1000000xf32, #tpu.memory_space<hbm>> -> memref<16x128xf32, #tpu.memory_space<hbm>>
      tpu.wait_dma2 semaphore(%arg17 : memref<!tpu.dma_semaphore, #tpu.memory_space<semaphore_mem>>) src(%dma_wait3A_1032 : memref<16x128xf32, #tpu.memory_space<hbm>>) dst(%dma_wait3A_1029 : memref<16x128xf32, #tpu.memory_space<vmem>>)
      %dma_wait3A_1033 = arith.constant 0 : i32
      %dma_wait3A_1034 = arith.constant 16 : i32
      %dma_wait3A_1035 = arith.constant 0 : i32
      %dma_wait3A_1036 = tpu.memref_slice %arg11[%dma_wait3A_1033, %dma_wait3A_1034, %dma_wait3A_1035] : memref<2x128x128xf32, #tpu.memory_space<vmem>> -> memref<1x16x128xf32, #tpu.memory_space<vmem>>
      %dma_wait3A_1037 = tpu.memref_squeeze %dma_wait3A_1036 : memref<1x16x128xf32, #tpu.memory_space<vmem>> -> memref<16x128xf32, #tpu.memory_space<vmem>>
      %dma_wait3A_1038 = arith.constant 0 : i32
      %dma_wait3A_1039 = arith.constant 0 : i32
      %dma_wait3A_1040 = tpu.memref_slice %arg2[%dma_wait3A_1038, %dma_wait3A_1039] : memref<16x1000000xf32, #tpu.memory_space<hbm>> -> memref<16x128xf32, #tpu.memory_space<hbm>>
      %dma_wait3A_1041 = arith.constant 16 : i32
      %dma_wait3A_1042 = arith.constant 0 : i32
      %dma_wait3A_1043 = tpu.memref_slice %arg11[%dma_wait3A_1033, %dma_wait3A_1041, %dma_wait3A_1042] : memref<2x128x128xf32, #tpu.memory_space<vmem>> -> memref<1x16x128xf32, #tpu.memory_space<vmem>>
      %dma_wait3A_1044 = tpu.memref_squeeze %dma_wait3A_1043 : memref<1x16x128xf32, #tpu.memory_space<vmem>> -> memref<16x128xf32, #tpu.memory_space<vmem>>
      %dma_wait3A_1045 = arith.constant 0 : i32
      %dma_wait3A_1046 = arith.constant 0 : i32
      %dma_wait3A_1047 = tpu.memref_slice %arg2[%dma_wait3A_1045, %dma_wait3A_1046] : memref<16x1000000xf32, #tpu.memory_space<hbm>> -> memref<16x128xf32, #tpu.memory_space<hbm>>
      tpu.wait_dma2 semaphore(%arg15 : memref<!tpu.dma_semaphore, #tpu.memory_space<semaphore_mem>>) src(%dma_wait3A_1047 : memref<16x128xf32, #tpu.memory_space<hbm>>) dst(%dma_wait3A_1044 : memref<16x128xf32, #tpu.memory_space<vmem>>)
      %dma_wait3A_1048 = arith.constant 0 : i32
      %dma_wait3A_1049 = arith.constant 16 : i32
      %dma_wait3A_1050 = arith.constant 0 : i32
      %dma_wait3A_1051 = tpu.memref_slice %arg12[%dma_wait3A_1048, %dma_wait3A_1049, %dma_wait3A_1050] : memref<2x128x128xf32, #tpu.memory_space<vmem>> -> memref<1x16x128xf32, #tpu.memory_space<vmem>>
      %dma_wait3A_1052 = tpu.memref_squeeze %dma_wait3A_1051 : memref<1x16x128xf32, #tpu.memory_space<vmem>> -> memref<16x128xf32, #tpu.memory_space<vmem>>
      %dma_wait3A_1053 = arith.constant 0 : i32
      %dma_wait3A_1054 = arith.constant 0 : i32
      %dma_wait3A_1055 = tpu.memref_slice %arg3[%dma_wait3A_1053, %dma_wait3A_1054] : memref<16x1000000xf32, #tpu.memory_space<hbm>> -> memref<16x128xf32, #tpu.memory_space<hbm>>
      %dma_wait3A_1056 = arith.constant 16 : i32
      %dma_wait3A_1057 = arith.constant 0 : i32
      %dma_wait3A_1058 = tpu.memref_slice %arg12[%dma_wait3A_1048, %dma_wait3A_1056, %dma_wait3A_1057] : memref<2x128x128xf32, #tpu.memory_space<vmem>> -> memref<1x16x128xf32, #tpu.memory_space<vmem>>
      %dma_wait3A_1059 = tpu.memref_squeeze %dma_wait3A_1058 : memref<1x16x128xf32, #tpu.memory_space<vmem>> -> memref<16x128xf32, #tpu.memory_space<vmem>>
      %dma_wait3A_1060 = arith.constant 0 : i32
      %dma_wait3A_1061 = arith.constant 0 : i32
      %dma_wait3A_1062 = tpu.memref_slice %arg3[%dma_wait3A_1060, %dma_wait3A_1061] : memref<16x1000000xf32, #tpu.memory_space<hbm>> -> memref<16x128xf32, #tpu.memory_space<hbm>>
      tpu.wait_dma2 semaphore(%arg16 : memref<!tpu.dma_semaphore, #tpu.memory_space<semaphore_mem>>) src(%dma_wait3A_1062 : memref<16x128xf32, #tpu.memory_space<hbm>>) dst(%dma_wait3A_1059 : memref<16x128xf32, #tpu.memory_space<vmem>>)
      %dma_wait3A_1063 = arith.constant 0 : i32
      %dma_wait3A_1064 = arith.constant 16 : i32
      %dma_wait3A_1065 = arith.constant 0 : i32
      %dma_wait3A_1066 = tpu.memref_slice %arg13[%dma_wait3A_1063, %dma_wait3A_1064, %dma_wait3A_1065] : memref<2x128x128xf32, #tpu.memory_space<vmem>> -> memref<1x16x128xf32, #tpu.memory_space<vmem>>
      %dma_wait3A_1067 = tpu.memref_squeeze %dma_wait3A_1066 : memref<1x16x128xf32, #tpu.memory_space<vmem>> -> memref<16x128xf32, #tpu.memory_space<vmem>>
      %dma_wait3A_1068 = arith.constant 0 : i32
      %dma_wait3A_1069 = arith.constant 0 : i32
      %dma_wait3A_1070 = tpu.memref_slice %arg3[%dma_wait3A_1068, %dma_wait3A_1069] : memref<16x1000000xf32, #tpu.memory_space<hbm>> -> memref<16x128xf32, #tpu.memory_space<hbm>>
      %dma_wait3A_1071 = arith.constant 16 : i32
      %dma_wait3A_1072 = arith.constant 0 : i32
      %dma_wait3A_1073 = tpu.memref_slice %arg13[%dma_wait3A_1063, %dma_wait3A_1071, %dma_wait3A_1072] : memref<2x128x128xf32, #tpu.memory_space<vmem>> -> memref<1x16x128xf32, #tpu.memory_space<vmem>>
      %dma_wait3A_1074 = tpu.memref_squeeze %dma_wait3A_1073 : memref<1x16x128xf32, #tpu.memory_space<vmem>> -> memref<16x128xf32, #tpu.memory_space<vmem>>
      %dma_wait3A_1075 = arith.constant 0 : i32
      %dma_wait3A_1076 = arith.constant 0 : i32
      %dma_wait3A_1077 = tpu.memref_slice %arg3[%dma_wait3A_1075, %dma_wait3A_1076] : memref<16x1000000xf32, #tpu.memory_space<hbm>> -> memref<16x128xf32, #tpu.memory_space<hbm>>
      tpu.wait_dma2 semaphore(%arg17 : memref<!tpu.dma_semaphore, #tpu.memory_space<semaphore_mem>>) src(%dma_wait3A_1077 : memref<16x128xf32, #tpu.memory_space<hbm>>) dst(%dma_wait3A_1074 : memref<16x128xf32, #tpu.memory_space<vmem>>)
      %dma_wait3A_1078 = arith.constant 0 : i32
      %dma_wait3A_1079 = arith.constant 32 : i32
      %dma_wait3A_1080 = arith.constant 0 : i32
      %dma_wait3A_1081 = tpu.memref_slice %arg11[%dma_wait3A_1078, %dma_wait3A_1079, %dma_wait3A_1080] : memref<2x128x128xf32, #tpu.memory_space<vmem>> -> memref<1x16x128xf32, #tpu.memory_space<vmem>>
      %dma_wait3A_1082 = tpu.memref_squeeze %dma_wait3A_1081 : memref<1x16x128xf32, #tpu.memory_space<vmem>> -> memref<16x128xf32, #tpu.memory_space<vmem>>
      %dma_wait3A_1083 = arith.constant 0 : i32
      %dma_wait3A_1084 = arith.constant 0 : i32
      %dma_wait3A_1085 = tpu.memref_slice %arg2[%dma_wait3A_1083, %dma_wait3A_1084] : memref<16x1000000xf32, #tpu.memory_space<hbm>> -> memref<16x128xf32, #tpu.memory_space<hbm>>
      %dma_wait3A_1086 = arith.constant 32 : i32
      %dma_wait3A_1087 = arith.constant 0 : i32
      %dma_wait3A_1088 = tpu.memref_slice %arg11[%dma_wait3A_1078, %dma_wait3A_1086, %dma_wait3A_1087] : memref<2x128x128xf32, #tpu.memory_space<vmem>> -> memref<1x16x128xf32, #tpu.memory_space<vmem>>
      %dma_wait3A_1089 = tpu.memref_squeeze %dma_wait3A_1088 : memref<1x16x128xf32, #tpu.memory_space<vmem>> -> memref<16x128xf32, #tpu.memory_space<vmem>>
      %dma_wait3A_1090 = arith.constant 0 : i32
      %dma_wait3A_1091 = arith.constant 0 : i32
      %dma_wait3A_1092 = tpu.memref_slice %arg2[%dma_wait3A_1090, %dma_wait3A_1091] : memref<16x1000000xf32, #tpu.memory_space<hbm>> -> memref<16x128xf32, #tpu.memory_space<hbm>>
      tpu.wait_dma2 semaphore(%arg15 : memref<!tpu.dma_semaphore, #tpu.memory_space<semaphore_mem>>) src(%dma_wait3A_1092 : memref<16x128xf32, #tpu.memory_space<hbm>>) dst(%dma_wait3A_1089 : memref<16x128xf32, #tpu.memory_space<vmem>>)
      %dma_wait3A_1093 = arith.constant 0 : i32
      %dma_wait3A_1094 = arith.constant 32 : i32
      %dma_wait3A_1095 = arith.constant 0 : i32
      %dma_wait3A_1096 = tpu.memref_slice %arg12[%dma_wait3A_1093, %dma_wait3A_1094, %dma_wait3A_1095] : memref<2x128x128xf32, #tpu.memory_space<vmem>> -> memref<1x16x128xf32, #tpu.memory_space<vmem>>
      %dma_wait3A_1097 = tpu.memref_squeeze %dma_wait3A_1096 : memref<1x16x128xf32, #tpu.memory_space<vmem>> -> memref<16x128xf32, #tpu.memory_space<vmem>>
      %dma_wait3A_1098 = arith.constant 0 : i32
      %dma_wait3A_1099 = arith.constant 0 : i32
      %dma_wait3A_1100 = tpu.memref_slice %arg3[%dma_wait3A_1098, %dma_wait3A_1099] : memref<16x1000000xf32, #tpu.memory_space<hbm>> -> memref<16x128xf32, #tpu.memory_space<hbm>>
      %dma_wait3A_1101 = arith.constant 32 : i32
      %dma_wait3A_1102 = arith.constant 0 : i32
      %dma_wait3A_1103 = tpu.memref_slice %arg12[%dma_wait3A_1093, %dma_wait3A_1101, %dma_wait3A_1102] : memref<2x128x128xf32, #tpu.memory_space<vmem>> -> memref<1x16x128xf32, #tpu.memory_space<vmem>>
      %dma_wait3A_1104 = tpu.memref_squeeze %dma_wait3A_1103 : memref<1x16x128xf32, #tpu.memory_space<vmem>> -> memref<16x128xf32, #tpu.memory_space<vmem>>
      %dma_wait3A_1105 = arith.constant 0 : i32
      %dma_wait3A_1106 = arith.constant 0 : i32
      %dma_wait3A_1107 = tpu.memref_slice %arg3[%dma_wait3A_1105, %dma_wait3A_1106] : memref<16x1000000xf32, #tpu.memory_space<hbm>> -> memref<16x128xf32, #tpu.memory_space<hbm>>
      tpu.wait_dma2 semaphore(%arg16 : memref<!tpu.dma_semaphore, #tpu.memory_space<semaphore_mem>>) src(%dma_wait3A_1107 : memref<16x128xf32, #tpu.memory_space<hbm>>) dst(%dma_wait3A_1104 : memref<16x128xf32, #tpu.memory_space<vmem>>)
      %dma_wait3A_1108 = arith.constant 0 : i32
      %dma_wait3A_1109 = arith.constant 32 : i32
      %dma_wait3A_1110 = arith.constant 0 : i32
      %dma_wait3A_1111 = tpu.memref_slice %arg13[%dma_wait3A_1108, %dma_wait3A_1109, %dma_wait3A_1110] : memref<2x128x128xf32, #tpu.memory_space<vmem>> -> memref<1x16x128xf32, #tpu.memory_space<vmem>>
      %dma_wait3A_1112 = tpu.memref_squeeze %dma_wait3A_1111 : memref<1x16x128xf32, #tpu.memory_space<vmem>> -> memref<16x128xf32, #tpu.memory_space<vmem>>
      %dma_wait3A_1113 = arith.constant 0 : i32
      %dma_wait3A_1114 = arith.constant 0 : i32
      %dma_wait3A_1115 = tpu.memref_slice %arg3[%dma_wait3A_1113, %dma_wait3A_1114] : memref<16x1000000xf32, #tpu.memory_space<hbm>> -> memref<16x128xf32, #tpu.memory_space<hbm>>
      %dma_wait3A_1116 = arith.constant 32 : i32
      %dma_wait3A_1117 = arith.constant 0 : i32
      %dma_wait3A_1118 = tpu.memref_slice %arg13[%dma_wait3A_1108, %dma_wait3A_1116, %dma_wait3A_1117] : memref<2x128x128xf32, #tpu.memory_space<vmem>> -> memref<1x16x128xf32, #tpu.memory_space<vmem>>
      %dma_wait3A_1119 = tpu.memref_squeeze %dma_wait3A_1118 : memref<1x16x128xf32, #tpu.memory_space<vmem>> -> memref<16x128xf32, #tpu.memory_space<vmem>>
      %dma_wait3A_1120 = arith.constant 0 : i32
      %dma_wait3A_1121 = arith.constant 0 : i32
      %dma_wait3A_1122 = tpu.memref_slice %arg3[%dma_wait3A_1120, %dma_wait3A_1121] : memref<16x1000000xf32, #tpu.memory_space<hbm>> -> memref<16x128xf32, #tpu.memory_space<hbm>>
      tpu.wait_dma2 semaphore(%arg17 : memref<!tpu.dma_semaphore, #tpu.memory_space<semaphore_mem>>) src(%dma_wait3A_1122 : memref<16x128xf32, #tpu.memory_space<hbm>>) dst(%dma_wait3A_1119 : memref<16x128xf32, #tpu.memory_space<vmem>>)
      %dma_wait3A_1123 = arith.constant 0 : i32
      %dma_wait3A_1124 = arith.constant 48 : i32
      %dma_wait3A_1125 = arith.constant 0 : i32
      %dma_wait3A_1126 = tpu.memref_slice %arg11[%dma_wait3A_1123, %dma_wait3A_1124, %dma_wait3A_1125] : memref<2x128x128xf32, #tpu.memory_space<vmem>> -> memref<1x16x128xf32, #tpu.memory_space<vmem>>
      %dma_wait3A_1127 = tpu.memref_squeeze %dma_wait3A_1126 : memref<1x16x128xf32, #tpu.memory_space<vmem>> -> memref<16x128xf32, #tpu.memory_space<vmem>>
      %dma_wait3A_1128 = arith.constant 0 : i32
      %dma_wait3A_1129 = arith.constant 0 : i32
      %dma_wait3A_1130 = tpu.memref_slice %arg2[%dma_wait3A_1128, %dma_wait3A_1129] : memref<16x1000000xf32, #tpu.memory_space<hbm>> -> memref<16x128xf32, #tpu.memory_space<hbm>>
      %dma_wait3A_1131 = arith.constant 48 : i32
      %dma_wait3A_1132 = arith.constant 0 : i32
      %dma_wait3A_1133 = tpu.memref_slice %arg11[%dma_wait3A_1123, %dma_wait3A_1131, %dma_wait3A_1132] : memref<2x128x128xf32, #tpu.memory_space<vmem>> -> memref<1x16x128xf32, #tpu.memory_space<vmem>>
      %dma_wait3A_1134 = tpu.memref_squeeze %dma_wait3A_1133 : memref<1x16x128xf32, #tpu.memory_space<vmem>> -> memref<16x128xf32, #tpu.memory_space<vmem>>
      %dma_wait3A_1135 = arith.constant 0 : i32
      %dma_wait3A_1136 = arith.constant 0 : i32
      %dma_wait3A_1137 = tpu.memref_slice %arg2[%dma_wait3A_1135, %dma_wait3A_1136] : memref<16x1000000xf32, #tpu.memory_space<hbm>> -> memref<16x128xf32, #tpu.memory_space<hbm>>
      tpu.wait_dma2 semaphore(%arg15 : memref<!tpu.dma_semaphore, #tpu.memory_space<semaphore_mem>>) src(%dma_wait3A_1137 : memref<16x128xf32, #tpu.memory_space<hbm>>) dst(%dma_wait3A_1134 : memref<16x128xf32, #tpu.memory_space<vmem>>)
      %dma_wait3A_1138 = arith.constant 0 : i32
      %dma_wait3A_1139 = arith.constant 48 : i32
      %dma_wait3A_1140 = arith.constant 0 : i32
      %dma_wait3A_1141 = tpu.memref_slice %arg12[%dma_wait3A_1138, %dma_wait3A_1139, %dma_wait3A_1140] : memref<2x128x128xf32, #tpu.memory_space<vmem>> -> memref<1x16x128xf32, #tpu.memory_space<vmem>>
      %dma_wait3A_1142 = tpu.memref_squeeze %dma_wait3A_1141 : memref<1x16x128xf32, #tpu.memory_space<vmem>> -> memref<16x128xf32, #tpu.memory_space<vmem>>
      %dma_wait3A_1143 = arith.constant 0 : i32
      %dma_wait3A_1144 = arith.constant 0 : i32
      %dma_wait3A_1145 = tpu.memref_slice %arg3[%dma_wait3A_1143, %dma_wait3A_1144] : memref<16x1000000xf32, #tpu.memory_space<hbm>> -> memref<16x128xf32, #tpu.memory_space<hbm>>
      %dma_wait3A_1146 = arith.constant 48 : i32
      %dma_wait3A_1147 = arith.constant 0 : i32
      %dma_wait3A_1148 = tpu.memref_slice %arg12[%dma_wait3A_1138, %dma_wait3A_1146, %dma_wait3A_1147] : memref<2x128x128xf32, #tpu.memory_space<vmem>> -> memref<1x16x128xf32, #tpu.memory_space<vmem>>
      %dma_wait3A_1149 = tpu.memref_squeeze %dma_wait3A_1148 : memref<1x16x128xf32, #tpu.memory_space<vmem>> -> memref<16x128xf32, #tpu.memory_space<vmem>>
      %dma_wait3A_1150 = arith.constant 0 : i32
      %dma_wait3A_1151 = arith.constant 0 : i32
      %dma_wait3A_1152 = tpu.memref_slice %arg3[%dma_wait3A_1150, %dma_wait3A_1151] : memref<16x1000000xf32, #tpu.memory_space<hbm>> -> memref<16x128xf32, #tpu.memory_space<hbm>>
      tpu.wait_dma2 semaphore(%arg16 : memref<!tpu.dma_semaphore, #tpu.memory_space<semaphore_mem>>) src(%dma_wait3A_1152 : memref<16x128xf32, #tpu.memory_space<hbm>>) dst(%dma_wait3A_1149 : memref<16x128xf32, #tpu.memory_space<vmem>>)
      %dma_wait3A_1153 = arith.constant 0 : i32
      %dma_wait3A_1154 = arith.constant 48 : i32
      %dma_wait3A_1155 = arith.constant 0 : i32
      %dma_wait3A_1156 = tpu.memref_slice %arg13[%dma_wait3A_1153, %dma_wait3A_1154, %dma_wait3A_1155] : memref<2x128x128xf32, #tpu.memory_space<vmem>> -> memref<1x16x128xf32, #tpu.memory_space<vmem>>
      %dma_wait3A_1157 = tpu.memref_squeeze %dma_wait3A_1156 : memref<1x16x128xf32, #tpu.memory_space<vmem>> -> memref<16x128xf32, #tpu.memory_space<vmem>>
      %dma_wait3A_1158 = arith.constant 0 : i32
      %dma_wait3A_1159 = arith.constant 0 : i32
      %dma_wait3A_1160 = tpu.memref_slice %arg3[%dma_wait3A_1158, %dma_wait3A_1159] : memref<16x1000000xf32, #tpu.memory_space<hbm>> -> memref<16x128xf32, #tpu.memory_space<hbm>>
      %dma_wait3A_1161 = arith.constant 48 : i32
      %dma_wait3A_1162 = arith.constant 0 : i32
      %dma_wait3A_1163 = tpu.memref_slice %arg13[%dma_wait3A_1153, %dma_wait3A_1161, %dma_wait3A_1162] : memref<2x128x128xf32, #tpu.memory_space<vmem>> -> memref<1x16x128xf32, #tpu.memory_space<vmem>>
      %dma_wait3A_1164 = tpu.memref_squeeze %dma_wait3A_1163 : memref<1x16x128xf32, #tpu.memory_space<vmem>> -> memref<16x128xf32, #tpu.memory_space<vmem>>
      %dma_wait3A_1165 = arith.constant 0 : i32
      %dma_wait3A_1166 = arith.constant 0 : i32
      %dma_wait3A_1167 = tpu.memref_slice %arg3[%dma_wait3A_1165, %dma_wait3A_1166] : memref<16x1000000xf32, #tpu.memory_space<hbm>> -> memref<16x128xf32, #tpu.memory_space<hbm>>
      tpu.wait_dma2 semaphore(%arg17 : memref<!tpu.dma_semaphore, #tpu.memory_space<semaphore_mem>>) src(%dma_wait3A_1167 : memref<16x128xf32, #tpu.memory_space<hbm>>) dst(%dma_wait3A_1164 : memref<16x128xf32, #tpu.memory_space<vmem>>)
      %dma_wait3A_1168 = arith.constant 0 : i32
      %dma_wait3A_1169 = arith.constant 64 : i32
      %dma_wait3A_1170 = arith.constant 0 : i32
      %dma_wait3A_1171 = tpu.memref_slice %arg11[%dma_wait3A_1168, %dma_wait3A_1169, %dma_wait3A_1170] : memref<2x128x128xf32, #tpu.memory_space<vmem>> -> memref<1x16x128xf32, #tpu.memory_space<vmem>>
      %dma_wait3A_1172 = tpu.memref_squeeze %dma_wait3A_1171 : memref<1x16x128xf32, #tpu.memory_space<vmem>> -> memref<16x128xf32, #tpu.memory_space<vmem>>
      %dma_wait3A_1173 = arith.constant 0 : i32
      %dma_wait3A_1174 = arith.constant 0 : i32
      %dma_wait3A_1175 = tpu.memref_slice %arg2[%dma_wait3A_1173, %dma_wait3A_1174] : memref<16x1000000xf32, #tpu.memory_space<hbm>> -> memref<16x128xf32, #tpu.memory_space<hbm>>
      %dma_wait3A_1176 = arith.constant 64 : i32
      %dma_wait3A_1177 = arith.constant 0 : i32
      %dma_wait3A_1178 = tpu.memref_slice %arg11[%dma_wait3A_1168, %dma_wait3A_1176, %dma_wait3A_1177] : memref<2x128x128xf32, #tpu.memory_space<vmem>> -> memref<1x16x128xf32, #tpu.memory_space<vmem>>
      %dma_wait3A_1179 = tpu.memref_squeeze %dma_wait3A_1178 : memref<1x16x128xf32, #tpu.memory_space<vmem>> -> memref<16x128xf32, #tpu.memory_space<vmem>>
      %dma_wait3A_1180 = arith.constant 0 : i32
      %dma_wait3A_1181 = arith.constant 0 : i32
      %dma_wait3A_1182 = tpu.memref_slice %arg2[%dma_wait3A_1180, %dma_wait3A_1181] : memref<16x1000000xf32, #tpu.memory_space<hbm>> -> memref<16x128xf32, #tpu.memory_space<hbm>>
      tpu.wait_dma2 semaphore(%arg15 : memref<!tpu.dma_semaphore, #tpu.memory_space<semaphore_mem>>) src(%dma_wait3A_1182 : memref<16x128xf32, #tpu.memory_space<hbm>>) dst(%dma_wait3A_1179 : memref<16x128xf32, #tpu.memory_space<vmem>>)
      %dma_wait3A_1183 = arith.constant 0 : i32
      %dma_wait3A_1184 = arith.constant 64 : i32
      %dma_wait3A_1185 = arith.constant 0 : i32
      %dma_wait3A_1186 = tpu.memref_slice %arg12[%dma_wait3A_1183, %dma_wait3A_1184, %dma_wait3A_1185] : memref<2x128x128xf32, #tpu.memory_space<vmem>> -> memref<1x16x128xf32, #tpu.memory_space<vmem>>
      %dma_wait3A_1187 = tpu.memref_squeeze %dma_wait3A_1186 : memref<1x16x128xf32, #tpu.memory_space<vmem>> -> memref<16x128xf32, #tpu.memory_space<vmem>>
      %dma_wait3A_1188 = arith.constant 0 : i32
      %dma_wait3A_1189 = arith.constant 0 : i32
      %dma_wait3A_1190 = tpu.memref_slice %arg3[%dma_wait3A_1188, %dma_wait3A_1189] : memref<16x1000000xf32, #tpu.memory_space<hbm>> -> memref<16x128xf32, #tpu.memory_space<hbm>>
      %dma_wait3A_1191 = arith.constant 64 : i32
      %dma_wait3A_1192 = arith.constant 0 : i32
      %dma_wait3A_1193 = tpu.memref_slice %arg12[%dma_wait3A_1183, %dma_wait3A_1191, %dma_wait3A_1192] : memref<2x128x128xf32, #tpu.memory_space<vmem>> -> memref<1x16x128xf32, #tpu.memory_space<vmem>>
      %dma_wait3A_1194 = tpu.memref_squeeze %dma_wait3A_1193 : memref<1x16x128xf32, #tpu.memory_space<vmem>> -> memref<16x128xf32, #tpu.memory_space<vmem>>
      %dma_wait3A_1195 = arith.constant 0 : i32
      %dma_wait3A_1196 = arith.constant 0 : i32
      %dma_wait3A_1197 = tpu.memref_slice %arg3[%dma_wait3A_1195, %dma_wait3A_1196] : memref<16x1000000xf32, #tpu.memory_space<hbm>> -> memref<16x128xf32, #tpu.memory_space<hbm>>
      tpu.wait_dma2 semaphore(%arg16 : memref<!tpu.dma_semaphore, #tpu.memory_space<semaphore_mem>>) src(%dma_wait3A_1197 : memref<16x128xf32, #tpu.memory_space<hbm>>) dst(%dma_wait3A_1194 : memref<16x128xf32, #tpu.memory_space<vmem>>)
      %dma_wait3A_1198 = arith.constant 0 : i32
      %dma_wait3A_1199 = arith.constant 64 : i32
      %dma_wait3A_1200 = arith.constant 0 : i32
      %dma_wait3A_1201 = tpu.memref_slice %arg13[%dma_wait3A_1198, %dma_wait3A_1199, %dma_wait3A_1200] : memref<2x128x128xf32, #tpu.memory_space<vmem>> -> memref<1x16x128xf32, #tpu.memory_space<vmem>>
      %dma_wait3A_1202 = tpu.memref_squeeze %dma_wait3A_1201 : memref<1x16x128xf32, #tpu.memory_space<vmem>> -> memref<16x128xf32, #tpu.memory_space<vmem>>
      %dma_wait3A_1203 = arith.constant 0 : i32
      %dma_wait3A_1204 = arith.constant 0 : i32
      %dma_wait3A_1205 = tpu.memref_slice %arg3[%dma_wait3A_1203, %dma_wait3A_1204] : memref<16x1000000xf32, #tpu.memory_space<hbm>> -> memref<16x128xf32, #tpu.memory_space<hbm>>
      %dma_wait3A_1206 = arith.constant 64 : i32
      %dma_wait3A_1207 = arith.constant 0 : i32
      %dma_wait3A_1208 = tpu.memref_slice %arg13[%dma_wait3A_1198, %dma_wait3A_1206, %dma_wait3A_1207] : memref<2x128x128xf32, #tpu.memory_space<vmem>> -> memref<1x16x128xf32, #tpu.memory_space<vmem>>
      %dma_wait3A_1209 = tpu.memref_squeeze %dma_wait3A_1208 : memref<1x16x128xf32, #tpu.memory_space<vmem>> -> memref<16x128xf32, #tpu.memory_space<vmem>>
      %dma_wait3A_1210 = arith.constant 0 : i32
      %dma_wait3A_1211 = arith.constant 0 : i32
      %dma_wait3A_1212 = tpu.memref_slice %arg3[%dma_wait3A_1210, %dma_wait3A_1211] : memref<16x1000000xf32, #tpu.memory_space<hbm>> -> memref<16x128xf32, #tpu.memory_space<hbm>>
      tpu.wait_dma2 semaphore(%arg17 : memref<!tpu.dma_semaphore, #tpu.memory_space<semaphore_mem>>) src(%dma_wait3A_1212 : memref<16x128xf32, #tpu.memory_space<hbm>>) dst(%dma_wait3A_1209 : memref<16x128xf32, #tpu.memory_space<vmem>>)
      %dma_wait3A_1213 = arith.constant 0 : i32
      %dma_wait3A_1214 = arith.constant 80 : i32
      %dma_wait3A_1215 = arith.constant 0 : i32
      %dma_wait3A_1216 = tpu.memref_slice %arg11[%dma_wait3A_1213, %dma_wait3A_1214, %dma_wait3A_1215] : memref<2x128x128xf32, #tpu.memory_space<vmem>> -> memref<1x16x128xf32, #tpu.memory_space<vmem>>
      %dma_wait3A_1217 = tpu.memref_squeeze %dma_wait3A_1216 : memref<1x16x128xf32, #tpu.memory_space<vmem>> -> memref<16x128xf32, #tpu.memory_space<vmem>>
      %dma_wait3A_1218 = arith.constant 0 : i32
      %dma_wait3A_1219 = arith.constant 0 : i32
      %dma_wait3A_1220 = tpu.memref_slice %arg2[%dma_wait3A_1218, %dma_wait3A_1219] : memref<16x1000000xf32, #tpu.memory_space<hbm>> -> memref<16x128xf32, #tpu.memory_space<hbm>>
      %dma_wait3A_1221 = arith.constant 80 : i32
      %dma_wait3A_1222 = arith.constant 0 : i32
      %dma_wait3A_1223 = tpu.memref_slice %arg11[%dma_wait3A_1213, %dma_wait3A_1221, %dma_wait3A_1222] : memref<2x128x128xf32, #tpu.memory_space<vmem>> -> memref<1x16x128xf32, #tpu.memory_space<vmem>>
      %dma_wait3A_1224 = tpu.memref_squeeze %dma_wait3A_1223 : memref<1x16x128xf32, #tpu.memory_space<vmem>> -> memref<16x128xf32, #tpu.memory_space<vmem>>
      %dma_wait3A_1225 = arith.constant 0 : i32
      %dma_wait3A_1226 = arith.constant 0 : i32
      %dma_wait3A_1227 = tpu.memref_slice %arg2[%dma_wait3A_1225, %dma_wait3A_1226] : memref<16x1000000xf32, #tpu.memory_space<hbm>> -> memref<16x128xf32, #tpu.memory_space<hbm>>
      tpu.wait_dma2 semaphore(%arg15 : memref<!tpu.dma_semaphore, #tpu.memory_space<semaphore_mem>>) src(%dma_wait3A_1227 : memref<16x128xf32, #tpu.memory_space<hbm>>) dst(%dma_wait3A_1224 : memref<16x128xf32, #tpu.memory_space<vmem>>)
      %dma_wait3A_1228 = arith.constant 0 : i32
      %dma_wait3A_1229 = arith.constant 80 : i32
      %dma_wait3A_1230 = arith.constant 0 : i32
      %dma_wait3A_1231 = tpu.memref_slice %arg12[%dma_wait3A_1228, %dma_wait3A_1229, %dma_wait3A_1230] : memref<2x128x128xf32, #tpu.memory_space<vmem>> -> memref<1x16x128xf32, #tpu.memory_space<vmem>>
      %dma_wait3A_1232 = tpu.memref_squeeze %dma_wait3A_1231 : memref<1x16x128xf32, #tpu.memory_space<vmem>> -> memref<16x128xf32, #tpu.memory_space<vmem>>
      %dma_wait3A_1233 = arith.constant 0 : i32
      %dma_wait3A_1234 = arith.constant 0 : i32
      %dma_wait3A_1235 = tpu.memref_slice %arg3[%dma_wait3A_1233, %dma_wait3A_1234] : memref<16x1000000xf32, #tpu.memory_space<hbm>> -> memref<16x128xf32, #tpu.memory_space<hbm>>
      %dma_wait3A_1236 = arith.constant 80 : i32
      %dma_wait3A_1237 = arith.constant 0 : i32
      %dma_wait3A_1238 = tpu.memref_slice %arg12[%dma_wait3A_1228, %dma_wait3A_1236, %dma_wait3A_1237] : memref<2x128x128xf32, #tpu.memory_space<vmem>> -> memref<1x16x128xf32, #tpu.memory_space<vmem>>
      %dma_wait3A_1239 = tpu.memref_squeeze %dma_wait3A_1238 : memref<1x16x128xf32, #tpu.memory_space<vmem>> -> memref<16x128xf32, #tpu.memory_space<vmem>>
      %dma_wait3A_1240 = arith.constant 0 : i32
      %dma_wait3A_1241 = arith.constant 0 : i32
      %dma_wait3A_1242 = tpu.memref_slice %arg3[%dma_wait3A_1240, %dma_wait3A_1241] : memref<16x1000000xf32, #tpu.memory_space<hbm>> -> memref<16x128xf32, #tpu.memory_space<hbm>>
      tpu.wait_dma2 semaphore(%arg16 : memref<!tpu.dma_semaphore, #tpu.memory_space<semaphore_mem>>) src(%dma_wait3A_1242 : memref<16x128xf32, #tpu.memory_space<hbm>>) dst(%dma_wait3A_1239 : memref<16x128xf32, #tpu.memory_space<vmem>>)
      %dma_wait3A_1243 = arith.constant 0 : i32
      %dma_wait3A_1244 = arith.constant 80 : i32
      %dma_wait3A_1245 = arith.constant 0 : i32
      %dma_wait3A_1246 = tpu.memref_slice %arg13[%dma_wait3A_1243, %dma_wait3A_1244, %dma_wait3A_1245] : memref<2x128x128xf32, #tpu.memory_space<vmem>> -> memref<1x16x128xf32, #tpu.memory_space<vmem>>
      %dma_wait3A_1247 = tpu.memref_squeeze %dma_wait3A_1246 : memref<1x16x128xf32, #tpu.memory_space<vmem>> -> memref<16x128xf32, #tpu.memory_space<vmem>>
      %dma_wait3A_1248 = arith.constant 0 : i32
      %dma_wait3A_1249 = arith.constant 0 : i32
      %dma_wait3A_1250 = tpu.memref_slice %arg3[%dma_wait3A_1248, %dma_wait3A_1249] : memref<16x1000000xf32, #tpu.memory_space<hbm>> -> memref<16x128xf32, #tpu.memory_space<hbm>>
      %dma_wait3A_1251 = arith.constant 80 : i32
      %dma_wait3A_1252 = arith.constant 0 : i32
      %dma_wait3A_1253 = tpu.memref_slice %arg13[%dma_wait3A_1243, %dma_wait3A_1251, %dma_wait3A_1252] : memref<2x128x128xf32, #tpu.memory_space<vmem>> -> memref<1x16x128xf32, #tpu.memory_space<vmem>>
      %dma_wait3A_1254 = tpu.memref_squeeze %dma_wait3A_1253 : memref<1x16x128xf32, #tpu.memory_space<vmem>> -> memref<16x128xf32, #tpu.memory_space<vmem>>
      %dma_wait3A_1255 = arith.constant 0 : i32
      %dma_wait3A_1256 = arith.constant 0 : i32
      %dma_wait3A_1257 = tpu.memref_slice %arg3[%dma_wait3A_1255, %dma_wait3A_1256] : memref<16x1000000xf32, #tpu.memory_space<hbm>> -> memref<16x128xf32, #tpu.memory_space<hbm>>
      tpu.wait_dma2 semaphore(%arg17 : memref<!tpu.dma_semaphore, #tpu.memory_space<semaphore_mem>>) src(%dma_wait3A_1257 : memref<16x128xf32, #tpu.memory_space<hbm>>) dst(%dma_wait3A_1254 : memref<16x128xf32, #tpu.memory_space<vmem>>)
      %dma_wait3A_1258 = arith.constant 0 : i32
      %dma_wait3A_1259 = arith.constant 96 : i32
      %dma_wait3A_1260 = arith.constant 0 : i32
      %dma_wait3A_1261 = tpu.memref_slice %arg11[%dma_wait3A_1258, %dma_wait3A_1259, %dma_wait3A_1260] : memref<2x128x128xf32, #tpu.memory_space<vmem>> -> memref<1x16x128xf32, #tpu.memory_space<vmem>>
      %dma_wait3A_1262 = tpu.memref_squeeze %dma_wait3A_1261 : memref<1x16x128xf32, #tpu.memory_space<vmem>> -> memref<16x128xf32, #tpu.memory_space<vmem>>
      %dma_wait3A_1263 = arith.constant 0 : i32
      %dma_wait3A_1264 = arith.constant 0 : i32
      %dma_wait3A_1265 = tpu.memref_slice %arg2[%dma_wait3A_1263, %dma_wait3A_1264] : memref<16x1000000xf32, #tpu.memory_space<hbm>> -> memref<16x128xf32, #tpu.memory_space<hbm>>
      %dma_wait3A_1266 = arith.constant 96 : i32
      %dma_wait3A_1267 = arith.constant 0 : i32
      %dma_wait3A_1268 = tpu.memref_slice %arg11[%dma_wait3A_1258, %dma_wait3A_1266, %dma_wait3A_1267] : memref<2x128x128xf32, #tpu.memory_space<vmem>> -> memref<1x16x128xf32, #tpu.memory_space<vmem>>
      %dma_wait3A_1269 = tpu.memref_squeeze %dma_wait3A_1268 : memref<1x16x128xf32, #tpu.memory_space<vmem>> -> memref<16x128xf32, #tpu.memory_space<vmem>>
      %dma_wait3A_1270 = arith.constant 0 : i32
      %dma_wait3A_1271 = arith.constant 0 : i32
      %dma_wait3A_1272 = tpu.memref_slice %arg2[%dma_wait3A_1270, %dma_wait3A_1271] : memref<16x1000000xf32, #tpu.memory_space<hbm>> -> memref<16x128xf32, #tpu.memory_space<hbm>>
      tpu.wait_dma2 semaphore(%arg15 : memref<!tpu.dma_semaphore, #tpu.memory_space<semaphore_mem>>) src(%dma_wait3A_1272 : memref<16x128xf32, #tpu.memory_space<hbm>>) dst(%dma_wait3A_1269 : memref<16x128xf32, #tpu.memory_space<vmem>>)
      %dma_wait3A_1273 = arith.constant 0 : i32
      %dma_wait3A_1274 = arith.constant 96 : i32
      %dma_wait3A_1275 = arith.constant 0 : i32
      %dma_wait3A_1276 = tpu.memref_slice %arg12[%dma_wait3A_1273, %dma_wait3A_1274, %dma_wait3A_1275] : memref<2x128x128xf32, #tpu.memory_space<vmem>> -> memref<1x16x128xf32, #tpu.memory_space<vmem>>
      %dma_wait3A_1277 = tpu.memref_squeeze %dma_wait3A_1276 : memref<1x16x128xf32, #tpu.memory_space<vmem>> -> memref<16x128xf32, #tpu.memory_space<vmem>>
      %dma_wait3A_1278 = arith.constant 0 : i32
      %dma_wait3A_1279 = arith.constant 0 : i32
      %dma_wait3A_1280 = tpu.memref_slice %arg3[%dma_wait3A_1278, %dma_wait3A_1279] : memref<16x1000000xf32, #tpu.memory_space<hbm>> -> memref<16x128xf32, #tpu.memory_space<hbm>>
      %dma_wait3A_1281 = arith.constant 96 : i32
      %dma_wait3A_1282 = arith.constant 0 : i32
      %dma_wait3A_1283 = tpu.memref_slice %arg12[%dma_wait3A_1273, %dma_wait3A_1281, %dma_wait3A_1282] : memref<2x128x128xf32, #tpu.memory_space<vmem>> -> memref<1x16x128xf32, #tpu.memory_space<vmem>>
      %dma_wait3A_1284 = tpu.memref_squeeze %dma_wait3A_1283 : memref<1x16x128xf32, #tpu.memory_space<vmem>> -> memref<16x128xf32, #tpu.memory_space<vmem>>
      %dma_wait3A_1285 = arith.constant 0 : i32
      %dma_wait3A_1286 = arith.constant 0 : i32
      %dma_wait3A_1287 = tpu.memref_slice %arg3[%dma_wait3A_1285, %dma_wait3A_1286] : memref<16x1000000xf32, #tpu.memory_space<hbm>> -> memref<16x128xf32, #tpu.memory_space<hbm>>
      tpu.wait_dma2 semaphore(%arg16 : memref<!tpu.dma_semaphore, #tpu.memory_space<semaphore_mem>>) src(%dma_wait3A_1287 : memref<16x128xf32, #tpu.memory_space<hbm>>) dst(%dma_wait3A_1284 : memref<16x128xf32, #tpu.memory_space<vmem>>)
      %dma_wait3A_1288 = arith.constant 0 : i32
      %dma_wait3A_1289 = arith.constant 96 : i32
      %dma_wait3A_1290 = arith.constant 0 : i32
      %dma_wait3A_1291 = tpu.memref_slice %arg13[%dma_wait3A_1288, %dma_wait3A_1289, %dma_wait3A_1290] : memref<2x128x128xf32, #tpu.memory_space<vmem>> -> memref<1x16x128xf32, #tpu.memory_space<vmem>>
      %dma_wait3A_1292 = tpu.memref_squeeze %dma_wait3A_1291 : memref<1x16x128xf32, #tpu.memory_space<vmem>> -> memref<16x128xf32, #tpu.memory_space<vmem>>
      %dma_wait3A_1293 = arith.constant 0 : i32
      %dma_wait3A_1294 = arith.constant 0 : i32
      %dma_wait3A_1295 = tpu.memref_slice %arg3[%dma_wait3A_1293, %dma_wait3A_1294] : memref<16x1000000xf32, #tpu.memory_space<hbm>> -> memref<16x128xf32, #tpu.memory_space<hbm>>
      %dma_wait3A_1296 = arith.constant 96 : i32
      %dma_wait3A_1297 = arith.constant 0 : i32
      %dma_wait3A_1298 = tpu.memref_slice %arg13[%dma_wait3A_1288, %dma_wait3A_1296, %dma_wait3A_1297] : memref<2x128x128xf32, #tpu.memory_space<vmem>> -> memref<1x16x128xf32, #tpu.memory_space<vmem>>
      %dma_wait3A_1299 = tpu.memref_squeeze %dma_wait3A_1298 : memref<1x16x128xf32, #tpu.memory_space<vmem>> -> memref<16x128xf32, #tpu.memory_space<vmem>>
      %dma_wait3A_1300 = arith.constant 0 : i32
      %dma_wait3A_1301 = arith.constant 0 : i32
      %dma_wait3A_1302 = tpu.memref_slice %arg3[%dma_wait3A_1300, %dma_wait3A_1301] : memref<16x1000000xf32, #tpu.memory_space<hbm>> -> memref<16x128xf32, #tpu.memory_space<hbm>>
      tpu.wait_dma2 semaphore(%arg17 : memref<!tpu.dma_semaphore, #tpu.memory_space<semaphore_mem>>) src(%dma_wait3A_1302 : memref<16x128xf32, #tpu.memory_space<hbm>>) dst(%dma_wait3A_1299 : memref<16x128xf32, #tpu.memory_space<vmem>>)
      %dma_wait3A_1303 = arith.constant 0 : i32
      %dma_wait3A_1304 = arith.constant 112 : i32
      %dma_wait3A_1305 = arith.constant 0 : i32
      %dma_wait3A_1306 = tpu.memref_slice %arg11[%dma_wait3A_1303, %dma_wait3A_1304, %dma_wait3A_1305] : memref<2x128x128xf32, #tpu.memory_space<vmem>> -> memref<1x16x128xf32, #tpu.memory_space<vmem>>
      %dma_wait3A_1307 = tpu.memref_squeeze %dma_wait3A_1306 : memref<1x16x128xf32, #tpu.memory_space<vmem>> -> memref<16x128xf32, #tpu.memory_space<vmem>>
      %dma_wait3A_1308 = arith.constant 0 : i32
      %dma_wait3A_1309 = arith.constant 0 : i32
      %dma_wait3A_1310 = tpu.memref_slice %arg2[%dma_wait3A_1308, %dma_wait3A_1309] : memref<16x1000000xf32, #tpu.memory_space<hbm>> -> memref<16x128xf32, #tpu.memory_space<hbm>>
      %dma_wait3A_1311 = arith.constant 112 : i32
      %dma_wait3A_1312 = arith.constant 0 : i32
      %dma_wait3A_1313 = tpu.memref_slice %arg11[%dma_wait3A_1303, %dma_wait3A_1311, %dma_wait3A_1312] : memref<2x128x128xf32, #tpu.memory_space<vmem>> -> memref<1x16x128xf32, #tpu.memory_space<vmem>>
      %dma_wait3A_1314 = tpu.memref_squeeze %dma_wait3A_1313 : memref<1x16x128xf32, #tpu.memory_space<vmem>> -> memref<16x128xf32, #tpu.memory_space<vmem>>
      %dma_wait3A_1315 = arith.constant 0 : i32
      %dma_wait3A_1316 = arith.constant 0 : i32
      %dma_wait3A_1317 = tpu.memref_slice %arg2[%dma_wait3A_1315, %dma_wait3A_1316] : memref<16x1000000xf32, #tpu.memory_space<hbm>> -> memref<16x128xf32, #tpu.memory_space<hbm>>
      tpu.wait_dma2 semaphore(%arg15 : memref<!tpu.dma_semaphore, #tpu.memory_space<semaphore_mem>>) src(%dma_wait3A_1317 : memref<16x128xf32, #tpu.memory_space<hbm>>) dst(%dma_wait3A_1314 : memref<16x128xf32, #tpu.memory_space<vmem>>)
      %dma_wait3A_1318 = arith.constant 0 : i32
      %dma_wait3A_1319 = arith.constant 112 : i32
      %dma_wait3A_1320 = arith.constant 0 : i32
      %dma_wait3A_1321 = tpu.memref_slice %arg12[%dma_wait3A_1318, %dma_wait3A_1319, %dma_wait3A_1320] : memref<2x128x128xf32, #tpu.memory_space<vmem>> -> memref<1x16x128xf32, #tpu.memory_space<vmem>>
      %dma_wait3A_1322 = tpu.memref_squeeze %dma_wait3A_1321 : memref<1x16x128xf32, #tpu.memory_space<vmem>> -> memref<16x128xf32, #tpu.memory_space<vmem>>
      %dma_wait3A_1323 = arith.constant 0 : i32
      %dma_wait3A_1324 = arith.constant 0 : i32
      %dma_wait3A_1325 = tpu.memref_slice %arg3[%dma_wait3A_1323, %dma_wait3A_1324] : memref<16x1000000xf32, #tpu.memory_space<hbm>> -> memref<16x128xf32, #tpu.memory_space<hbm>>
      %dma_wait3A_1326 = arith.constant 112 : i32
      %dma_wait3A_1327 = arith.constant 0 : i32
      %dma_wait3A_1328 = tpu.memref_slice %arg12[%dma_wait3A_1318, %dma_wait3A_1326, %dma_wait3A_1327] : memref<2x128x128xf32, #tpu.memory_space<vmem>> -> memref<1x16x128xf32, #tpu.memory_space<vmem>>
      %dma_wait3A_1329 = tpu.memref_squeeze %dma_wait3A_1328 : memref<1x16x128xf32, #tpu.memory_space<vmem>> -> memref<16x128xf32, #tpu.memory_space<vmem>>
      %dma_wait3A_1330 = arith.constant 0 : i32
      %dma_wait3A_1331 = arith.constant 0 : i32
      %dma_wait3A_1332 = tpu.memref_slice %arg3[%dma_wait3A_1330, %dma_wait3A_1331] : memref<16x1000000xf32, #tpu.memory_space<hbm>> -> memref<16x128xf32, #tpu.memory_space<hbm>>
      tpu.wait_dma2 semaphore(%arg16 : memref<!tpu.dma_semaphore, #tpu.memory_space<semaphore_mem>>) src(%dma_wait3A_1332 : memref<16x128xf32, #tpu.memory_space<hbm>>) dst(%dma_wait3A_1329 : memref<16x128xf32, #tpu.memory_space<vmem>>)
      %dma_wait3A_1333 = arith.constant 0 : i32
      %dma_wait3A_1334 = arith.constant 112 : i32
      %dma_wait3A_1335 = arith.constant 0 : i32
      %dma_wait3A_1336 = tpu.memref_slice %arg13[%dma_wait3A_1333, %dma_wait3A_1334, %dma_wait3A_1335] : memref<2x128x128xf32, #tpu.memory_space<vmem>> -> memref<1x16x128xf32, #tpu.memory_space<vmem>>
      %dma_wait3A_1337 = tpu.memref_squeeze %dma_wait3A_1336 : memref<1x16x128xf32, #tpu.memory_space<vmem>> -> memref<16x128xf32, #tpu.memory_space<vmem>>
      %dma_wait3A_1338 = arith.constant 0 : i32
      %dma_wait3A_1339 = arith.constant 0 : i32
      %dma_wait3A_1340 = tpu.memref_slice %arg3[%dma_wait3A_1338, %dma_wait3A_1339] : memref<16x1000000xf32, #tpu.memory_space<hbm>> -> memref<16x128xf32, #tpu.memory_space<hbm>>
      %dma_wait3A_1341 = arith.constant 112 : i32
      %dma_wait3A_1342 = arith.constant 0 : i32
      %dma_wait3A_1343 = tpu.memref_slice %arg13[%dma_wait3A_1333, %dma_wait3A_1341, %dma_wait3A_1342] : memref<2x128x128xf32, #tpu.memory_space<vmem>> -> memref<1x16x128xf32, #tpu.memory_space<vmem>>
      %dma_wait3A_1344 = tpu.memref_squeeze %dma_wait3A_1343 : memref<1x16x128xf32, #tpu.memory_space<vmem>> -> memref<16x128xf32, #tpu.memory_space<vmem>>
      %dma_wait3A_1345 = arith.constant 0 : i32
      %dma_wait3A_1346 = arith.constant 0 : i32
      %dma_wait3A_1347 = tpu.memref_slice %arg3[%dma_wait3A_1345, %dma_wait3A_1346] : memref<16x1000000xf32, #tpu.memory_space<hbm>> -> memref<16x128xf32, #tpu.memory_space<hbm>>
      tpu.wait_dma2 semaphore(%arg17 : memref<!tpu.dma_semaphore, #tpu.memory_space<semaphore_mem>>) src(%dma_wait3A_1347 : memref<16x128xf32, #tpu.memory_space<hbm>>) dst(%dma_wait3A_1344 : memref<16x128xf32, #tpu.memory_space<vmem>>)
      %mul3A_1348 = arith.constant 8 : i32
      %mul3A_1349 = arith.muli %mul3A_498, %mul3A_1348 : i32
      %get3A_1350 = arith.index_cast %mul3A_1349 : i32 to index
      %get3A_1351 = tpu.vector_load %arg8[%get3A_1350] {strides = array<i32>} : memref<528xi32, #tpu.memory_space<vmem>>, vector<16xi32>,
      %get3A_1352 = arith.index_cast %mul3A_1349 : i32 to index
      %get3A_1353 = tpu.vector_load %arg9[%get3A_1352] {strides = array<i32>} : memref<528xi32, #tpu.memory_space<vmem>>, vector<16xi32>,
      %get3A_1354 = arith.index_cast %mul3A_1349 : i32 to index
      %get3A_1355 = tpu.vector_load %arg10[%get3A_1354] {strides = array<i32>} : memref<528xi32, #tpu.memory_space<vmem>>, vector<16xi32>,
      %and3A = arith.constant 127 : i32
      %and3A_1356 = vector.broadcast %and3A : i32 to vector<16xi32>
      %and3A_1357 = arith.andi %get3A_1351, %and3A_1356 : vector<16xi32>
      %and3A_1358 = arith.constant 127 : i32
      %and3A_1359 = vector.broadcast %and3A_1358 : i32 to vector<16xi32>
      %and3A_1360 = arith.andi %get3A_1353, %and3A_1359 : vector<16xi32>
      %and3A_1361 = arith.constant 127 : i32
      %and3A_1362 = vector.broadcast %and3A_1361 : i32 to vector<16xi32>
      %and3A_1363 = arith.andi %get3A_1355, %and3A_1362 : vector<16xi32>
      %jit3A = arith.constant 0 : i32
      %broadcast_in_dim3A_1364 = vector.broadcast %jit3A : i32 to vector<16xi32>
      %select_n3A = arith.select %lt3A_10, %iota3A, %broadcast_in_dim3A_1364 : vector<16xi1>, vector<16xi32>
      %mul3A_1365 = arith.constant 16 : i32
      %mul3A_1366 = vector.broadcast %mul3A_1365 : i32 to vector<16xi32>
      %mul3A_1367 = arith.muli %select_n3A, %mul3A_1366 : vector<16xi32>
      %broadcast_in_dim3A_1368 = arith.constant 0.000000e+00 : f32
      %broadcast_in_dim3A_1369 = vector.broadcast %broadcast_in_dim3A_1368 : f32 to vector<16xf32>
      %add3A_1370 = arith.constant 0 : i32
      %add3A_1371 = vector.broadcast %add3A_1370 : i32 to vector<16xi32>
      %add3A_1372 = arith.addi %mul3A_1367, %add3A_1371 : vector<16xi32>
      %gather3A = arith.constant 0 : i32
      %gather3A_1373 = arith.constant 0 : i32
      %gather3A_1374 = arith.constant 0 : i32
      %gather3A_1375 = tpu.memref_slice %arg11[%gather3A, %gather3A_1373, %gather3A_1374] : memref<2x128x128xf32, #tpu.memory_space<vmem>> -> memref<1x128x128xf32, #tpu.memory_space<vmem>>
      %gather3A_1376 = tpu.memref_squeeze %gather3A_1375 : memref<1x128x128xf32, #tpu.memory_space<vmem>> -> memref<128x128xf32, #tpu.memory_space<vmem>>
      %gather3A_1377 = tpu.vector_load_idx %gather3A_1376[%add3A_1372, %and3A_1357] : memref<128x128xf32, #tpu.memory_space<vmem>>[vector<16xi32>, vector<16xi32>], vector<16xf32>,
      %gather3A_1378 = arith.constant 0 : i32
      %gather3A_1379 = arith.constant 0 : i32
      %gather3A_1380 = arith.constant 0 : i32
      %gather3A_1381 = tpu.memref_slice %arg12[%gather3A_1378, %gather3A_1379, %gather3A_1380] : memref<2x128x128xf32, #tpu.memory_space<vmem>> -> memref<1x128x128xf32, #tpu.memory_space<vmem>>
      %gather3A_1382 = tpu.memref_squeeze %gather3A_1381 : memref<1x128x128xf32, #tpu.memory_space<vmem>> -> memref<128x128xf32, #tpu.memory_space<vmem>>
      %gather3A_1383 = tpu.vector_load_idx %gather3A_1382[%add3A_1372, %and3A_1360] : memref<128x128xf32, #tpu.memory_space<vmem>>[vector<16xi32>, vector<16xi32>], vector<16xf32>,
      %gather3A_1384 = arith.constant 0 : i32
      %gather3A_1385 = arith.constant 0 : i32
      %gather3A_1386 = arith.constant 0 : i32
      %gather3A_1387 = tpu.memref_slice %arg13[%gather3A_1384, %gather3A_1385, %gather3A_1386] : memref<2x128x128xf32, #tpu.memory_space<vmem>> -> memref<1x128x128xf32, #tpu.memory_space<vmem>>
      %gather3A_1388 = tpu.memref_squeeze %gather3A_1387 : memref<1x128x128xf32, #tpu.memory_space<vmem>> -> memref<128x128xf32, #tpu.memory_space<vmem>>
      %gather3A_1389 = tpu.vector_load_idx %gather3A_1388[%add3A_1372, %and3A_1363] : memref<128x128xf32, #tpu.memory_space<vmem>>[vector<16xi32>, vector<16xi32>], vector<16xf32>,
      %sub3A = arith.subf %gather3A_1383, %gather3A_1389 : vector<16xf32>
      %mul3A_1390 = arith.mulf %gather3A_1377, %sub3A : vector<16xf32>
      %add3A_1391 = arith.addf %broadcast_in_dim3A_1369, %mul3A_1390 : vector<16xf32>
      %add3A_1392 = arith.constant 1 : i32
      %add3A_1393 = vector.broadcast %add3A_1392 : i32 to vector<16xi32>
      %add3A_1394 = arith.addi %mul3A_1367, %add3A_1393 : vector<16xi32>
      %gather3A_1395 = arith.constant 0 : i32
      %gather3A_1396 = arith.constant 0 : i32
      %gather3A_1397 = arith.constant 0 : i32
      %gather3A_1398 = tpu.memref_slice %arg11[%gather3A_1395, %gather3A_1396, %gather3A_1397] : memref<2x128x128xf32, #tpu.memory_space<vmem>> -> memref<1x128x128xf32, #tpu.memory_space<vmem>>
      %gather3A_1399 = tpu.memref_squeeze %gather3A_1398 : memref<1x128x128xf32, #tpu.memory_space<vmem>> -> memref<128x128xf32, #tpu.memory_space<vmem>>
      %gather3A_1400 = tpu.vector_load_idx %gather3A_1399[%add3A_1394, %and3A_1357] : memref<128x128xf32, #tpu.memory_space<vmem>>[vector<16xi32>, vector<16xi32>], vector<16xf32>,
      %gather3A_1401 = arith.constant 0 : i32
      %gather3A_1402 = arith.constant 0 : i32
      %gather3A_1403 = arith.constant 0 : i32
      %gather3A_1404 = tpu.memref_slice %arg12[%gather3A_1401, %gather3A_1402, %gather3A_1403] : memref<2x128x128xf32, #tpu.memory_space<vmem>> -> memref<1x128x128xf32, #tpu.memory_space<vmem>>
      %gather3A_1405 = tpu.memref_squeeze %gather3A_1404 : memref<1x128x128xf32, #tpu.memory_space<vmem>> -> memref<128x128xf32, #tpu.memory_space<vmem>>
      %gather3A_1406 = tpu.vector_load_idx %gather3A_1405[%add3A_1394, %and3A_1360] : memref<128x128xf32, #tpu.memory_space<vmem>>[vector<16xi32>, vector<16xi32>], vector<16xf32>,
      %gather3A_1407 = arith.constant 0 : i32
      %gather3A_1408 = arith.constant 0 : i32
      %gather3A_1409 = arith.constant 0 : i32
      %gather3A_1410 = tpu.memref_slice %arg13[%gather3A_1407, %gather3A_1408, %gather3A_1409] : memref<2x128x128xf32, #tpu.memory_space<vmem>> -> memref<1x128x128xf32, #tpu.memory_space<vmem>>
      %gather3A_1411 = tpu.memref_squeeze %gather3A_1410 : memref<1x128x128xf32, #tpu.memory_space<vmem>> -> memref<128x128xf32, #tpu.memory_space<vmem>>
      %gather3A_1412 = tpu.vector_load_idx %gather3A_1411[%add3A_1394, %and3A_1363] : memref<128x128xf32, #tpu.memory_space<vmem>>[vector<16xi32>, vector<16xi32>], vector<16xf32>,
      %sub3A_1413 = arith.subf %gather3A_1406, %gather3A_1412 : vector<16xf32>
      %mul3A_1414 = arith.mulf %gather3A_1400, %sub3A_1413 : vector<16xf32>
      %add3A_1415 = arith.addf %add3A_1391, %mul3A_1414 : vector<16xf32>
      %add3A_1416 = arith.constant 2 : i32
      %add3A_1417 = vector.broadcast %add3A_1416 : i32 to vector<16xi32>
      %add3A_1418 = arith.addi %mul3A_1367, %add3A_1417 : vector<16xi32>
      %gather3A_1419 = arith.constant 0 : i32
      %gather3A_1420 = arith.constant 0 : i32
      %gather3A_1421 = arith.constant 0 : i32
      %gather3A_1422 = tpu.memref_slice %arg11[%gather3A_1419, %gather3A_1420, %gather3A_1421] : memref<2x128x128xf32, #tpu.memory_space<vmem>> -> memref<1x128x128xf32, #tpu.memory_space<vmem>>
      %gather3A_1423 = tpu.memref_squeeze %gather3A_1422 : memref<1x128x128xf32, #tpu.memory_space<vmem>> -> memref<128x128xf32, #tpu.memory_space<vmem>>
      %gather3A_1424 = tpu.vector_load_idx %gather3A_1423[%add3A_1418, %and3A_1357] : memref<128x128xf32, #tpu.memory_space<vmem>>[vector<16xi32>, vector<16xi32>], vector<16xf32>,
      %gather3A_1425 = arith.constant 0 : i32
      %gather3A_1426 = arith.constant 0 : i32
      %gather3A_1427 = arith.constant 0 : i32
      %gather3A_1428 = tpu.memref_slice %arg12[%gather3A_1425, %gather3A_1426, %gather3A_1427] : memref<2x128x128xf32, #tpu.memory_space<vmem>> -> memref<1x128x128xf32, #tpu.memory_space<vmem>>
      %gather3A_1429 = tpu.memref_squeeze %gather3A_1428 : memref<1x128x128xf32, #tpu.memory_space<vmem>> -> memref<128x128xf32, #tpu.memory_space<vmem>>
      %gather3A_1430 = tpu.vector_load_idx %gather3A_1429[%add3A_1418, %and3A_1360] : memref<128x128xf32, #tpu.memory_space<vmem>>[vector<16xi32>, vector<16xi32>], vector<16xf32>,
      %gather3A_1431 = arith.constant 0 : i32
      %gather3A_1432 = arith.constant 0 : i32
      %gather3A_1433 = arith.constant 0 : i32
      %gather3A_1434 = tpu.memref_slice %arg13[%gather3A_1431, %gather3A_1432, %gather3A_1433] : memref<2x128x128xf32, #tpu.memory_space<vmem>> -> memref<1x128x128xf32, #tpu.memory_space<vmem>>
      %gather3A_1435 = tpu.memref_squeeze %gather3A_1434 : memref<1x128x128xf32, #tpu.memory_space<vmem>> -> memref<128x128xf32, #tpu.memory_space<vmem>>
      %gather3A_1436 = tpu.vector_load_idx %gather3A_1435[%add3A_1418, %and3A_1363] : memref<128x128xf32, #tpu.memory_space<vmem>>[vector<16xi32>, vector<16xi32>], vector<16xf32>,
      %sub3A_1437 = arith.subf %gather3A_1430, %gather3A_1436 : vector<16xf32>
      %mul3A_1438 = arith.mulf %gather3A_1424, %sub3A_1437 : vector<16xf32>
      %add3A_1439 = arith.addf %add3A_1415, %mul3A_1438 : vector<16xf32>
      %add3A_1440 = arith.constant 3 : i32
      %add3A_1441 = vector.broadcast %add3A_1440 : i32 to vector<16xi32>
      %add3A_1442 = arith.addi %mul3A_1367, %add3A_1441 : vector<16xi32>
      %gather3A_1443 = arith.constant 0 : i32
      %gather3A_1444 = arith.constant 0 : i32
      %gather3A_1445 = arith.constant 0 : i32
      %gather3A_1446 = tpu.memref_slice %arg11[%gather3A_1443, %gather3A_1444, %gather3A_1445] : memref<2x128x128xf32, #tpu.memory_space<vmem>> -> memref<1x128x128xf32, #tpu.memory_space<vmem>>
      %gather3A_1447 = tpu.memref_squeeze %gather3A_1446 : memref<1x128x128xf32, #tpu.memory_space<vmem>> -> memref<128x128xf32, #tpu.memory_space<vmem>>
      %gather3A_1448 = tpu.vector_load_idx %gather3A_1447[%add3A_1442, %and3A_1357] : memref<128x128xf32, #tpu.memory_space<vmem>>[vector<16xi32>, vector<16xi32>], vector<16xf32>,
      %gather3A_1449 = arith.constant 0 : i32
      %gather3A_1450 = arith.constant 0 : i32
      %gather3A_1451 = arith.constant 0 : i32
      %gather3A_1452 = tpu.memref_slice %arg12[%gather3A_1449, %gather3A_1450, %gather3A_1451] : memref<2x128x128xf32, #tpu.memory_space<vmem>> -> memref<1x128x128xf32, #tpu.memory_space<vmem>>
      %gather3A_1453 = tpu.memref_squeeze %gather3A_1452 : memref<1x128x128xf32, #tpu.memory_space<vmem>> -> memref<128x128xf32, #tpu.memory_space<vmem>>
      %gather3A_1454 = tpu.vector_load_idx %gather3A_1453[%add3A_1442, %and3A_1360] : memref<128x128xf32, #tpu.memory_space<vmem>>[vector<16xi32>, vector<16xi32>], vector<16xf32>,
      %gather3A_1455 = arith.constant 0 : i32
      %gather3A_1456 = arith.constant 0 : i32
      %gather3A_1457 = arith.constant 0 : i32
      %gather3A_1458 = tpu.memref_slice %arg13[%gather3A_1455, %gather3A_1456, %gather3A_1457] : memref<2x128x128xf32, #tpu.memory_space<vmem>> -> memref<1x128x128xf32, #tpu.memory_space<vmem>>
      %gather3A_1459 = tpu.memref_squeeze %gather3A_1458 : memref<1x128x128xf32, #tpu.memory_space<vmem>> -> memref<128x128xf32, #tpu.memory_space<vmem>>
      %gather3A_1460 = tpu.vector_load_idx %gather3A_1459[%add3A_1442, %and3A_1363] : memref<128x128xf32, #tpu.memory_space<vmem>>[vector<16xi32>, vector<16xi32>], vector<16xf32>,
      %sub3A_1461 = arith.subf %gather3A_1454, %gather3A_1460 : vector<16xf32>
      %mul3A_1462 = arith.mulf %gather3A_1448, %sub3A_1461 : vector<16xf32>
      %add3A_1463 = arith.addf %add3A_1439, %mul3A_1462 : vector<16xf32>
      %add3A_1464 = arith.constant 4 : i32
      %add3A_1465 = vector.broadcast %add3A_1464 : i32 to vector<16xi32>
      %add3A_1466 = arith.addi %mul3A_1367, %add3A_1465 : vector<16xi32>
      %gather3A_1467 = arith.constant 0 : i32
      %gather3A_1468 = arith.constant 0 : i32
      %gather3A_1469 = arith.constant 0 : i32
      %gather3A_1470 = tpu.memref_slice %arg11[%gather3A_1467, %gather3A_1468, %gather3A_1469] : memref<2x128x128xf32, #tpu.memory_space<vmem>> -> memref<1x128x128xf32, #tpu.memory_space<vmem>>
      %gather3A_1471 = tpu.memref_squeeze %gather3A_1470 : memref<1x128x128xf32, #tpu.memory_space<vmem>> -> memref<128x128xf32, #tpu.memory_space<vmem>>
      %gather3A_1472 = tpu.vector_load_idx %gather3A_1471[%add3A_1466, %and3A_1357] : memref<128x128xf32, #tpu.memory_space<vmem>>[vector<16xi32>, vector<16xi32>], vector<16xf32>,
      %gather3A_1473 = arith.constant 0 : i32
      %gather3A_1474 = arith.constant 0 : i32
      %gather3A_1475 = arith.constant 0 : i32
      %gather3A_1476 = tpu.memref_slice %arg12[%gather3A_1473, %gather3A_1474, %gather3A_1475] : memref<2x128x128xf32, #tpu.memory_space<vmem>> -> memref<1x128x128xf32, #tpu.memory_space<vmem>>
      %gather3A_1477 = tpu.memref_squeeze %gather3A_1476 : memref<1x128x128xf32, #tpu.memory_space<vmem>> -> memref<128x128xf32, #tpu.memory_space<vmem>>
      %gather3A_1478 = tpu.vector_load_idx %gather3A_1477[%add3A_1466, %and3A_1360] : memref<128x128xf32, #tpu.memory_space<vmem>>[vector<16xi32>, vector<16xi32>], vector<16xf32>,
      %gather3A_1479 = arith.constant 0 : i32
      %gather3A_1480 = arith.constant 0 : i32
      %gather3A_1481 = arith.constant 0 : i32
      %gather3A_1482 = tpu.memref_slice %arg13[%gather3A_1479, %gather3A_1480, %gather3A_1481] : memref<2x128x128xf32, #tpu.memory_space<vmem>> -> memref<1x128x128xf32, #tpu.memory_space<vmem>>
      %gather3A_1483 = tpu.memref_squeeze %gather3A_1482 : memref<1x128x128xf32, #tpu.memory_space<vmem>> -> memref<128x128xf32, #tpu.memory_space<vmem>>
      %gather3A_1484 = tpu.vector_load_idx %gather3A_1483[%add3A_1466, %and3A_1363] : memref<128x128xf32, #tpu.memory_space<vmem>>[vector<16xi32>, vector<16xi32>], vector<16xf32>,
      %sub3A_1485 = arith.subf %gather3A_1478, %gather3A_1484 : vector<16xf32>
      %mul3A_1486 = arith.mulf %gather3A_1472, %sub3A_1485 : vector<16xf32>
      %add3A_1487 = arith.addf %add3A_1463, %mul3A_1486 : vector<16xf32>
      %add3A_1488 = arith.constant 5 : i32
      %add3A_1489 = vector.broadcast %add3A_1488 : i32 to vector<16xi32>
      %add3A_1490 = arith.addi %mul3A_1367, %add3A_1489 : vector<16xi32>
      %gather3A_1491 = arith.constant 0 : i32
      %gather3A_1492 = arith.constant 0 : i32
      %gather3A_1493 = arith.constant 0 : i32
      %gather3A_1494 = tpu.memref_slice %arg11[%gather3A_1491, %gather3A_1492, %gather3A_1493] : memref<2x128x128xf32, #tpu.memory_space<vmem>> -> memref<1x128x128xf32, #tpu.memory_space<vmem>>
      %gather3A_1495 = tpu.memref_squeeze %gather3A_1494 : memref<1x128x128xf32, #tpu.memory_space<vmem>> -> memref<128x128xf32, #tpu.memory_space<vmem>>
      %gather3A_1496 = tpu.vector_load_idx %gather3A_1495[%add3A_1490, %and3A_1357] : memref<128x128xf32, #tpu.memory_space<vmem>>[vector<16xi32>, vector<16xi32>], vector<16xf32>,
      %gather3A_1497 = arith.constant 0 : i32
      %gather3A_1498 = arith.constant 0 : i32
      %gather3A_1499 = arith.constant 0 : i32
      %gather3A_1500 = tpu.memref_slice %arg12[%gather3A_1497, %gather3A_1498, %gather3A_1499] : memref<2x128x128xf32, #tpu.memory_space<vmem>> -> memref<1x128x128xf32, #tpu.memory_space<vmem>>
      %gather3A_1501 = tpu.memref_squeeze %gather3A_1500 : memref<1x128x128xf32, #tpu.memory_space<vmem>> -> memref<128x128xf32, #tpu.memory_space<vmem>>
      %gather3A_1502 = tpu.vector_load_idx %gather3A_1501[%add3A_1490, %and3A_1360] : memref<128x128xf32, #tpu.memory_space<vmem>>[vector<16xi32>, vector<16xi32>], vector<16xf32>,
      %gather3A_1503 = arith.constant 0 : i32
      %gather3A_1504 = arith.constant 0 : i32
      %gather3A_1505 = arith.constant 0 : i32
      %gather3A_1506 = tpu.memref_slice %arg13[%gather3A_1503, %gather3A_1504, %gather3A_1505] : memref<2x128x128xf32, #tpu.memory_space<vmem>> -> memref<1x128x128xf32, #tpu.memory_space<vmem>>
      %gather3A_1507 = tpu.memref_squeeze %gather3A_1506 : memref<1x128x128xf32, #tpu.memory_space<vmem>> -> memref<128x128xf32, #tpu.memory_space<vmem>>
      %gather3A_1508 = tpu.vector_load_idx %gather3A_1507[%add3A_1490, %and3A_1363] : memref<128x128xf32, #tpu.memory_space<vmem>>[vector<16xi32>, vector<16xi32>], vector<16xf32>,
      %sub3A_1509 = arith.subf %gather3A_1502, %gather3A_1508 : vector<16xf32>
      %mul3A_1510 = arith.mulf %gather3A_1496, %sub3A_1509 : vector<16xf32>
      %add3A_1511 = arith.addf %add3A_1487, %mul3A_1510 : vector<16xf32>
      %add3A_1512 = arith.constant 6 : i32
      %add3A_1513 = vector.broadcast %add3A_1512 : i32 to vector<16xi32>
      %add3A_1514 = arith.addi %mul3A_1367, %add3A_1513 : vector<16xi32>
      %gather3A_1515 = arith.constant 0 : i32
      %gather3A_1516 = arith.constant 0 : i32
      %gather3A_1517 = arith.constant 0 : i32
      %gather3A_1518 = tpu.memref_slice %arg11[%gather3A_1515, %gather3A_1516, %gather3A_1517] : memref<2x128x128xf32, #tpu.memory_space<vmem>> -> memref<1x128x128xf32, #tpu.memory_space<vmem>>
      %gather3A_1519 = tpu.memref_squeeze %gather3A_1518 : memref<1x128x128xf32, #tpu.memory_space<vmem>> -> memref<128x128xf32, #tpu.memory_space<vmem>>
      %gather3A_1520 = tpu.vector_load_idx %gather3A_1519[%add3A_1514, %and3A_1357] : memref<128x128xf32, #tpu.memory_space<vmem>>[vector<16xi32>, vector<16xi32>], vector<16xf32>,
      %gather3A_1521 = arith.constant 0 : i32
      %gather3A_1522 = arith.constant 0 : i32
      %gather3A_1523 = arith.constant 0 : i32
      %gather3A_1524 = tpu.memref_slice %arg12[%gather3A_1521, %gather3A_1522, %gather3A_1523] : memref<2x128x128xf32, #tpu.memory_space<vmem>> -> memref<1x128x128xf32, #tpu.memory_space<vmem>>
      %gather3A_1525 = tpu.memref_squeeze %gather3A_1524 : memref<1x128x128xf32, #tpu.memory_space<vmem>> -> memref<128x128xf32, #tpu.memory_space<vmem>>
      %gather3A_1526 = tpu.vector_load_idx %gather3A_1525[%add3A_1514, %and3A_1360] : memref<128x128xf32, #tpu.memory_space<vmem>>[vector<16xi32>, vector<16xi32>], vector<16xf32>,
      %gather3A_1527 = arith.constant 0 : i32
      %gather3A_1528 = arith.constant 0 : i32
      %gather3A_1529 = arith.constant 0 : i32
      %gather3A_1530 = tpu.memref_slice %arg13[%gather3A_1527, %gather3A_1528, %gather3A_1529] : memref<2x128x128xf32, #tpu.memory_space<vmem>> -> memref<1x128x128xf32, #tpu.memory_space<vmem>>
      %gather3A_1531 = tpu.memref_squeeze %gather3A_1530 : memref<1x128x128xf32, #tpu.memory_space<vmem>> -> memref<128x128xf32, #tpu.memory_space<vmem>>
      %gather3A_1532 = tpu.vector_load_idx %gather3A_1531[%add3A_1514, %and3A_1363] : memref<128x128xf32, #tpu.memory_space<vmem>>[vector<16xi32>, vector<16xi32>], vector<16xf32>,
      %sub3A_1533 = arith.subf %gather3A_1526, %gather3A_1532 : vector<16xf32>
      %mul3A_1534 = arith.mulf %gather3A_1520, %sub3A_1533 : vector<16xf32>
      %add3A_1535 = arith.addf %add3A_1511, %mul3A_1534 : vector<16xf32>
      %add3A_1536 = arith.constant 7 : i32
      %add3A_1537 = vector.broadcast %add3A_1536 : i32 to vector<16xi32>
      %add3A_1538 = arith.addi %mul3A_1367, %add3A_1537 : vector<16xi32>
      %gather3A_1539 = arith.constant 0 : i32
      %gather3A_1540 = arith.constant 0 : i32
      %gather3A_1541 = arith.constant 0 : i32
      %gather3A_1542 = tpu.memref_slice %arg11[%gather3A_1539, %gather3A_1540, %gather3A_1541] : memref<2x128x128xf32, #tpu.memory_space<vmem>> -> memref<1x128x128xf32, #tpu.memory_space<vmem>>
      %gather3A_1543 = tpu.memref_squeeze %gather3A_1542 : memref<1x128x128xf32, #tpu.memory_space<vmem>> -> memref<128x128xf32, #tpu.memory_space<vmem>>
      %gather3A_1544 = tpu.vector_load_idx %gather3A_1543[%add3A_1538, %and3A_1357] : memref<128x128xf32, #tpu.memory_space<vmem>>[vector<16xi32>, vector<16xi32>], vector<16xf32>,
      %gather3A_1545 = arith.constant 0 : i32
      %gather3A_1546 = arith.constant 0 : i32
      %gather3A_1547 = arith.constant 0 : i32
      %gather3A_1548 = tpu.memref_slice %arg12[%gather3A_1545, %gather3A_1546, %gather3A_1547] : memref<2x128x128xf32, #tpu.memory_space<vmem>> -> memref<1x128x128xf32, #tpu.memory_space<vmem>>
      %gather3A_1549 = tpu.memref_squeeze %gather3A_1548 : memref<1x128x128xf32, #tpu.memory_space<vmem>> -> memref<128x128xf32, #tpu.memory_space<vmem>>
      %gather3A_1550 = tpu.vector_load_idx %gather3A_1549[%add3A_1538, %and3A_1360] : memref<128x128xf32, #tpu.memory_space<vmem>>[vector<16xi32>, vector<16xi32>], vector<16xf32>,
      %gather3A_1551 = arith.constant 0 : i32
      %gather3A_1552 = arith.constant 0 : i32
      %gather3A_1553 = arith.constant 0 : i32
      %gather3A_1554 = tpu.memref_slice %arg13[%gather3A_1551, %gather3A_1552, %gather3A_1553] : memref<2x128x128xf32, #tpu.memory_space<vmem>> -> memref<1x128x128xf32, #tpu.memory_space<vmem>>
      %gather3A_1555 = tpu.memref_squeeze %gather3A_1554 : memref<1x128x128xf32, #tpu.memory_space<vmem>> -> memref<128x128xf32, #tpu.memory_space<vmem>>
      %gather3A_1556 = tpu.vector_load_idx %gather3A_1555[%add3A_1538, %and3A_1363] : memref<128x128xf32, #tpu.memory_space<vmem>>[vector<16xi32>, vector<16xi32>], vector<16xf32>,
      %sub3A_1557 = arith.subf %gather3A_1550, %gather3A_1556 : vector<16xf32>
      %mul3A_1558 = arith.mulf %gather3A_1544, %sub3A_1557 : vector<16xf32>
      %add3A_1559 = arith.addf %add3A_1535, %mul3A_1558 : vector<16xf32>
      %add3A_1560 = arith.constant 8 : i32
      %add3A_1561 = vector.broadcast %add3A_1560 : i32 to vector<16xi32>
      %add3A_1562 = arith.addi %mul3A_1367, %add3A_1561 : vector<16xi32>
      %gather3A_1563 = arith.constant 0 : i32
      %gather3A_1564 = arith.constant 0 : i32
      %gather3A_1565 = arith.constant 0 : i32
      %gather3A_1566 = tpu.memref_slice %arg11[%gather3A_1563, %gather3A_1564, %gather3A_1565] : memref<2x128x128xf32, #tpu.memory_space<vmem>> -> memref<1x128x128xf32, #tpu.memory_space<vmem>>
      %gather3A_1567 = tpu.memref_squeeze %gather3A_1566 : memref<1x128x128xf32, #tpu.memory_space<vmem>> -> memref<128x128xf32, #tpu.memory_space<vmem>>
      %gather3A_1568 = tpu.vector_load_idx %gather3A_1567[%add3A_1562, %and3A_1357] : memref<128x128xf32, #tpu.memory_space<vmem>>[vector<16xi32>, vector<16xi32>], vector<16xf32>,
      %gather3A_1569 = arith.constant 0 : i32
      %gather3A_1570 = arith.constant 0 : i32
      %gather3A_1571 = arith.constant 0 : i32
      %gather3A_1572 = tpu.memref_slice %arg12[%gather3A_1569, %gather3A_1570, %gather3A_1571] : memref<2x128x128xf32, #tpu.memory_space<vmem>> -> memref<1x128x128xf32, #tpu.memory_space<vmem>>
      %gather3A_1573 = tpu.memref_squeeze %gather3A_1572 : memref<1x128x128xf32, #tpu.memory_space<vmem>> -> memref<128x128xf32, #tpu.memory_space<vmem>>
      %gather3A_1574 = tpu.vector_load_idx %gather3A_1573[%add3A_1562, %and3A_1360] : memref<128x128xf32, #tpu.memory_space<vmem>>[vector<16xi32>, vector<16xi32>], vector<16xf32>,
      %gather3A_1575 = arith.constant 0 : i32
      %gather3A_1576 = arith.constant 0 : i32
      %gather3A_1577 = arith.constant 0 : i32
      %gather3A_1578 = tpu.memref_slice %arg13[%gather3A_1575, %gather3A_1576, %gather3A_1577] : memref<2x128x128xf32, #tpu.memory_space<vmem>> -> memref<1x128x128xf32, #tpu.memory_space<vmem>>
      %gather3A_1579 = tpu.memref_squeeze %gather3A_1578 : memref<1x128x128xf32, #tpu.memory_space<vmem>> -> memref<128x128xf32, #tpu.memory_space<vmem>>
      %gather3A_1580 = tpu.vector_load_idx %gather3A_1579[%add3A_1562, %and3A_1363] : memref<128x128xf32, #tpu.memory_space<vmem>>[vector<16xi32>, vector<16xi32>], vector<16xf32>,
      %sub3A_1581 = arith.subf %gather3A_1574, %gather3A_1580 : vector<16xf32>
      %mul3A_1582 = arith.mulf %gather3A_1568, %sub3A_1581 : vector<16xf32>
      %add3A_1583 = arith.addf %add3A_1559, %mul3A_1582 : vector<16xf32>
      %add3A_1584 = arith.constant 9 : i32
      %add3A_1585 = vector.broadcast %add3A_1584 : i32 to vector<16xi32>
      %add3A_1586 = arith.addi %mul3A_1367, %add3A_1585 : vector<16xi32>
      %gather3A_1587 = arith.constant 0 : i32
      %gather3A_1588 = arith.constant 0 : i32
      %gather3A_1589 = arith.constant 0 : i32
      %gather3A_1590 = tpu.memref_slice %arg11[%gather3A_1587, %gather3A_1588, %gather3A_1589] : memref<2x128x128xf32, #tpu.memory_space<vmem>> -> memref<1x128x128xf32, #tpu.memory_space<vmem>>
      %gather3A_1591 = tpu.memref_squeeze %gather3A_1590 : memref<1x128x128xf32, #tpu.memory_space<vmem>> -> memref<128x128xf32, #tpu.memory_space<vmem>>
      %gather3A_1592 = tpu.vector_load_idx %gather3A_1591[%add3A_1586, %and3A_1357] : memref<128x128xf32, #tpu.memory_space<vmem>>[vector<16xi32>, vector<16xi32>], vector<16xf32>,
      %gather3A_1593 = arith.constant 0 : i32
      %gather3A_1594 = arith.constant 0 : i32
      %gather3A_1595 = arith.constant 0 : i32
      %gather3A_1596 = tpu.memref_slice %arg12[%gather3A_1593, %gather3A_1594, %gather3A_1595] : memref<2x128x128xf32, #tpu.memory_space<vmem>> -> memref<1x128x128xf32, #tpu.memory_space<vmem>>
      %gather3A_1597 = tpu.memref_squeeze %gather3A_1596 : memref<1x128x128xf32, #tpu.memory_space<vmem>> -> memref<128x128xf32, #tpu.memory_space<vmem>>
      %gather3A_1598 = tpu.vector_load_idx %gather3A_1597[%add3A_1586, %and3A_1360] : memref<128x128xf32, #tpu.memory_space<vmem>>[vector<16xi32>, vector<16xi32>], vector<16xf32>,
      %gather3A_1599 = arith.constant 0 : i32
      %gather3A_1600 = arith.constant 0 : i32
      %gather3A_1601 = arith.constant 0 : i32
      %gather3A_1602 = tpu.memref_slice %arg13[%gather3A_1599, %gather3A_1600, %gather3A_1601] : memref<2x128x128xf32, #tpu.memory_space<vmem>> -> memref<1x128x128xf32, #tpu.memory_space<vmem>>
      %gather3A_1603 = tpu.memref_squeeze %gather3A_1602 : memref<1x128x128xf32, #tpu.memory_space<vmem>> -> memref<128x128xf32, #tpu.memory_space<vmem>>
      %gather3A_1604 = tpu.vector_load_idx %gather3A_1603[%add3A_1586, %and3A_1363] : memref<128x128xf32, #tpu.memory_space<vmem>>[vector<16xi32>, vector<16xi32>], vector<16xf32>,
      %sub3A_1605 = arith.subf %gather3A_1598, %gather3A_1604 : vector<16xf32>
      %mul3A_1606 = arith.mulf %gather3A_1592, %sub3A_1605 : vector<16xf32>
      %add3A_1607 = arith.addf %add3A_1583, %mul3A_1606 : vector<16xf32>
      %add3A_1608 = arith.constant 10 : i32
      %add3A_1609 = vector.broadcast %add3A_1608 : i32 to vector<16xi32>
      %add3A_1610 = arith.addi %mul3A_1367, %add3A_1609 : vector<16xi32>
      %gather3A_1611 = arith.constant 0 : i32
      %gather3A_1612 = arith.constant 0 : i32
      %gather3A_1613 = arith.constant 0 : i32
      %gather3A_1614 = tpu.memref_slice %arg11[%gather3A_1611, %gather3A_1612, %gather3A_1613] : memref<2x128x128xf32, #tpu.memory_space<vmem>> -> memref<1x128x128xf32, #tpu.memory_space<vmem>>
      %gather3A_1615 = tpu.memref_squeeze %gather3A_1614 : memref<1x128x128xf32, #tpu.memory_space<vmem>> -> memref<128x128xf32, #tpu.memory_space<vmem>>
      %gather3A_1616 = tpu.vector_load_idx %gather3A_1615[%add3A_1610, %and3A_1357] : memref<128x128xf32, #tpu.memory_space<vmem>>[vector<16xi32>, vector<16xi32>], vector<16xf32>,
      %gather3A_1617 = arith.constant 0 : i32
      %gather3A_1618 = arith.constant 0 : i32
      %gather3A_1619 = arith.constant 0 : i32
      %gather3A_1620 = tpu.memref_slice %arg12[%gather3A_1617, %gather3A_1618, %gather3A_1619] : memref<2x128x128xf32, #tpu.memory_space<vmem>> -> memref<1x128x128xf32, #tpu.memory_space<vmem>>
      %gather3A_1621 = tpu.memref_squeeze %gather3A_1620 : memref<1x128x128xf32, #tpu.memory_space<vmem>> -> memref<128x128xf32, #tpu.memory_space<vmem>>
      %gather3A_1622 = tpu.vector_load_idx %gather3A_1621[%add3A_1610, %and3A_1360] : memref<128x128xf32, #tpu.memory_space<vmem>>[vector<16xi32>, vector<16xi32>], vector<16xf32>,
      %gather3A_1623 = arith.constant 0 : i32
      %gather3A_1624 = arith.constant 0 : i32
      %gather3A_1625 = arith.constant 0 : i32
      %gather3A_1626 = tpu.memref_slice %arg13[%gather3A_1623, %gather3A_1624, %gather3A_1625] : memref<2x128x128xf32, #tpu.memory_space<vmem>> -> memref<1x128x128xf32, #tpu.memory_space<vmem>>
      %gather3A_1627 = tpu.memref_squeeze %gather3A_1626 : memref<1x128x128xf32, #tpu.memory_space<vmem>> -> memref<128x128xf32, #tpu.memory_space<vmem>>
      %gather3A_1628 = tpu.vector_load_idx %gather3A_1627[%add3A_1610, %and3A_1363] : memref<128x128xf32, #tpu.memory_space<vmem>>[vector<16xi32>, vector<16xi32>], vector<16xf32>,
      %sub3A_1629 = arith.subf %gather3A_1622, %gather3A_1628 : vector<16xf32>
      %mul3A_1630 = arith.mulf %gather3A_1616, %sub3A_1629 : vector<16xf32>
      %add3A_1631 = arith.addf %add3A_1607, %mul3A_1630 : vector<16xf32>
      %add3A_1632 = arith.constant 11 : i32
      %add3A_1633 = vector.broadcast %add3A_1632 : i32 to vector<16xi32>
      %add3A_1634 = arith.addi %mul3A_1367, %add3A_1633 : vector<16xi32>
      %gather3A_1635 = arith.constant 0 : i32
      %gather3A_1636 = arith.constant 0 : i32
      %gather3A_1637 = arith.constant 0 : i32
      %gather3A_1638 = tpu.memref_slice %arg11[%gather3A_1635, %gather3A_1636, %gather3A_1637] : memref<2x128x128xf32, #tpu.memory_space<vmem>> -> memref<1x128x128xf32, #tpu.memory_space<vmem>>
      %gather3A_1639 = tpu.memref_squeeze %gather3A_1638 : memref<1x128x128xf32, #tpu.memory_space<vmem>> -> memref<128x128xf32, #tpu.memory_space<vmem>>
      %gather3A_1640 = tpu.vector_load_idx %gather3A_1639[%add3A_1634, %and3A_1357] : memref<128x128xf32, #tpu.memory_space<vmem>>[vector<16xi32>, vector<16xi32>], vector<16xf32>,
      %gather3A_1641 = arith.constant 0 : i32
      %gather3A_1642 = arith.constant 0 : i32
      %gather3A_1643 = arith.constant 0 : i32
      %gather3A_1644 = tpu.memref_slice %arg12[%gather3A_1641, %gather3A_1642, %gather3A_1643] : memref<2x128x128xf32, #tpu.memory_space<vmem>> -> memref<1x128x128xf32, #tpu.memory_space<vmem>>
      %gather3A_1645 = tpu.memref_squeeze %gather3A_1644 : memref<1x128x128xf32, #tpu.memory_space<vmem>> -> memref<128x128xf32, #tpu.memory_space<vmem>>
      %gather3A_1646 = tpu.vector_load_idx %gather3A_1645[%add3A_1634, %and3A_1360] : memref<128x128xf32, #tpu.memory_space<vmem>>[vector<16xi32>, vector<16xi32>], vector<16xf32>,
      %gather3A_1647 = arith.constant 0 : i32
      %gather3A_1648 = arith.constant 0 : i32
      %gather3A_1649 = arith.constant 0 : i32
      %gather3A_1650 = tpu.memref_slice %arg13[%gather3A_1647, %gather3A_1648, %gather3A_1649] : memref<2x128x128xf32, #tpu.memory_space<vmem>> -> memref<1x128x128xf32, #tpu.memory_space<vmem>>
      %gather3A_1651 = tpu.memref_squeeze %gather3A_1650 : memref<1x128x128xf32, #tpu.memory_space<vmem>> -> memref<128x128xf32, #tpu.memory_space<vmem>>
      %gather3A_1652 = tpu.vector_load_idx %gather3A_1651[%add3A_1634, %and3A_1363] : memref<128x128xf32, #tpu.memory_space<vmem>>[vector<16xi32>, vector<16xi32>], vector<16xf32>,
      %sub3A_1653 = arith.subf %gather3A_1646, %gather3A_1652 : vector<16xf32>
      %mul3A_1654 = arith.mulf %gather3A_1640, %sub3A_1653 : vector<16xf32>
      %add3A_1655 = arith.addf %add3A_1631, %mul3A_1654 : vector<16xf32>
      %add3A_1656 = arith.constant 12 : i32
      %add3A_1657 = vector.broadcast %add3A_1656 : i32 to vector<16xi32>
      %add3A_1658 = arith.addi %mul3A_1367, %add3A_1657 : vector<16xi32>
      %gather3A_1659 = arith.constant 0 : i32
      %gather3A_1660 = arith.constant 0 : i32
      %gather3A_1661 = arith.constant 0 : i32
      %gather3A_1662 = tpu.memref_slice %arg11[%gather3A_1659, %gather3A_1660, %gather3A_1661] : memref<2x128x128xf32, #tpu.memory_space<vmem>> -> memref<1x128x128xf32, #tpu.memory_space<vmem>>
      %gather3A_1663 = tpu.memref_squeeze %gather3A_1662 : memref<1x128x128xf32, #tpu.memory_space<vmem>> -> memref<128x128xf32, #tpu.memory_space<vmem>>
      %gather3A_1664 = tpu.vector_load_idx %gather3A_1663[%add3A_1658, %and3A_1357] : memref<128x128xf32, #tpu.memory_space<vmem>>[vector<16xi32>, vector<16xi32>], vector<16xf32>,
      %gather3A_1665 = arith.constant 0 : i32
      %gather3A_1666 = arith.constant 0 : i32
      %gather3A_1667 = arith.constant 0 : i32
      %gather3A_1668 = tpu.memref_slice %arg12[%gather3A_1665, %gather3A_1666, %gather3A_1667] : memref<2x128x128xf32, #tpu.memory_space<vmem>> -> memref<1x128x128xf32, #tpu.memory_space<vmem>>
      %gather3A_1669 = tpu.memref_squeeze %gather3A_1668 : memref<1x128x128xf32, #tpu.memory_space<vmem>> -> memref<128x128xf32, #tpu.memory_space<vmem>>
      %gather3A_1670 = tpu.vector_load_idx %gather3A_1669[%add3A_1658, %and3A_1360] : memref<128x128xf32, #tpu.memory_space<vmem>>[vector<16xi32>, vector<16xi32>], vector<16xf32>,
      %gather3A_1671 = arith.constant 0 : i32
      %gather3A_1672 = arith.constant 0 : i32
      %gather3A_1673 = arith.constant 0 : i32
      %gather3A_1674 = tpu.memref_slice %arg13[%gather3A_1671, %gather3A_1672, %gather3A_1673] : memref<2x128x128xf32, #tpu.memory_space<vmem>> -> memref<1x128x128xf32, #tpu.memory_space<vmem>>
      %gather3A_1675 = tpu.memref_squeeze %gather3A_1674 : memref<1x128x128xf32, #tpu.memory_space<vmem>> -> memref<128x128xf32, #tpu.memory_space<vmem>>
      %gather3A_1676 = tpu.vector_load_idx %gather3A_1675[%add3A_1658, %and3A_1363] : memref<128x128xf32, #tpu.memory_space<vmem>>[vector<16xi32>, vector<16xi32>], vector<16xf32>,
      %sub3A_1677 = arith.subf %gather3A_1670, %gather3A_1676 : vector<16xf32>
      %mul3A_1678 = arith.mulf %gather3A_1664, %sub3A_1677 : vector<16xf32>
      %add3A_1679 = arith.addf %add3A_1655, %mul3A_1678 : vector<16xf32>
      %add3A_1680 = arith.constant 13 : i32
      %add3A_1681 = vector.broadcast %add3A_1680 : i32 to vector<16xi32>
      %add3A_1682 = arith.addi %mul3A_1367, %add3A_1681 : vector<16xi32>
      %gather3A_1683 = arith.constant 0 : i32
      %gather3A_1684 = arith.constant 0 : i32
      %gather3A_1685 = arith.constant 0 : i32
      %gather3A_1686 = tpu.memref_slice %arg11[%gather3A_1683, %gather3A_1684, %gather3A_1685] : memref<2x128x128xf32, #tpu.memory_space<vmem>> -> memref<1x128x128xf32, #tpu.memory_space<vmem>>
      %gather3A_1687 = tpu.memref_squeeze %gather3A_1686 : memref<1x128x128xf32, #tpu.memory_space<vmem>> -> memref<128x128xf32, #tpu.memory_space<vmem>>
      %gather3A_1688 = tpu.vector_load_idx %gather3A_1687[%add3A_1682, %and3A_1357] : memref<128x128xf32, #tpu.memory_space<vmem>>[vector<16xi32>, vector<16xi32>], vector<16xf32>,
      %gather3A_1689 = arith.constant 0 : i32
      %gather3A_1690 = arith.constant 0 : i32
      %gather3A_1691 = arith.constant 0 : i32
      %gather3A_1692 = tpu.memref_slice %arg12[%gather3A_1689, %gather3A_1690, %gather3A_1691] : memref<2x128x128xf32, #tpu.memory_space<vmem>> -> memref<1x128x128xf32, #tpu.memory_space<vmem>>
      %gather3A_1693 = tpu.memref_squeeze %gather3A_1692 : memref<1x128x128xf32, #tpu.memory_space<vmem>> -> memref<128x128xf32, #tpu.memory_space<vmem>>
      %gather3A_1694 = tpu.vector_load_idx %gather3A_1693[%add3A_1682, %and3A_1360] : memref<128x128xf32, #tpu.memory_space<vmem>>[vector<16xi32>, vector<16xi32>], vector<16xf32>,
      %gather3A_1695 = arith.constant 0 : i32
      %gather3A_1696 = arith.constant 0 : i32
      %gather3A_1697 = arith.constant 0 : i32
      %gather3A_1698 = tpu.memref_slice %arg13[%gather3A_1695, %gather3A_1696, %gather3A_1697] : memref<2x128x128xf32, #tpu.memory_space<vmem>> -> memref<1x128x128xf32, #tpu.memory_space<vmem>>
      %gather3A_1699 = tpu.memref_squeeze %gather3A_1698 : memref<1x128x128xf32, #tpu.memory_space<vmem>> -> memref<128x128xf32, #tpu.memory_space<vmem>>
      %gather3A_1700 = tpu.vector_load_idx %gather3A_1699[%add3A_1682, %and3A_1363] : memref<128x128xf32, #tpu.memory_space<vmem>>[vector<16xi32>, vector<16xi32>], vector<16xf32>,
      %sub3A_1701 = arith.subf %gather3A_1694, %gather3A_1700 : vector<16xf32>
      %mul3A_1702 = arith.mulf %gather3A_1688, %sub3A_1701 : vector<16xf32>
      %add3A_1703 = arith.addf %add3A_1679, %mul3A_1702 : vector<16xf32>
      %add3A_1704 = arith.constant 14 : i32
      %add3A_1705 = vector.broadcast %add3A_1704 : i32 to vector<16xi32>
      %add3A_1706 = arith.addi %mul3A_1367, %add3A_1705 : vector<16xi32>
      %gather3A_1707 = arith.constant 0 : i32
      %gather3A_1708 = arith.constant 0 : i32
      %gather3A_1709 = arith.constant 0 : i32
      %gather3A_1710 = tpu.memref_slice %arg11[%gather3A_1707, %gather3A_1708, %gather3A_1709] : memref<2x128x128xf32, #tpu.memory_space<vmem>> -> memref<1x128x128xf32, #tpu.memory_space<vmem>>
      %gather3A_1711 = tpu.memref_squeeze %gather3A_1710 : memref<1x128x128xf32, #tpu.memory_space<vmem>> -> memref<128x128xf32, #tpu.memory_space<vmem>>
      %gather3A_1712 = tpu.vector_load_idx %gather3A_1711[%add3A_1706, %and3A_1357] : memref<128x128xf32, #tpu.memory_space<vmem>>[vector<16xi32>, vector<16xi32>], vector<16xf32>,
      %gather3A_1713 = arith.constant 0 : i32
      %gather3A_1714 = arith.constant 0 : i32
      %gather3A_1715 = arith.constant 0 : i32
      %gather3A_1716 = tpu.memref_slice %arg12[%gather3A_1713, %gather3A_1714, %gather3A_1715] : memref<2x128x128xf32, #tpu.memory_space<vmem>> -> memref<1x128x128xf32, #tpu.memory_space<vmem>>
      %gather3A_1717 = tpu.memref_squeeze %gather3A_1716 : memref<1x128x128xf32, #tpu.memory_space<vmem>> -> memref<128x128xf32, #tpu.memory_space<vmem>>
      %gather3A_1718 = tpu.vector_load_idx %gather3A_1717[%add3A_1706, %and3A_1360] : memref<128x128xf32, #tpu.memory_space<vmem>>[vector<16xi32>, vector<16xi32>], vector<16xf32>,
      %gather3A_1719 = arith.constant 0 : i32
      %gather3A_1720 = arith.constant 0 : i32
      %gather3A_1721 = arith.constant 0 : i32
      %gather3A_1722 = tpu.memref_slice %arg13[%gather3A_1719, %gather3A_1720, %gather3A_1721] : memref<2x128x128xf32, #tpu.memory_space<vmem>> -> memref<1x128x128xf32, #tpu.memory_space<vmem>>
      %gather3A_1723 = tpu.memref_squeeze %gather3A_1722 : memref<1x128x128xf32, #tpu.memory_space<vmem>> -> memref<128x128xf32, #tpu.memory_space<vmem>>
      %gather3A_1724 = tpu.vector_load_idx %gather3A_1723[%add3A_1706, %and3A_1363] : memref<128x128xf32, #tpu.memory_space<vmem>>[vector<16xi32>, vector<16xi32>], vector<16xf32>,
      %sub3A_1725 = arith.subf %gather3A_1718, %gather3A_1724 : vector<16xf32>
      %mul3A_1726 = arith.mulf %gather3A_1712, %sub3A_1725 : vector<16xf32>
      %add3A_1727 = arith.addf %add3A_1703, %mul3A_1726 : vector<16xf32>
      %add3A_1728 = arith.constant 15 : i32
      %add3A_1729 = vector.broadcast %add3A_1728 : i32 to vector<16xi32>
      %add3A_1730 = arith.addi %mul3A_1367, %add3A_1729 : vector<16xi32>
      %gather3A_1731 = arith.constant 0 : i32
      %gather3A_1732 = arith.constant 0 : i32
      %gather3A_1733 = arith.constant 0 : i32
      %gather3A_1734 = tpu.memref_slice %arg11[%gather3A_1731, %gather3A_1732, %gather3A_1733] : memref<2x128x128xf32, #tpu.memory_space<vmem>> -> memref<1x128x128xf32, #tpu.memory_space<vmem>>
      %gather3A_1735 = tpu.memref_squeeze %gather3A_1734 : memref<1x128x128xf32, #tpu.memory_space<vmem>> -> memref<128x128xf32, #tpu.memory_space<vmem>>
      %gather3A_1736 = tpu.vector_load_idx %gather3A_1735[%add3A_1730, %and3A_1357] : memref<128x128xf32, #tpu.memory_space<vmem>>[vector<16xi32>, vector<16xi32>], vector<16xf32>,
      %gather3A_1737 = arith.constant 0 : i32
      %gather3A_1738 = arith.constant 0 : i32
      %gather3A_1739 = arith.constant 0 : i32
      %gather3A_1740 = tpu.memref_slice %arg12[%gather3A_1737, %gather3A_1738, %gather3A_1739] : memref<2x128x128xf32, #tpu.memory_space<vmem>> -> memref<1x128x128xf32, #tpu.memory_space<vmem>>
      %gather3A_1741 = tpu.memref_squeeze %gather3A_1740 : memref<1x128x128xf32, #tpu.memory_space<vmem>> -> memref<128x128xf32, #tpu.memory_space<vmem>>
      %gather3A_1742 = tpu.vector_load_idx %gather3A_1741[%add3A_1730, %and3A_1360] : memref<128x128xf32, #tpu.memory_space<vmem>>[vector<16xi32>, vector<16xi32>], vector<16xf32>,
      %gather3A_1743 = arith.constant 0 : i32
      %gather3A_1744 = arith.constant 0 : i32
      %gather3A_1745 = arith.constant 0 : i32
      %gather3A_1746 = tpu.memref_slice %arg13[%gather3A_1743, %gather3A_1744, %gather3A_1745] : memref<2x128x128xf32, #tpu.memory_space<vmem>> -> memref<1x128x128xf32, #tpu.memory_space<vmem>>
      %gather3A_1747 = tpu.memref_squeeze %gather3A_1746 : memref<1x128x128xf32, #tpu.memory_space<vmem>> -> memref<128x128xf32, #tpu.memory_space<vmem>>
      %gather3A_1748 = tpu.vector_load_idx %gather3A_1747[%add3A_1730, %and3A_1363] : memref<128x128xf32, #tpu.memory_space<vmem>>[vector<16xi32>, vector<16xi32>], vector<16xf32>,
      %sub3A_1749 = arith.subf %gather3A_1742, %gather3A_1748 : vector<16xf32>
      %mul3A_1750 = arith.mulf %gather3A_1736, %sub3A_1749 : vector<16xf32>
      %add3A_1751 = arith.addf %add3A_1727, %mul3A_1750 : vector<16xf32>
      %add3A_1752 = vector.broadcast %mul3A_1349 : i32 to vector<16xi32>
      %add3A_1753 = arith.addi %add3A_1752, %iota3A : vector<16xi32>
      tpu.vector_store_idx %arg14[%add3A_1753], %add3A_1751 masked %lt3A_10 : memref<512xf32, #tpu.memory_space<vmem>>[vector<16xi32>], vector<16xf32>, vector<16xi1>
      %lt3A_1754 = arith.constant 31 : i32
      %lt3A_1755 = arith.cmpi slt, %scan3A_496, %lt3A_1754 : i32
      %convert_element_type3A = arith.extui %lt3A_1755 : i1 to i32
      %cond3A = arith.constant 0 : i32
      %cond3A_1756 = arith.cmpi ne, %convert_element_type3A, %cond3A : i32
      scf.if %cond3A_1756 {
        %add3A_2530 = arith.constant 2 : i32
        %add3A_2531 = arith.addi %mul3A_498, %add3A_2530 : i32
        %mul3A_2532 = arith.constant 8 : i32
        %mul3A_2533 = arith.muli %add3A_2531, %mul3A_2532 : i32
        %get3A_2534 = arith.index_cast %mul3A_2533 : i32 to index
        %get3A_2535 = tpu.vector_load %arg8[%get3A_2534] {strides = array<i32>} : memref<528xi32, #tpu.memory_space<vmem>>, vector<16xi32>,
        %get3A_2536 = arith.index_cast %mul3A_2533 : i32 to index
        %get3A_2537 = tpu.vector_load %arg9[%get3A_2536] {strides = array<i32>} : memref<528xi32, #tpu.memory_space<vmem>>, vector<16xi32>,
        %get3A_2538 = arith.index_cast %mul3A_2533 : i32 to index
        %get3A_2539 = tpu.vector_load %arg10[%get3A_2538] {strides = array<i32>} : memref<528xi32, #tpu.memory_space<vmem>>, vector<16xi32>,
        %slice3A_2540 = vector.extract_strided_slice %get3A_2535 {offsets = [0], sizes = [1], strides = [1]} : vector<16xi32> to vector<1xi32>
        %squeeze3A_2541 = vector.extract %slice3A_2540[0] : i32 from vector<1xi32>
        %shift_right_arithmetic3A_2542 = arith.constant 7 : i32
        %shift_right_arithmetic3A_2543 = arith.shrsi %squeeze3A_2541, %shift_right_arithmetic3A_2542 : i32
        %mul3A_2544 = arith.constant 128 : i32
        %mul3A_2545 = arith.muli %shift_right_arithmetic3A_2543, %mul3A_2544 : i32
        %multiple_of3A_2546 = tpu.assume_multiple %mul3A_2545, 128 : i32
        %slice3A_2547 = vector.extract_strided_slice %get3A_2537 {offsets = [0], sizes = [1], strides = [1]} : vector<16xi32> to vector<1xi32>
        %squeeze3A_2548 = vector.extract %slice3A_2547[0] : i32 from vector<1xi32>
        %shift_right_arithmetic3A_2549 = arith.constant 7 : i32
        %shift_right_arithmetic3A_2550 = arith.shrsi %squeeze3A_2548, %shift_right_arithmetic3A_2549 : i32
        %mul3A_2551 = arith.constant 128 : i32
        %mul3A_2552 = arith.muli %shift_right_arithmetic3A_2550, %mul3A_2551 : i32
        %multiple_of3A_2553 = tpu.assume_multiple %mul3A_2552, 128 : i32
        %slice3A_2554 = vector.extract_strided_slice %get3A_2539 {offsets = [0], sizes = [1], strides = [1]} : vector<16xi32> to vector<1xi32>
        %squeeze3A_2555 = vector.extract %slice3A_2554[0] : i32 from vector<1xi32>
        %shift_right_arithmetic3A_2556 = arith.constant 7 : i32
        %shift_right_arithmetic3A_2557 = arith.shrsi %squeeze3A_2555, %shift_right_arithmetic3A_2556 : i32
        %mul3A_2558 = arith.constant 128 : i32
        %mul3A_2559 = arith.muli %shift_right_arithmetic3A_2557, %mul3A_2558 : i32
        %multiple_of3A_2560 = tpu.assume_multiple %mul3A_2559, 128 : i32
        %dma_start3A_2561 = arith.constant 0 : i32
        %dma_start3A_2562 = arith.constant 0 : i32
        %dma_start3A_2563 = arith.constant 0 : i32
        %dma_start3A_2564 = tpu.memref_slice %arg11[%dma_start3A_2561, %dma_start3A_2562, %dma_start3A_2563] : memref<2x128x128xf32, #tpu.memory_space<vmem>> -> memref<1x16x128xf32, #tpu.memory_space<vmem>>
        %dma_start3A_2565 = tpu.memref_squeeze %dma_start3A_2564 : memref<1x16x128xf32, #tpu.memory_space<vmem>> -> memref<16x128xf32, #tpu.memory_space<vmem>>
        %dma_start3A_2566 = arith.constant 0 : i32
        %dma_start3A_2567 = tpu.memref_slice %arg2[%dma_start3A_2566, %multiple_of3A_2546] : memref<16x1000000xf32, #tpu.memory_space<hbm>> -> memref<16x128xf32, #tpu.memory_space<hbm>>
        %dma_start3A_2568 = arith.constant 0 : i32
        %dma_start3A_2569 = arith.constant 0 : i32
        %dma_start3A_2570 = tpu.memref_slice %arg11[%dma_start3A_2561, %dma_start3A_2568, %dma_start3A_2569] : memref<2x128x128xf32, #tpu.memory_space<vmem>> -> memref<1x16x128xf32, #tpu.memory_space<vmem>>
        %dma_start3A_2571 = tpu.memref_squeeze %dma_start3A_2570 : memref<1x16x128xf32, #tpu.memory_space<vmem>> -> memref<16x128xf32, #tpu.memory_space<vmem>>
        %dma_start3A_2572 = arith.constant 0 : i32
        %dma_start3A_2573 = tpu.memref_slice %arg2[%dma_start3A_2572, %multiple_of3A_2546] : memref<16x1000000xf32, #tpu.memory_space<hbm>> -> memref<16x128xf32, #tpu.memory_space<hbm>>
        tpu.enqueue_dma source(%dma_start3A_2573 : memref<16x128xf32, #tpu.memory_space<hbm>>) target(%dma_start3A_2571 : memref<16x128xf32, #tpu.memory_space<vmem>>) target_semaphore(%arg15 : memref<!tpu.dma_semaphore, #tpu.memory_space<semaphore_mem>>)
        %dma_start3A_2574 = arith.constant 0 : i32
        %dma_start3A_2575 = arith.constant 0 : i32
        %dma_start3A_2576 = arith.constant 0 : i32
        %dma_start3A_2577 = tpu.memref_slice %arg12[%dma_start3A_2574, %dma_start3A_2575, %dma_start3A_2576] : memref<2x128x128xf32, #tpu.memory_space<vmem>> -> memref<1x16x128xf32, #tpu.memory_space<vmem>>
        %dma_start3A_2578 = tpu.memref_squeeze %dma_start3A_2577 : memref<1x16x128xf32, #tpu.memory_space<vmem>> -> memref<16x128xf32, #tpu.memory_space<vmem>>
        %dma_start3A_2579 = arith.constant 0 : i32
        %dma_start3A_2580 = tpu.memref_slice %arg3[%dma_start3A_2579, %multiple_of3A_2553] : memref<16x1000000xf32, #tpu.memory_space<hbm>> -> memref<16x128xf32, #tpu.memory_space<hbm>>
        %dma_start3A_2581 = arith.constant 0 : i32
        %dma_start3A_2582 = arith.constant 0 : i32
        %dma_start3A_2583 = tpu.memref_slice %arg12[%dma_start3A_2574, %dma_start3A_2581, %dma_start3A_2582] : memref<2x128x128xf32, #tpu.memory_space<vmem>> -> memref<1x16x128xf32, #tpu.memory_space<vmem>>
        %dma_start3A_2584 = tpu.memref_squeeze %dma_start3A_2583 : memref<1x16x128xf32, #tpu.memory_space<vmem>> -> memref<16x128xf32, #tpu.memory_space<vmem>>
        %dma_start3A_2585 = arith.constant 0 : i32
        %dma_start3A_2586 = tpu.memref_slice %arg3[%dma_start3A_2585, %multiple_of3A_2553] : memref<16x1000000xf32, #tpu.memory_space<hbm>> -> memref<16x128xf32, #tpu.memory_space<hbm>>
        tpu.enqueue_dma source(%dma_start3A_2586 : memref<16x128xf32, #tpu.memory_space<hbm>>) target(%dma_start3A_2584 : memref<16x128xf32, #tpu.memory_space<vmem>>) target_semaphore(%arg16 : memref<!tpu.dma_semaphore, #tpu.memory_space<semaphore_mem>>)
        %dma_start3A_2587 = arith.constant 0 : i32
        %dma_start3A_2588 = arith.constant 0 : i32
        %dma_start3A_2589 = arith.constant 0 : i32
        %dma_start3A_2590 = tpu.memref_slice %arg13[%dma_start3A_2587, %dma_start3A_2588, %dma_start3A_2589] : memref<2x128x128xf32, #tpu.memory_space<vmem>> -> memref<1x16x128xf32, #tpu.memory_space<vmem>>
        %dma_start3A_2591 = tpu.memref_squeeze %dma_start3A_2590 : memref<1x16x128xf32, #tpu.memory_space<vmem>> -> memref<16x128xf32, #tpu.memory_space<vmem>>
        %dma_start3A_2592 = arith.constant 0 : i32
        %dma_start3A_2593 = tpu.memref_slice %arg3[%dma_start3A_2592, %multiple_of3A_2560] : memref<16x1000000xf32, #tpu.memory_space<hbm>> -> memref<16x128xf32, #tpu.memory_space<hbm>>
        %dma_start3A_2594 = arith.constant 0 : i32
        %dma_start3A_2595 = arith.constant 0 : i32
        %dma_start3A_2596 = tpu.memref_slice %arg13[%dma_start3A_2587, %dma_start3A_2594, %dma_start3A_2595] : memref<2x128x128xf32, #tpu.memory_space<vmem>> -> memref<1x16x128xf32, #tpu.memory_space<vmem>>
        %dma_start3A_2597 = tpu.memref_squeeze %dma_start3A_2596 : memref<1x16x128xf32, #tpu.memory_space<vmem>> -> memref<16x128xf32, #tpu.memory_space<vmem>>
        %dma_start3A_2598 = arith.constant 0 : i32
        %dma_start3A_2599 = tpu.memref_slice %arg3[%dma_start3A_2598, %multiple_of3A_2560] : memref<16x1000000xf32, #tpu.memory_space<hbm>> -> memref<16x128xf32, #tpu.memory_space<hbm>>
        tpu.enqueue_dma source(%dma_start3A_2599 : memref<16x128xf32, #tpu.memory_space<hbm>>) target(%dma_start3A_2597 : memref<16x128xf32, #tpu.memory_space<vmem>>) target_semaphore(%arg17 : memref<!tpu.dma_semaphore, #tpu.memory_space<semaphore_mem>>)
        %slice3A_2600 = vector.extract_strided_slice %get3A_2535 {offsets = [1], sizes = [1], strides = [1]} : vector<16xi32> to vector<1xi32>
        %squeeze3A_2601 = vector.extract %slice3A_2600[0] : i32 from vector<1xi32>
        %shift_right_arithmetic3A_2602 = arith.constant 7 : i32
        %shift_right_arithmetic3A_2603 = arith.shrsi %squeeze3A_2601, %shift_right_arithmetic3A_2602 : i32
        %mul3A_2604 = arith.constant 128 : i32
        %mul3A_2605 = arith.muli %shift_right_arithmetic3A_2603, %mul3A_2604 : i32
        %multiple_of3A_2606 = tpu.assume_multiple %mul3A_2605, 128 : i32
        %slice3A_2607 = vector.extract_strided_slice %get3A_2537 {offsets = [1], sizes = [1], strides = [1]} : vector<16xi32> to vector<1xi32>
        %squeeze3A_2608 = vector.extract %slice3A_2607[0] : i32 from vector<1xi32>
        %shift_right_arithmetic3A_2609 = arith.constant 7 : i32
        %shift_right_arithmetic3A_2610 = arith.shrsi %squeeze3A_2608, %shift_right_arithmetic3A_2609 : i32
        %mul3A_2611 = arith.constant 128 : i32
        %mul3A_2612 = arith.muli %shift_right_arithmetic3A_2610, %mul3A_2611 : i32
        %multiple_of3A_2613 = tpu.assume_multiple %mul3A_2612, 128 : i32
        %slice3A_2614 = vector.extract_strided_slice %get3A_2539 {offsets = [1], sizes = [1], strides = [1]} : vector<16xi32> to vector<1xi32>
        %squeeze3A_2615 = vector.extract %slice3A_2614[0] : i32 from vector<1xi32>
        %shift_right_arithmetic3A_2616 = arith.constant 7 : i32
        %shift_right_arithmetic3A_2617 = arith.shrsi %squeeze3A_2615, %shift_right_arithmetic3A_2616 : i32
        %mul3A_2618 = arith.constant 128 : i32
        %mul3A_2619 = arith.muli %shift_right_arithmetic3A_2617, %mul3A_2618 : i32
        %multiple_of3A_2620 = tpu.assume_multiple %mul3A_2619, 128 : i32
        %dma_start3A_2621 = arith.constant 0 : i32
        %dma_start3A_2622 = arith.constant 16 : i32
        %dma_start3A_2623 = arith.constant 0 : i32
        %dma_start3A_2624 = tpu.memref_slice %arg11[%dma_start3A_2621, %dma_start3A_2622, %dma_start3A_2623] : memref<2x128x128xf32, #tpu.memory_space<vmem>> -> memref<1x16x128xf32, #tpu.memory_space<vmem>>
        %dma_start3A_2625 = tpu.memref_squeeze %dma_start3A_2624 : memref<1x16x128xf32, #tpu.memory_space<vmem>> -> memref<16x128xf32, #tpu.memory_space<vmem>>
        %dma_start3A_2626 = arith.constant 0 : i32
        %dma_start3A_2627 = tpu.memref_slice %arg2[%dma_start3A_2626, %multiple_of3A_2606] : memref<16x1000000xf32, #tpu.memory_space<hbm>> -> memref<16x128xf32, #tpu.memory_space<hbm>>
        %dma_start3A_2628 = arith.constant 16 : i32
        %dma_start3A_2629 = arith.constant 0 : i32
        %dma_start3A_2630 = tpu.memref_slice %arg11[%dma_start3A_2621, %dma_start3A_2628, %dma_start3A_2629] : memref<2x128x128xf32, #tpu.memory_space<vmem>> -> memref<1x16x128xf32, #tpu.memory_space<vmem>>
        %dma_start3A_2631 = tpu.memref_squeeze %dma_start3A_2630 : memref<1x16x128xf32, #tpu.memory_space<vmem>> -> memref<16x128xf32, #tpu.memory_space<vmem>>
        %dma_start3A_2632 = arith.constant 0 : i32
        %dma_start3A_2633 = tpu.memref_slice %arg2[%dma_start3A_2632, %multiple_of3A_2606] : memref<16x1000000xf32, #tpu.memory_space<hbm>> -> memref<16x128xf32, #tpu.memory_space<hbm>>
        tpu.enqueue_dma source(%dma_start3A_2633 : memref<16x128xf32, #tpu.memory_space<hbm>>) target(%dma_start3A_2631 : memref<16x128xf32, #tpu.memory_space<vmem>>) target_semaphore(%arg15 : memref<!tpu.dma_semaphore, #tpu.memory_space<semaphore_mem>>)
        %dma_start3A_2634 = arith.constant 0 : i32
        %dma_start3A_2635 = arith.constant 16 : i32
        %dma_start3A_2636 = arith.constant 0 : i32
        %dma_start3A_2637 = tpu.memref_slice %arg12[%dma_start3A_2634, %dma_start3A_2635, %dma_start3A_2636] : memref<2x128x128xf32, #tpu.memory_space<vmem>> -> memref<1x16x128xf32, #tpu.memory_space<vmem>>
        %dma_start3A_2638 = tpu.memref_squeeze %dma_start3A_2637 : memref<1x16x128xf32, #tpu.memory_space<vmem>> -> memref<16x128xf32, #tpu.memory_space<vmem>>
        %dma_start3A_2639 = arith.constant 0 : i32
        %dma_start3A_2640 = tpu.memref_slice %arg3[%dma_start3A_2639, %multiple_of3A_2613] : memref<16x1000000xf32, #tpu.memory_space<hbm>> -> memref<16x128xf32, #tpu.memory_space<hbm>>
        %dma_start3A_2641 = arith.constant 16 : i32
        %dma_start3A_2642 = arith.constant 0 : i32
        %dma_start3A_2643 = tpu.memref_slice %arg12[%dma_start3A_2634, %dma_start3A_2641, %dma_start3A_2642] : memref<2x128x128xf32, #tpu.memory_space<vmem>> -> memref<1x16x128xf32, #tpu.memory_space<vmem>>
        %dma_start3A_2644 = tpu.memref_squeeze %dma_start3A_2643 : memref<1x16x128xf32, #tpu.memory_space<vmem>> -> memref<16x128xf32, #tpu.memory_space<vmem>>
        %dma_start3A_2645 = arith.constant 0 : i32
        %dma_start3A_2646 = tpu.memref_slice %arg3[%dma_start3A_2645, %multiple_of3A_2613] : memref<16x1000000xf32, #tpu.memory_space<hbm>> -> memref<16x128xf32, #tpu.memory_space<hbm>>
        tpu.enqueue_dma source(%dma_start3A_2646 : memref<16x128xf32, #tpu.memory_space<hbm>>) target(%dma_start3A_2644 : memref<16x128xf32, #tpu.memory_space<vmem>>) target_semaphore(%arg16 : memref<!tpu.dma_semaphore, #tpu.memory_space<semaphore_mem>>)
        %dma_start3A_2647 = arith.constant 0 : i32
        %dma_start3A_2648 = arith.constant 16 : i32
        %dma_start3A_2649 = arith.constant 0 : i32
        %dma_start3A_2650 = tpu.memref_slice %arg13[%dma_start3A_2647, %dma_start3A_2648, %dma_start3A_2649] : memref<2x128x128xf32, #tpu.memory_space<vmem>> -> memref<1x16x128xf32, #tpu.memory_space<vmem>>
        %dma_start3A_2651 = tpu.memref_squeeze %dma_start3A_2650 : memref<1x16x128xf32, #tpu.memory_space<vmem>> -> memref<16x128xf32, #tpu.memory_space<vmem>>
        %dma_start3A_2652 = arith.constant 0 : i32
        %dma_start3A_2653 = tpu.memref_slice %arg3[%dma_start3A_2652, %multiple_of3A_2620] : memref<16x1000000xf32, #tpu.memory_space<hbm>> -> memref<16x128xf32, #tpu.memory_space<hbm>>
        %dma_start3A_2654 = arith.constant 16 : i32
        %dma_start3A_2655 = arith.constant 0 : i32
        %dma_start3A_2656 = tpu.memref_slice %arg13[%dma_start3A_2647, %dma_start3A_2654, %dma_start3A_2655] : memref<2x128x128xf32, #tpu.memory_space<vmem>> -> memref<1x16x128xf32, #tpu.memory_space<vmem>>
        %dma_start3A_2657 = tpu.memref_squeeze %dma_start3A_2656 : memref<1x16x128xf32, #tpu.memory_space<vmem>> -> memref<16x128xf32, #tpu.memory_space<vmem>>
        %dma_start3A_2658 = arith.constant 0 : i32
        %dma_start3A_2659 = tpu.memref_slice %arg3[%dma_start3A_2658, %multiple_of3A_2620] : memref<16x1000000xf32, #tpu.memory_space<hbm>> -> memref<16x128xf32, #tpu.memory_space<hbm>>
        tpu.enqueue_dma source(%dma_start3A_2659 : memref<16x128xf32, #tpu.memory_space<hbm>>) target(%dma_start3A_2657 : memref<16x128xf32, #tpu.memory_space<vmem>>) target_semaphore(%arg17 : memref<!tpu.dma_semaphore, #tpu.memory_space<semaphore_mem>>)
        %slice3A_2660 = vector.extract_strided_slice %get3A_2535 {offsets = [2], sizes = [1], strides = [1]} : vector<16xi32> to vector<1xi32>
        %squeeze3A_2661 = vector.extract %slice3A_2660[0] : i32 from vector<1xi32>
        %shift_right_arithmetic3A_2662 = arith.constant 7 : i32
        %shift_right_arithmetic3A_2663 = arith.shrsi %squeeze3A_2661, %shift_right_arithmetic3A_2662 : i32
        %mul3A_2664 = arith.constant 128 : i32
        %mul3A_2665 = arith.muli %shift_right_arithmetic3A_2663, %mul3A_2664 : i32
        %multiple_of3A_2666 = tpu.assume_multiple %mul3A_2665, 128 : i32
        %slice3A_2667 = vector.extract_strided_slice %get3A_2537 {offsets = [2], sizes = [1], strides = [1]} : vector<16xi32> to vector<1xi32>
        %squeeze3A_2668 = vector.extract %slice3A_2667[0] : i32 from vector<1xi32>
        %shift_right_arithmetic3A_2669 = arith.constant 7 : i32
        %shift_right_arithmetic3A_2670 = arith.shrsi %squeeze3A_2668, %shift_right_arithmetic3A_2669 : i32
        %mul3A_2671 = arith.constant 128 : i32
        %mul3A_2672 = arith.muli %shift_right_arithmetic3A_2670, %mul3A_2671 : i32
        %multiple_of3A_2673 = tpu.assume_multiple %mul3A_2672, 128 : i32
        %slice3A_2674 = vector.extract_strided_slice %get3A_2539 {offsets = [2], sizes = [1], strides = [1]} : vector<16xi32> to vector<1xi32>
        %squeeze3A_2675 = vector.extract %slice3A_2674[0] : i32 from vector<1xi32>
        %shift_right_arithmetic3A_2676 = arith.constant 7 : i32
        %shift_right_arithmetic3A_2677 = arith.shrsi %squeeze3A_2675, %shift_right_arithmetic3A_2676 : i32
        %mul3A_2678 = arith.constant 128 : i32
        %mul3A_2679 = arith.muli %shift_right_arithmetic3A_2677, %mul3A_2678 : i32
        %multiple_of3A_2680 = tpu.assume_multiple %mul3A_2679, 128 : i32
        %dma_start3A_2681 = arith.constant 0 : i32
        %dma_start3A_2682 = arith.constant 32 : i32
        %dma_start3A_2683 = arith.constant 0 : i32
        %dma_start3A_2684 = tpu.memref_slice %arg11[%dma_start3A_2681, %dma_start3A_2682, %dma_start3A_2683] : memref<2x128x128xf32, #tpu.memory_space<vmem>> -> memref<1x16x128xf32, #tpu.memory_space<vmem>>
        %dma_start3A_2685 = tpu.memref_squeeze %dma_start3A_2684 : memref<1x16x128xf32, #tpu.memory_space<vmem>> -> memref<16x128xf32, #tpu.memory_space<vmem>>
        %dma_start3A_2686 = arith.constant 0 : i32
        %dma_start3A_2687 = tpu.memref_slice %arg2[%dma_start3A_2686, %multiple_of3A_2666] : memref<16x1000000xf32, #tpu.memory_space<hbm>> -> memref<16x128xf32, #tpu.memory_space<hbm>>
        %dma_start3A_2688 = arith.constant 32 : i32
        %dma_start3A_2689 = arith.constant 0 : i32
        %dma_start3A_2690 = tpu.memref_slice %arg11[%dma_start3A_2681, %dma_start3A_2688, %dma_start3A_2689] : memref<2x128x128xf32, #tpu.memory_space<vmem>> -> memref<1x16x128xf32, #tpu.memory_space<vmem>>
        %dma_start3A_2691 = tpu.memref_squeeze %dma_start3A_2690 : memref<1x16x128xf32, #tpu.memory_space<vmem>> -> memref<16x128xf32, #tpu.memory_space<vmem>>
        %dma_start3A_2692 = arith.constant 0 : i32
        %dma_start3A_2693 = tpu.memref_slice %arg2[%dma_start3A_2692, %multiple_of3A_2666] : memref<16x1000000xf32, #tpu.memory_space<hbm>> -> memref<16x128xf32, #tpu.memory_space<hbm>>
        tpu.enqueue_dma source(%dma_start3A_2693 : memref<16x128xf32, #tpu.memory_space<hbm>>) target(%dma_start3A_2691 : memref<16x128xf32, #tpu.memory_space<vmem>>) target_semaphore(%arg15 : memref<!tpu.dma_semaphore, #tpu.memory_space<semaphore_mem>>)
        %dma_start3A_2694 = arith.constant 0 : i32
        %dma_start3A_2695 = arith.constant 32 : i32
        %dma_start3A_2696 = arith.constant 0 : i32
        %dma_start3A_2697 = tpu.memref_slice %arg12[%dma_start3A_2694, %dma_start3A_2695, %dma_start3A_2696] : memref<2x128x128xf32, #tpu.memory_space<vmem>> -> memref<1x16x128xf32, #tpu.memory_space<vmem>>
        %dma_start3A_2698 = tpu.memref_squeeze %dma_start3A_2697 : memref<1x16x128xf32, #tpu.memory_space<vmem>> -> memref<16x128xf32, #tpu.memory_space<vmem>>
        %dma_start3A_2699 = arith.constant 0 : i32
        %dma_start3A_2700 = tpu.memref_slice %arg3[%dma_start3A_2699, %multiple_of3A_2673] : memref<16x1000000xf32, #tpu.memory_space<hbm>> -> memref<16x128xf32, #tpu.memory_space<hbm>>
        %dma_start3A_2701 = arith.constant 32 : i32
        %dma_start3A_2702 = arith.constant 0 : i32
        %dma_start3A_2703 = tpu.memref_slice %arg12[%dma_start3A_2694, %dma_start3A_2701, %dma_start3A_2702] : memref<2x128x128xf32, #tpu.memory_space<vmem>> -> memref<1x16x128xf32, #tpu.memory_space<vmem>>
        %dma_start3A_2704 = tpu.memref_squeeze %dma_start3A_2703 : memref<1x16x128xf32, #tpu.memory_space<vmem>> -> memref<16x128xf32, #tpu.memory_space<vmem>>
        %dma_start3A_2705 = arith.constant 0 : i32
        %dma_start3A_2706 = tpu.memref_slice %arg3[%dma_start3A_2705, %multiple_of3A_2673] : memref<16x1000000xf32, #tpu.memory_space<hbm>> -> memref<16x128xf32, #tpu.memory_space<hbm>>
        tpu.enqueue_dma source(%dma_start3A_2706 : memref<16x128xf32, #tpu.memory_space<hbm>>) target(%dma_start3A_2704 : memref<16x128xf32, #tpu.memory_space<vmem>>) target_semaphore(%arg16 : memref<!tpu.dma_semaphore, #tpu.memory_space<semaphore_mem>>)
        %dma_start3A_2707 = arith.constant 0 : i32
        %dma_start3A_2708 = arith.constant 32 : i32
        %dma_start3A_2709 = arith.constant 0 : i32
        %dma_start3A_2710 = tpu.memref_slice %arg13[%dma_start3A_2707, %dma_start3A_2708, %dma_start3A_2709] : memref<2x128x128xf32, #tpu.memory_space<vmem>> -> memref<1x16x128xf32, #tpu.memory_space<vmem>>
        %dma_start3A_2711 = tpu.memref_squeeze %dma_start3A_2710 : memref<1x16x128xf32, #tpu.memory_space<vmem>> -> memref<16x128xf32, #tpu.memory_space<vmem>>
        %dma_start3A_2712 = arith.constant 0 : i32
        %dma_start3A_2713 = tpu.memref_slice %arg3[%dma_start3A_2712, %multiple_of3A_2680] : memref<16x1000000xf32, #tpu.memory_space<hbm>> -> memref<16x128xf32, #tpu.memory_space<hbm>>
        %dma_start3A_2714 = arith.constant 32 : i32
        %dma_start3A_2715 = arith.constant 0 : i32
        %dma_start3A_2716 = tpu.memref_slice %arg13[%dma_start3A_2707, %dma_start3A_2714, %dma_start3A_2715] : memref<2x128x128xf32, #tpu.memory_space<vmem>> -> memref<1x16x128xf32, #tpu.memory_space<vmem>>
        %dma_start3A_2717 = tpu.memref_squeeze %dma_start3A_2716 : memref<1x16x128xf32, #tpu.memory_space<vmem>> -> memref<16x128xf32, #tpu.memory_space<vmem>>
        %dma_start3A_2718 = arith.constant 0 : i32
        %dma_start3A_2719 = tpu.memref_slice %arg3[%dma_start3A_2718, %multiple_of3A_2680] : memref<16x1000000xf32, #tpu.memory_space<hbm>> -> memref<16x128xf32, #tpu.memory_space<hbm>>
        tpu.enqueue_dma source(%dma_start3A_2719 : memref<16x128xf32, #tpu.memory_space<hbm>>) target(%dma_start3A_2717 : memref<16x128xf32, #tpu.memory_space<vmem>>) target_semaphore(%arg17 : memref<!tpu.dma_semaphore, #tpu.memory_space<semaphore_mem>>)
        %slice3A_2720 = vector.extract_strided_slice %get3A_2535 {offsets = [3], sizes = [1], strides = [1]} : vector<16xi32> to vector<1xi32>
        %squeeze3A_2721 = vector.extract %slice3A_2720[0] : i32 from vector<1xi32>
        %shift_right_arithmetic3A_2722 = arith.constant 7 : i32
        %shift_right_arithmetic3A_2723 = arith.shrsi %squeeze3A_2721, %shift_right_arithmetic3A_2722 : i32
        %mul3A_2724 = arith.constant 128 : i32
        %mul3A_2725 = arith.muli %shift_right_arithmetic3A_2723, %mul3A_2724 : i32
        %multiple_of3A_2726 = tpu.assume_multiple %mul3A_2725, 128 : i32
        %slice3A_2727 = vector.extract_strided_slice %get3A_2537 {offsets = [3], sizes = [1], strides = [1]} : vector<16xi32> to vector<1xi32>
        %squeeze3A_2728 = vector.extract %slice3A_2727[0] : i32 from vector<1xi32>
        %shift_right_arithmetic3A_2729 = arith.constant 7 : i32
        %shift_right_arithmetic3A_2730 = arith.shrsi %squeeze3A_2728, %shift_right_arithmetic3A_2729 : i32
        %mul3A_2731 = arith.constant 128 : i32
        %mul3A_2732 = arith.muli %shift_right_arithmetic3A_2730, %mul3A_2731 : i32
        %multiple_of3A_2733 = tpu.assume_multiple %mul3A_2732, 128 : i32
        %slice3A_2734 = vector.extract_strided_slice %get3A_2539 {offsets = [3], sizes = [1], strides = [1]} : vector<16xi32> to vector<1xi32>
        %squeeze3A_2735 = vector.extract %slice3A_2734[0] : i32 from vector<1xi32>
        %shift_right_arithmetic3A_2736 = arith.constant 7 : i32
        %shift_right_arithmetic3A_2737 = arith.shrsi %squeeze3A_2735, %shift_right_arithmetic3A_2736 : i32
        %mul3A_2738 = arith.constant 128 : i32
        %mul3A_2739 = arith.muli %shift_right_arithmetic3A_2737, %mul3A_2738 : i32
        %multiple_of3A_2740 = tpu.assume_multiple %mul3A_2739, 128 : i32
        %dma_start3A_2741 = arith.constant 0 : i32
        %dma_start3A_2742 = arith.constant 48 : i32
        %dma_start3A_2743 = arith.constant 0 : i32
        %dma_start3A_2744 = tpu.memref_slice %arg11[%dma_start3A_2741, %dma_start3A_2742, %dma_start3A_2743] : memref<2x128x128xf32, #tpu.memory_space<vmem>> -> memref<1x16x128xf32, #tpu.memory_space<vmem>>
        %dma_start3A_2745 = tpu.memref_squeeze %dma_start3A_2744 : memref<1x16x128xf32, #tpu.memory_space<vmem>> -> memref<16x128xf32, #tpu.memory_space<vmem>>
        %dma_start3A_2746 = arith.constant 0 : i32
        %dma_start3A_2747 = tpu.memref_slice %arg2[%dma_start3A_2746, %multiple_of3A_2726] : memref<16x1000000xf32, #tpu.memory_space<hbm>> -> memref<16x128xf32, #tpu.memory_space<hbm>>
        %dma_start3A_2748 = arith.constant 48 : i32
        %dma_start3A_2749 = arith.constant 0 : i32
        %dma_start3A_2750 = tpu.memref_slice %arg11[%dma_start3A_2741, %dma_start3A_2748, %dma_start3A_2749] : memref<2x128x128xf32, #tpu.memory_space<vmem>> -> memref<1x16x128xf32, #tpu.memory_space<vmem>>
        %dma_start3A_2751 = tpu.memref_squeeze %dma_start3A_2750 : memref<1x16x128xf32, #tpu.memory_space<vmem>> -> memref<16x128xf32, #tpu.memory_space<vmem>>
        %dma_start3A_2752 = arith.constant 0 : i32
        %dma_start3A_2753 = tpu.memref_slice %arg2[%dma_start3A_2752, %multiple_of3A_2726] : memref<16x1000000xf32, #tpu.memory_space<hbm>> -> memref<16x128xf32, #tpu.memory_space<hbm>>
        tpu.enqueue_dma source(%dma_start3A_2753 : memref<16x128xf32, #tpu.memory_space<hbm>>) target(%dma_start3A_2751 : memref<16x128xf32, #tpu.memory_space<vmem>>) target_semaphore(%arg15 : memref<!tpu.dma_semaphore, #tpu.memory_space<semaphore_mem>>)
        %dma_start3A_2754 = arith.constant 0 : i32
        %dma_start3A_2755 = arith.constant 48 : i32
        %dma_start3A_2756 = arith.constant 0 : i32
        %dma_start3A_2757 = tpu.memref_slice %arg12[%dma_start3A_2754, %dma_start3A_2755, %dma_start3A_2756] : memref<2x128x128xf32, #tpu.memory_space<vmem>> -> memref<1x16x128xf32, #tpu.memory_space<vmem>>
        %dma_start3A_2758 = tpu.memref_squeeze %dma_start3A_2757 : memref<1x16x128xf32, #tpu.memory_space<vmem>> -> memref<16x128xf32, #tpu.memory_space<vmem>>
        %dma_start3A_2759 = arith.constant 0 : i32
        %dma_start3A_2760 = tpu.memref_slice %arg3[%dma_start3A_2759, %multiple_of3A_2733] : memref<16x1000000xf32, #tpu.memory_space<hbm>> -> memref<16x128xf32, #tpu.memory_space<hbm>>
        %dma_start3A_2761 = arith.constant 48 : i32
        %dma_start3A_2762 = arith.constant 0 : i32
        %dma_start3A_2763 = tpu.memref_slice %arg12[%dma_start3A_2754, %dma_start3A_2761, %dma_start3A_2762] : memref<2x128x128xf32, #tpu.memory_space<vmem>> -> memref<1x16x128xf32, #tpu.memory_space<vmem>>
        %dma_start3A_2764 = tpu.memref_squeeze %dma_start3A_2763 : memref<1x16x128xf32, #tpu.memory_space<vmem>> -> memref<16x128xf32, #tpu.memory_space<vmem>>
        %dma_start3A_2765 = arith.constant 0 : i32
        %dma_start3A_2766 = tpu.memref_slice %arg3[%dma_start3A_2765, %multiple_of3A_2733] : memref<16x1000000xf32, #tpu.memory_space<hbm>> -> memref<16x128xf32, #tpu.memory_space<hbm>>
        tpu.enqueue_dma source(%dma_start3A_2766 : memref<16x128xf32, #tpu.memory_space<hbm>>) target(%dma_start3A_2764 : memref<16x128xf32, #tpu.memory_space<vmem>>) target_semaphore(%arg16 : memref<!tpu.dma_semaphore, #tpu.memory_space<semaphore_mem>>)
        %dma_start3A_2767 = arith.constant 0 : i32
        %dma_start3A_2768 = arith.constant 48 : i32
        %dma_start3A_2769 = arith.constant 0 : i32
        %dma_start3A_2770 = tpu.memref_slice %arg13[%dma_start3A_2767, %dma_start3A_2768, %dma_start3A_2769] : memref<2x128x128xf32, #tpu.memory_space<vmem>> -> memref<1x16x128xf32, #tpu.memory_space<vmem>>
        %dma_start3A_2771 = tpu.memref_squeeze %dma_start3A_2770 : memref<1x16x128xf32, #tpu.memory_space<vmem>> -> memref<16x128xf32, #tpu.memory_space<vmem>>
        %dma_start3A_2772 = arith.constant 0 : i32
        %dma_start3A_2773 = tpu.memref_slice %arg3[%dma_start3A_2772, %multiple_of3A_2740] : memref<16x1000000xf32, #tpu.memory_space<hbm>> -> memref<16x128xf32, #tpu.memory_space<hbm>>
        %dma_start3A_2774 = arith.constant 48 : i32
        %dma_start3A_2775 = arith.constant 0 : i32
        %dma_start3A_2776 = tpu.memref_slice %arg13[%dma_start3A_2767, %dma_start3A_2774, %dma_start3A_2775] : memref<2x128x128xf32, #tpu.memory_space<vmem>> -> memref<1x16x128xf32, #tpu.memory_space<vmem>>
        %dma_start3A_2777 = tpu.memref_squeeze %dma_start3A_2776 : memref<1x16x128xf32, #tpu.memory_space<vmem>> -> memref<16x128xf32, #tpu.memory_space<vmem>>
        %dma_start3A_2778 = arith.constant 0 : i32
        %dma_start3A_2779 = tpu.memref_slice %arg3[%dma_start3A_2778, %multiple_of3A_2740] : memref<16x1000000xf32, #tpu.memory_space<hbm>> -> memref<16x128xf32, #tpu.memory_space<hbm>>
        tpu.enqueue_dma source(%dma_start3A_2779 : memref<16x128xf32, #tpu.memory_space<hbm>>) target(%dma_start3A_2777 : memref<16x128xf32, #tpu.memory_space<vmem>>) target_semaphore(%arg17 : memref<!tpu.dma_semaphore, #tpu.memory_space<semaphore_mem>>)
        %slice3A_2780 = vector.extract_strided_slice %get3A_2535 {offsets = [4], sizes = [1], strides = [1]} : vector<16xi32> to vector<1xi32>
        %squeeze3A_2781 = vector.extract %slice3A_2780[0] : i32 from vector<1xi32>
        %shift_right_arithmetic3A_2782 = arith.constant 7 : i32
        %shift_right_arithmetic3A_2783 = arith.shrsi %squeeze3A_2781, %shift_right_arithmetic3A_2782 : i32
        %mul3A_2784 = arith.constant 128 : i32
        %mul3A_2785 = arith.muli %shift_right_arithmetic3A_2783, %mul3A_2784 : i32
        %multiple_of3A_2786 = tpu.assume_multiple %mul3A_2785, 128 : i32
        %slice3A_2787 = vector.extract_strided_slice %get3A_2537 {offsets = [4], sizes = [1], strides = [1]} : vector<16xi32> to vector<1xi32>
        %squeeze3A_2788 = vector.extract %slice3A_2787[0] : i32 from vector<1xi32>
        %shift_right_arithmetic3A_2789 = arith.constant 7 : i32
        %shift_right_arithmetic3A_2790 = arith.shrsi %squeeze3A_2788, %shift_right_arithmetic3A_2789 : i32
        %mul3A_2791 = arith.constant 128 : i32
        %mul3A_2792 = arith.muli %shift_right_arithmetic3A_2790, %mul3A_2791 : i32
        %multiple_of3A_2793 = tpu.assume_multiple %mul3A_2792, 128 : i32
        %slice3A_2794 = vector.extract_strided_slice %get3A_2539 {offsets = [4], sizes = [1], strides = [1]} : vector<16xi32> to vector<1xi32>
        %squeeze3A_2795 = vector.extract %slice3A_2794[0] : i32 from vector<1xi32>
        %shift_right_arithmetic3A_2796 = arith.constant 7 : i32
        %shift_right_arithmetic3A_2797 = arith.shrsi %squeeze3A_2795, %shift_right_arithmetic3A_2796 : i32
        %mul3A_2798 = arith.constant 128 : i32
        %mul3A_2799 = arith.muli %shift_right_arithmetic3A_2797, %mul3A_2798 : i32
        %multiple_of3A_2800 = tpu.assume_multiple %mul3A_2799, 128 : i32
        %dma_start3A_2801 = arith.constant 0 : i32
        %dma_start3A_2802 = arith.constant 64 : i32
        %dma_start3A_2803 = arith.constant 0 : i32
        %dma_start3A_2804 = tpu.memref_slice %arg11[%dma_start3A_2801, %dma_start3A_2802, %dma_start3A_2803] : memref<2x128x128xf32, #tpu.memory_space<vmem>> -> memref<1x16x128xf32, #tpu.memory_space<vmem>>
        %dma_start3A_2805 = tpu.memref_squeeze %dma_start3A_2804 : memref<1x16x128xf32, #tpu.memory_space<vmem>> -> memref<16x128xf32, #tpu.memory_space<vmem>>
        %dma_start3A_2806 = arith.constant 0 : i32
        %dma_start3A_2807 = tpu.memref_slice %arg2[%dma_start3A_2806, %multiple_of3A_2786] : memref<16x1000000xf32, #tpu.memory_space<hbm>> -> memref<16x128xf32, #tpu.memory_space<hbm>>
        %dma_start3A_2808 = arith.constant 64 : i32
        %dma_start3A_2809 = arith.constant 0 : i32
        %dma_start3A_2810 = tpu.memref_slice %arg11[%dma_start3A_2801, %dma_start3A_2808, %dma_start3A_2809] : memref<2x128x128xf32, #tpu.memory_space<vmem>> -> memref<1x16x128xf32, #tpu.memory_space<vmem>>
        %dma_start3A_2811 = tpu.memref_squeeze %dma_start3A_2810 : memref<1x16x128xf32, #tpu.memory_space<vmem>> -> memref<16x128xf32, #tpu.memory_space<vmem>>
        %dma_start3A_2812 = arith.constant 0 : i32
        %dma_start3A_2813 = tpu.memref_slice %arg2[%dma_start3A_2812, %multiple_of3A_2786] : memref<16x1000000xf32, #tpu.memory_space<hbm>> -> memref<16x128xf32, #tpu.memory_space<hbm>>
        tpu.enqueue_dma source(%dma_start3A_2813 : memref<16x128xf32, #tpu.memory_space<hbm>>) target(%dma_start3A_2811 : memref<16x128xf32, #tpu.memory_space<vmem>>) target_semaphore(%arg15 : memref<!tpu.dma_semaphore, #tpu.memory_space<semaphore_mem>>)
        %dma_start3A_2814 = arith.constant 0 : i32
        %dma_start3A_2815 = arith.constant 64 : i32
        %dma_start3A_2816 = arith.constant 0 : i32
        %dma_start3A_2817 = tpu.memref_slice %arg12[%dma_start3A_2814, %dma_start3A_2815, %dma_start3A_2816] : memref<2x128x128xf32, #tpu.memory_space<vmem>> -> memref<1x16x128xf32, #tpu.memory_space<vmem>>
        %dma_start3A_2818 = tpu.memref_squeeze %dma_start3A_2817 : memref<1x16x128xf32, #tpu.memory_space<vmem>> -> memref<16x128xf32, #tpu.memory_space<vmem>>
        %dma_start3A_2819 = arith.constant 0 : i32
        %dma_start3A_2820 = tpu.memref_slice %arg3[%dma_start3A_2819, %multiple_of3A_2793] : memref<16x1000000xf32, #tpu.memory_space<hbm>> -> memref<16x128xf32, #tpu.memory_space<hbm>>
        %dma_start3A_2821 = arith.constant 64 : i32
        %dma_start3A_2822 = arith.constant 0 : i32
        %dma_start3A_2823 = tpu.memref_slice %arg12[%dma_start3A_2814, %dma_start3A_2821, %dma_start3A_2822] : memref<2x128x128xf32, #tpu.memory_space<vmem>> -> memref<1x16x128xf32, #tpu.memory_space<vmem>>
        %dma_start3A_2824 = tpu.memref_squeeze %dma_start3A_2823 : memref<1x16x128xf32, #tpu.memory_space<vmem>> -> memref<16x128xf32, #tpu.memory_space<vmem>>
        %dma_start3A_2825 = arith.constant 0 : i32
        %dma_start3A_2826 = tpu.memref_slice %arg3[%dma_start3A_2825, %multiple_of3A_2793] : memref<16x1000000xf32, #tpu.memory_space<hbm>> -> memref<16x128xf32, #tpu.memory_space<hbm>>
        tpu.enqueue_dma source(%dma_start3A_2826 : memref<16x128xf32, #tpu.memory_space<hbm>>) target(%dma_start3A_2824 : memref<16x128xf32, #tpu.memory_space<vmem>>) target_semaphore(%arg16 : memref<!tpu.dma_semaphore, #tpu.memory_space<semaphore_mem>>)
        %dma_start3A_2827 = arith.constant 0 : i32
        %dma_start3A_2828 = arith.constant 64 : i32
        %dma_start3A_2829 = arith.constant 0 : i32
        %dma_start3A_2830 = tpu.memref_slice %arg13[%dma_start3A_2827, %dma_start3A_2828, %dma_start3A_2829] : memref<2x128x128xf32, #tpu.memory_space<vmem>> -> memref<1x16x128xf32, #tpu.memory_space<vmem>>
        %dma_start3A_2831 = tpu.memref_squeeze %dma_start3A_2830 : memref<1x16x128xf32, #tpu.memory_space<vmem>> -> memref<16x128xf32, #tpu.memory_space<vmem>>
        %dma_start3A_2832 = arith.constant 0 : i32
        %dma_start3A_2833 = tpu.memref_slice %arg3[%dma_start3A_2832, %multiple_of3A_2800] : memref<16x1000000xf32, #tpu.memory_space<hbm>> -> memref<16x128xf32, #tpu.memory_space<hbm>>
        %dma_start3A_2834 = arith.constant 64 : i32
        %dma_start3A_2835 = arith.constant 0 : i32
        %dma_start3A_2836 = tpu.memref_slice %arg13[%dma_start3A_2827, %dma_start3A_2834, %dma_start3A_2835] : memref<2x128x128xf32, #tpu.memory_space<vmem>> -> memref<1x16x128xf32, #tpu.memory_space<vmem>>
        %dma_start3A_2837 = tpu.memref_squeeze %dma_start3A_2836 : memref<1x16x128xf32, #tpu.memory_space<vmem>> -> memref<16x128xf32, #tpu.memory_space<vmem>>
        %dma_start3A_2838 = arith.constant 0 : i32
        %dma_start3A_2839 = tpu.memref_slice %arg3[%dma_start3A_2838, %multiple_of3A_2800] : memref<16x1000000xf32, #tpu.memory_space<hbm>> -> memref<16x128xf32, #tpu.memory_space<hbm>>
        tpu.enqueue_dma source(%dma_start3A_2839 : memref<16x128xf32, #tpu.memory_space<hbm>>) target(%dma_start3A_2837 : memref<16x128xf32, #tpu.memory_space<vmem>>) target_semaphore(%arg17 : memref<!tpu.dma_semaphore, #tpu.memory_space<semaphore_mem>>)
        %slice3A_2840 = vector.extract_strided_slice %get3A_2535 {offsets = [5], sizes = [1], strides = [1]} : vector<16xi32> to vector<1xi32>
        %squeeze3A_2841 = vector.extract %slice3A_2840[0] : i32 from vector<1xi32>
        %shift_right_arithmetic3A_2842 = arith.constant 7 : i32
        %shift_right_arithmetic3A_2843 = arith.shrsi %squeeze3A_2841, %shift_right_arithmetic3A_2842 : i32
        %mul3A_2844 = arith.constant 128 : i32
        %mul3A_2845 = arith.muli %shift_right_arithmetic3A_2843, %mul3A_2844 : i32
        %multiple_of3A_2846 = tpu.assume_multiple %mul3A_2845, 128 : i32
        %slice3A_2847 = vector.extract_strided_slice %get3A_2537 {offsets = [5], sizes = [1], strides = [1]} : vector<16xi32> to vector<1xi32>
        %squeeze3A_2848 = vector.extract %slice3A_2847[0] : i32 from vector<1xi32>
        %shift_right_arithmetic3A_2849 = arith.constant 7 : i32
        %shift_right_arithmetic3A_2850 = arith.shrsi %squeeze3A_2848, %shift_right_arithmetic3A_2849 : i32
        %mul3A_2851 = arith.constant 128 : i32
        %mul3A_2852 = arith.muli %shift_right_arithmetic3A_2850, %mul3A_2851 : i32
        %multiple_of3A_2853 = tpu.assume_multiple %mul3A_2852, 128 : i32
        %slice3A_2854 = vector.extract_strided_slice %get3A_2539 {offsets = [5], sizes = [1], strides = [1]} : vector<16xi32> to vector<1xi32>
        %squeeze3A_2855 = vector.extract %slice3A_2854[0] : i32 from vector<1xi32>
        %shift_right_arithmetic3A_2856 = arith.constant 7 : i32
        %shift_right_arithmetic3A_2857 = arith.shrsi %squeeze3A_2855, %shift_right_arithmetic3A_2856 : i32
        %mul3A_2858 = arith.constant 128 : i32
        %mul3A_2859 = arith.muli %shift_right_arithmetic3A_2857, %mul3A_2858 : i32
        %multiple_of3A_2860 = tpu.assume_multiple %mul3A_2859, 128 : i32
        %dma_start3A_2861 = arith.constant 0 : i32
        %dma_start3A_2862 = arith.constant 80 : i32
        %dma_start3A_2863 = arith.constant 0 : i32
        %dma_start3A_2864 = tpu.memref_slice %arg11[%dma_start3A_2861, %dma_start3A_2862, %dma_start3A_2863] : memref<2x128x128xf32, #tpu.memory_space<vmem>> -> memref<1x16x128xf32, #tpu.memory_space<vmem>>
        %dma_start3A_2865 = tpu.memref_squeeze %dma_start3A_2864 : memref<1x16x128xf32, #tpu.memory_space<vmem>> -> memref<16x128xf32, #tpu.memory_space<vmem>>
        %dma_start3A_2866 = arith.constant 0 : i32
        %dma_start3A_2867 = tpu.memref_slice %arg2[%dma_start3A_2866, %multiple_of3A_2846] : memref<16x1000000xf32, #tpu.memory_space<hbm>> -> memref<16x128xf32, #tpu.memory_space<hbm>>
        %dma_start3A_2868 = arith.constant 80 : i32
        %dma_start3A_2869 = arith.constant 0 : i32
        %dma_start3A_2870 = tpu.memref_slice %arg11[%dma_start3A_2861, %dma_start3A_2868, %dma_start3A_2869] : memref<2x128x128xf32, #tpu.memory_space<vmem>> -> memref<1x16x128xf32, #tpu.memory_space<vmem>>
        %dma_start3A_2871 = tpu.memref_squeeze %dma_start3A_2870 : memref<1x16x128xf32, #tpu.memory_space<vmem>> -> memref<16x128xf32, #tpu.memory_space<vmem>>
        %dma_start3A_2872 = arith.constant 0 : i32
        %dma_start3A_2873 = tpu.memref_slice %arg2[%dma_start3A_2872, %multiple_of3A_2846] : memref<16x1000000xf32, #tpu.memory_space<hbm>> -> memref<16x128xf32, #tpu.memory_space<hbm>>
        tpu.enqueue_dma source(%dma_start3A_2873 : memref<16x128xf32, #tpu.memory_space<hbm>>) target(%dma_start3A_2871 : memref<16x128xf32, #tpu.memory_space<vmem>>) target_semaphore(%arg15 : memref<!tpu.dma_semaphore, #tpu.memory_space<semaphore_mem>>)
        %dma_start3A_2874 = arith.constant 0 : i32
        %dma_start3A_2875 = arith.constant 80 : i32
        %dma_start3A_2876 = arith.constant 0 : i32
        %dma_start3A_2877 = tpu.memref_slice %arg12[%dma_start3A_2874, %dma_start3A_2875, %dma_start3A_2876] : memref<2x128x128xf32, #tpu.memory_space<vmem>> -> memref<1x16x128xf32, #tpu.memory_space<vmem>>
        %dma_start3A_2878 = tpu.memref_squeeze %dma_start3A_2877 : memref<1x16x128xf32, #tpu.memory_space<vmem>> -> memref<16x128xf32, #tpu.memory_space<vmem>>
        %dma_start3A_2879 = arith.constant 0 : i32
        %dma_start3A_2880 = tpu.memref_slice %arg3[%dma_start3A_2879, %multiple_of3A_2853] : memref<16x1000000xf32, #tpu.memory_space<hbm>> -> memref<16x128xf32, #tpu.memory_space<hbm>>
        %dma_start3A_2881 = arith.constant 80 : i32
        %dma_start3A_2882 = arith.constant 0 : i32
        %dma_start3A_2883 = tpu.memref_slice %arg12[%dma_start3A_2874, %dma_start3A_2881, %dma_start3A_2882] : memref<2x128x128xf32, #tpu.memory_space<vmem>> -> memref<1x16x128xf32, #tpu.memory_space<vmem>>
        %dma_start3A_2884 = tpu.memref_squeeze %dma_start3A_2883 : memref<1x16x128xf32, #tpu.memory_space<vmem>> -> memref<16x128xf32, #tpu.memory_space<vmem>>
        %dma_start3A_2885 = arith.constant 0 : i32
        %dma_start3A_2886 = tpu.memref_slice %arg3[%dma_start3A_2885, %multiple_of3A_2853] : memref<16x1000000xf32, #tpu.memory_space<hbm>> -> memref<16x128xf32, #tpu.memory_space<hbm>>
        tpu.enqueue_dma source(%dma_start3A_2886 : memref<16x128xf32, #tpu.memory_space<hbm>>) target(%dma_start3A_2884 : memref<16x128xf32, #tpu.memory_space<vmem>>) target_semaphore(%arg16 : memref<!tpu.dma_semaphore, #tpu.memory_space<semaphore_mem>>)
        %dma_start3A_2887 = arith.constant 0 : i32
        %dma_start3A_2888 = arith.constant 80 : i32
        %dma_start3A_2889 = arith.constant 0 : i32
        %dma_start3A_2890 = tpu.memref_slice %arg13[%dma_start3A_2887, %dma_start3A_2888, %dma_start3A_2889] : memref<2x128x128xf32, #tpu.memory_space<vmem>> -> memref<1x16x128xf32, #tpu.memory_space<vmem>>
        %dma_start3A_2891 = tpu.memref_squeeze %dma_start3A_2890 : memref<1x16x128xf32, #tpu.memory_space<vmem>> -> memref<16x128xf32, #tpu.memory_space<vmem>>
        %dma_start3A_2892 = arith.constant 0 : i32
        %dma_start3A_2893 = tpu.memref_slice %arg3[%dma_start3A_2892, %multiple_of3A_2860] : memref<16x1000000xf32, #tpu.memory_space<hbm>> -> memref<16x128xf32, #tpu.memory_space<hbm>>
        %dma_start3A_2894 = arith.constant 80 : i32
        %dma_start3A_2895 = arith.constant 0 : i32
        %dma_start3A_2896 = tpu.memref_slice %arg13[%dma_start3A_2887, %dma_start3A_2894, %dma_start3A_2895] : memref<2x128x128xf32, #tpu.memory_space<vmem>> -> memref<1x16x128xf32, #tpu.memory_space<vmem>>
        %dma_start3A_2897 = tpu.memref_squeeze %dma_start3A_2896 : memref<1x16x128xf32, #tpu.memory_space<vmem>> -> memref<16x128xf32, #tpu.memory_space<vmem>>
        %dma_start3A_2898 = arith.constant 0 : i32
        %dma_start3A_2899 = tpu.memref_slice %arg3[%dma_start3A_2898, %multiple_of3A_2860] : memref<16x1000000xf32, #tpu.memory_space<hbm>> -> memref<16x128xf32, #tpu.memory_space<hbm>>
        tpu.enqueue_dma source(%dma_start3A_2899 : memref<16x128xf32, #tpu.memory_space<hbm>>) target(%dma_start3A_2897 : memref<16x128xf32, #tpu.memory_space<vmem>>) target_semaphore(%arg17 : memref<!tpu.dma_semaphore, #tpu.memory_space<semaphore_mem>>)
        %slice3A_2900 = vector.extract_strided_slice %get3A_2535 {offsets = [6], sizes = [1], strides = [1]} : vector<16xi32> to vector<1xi32>
        %squeeze3A_2901 = vector.extract %slice3A_2900[0] : i32 from vector<1xi32>
        %shift_right_arithmetic3A_2902 = arith.constant 7 : i32
        %shift_right_arithmetic3A_2903 = arith.shrsi %squeeze3A_2901, %shift_right_arithmetic3A_2902 : i32
        %mul3A_2904 = arith.constant 128 : i32
        %mul3A_2905 = arith.muli %shift_right_arithmetic3A_2903, %mul3A_2904 : i32
        %multiple_of3A_2906 = tpu.assume_multiple %mul3A_2905, 128 : i32
        %slice3A_2907 = vector.extract_strided_slice %get3A_2537 {offsets = [6], sizes = [1], strides = [1]} : vector<16xi32> to vector<1xi32>
        %squeeze3A_2908 = vector.extract %slice3A_2907[0] : i32 from vector<1xi32>
        %shift_right_arithmetic3A_2909 = arith.constant 7 : i32
        %shift_right_arithmetic3A_2910 = arith.shrsi %squeeze3A_2908, %shift_right_arithmetic3A_2909 : i32
        %mul3A_2911 = arith.constant 128 : i32
        %mul3A_2912 = arith.muli %shift_right_arithmetic3A_2910, %mul3A_2911 : i32
        %multiple_of3A_2913 = tpu.assume_multiple %mul3A_2912, 128 : i32
        %slice3A_2914 = vector.extract_strided_slice %get3A_2539 {offsets = [6], sizes = [1], strides = [1]} : vector<16xi32> to vector<1xi32>
        %squeeze3A_2915 = vector.extract %slice3A_2914[0] : i32 from vector<1xi32>
        %shift_right_arithmetic3A_2916 = arith.constant 7 : i32
        %shift_right_arithmetic3A_2917 = arith.shrsi %squeeze3A_2915, %shift_right_arithmetic3A_2916 : i32
        %mul3A_2918 = arith.constant 128 : i32
        %mul3A_2919 = arith.muli %shift_right_arithmetic3A_2917, %mul3A_2918 : i32
        %multiple_of3A_2920 = tpu.assume_multiple %mul3A_2919, 128 : i32
        %dma_start3A_2921 = arith.constant 0 : i32
        %dma_start3A_2922 = arith.constant 96 : i32
        %dma_start3A_2923 = arith.constant 0 : i32
        %dma_start3A_2924 = tpu.memref_slice %arg11[%dma_start3A_2921, %dma_start3A_2922, %dma_start3A_2923] : memref<2x128x128xf32, #tpu.memory_space<vmem>> -> memref<1x16x128xf32, #tpu.memory_space<vmem>>
        %dma_start3A_2925 = tpu.memref_squeeze %dma_start3A_2924 : memref<1x16x128xf32, #tpu.memory_space<vmem>> -> memref<16x128xf32, #tpu.memory_space<vmem>>
        %dma_start3A_2926 = arith.constant 0 : i32
        %dma_start3A_2927 = tpu.memref_slice %arg2[%dma_start3A_2926, %multiple_of3A_2906] : memref<16x1000000xf32, #tpu.memory_space<hbm>> -> memref<16x128xf32, #tpu.memory_space<hbm>>
        %dma_start3A_2928 = arith.constant 96 : i32
        %dma_start3A_2929 = arith.constant 0 : i32
        %dma_start3A_2930 = tpu.memref_slice %arg11[%dma_start3A_2921, %dma_start3A_2928, %dma_start3A_2929] : memref<2x128x128xf32, #tpu.memory_space<vmem>> -> memref<1x16x128xf32, #tpu.memory_space<vmem>>
        %dma_start3A_2931 = tpu.memref_squeeze %dma_start3A_2930 : memref<1x16x128xf32, #tpu.memory_space<vmem>> -> memref<16x128xf32, #tpu.memory_space<vmem>>
        %dma_start3A_2932 = arith.constant 0 : i32
        %dma_start3A_2933 = tpu.memref_slice %arg2[%dma_start3A_2932, %multiple_of3A_2906] : memref<16x1000000xf32, #tpu.memory_space<hbm>> -> memref<16x128xf32, #tpu.memory_space<hbm>>
        tpu.enqueue_dma source(%dma_start3A_2933 : memref<16x128xf32, #tpu.memory_space<hbm>>) target(%dma_start3A_2931 : memref<16x128xf32, #tpu.memory_space<vmem>>) target_semaphore(%arg15 : memref<!tpu.dma_semaphore, #tpu.memory_space<semaphore_mem>>)
        %dma_start3A_2934 = arith.constant 0 : i32
        %dma_start3A_2935 = arith.constant 96 : i32
        %dma_start3A_2936 = arith.constant 0 : i32
        %dma_start3A_2937 = tpu.memref_slice %arg12[%dma_start3A_2934, %dma_start3A_2935, %dma_start3A_2936] : memref<2x128x128xf32, #tpu.memory_space<vmem>> -> memref<1x16x128xf32, #tpu.memory_space<vmem>>
        %dma_start3A_2938 = tpu.memref_squeeze %dma_start3A_2937 : memref<1x16x128xf32, #tpu.memory_space<vmem>> -> memref<16x128xf32, #tpu.memory_space<vmem>>
        %dma_start3A_2939 = arith.constant 0 : i32
        %dma_start3A_2940 = tpu.memref_slice %arg3[%dma_start3A_2939, %multiple_of3A_2913] : memref<16x1000000xf32, #tpu.memory_space<hbm>> -> memref<16x128xf32, #tpu.memory_space<hbm>>
        %dma_start3A_2941 = arith.constant 96 : i32
        %dma_start3A_2942 = arith.constant 0 : i32
        %dma_start3A_2943 = tpu.memref_slice %arg12[%dma_start3A_2934, %dma_start3A_2941, %dma_start3A_2942] : memref<2x128x128xf32, #tpu.memory_space<vmem>> -> memref<1x16x128xf32, #tpu.memory_space<vmem>>
        %dma_start3A_2944 = tpu.memref_squeeze %dma_start3A_2943 : memref<1x16x128xf32, #tpu.memory_space<vmem>> -> memref<16x128xf32, #tpu.memory_space<vmem>>
        %dma_start3A_2945 = arith.constant 0 : i32
        %dma_start3A_2946 = tpu.memref_slice %arg3[%dma_start3A_2945, %multiple_of3A_2913] : memref<16x1000000xf32, #tpu.memory_space<hbm>> -> memref<16x128xf32, #tpu.memory_space<hbm>>
        tpu.enqueue_dma source(%dma_start3A_2946 : memref<16x128xf32, #tpu.memory_space<hbm>>) target(%dma_start3A_2944 : memref<16x128xf32, #tpu.memory_space<vmem>>) target_semaphore(%arg16 : memref<!tpu.dma_semaphore, #tpu.memory_space<semaphore_mem>>)
        %dma_start3A_2947 = arith.constant 0 : i32
        %dma_start3A_2948 = arith.constant 96 : i32
        %dma_start3A_2949 = arith.constant 0 : i32
        %dma_start3A_2950 = tpu.memref_slice %arg13[%dma_start3A_2947, %dma_start3A_2948, %dma_start3A_2949] : memref<2x128x128xf32, #tpu.memory_space<vmem>> -> memref<1x16x128xf32, #tpu.memory_space<vmem>>
        %dma_start3A_2951 = tpu.memref_squeeze %dma_start3A_2950 : memref<1x16x128xf32, #tpu.memory_space<vmem>> -> memref<16x128xf32, #tpu.memory_space<vmem>>
        %dma_start3A_2952 = arith.constant 0 : i32
        %dma_start3A_2953 = tpu.memref_slice %arg3[%dma_start3A_2952, %multiple_of3A_2920] : memref<16x1000000xf32, #tpu.memory_space<hbm>> -> memref<16x128xf32, #tpu.memory_space<hbm>>
        %dma_start3A_2954 = arith.constant 96 : i32
        %dma_start3A_2955 = arith.constant 0 : i32
        %dma_start3A_2956 = tpu.memref_slice %arg13[%dma_start3A_2947, %dma_start3A_2954, %dma_start3A_2955] : memref<2x128x128xf32, #tpu.memory_space<vmem>> -> memref<1x16x128xf32, #tpu.memory_space<vmem>>
        %dma_start3A_2957 = tpu.memref_squeeze %dma_start3A_2956 : memref<1x16x128xf32, #tpu.memory_space<vmem>> -> memref<16x128xf32, #tpu.memory_space<vmem>>
        %dma_start3A_2958 = arith.constant 0 : i32
        %dma_start3A_2959 = tpu.memref_slice %arg3[%dma_start3A_2958, %multiple_of3A_2920] : memref<16x1000000xf32, #tpu.memory_space<hbm>> -> memref<16x128xf32, #tpu.memory_space<hbm>>
        tpu.enqueue_dma source(%dma_start3A_2959 : memref<16x128xf32, #tpu.memory_space<hbm>>) target(%dma_start3A_2957 : memref<16x128xf32, #tpu.memory_space<vmem>>) target_semaphore(%arg17 : memref<!tpu.dma_semaphore, #tpu.memory_space<semaphore_mem>>)
        %slice3A_2960 = vector.extract_strided_slice %get3A_2535 {offsets = [7], sizes = [1], strides = [1]} : vector<16xi32> to vector<1xi32>
        %squeeze3A_2961 = vector.extract %slice3A_2960[0] : i32 from vector<1xi32>
        %shift_right_arithmetic3A_2962 = arith.constant 7 : i32
        %shift_right_arithmetic3A_2963 = arith.shrsi %squeeze3A_2961, %shift_right_arithmetic3A_2962 : i32
        %mul3A_2964 = arith.constant 128 : i32
        %mul3A_2965 = arith.muli %shift_right_arithmetic3A_2963, %mul3A_2964 : i32
        %multiple_of3A_2966 = tpu.assume_multiple %mul3A_2965, 128 : i32
        %slice3A_2967 = vector.extract_strided_slice %get3A_2537 {offsets = [7], sizes = [1], strides = [1]} : vector<16xi32> to vector<1xi32>
        %squeeze3A_2968 = vector.extract %slice3A_2967[0] : i32 from vector<1xi32>
        %shift_right_arithmetic3A_2969 = arith.constant 7 : i32
        %shift_right_arithmetic3A_2970 = arith.shrsi %squeeze3A_2968, %shift_right_arithmetic3A_2969 : i32
        %mul3A_2971 = arith.constant 128 : i32
        %mul3A_2972 = arith.muli %shift_right_arithmetic3A_2970, %mul3A_2971 : i32
        %multiple_of3A_2973 = tpu.assume_multiple %mul3A_2972, 128 : i32
        %slice3A_2974 = vector.extract_strided_slice %get3A_2539 {offsets = [7], sizes = [1], strides = [1]} : vector<16xi32> to vector<1xi32>
        %squeeze3A_2975 = vector.extract %slice3A_2974[0] : i32 from vector<1xi32>
        %shift_right_arithmetic3A_2976 = arith.constant 7 : i32
        %shift_right_arithmetic3A_2977 = arith.shrsi %squeeze3A_2975, %shift_right_arithmetic3A_2976 : i32
        %mul3A_2978 = arith.constant 128 : i32
        %mul3A_2979 = arith.muli %shift_right_arithmetic3A_2977, %mul3A_2978 : i32
        %multiple_of3A_2980 = tpu.assume_multiple %mul3A_2979, 128 : i32
        %dma_start3A_2981 = arith.constant 0 : i32
        %dma_start3A_2982 = arith.constant 112 : i32
        %dma_start3A_2983 = arith.constant 0 : i32
        %dma_start3A_2984 = tpu.memref_slice %arg11[%dma_start3A_2981, %dma_start3A_2982, %dma_start3A_2983] : memref<2x128x128xf32, #tpu.memory_space<vmem>> -> memref<1x16x128xf32, #tpu.memory_space<vmem>>
        %dma_start3A_2985 = tpu.memref_squeeze %dma_start3A_2984 : memref<1x16x128xf32, #tpu.memory_space<vmem>> -> memref<16x128xf32, #tpu.memory_space<vmem>>
        %dma_start3A_2986 = arith.constant 0 : i32
        %dma_start3A_2987 = tpu.memref_slice %arg2[%dma_start3A_2986, %multiple_of3A_2966] : memref<16x1000000xf32, #tpu.memory_space<hbm>> -> memref<16x128xf32, #tpu.memory_space<hbm>>
        %dma_start3A_2988 = arith.constant 112 : i32
        %dma_start3A_2989 = arith.constant 0 : i32
        %dma_start3A_2990 = tpu.memref_slice %arg11[%dma_start3A_2981, %dma_start3A_2988, %dma_start3A_2989] : memref<2x128x128xf32, #tpu.memory_space<vmem>> -> memref<1x16x128xf32, #tpu.memory_space<vmem>>
        %dma_start3A_2991 = tpu.memref_squeeze %dma_start3A_2990 : memref<1x16x128xf32, #tpu.memory_space<vmem>> -> memref<16x128xf32, #tpu.memory_space<vmem>>
        %dma_start3A_2992 = arith.constant 0 : i32
        %dma_start3A_2993 = tpu.memref_slice %arg2[%dma_start3A_2992, %multiple_of3A_2966] : memref<16x1000000xf32, #tpu.memory_space<hbm>> -> memref<16x128xf32, #tpu.memory_space<hbm>>
        tpu.enqueue_dma source(%dma_start3A_2993 : memref<16x128xf32, #tpu.memory_space<hbm>>) target(%dma_start3A_2991 : memref<16x128xf32, #tpu.memory_space<vmem>>) target_semaphore(%arg15 : memref<!tpu.dma_semaphore, #tpu.memory_space<semaphore_mem>>)
        %dma_start3A_2994 = arith.constant 0 : i32
        %dma_start3A_2995 = arith.constant 112 : i32
        %dma_start3A_2996 = arith.constant 0 : i32
        %dma_start3A_2997 = tpu.memref_slice %arg12[%dma_start3A_2994, %dma_start3A_2995, %dma_start3A_2996] : memref<2x128x128xf32, #tpu.memory_space<vmem>> -> memref<1x16x128xf32, #tpu.memory_space<vmem>>
        %dma_start3A_2998 = tpu.memref_squeeze %dma_start3A_2997 : memref<1x16x128xf32, #tpu.memory_space<vmem>> -> memref<16x128xf32, #tpu.memory_space<vmem>>
        %dma_start3A_2999 = arith.constant 0 : i32
        %dma_start3A_3000 = tpu.memref_slice %arg3[%dma_start3A_2999, %multiple_of3A_2973] : memref<16x1000000xf32, #tpu.memory_space<hbm>> -> memref<16x128xf32, #tpu.memory_space<hbm>>
        %dma_start3A_3001 = arith.constant 112 : i32
        %dma_start3A_3002 = arith.constant 0 : i32
        %dma_start3A_3003 = tpu.memref_slice %arg12[%dma_start3A_2994, %dma_start3A_3001, %dma_start3A_3002] : memref<2x128x128xf32, #tpu.memory_space<vmem>> -> memref<1x16x128xf32, #tpu.memory_space<vmem>>
        %dma_start3A_3004 = tpu.memref_squeeze %dma_start3A_3003 : memref<1x16x128xf32, #tpu.memory_space<vmem>> -> memref<16x128xf32, #tpu.memory_space<vmem>>
        %dma_start3A_3005 = arith.constant 0 : i32
        %dma_start3A_3006 = tpu.memref_slice %arg3[%dma_start3A_3005, %multiple_of3A_2973] : memref<16x1000000xf32, #tpu.memory_space<hbm>> -> memref<16x128xf32, #tpu.memory_space<hbm>>
        tpu.enqueue_dma source(%dma_start3A_3006 : memref<16x128xf32, #tpu.memory_space<hbm>>) target(%dma_start3A_3004 : memref<16x128xf32, #tpu.memory_space<vmem>>) target_semaphore(%arg16 : memref<!tpu.dma_semaphore, #tpu.memory_space<semaphore_mem>>)
        %dma_start3A_3007 = arith.constant 0 : i32
        %dma_start3A_3008 = arith.constant 112 : i32
        %dma_start3A_3009 = arith.constant 0 : i32
        %dma_start3A_3010 = tpu.memref_slice %arg13[%dma_start3A_3007, %dma_start3A_3008, %dma_start3A_3009] : memref<2x128x128xf32, #tpu.memory_space<vmem>> -> memref<1x16x128xf32, #tpu.memory_space<vmem>>
        %dma_start3A_3011 = tpu.memref_squeeze %dma_start3A_3010 : memref<1x16x128xf32, #tpu.memory_space<vmem>> -> memref<16x128xf32, #tpu.memory_space<vmem>>
        %dma_start3A_3012 = arith.constant 0 : i32
        %dma_start3A_3013 = tpu.memref_slice %arg3[%dma_start3A_3012, %multiple_of3A_2980] : memref<16x1000000xf32, #tpu.memory_space<hbm>> -> memref<16x128xf32, #tpu.memory_space<hbm>>
        %dma_start3A_3014 = arith.constant 112 : i32
        %dma_start3A_3015 = arith.constant 0 : i32
        %dma_start3A_3016 = tpu.memref_slice %arg13[%dma_start3A_3007, %dma_start3A_3014, %dma_start3A_3015] : memref<2x128x128xf32, #tpu.memory_space<vmem>> -> memref<1x16x128xf32, #tpu.memory_space<vmem>>
        %dma_start3A_3017 = tpu.memref_squeeze %dma_start3A_3016 : memref<1x16x128xf32, #tpu.memory_space<vmem>> -> memref<16x128xf32, #tpu.memory_space<vmem>>
        %dma_start3A_3018 = arith.constant 0 : i32
        %dma_start3A_3019 = tpu.memref_slice %arg3[%dma_start3A_3018, %multiple_of3A_2980] : memref<16x1000000xf32, #tpu.memory_space<hbm>> -> memref<16x128xf32, #tpu.memory_space<hbm>>
        tpu.enqueue_dma source(%dma_start3A_3019 : memref<16x128xf32, #tpu.memory_space<hbm>>) target(%dma_start3A_3017 : memref<16x128xf32, #tpu.memory_space<vmem>>) target_semaphore(%arg17 : memref<!tpu.dma_semaphore, #tpu.memory_space<semaphore_mem>>)
      } else {
      }
      %dma_wait3A_1757 = arith.constant 1 : i32
      %dma_wait3A_1758 = arith.constant 0 : i32
      %dma_wait3A_1759 = arith.constant 0 : i32
      %dma_wait3A_1760 = tpu.memref_slice %arg11[%dma_wait3A_1757, %dma_wait3A_1758, %dma_wait3A_1759] : memref<2x128x128xf32, #tpu.memory_space<vmem>> -> memref<1x16x128xf32, #tpu.memory_space<vmem>>
      %dma_wait3A_1761 = tpu.memref_squeeze %dma_wait3A_1760 : memref<1x16x128xf32, #tpu.memory_space<vmem>> -> memref<16x128xf32, #tpu.memory_space<vmem>>
      %dma_wait3A_1762 = arith.constant 0 : i32
      %dma_wait3A_1763 = arith.constant 0 : i32
      %dma_wait3A_1764 = tpu.memref_slice %arg2[%dma_wait3A_1762, %dma_wait3A_1763] : memref<16x1000000xf32, #tpu.memory_space<hbm>> -> memref<16x128xf32, #tpu.memory_space<hbm>>
      %dma_wait3A_1765 = arith.constant 0 : i32
      %dma_wait3A_1766 = arith.constant 0 : i32
      %dma_wait3A_1767 = tpu.memref_slice %arg11[%dma_wait3A_1757, %dma_wait3A_1765, %dma_wait3A_1766] : memref<2x128x128xf32, #tpu.memory_space<vmem>> -> memref<1x16x128xf32, #tpu.memory_space<vmem>>
      %dma_wait3A_1768 = tpu.memref_squeeze %dma_wait3A_1767 : memref<1x16x128xf32, #tpu.memory_space<vmem>> -> memref<16x128xf32, #tpu.memory_space<vmem>>
      %dma_wait3A_1769 = arith.constant 0 : i32
      %dma_wait3A_1770 = arith.constant 0 : i32
      %dma_wait3A_1771 = tpu.memref_slice %arg2[%dma_wait3A_1769, %dma_wait3A_1770] : memref<16x1000000xf32, #tpu.memory_space<hbm>> -> memref<16x128xf32, #tpu.memory_space<hbm>>
      tpu.wait_dma2 semaphore(%arg18 : memref<!tpu.dma_semaphore, #tpu.memory_space<semaphore_mem>>) src(%dma_wait3A_1771 : memref<16x128xf32, #tpu.memory_space<hbm>>) dst(%dma_wait3A_1768 : memref<16x128xf32, #tpu.memory_space<vmem>>)
      %dma_wait3A_1772 = arith.constant 1 : i32
      %dma_wait3A_1773 = arith.constant 0 : i32
      %dma_wait3A_1774 = arith.constant 0 : i32
      %dma_wait3A_1775 = tpu.memref_slice %arg12[%dma_wait3A_1772, %dma_wait3A_1773, %dma_wait3A_1774] : memref<2x128x128xf32, #tpu.memory_space<vmem>> -> memref<1x16x128xf32, #tpu.memory_space<vmem>>
      %dma_wait3A_1776 = tpu.memref_squeeze %dma_wait3A_1775 : memref<1x16x128xf32, #tpu.memory_space<vmem>> -> memref<16x128xf32, #tpu.memory_space<vmem>>
      %dma_wait3A_1777 = arith.constant 0 : i32
      %dma_wait3A_1778 = arith.constant 0 : i32
      %dma_wait3A_1779 = tpu.memref_slice %arg3[%dma_wait3A_1777, %dma_wait3A_1778] : memref<16x1000000xf32, #tpu.memory_space<hbm>> -> memref<16x128xf32, #tpu.memory_space<hbm>>
      %dma_wait3A_1780 = arith.constant 0 : i32
      %dma_wait3A_1781 = arith.constant 0 : i32
      %dma_wait3A_1782 = tpu.memref_slice %arg12[%dma_wait3A_1772, %dma_wait3A_1780, %dma_wait3A_1781] : memref<2x128x128xf32, #tpu.memory_space<vmem>> -> memref<1x16x128xf32, #tpu.memory_space<vmem>>
      %dma_wait3A_1783 = tpu.memref_squeeze %dma_wait3A_1782 : memref<1x16x128xf32, #tpu.memory_space<vmem>> -> memref<16x128xf32, #tpu.memory_space<vmem>>
      %dma_wait3A_1784 = arith.constant 0 : i32
      %dma_wait3A_1785 = arith.constant 0 : i32
      %dma_wait3A_1786 = tpu.memref_slice %arg3[%dma_wait3A_1784, %dma_wait3A_1785] : memref<16x1000000xf32, #tpu.memory_space<hbm>> -> memref<16x128xf32, #tpu.memory_space<hbm>>
      tpu.wait_dma2 semaphore(%arg19 : memref<!tpu.dma_semaphore, #tpu.memory_space<semaphore_mem>>) src(%dma_wait3A_1786 : memref<16x128xf32, #tpu.memory_space<hbm>>) dst(%dma_wait3A_1783 : memref<16x128xf32, #tpu.memory_space<vmem>>)
      %dma_wait3A_1787 = arith.constant 1 : i32
      %dma_wait3A_1788 = arith.constant 0 : i32
      %dma_wait3A_1789 = arith.constant 0 : i32
      %dma_wait3A_1790 = tpu.memref_slice %arg13[%dma_wait3A_1787, %dma_wait3A_1788, %dma_wait3A_1789] : memref<2x128x128xf32, #tpu.memory_space<vmem>> -> memref<1x16x128xf32, #tpu.memory_space<vmem>>
      %dma_wait3A_1791 = tpu.memref_squeeze %dma_wait3A_1790 : memref<1x16x128xf32, #tpu.memory_space<vmem>> -> memref<16x128xf32, #tpu.memory_space<vmem>>
      %dma_wait3A_1792 = arith.constant 0 : i32
      %dma_wait3A_1793 = arith.constant 0 : i32
      %dma_wait3A_1794 = tpu.memref_slice %arg3[%dma_wait3A_1792, %dma_wait3A_1793] : memref<16x1000000xf32, #tpu.memory_space<hbm>> -> memref<16x128xf32, #tpu.memory_space<hbm>>
      %dma_wait3A_1795 = arith.constant 0 : i32
      %dma_wait3A_1796 = arith.constant 0 : i32
      %dma_wait3A_1797 = tpu.memref_slice %arg13[%dma_wait3A_1787, %dma_wait3A_1795, %dma_wait3A_1796] : memref<2x128x128xf32, #tpu.memory_space<vmem>> -> memref<1x16x128xf32, #tpu.memory_space<vmem>>
      %dma_wait3A_1798 = tpu.memref_squeeze %dma_wait3A_1797 : memref<1x16x128xf32, #tpu.memory_space<vmem>> -> memref<16x128xf32, #tpu.memory_space<vmem>>
      %dma_wait3A_1799 = arith.constant 0 : i32
      %dma_wait3A_1800 = arith.constant 0 : i32
      %dma_wait3A_1801 = tpu.memref_slice %arg3[%dma_wait3A_1799, %dma_wait3A_1800] : memref<16x1000000xf32, #tpu.memory_space<hbm>> -> memref<16x128xf32, #tpu.memory_space<hbm>>
      tpu.wait_dma2 semaphore(%arg20 : memref<!tpu.dma_semaphore, #tpu.memory_space<semaphore_mem>>) src(%dma_wait3A_1801 : memref<16x128xf32, #tpu.memory_space<hbm>>) dst(%dma_wait3A_1798 : memref<16x128xf32, #tpu.memory_space<vmem>>)
      %dma_wait3A_1802 = arith.constant 1 : i32
      %dma_wait3A_1803 = arith.constant 16 : i32
      %dma_wait3A_1804 = arith.constant 0 : i32
      %dma_wait3A_1805 = tpu.memref_slice %arg11[%dma_wait3A_1802, %dma_wait3A_1803, %dma_wait3A_1804] : memref<2x128x128xf32, #tpu.memory_space<vmem>> -> memref<1x16x128xf32, #tpu.memory_space<vmem>>
      %dma_wait3A_1806 = tpu.memref_squeeze %dma_wait3A_1805 : memref<1x16x128xf32, #tpu.memory_space<vmem>> -> memref<16x128xf32, #tpu.memory_space<vmem>>
      %dma_wait3A_1807 = arith.constant 0 : i32
      %dma_wait3A_1808 = arith.constant 0 : i32
      %dma_wait3A_1809 = tpu.memref_slice %arg2[%dma_wait3A_1807, %dma_wait3A_1808] : memref<16x1000000xf32, #tpu.memory_space<hbm>> -> memref<16x128xf32, #tpu.memory_space<hbm>>
      %dma_wait3A_1810 = arith.constant 16 : i32
      %dma_wait3A_1811 = arith.constant 0 : i32
      %dma_wait3A_1812 = tpu.memref_slice %arg11[%dma_wait3A_1802, %dma_wait3A_1810, %dma_wait3A_1811] : memref<2x128x128xf32, #tpu.memory_space<vmem>> -> memref<1x16x128xf32, #tpu.memory_space<vmem>>
      %dma_wait3A_1813 = tpu.memref_squeeze %dma_wait3A_1812 : memref<1x16x128xf32, #tpu.memory_space<vmem>> -> memref<16x128xf32, #tpu.memory_space<vmem>>
      %dma_wait3A_1814 = arith.constant 0 : i32
      %dma_wait3A_1815 = arith.constant 0 : i32
      %dma_wait3A_1816 = tpu.memref_slice %arg2[%dma_wait3A_1814, %dma_wait3A_1815] : memref<16x1000000xf32, #tpu.memory_space<hbm>> -> memref<16x128xf32, #tpu.memory_space<hbm>>
      tpu.wait_dma2 semaphore(%arg18 : memref<!tpu.dma_semaphore, #tpu.memory_space<semaphore_mem>>) src(%dma_wait3A_1816 : memref<16x128xf32, #tpu.memory_space<hbm>>) dst(%dma_wait3A_1813 : memref<16x128xf32, #tpu.memory_space<vmem>>)
      %dma_wait3A_1817 = arith.constant 1 : i32
      %dma_wait3A_1818 = arith.constant 16 : i32
      %dma_wait3A_1819 = arith.constant 0 : i32
      %dma_wait3A_1820 = tpu.memref_slice %arg12[%dma_wait3A_1817, %dma_wait3A_1818, %dma_wait3A_1819] : memref<2x128x128xf32, #tpu.memory_space<vmem>> -> memref<1x16x128xf32, #tpu.memory_space<vmem>>
      %dma_wait3A_1821 = tpu.memref_squeeze %dma_wait3A_1820 : memref<1x16x128xf32, #tpu.memory_space<vmem>> -> memref<16x128xf32, #tpu.memory_space<vmem>>
      %dma_wait3A_1822 = arith.constant 0 : i32
      %dma_wait3A_1823 = arith.constant 0 : i32
      %dma_wait3A_1824 = tpu.memref_slice %arg3[%dma_wait3A_1822, %dma_wait3A_1823] : memref<16x1000000xf32, #tpu.memory_space<hbm>> -> memref<16x128xf32, #tpu.memory_space<hbm>>
      %dma_wait3A_1825 = arith.constant 16 : i32
      %dma_wait3A_1826 = arith.constant 0 : i32
      %dma_wait3A_1827 = tpu.memref_slice %arg12[%dma_wait3A_1817, %dma_wait3A_1825, %dma_wait3A_1826] : memref<2x128x128xf32, #tpu.memory_space<vmem>> -> memref<1x16x128xf32, #tpu.memory_space<vmem>>
      %dma_wait3A_1828 = tpu.memref_squeeze %dma_wait3A_1827 : memref<1x16x128xf32, #tpu.memory_space<vmem>> -> memref<16x128xf32, #tpu.memory_space<vmem>>
      %dma_wait3A_1829 = arith.constant 0 : i32
      %dma_wait3A_1830 = arith.constant 0 : i32
      %dma_wait3A_1831 = tpu.memref_slice %arg3[%dma_wait3A_1829, %dma_wait3A_1830] : memref<16x1000000xf32, #tpu.memory_space<hbm>> -> memref<16x128xf32, #tpu.memory_space<hbm>>
      tpu.wait_dma2 semaphore(%arg19 : memref<!tpu.dma_semaphore, #tpu.memory_space<semaphore_mem>>) src(%dma_wait3A_1831 : memref<16x128xf32, #tpu.memory_space<hbm>>) dst(%dma_wait3A_1828 : memref<16x128xf32, #tpu.memory_space<vmem>>)
      %dma_wait3A_1832 = arith.constant 1 : i32
      %dma_wait3A_1833 = arith.constant 16 : i32
      %dma_wait3A_1834 = arith.constant 0 : i32
      %dma_wait3A_1835 = tpu.memref_slice %arg13[%dma_wait3A_1832, %dma_wait3A_1833, %dma_wait3A_1834] : memref<2x128x128xf32, #tpu.memory_space<vmem>> -> memref<1x16x128xf32, #tpu.memory_space<vmem>>
      %dma_wait3A_1836 = tpu.memref_squeeze %dma_wait3A_1835 : memref<1x16x128xf32, #tpu.memory_space<vmem>> -> memref<16x128xf32, #tpu.memory_space<vmem>>
      %dma_wait3A_1837 = arith.constant 0 : i32
      %dma_wait3A_1838 = arith.constant 0 : i32
      %dma_wait3A_1839 = tpu.memref_slice %arg3[%dma_wait3A_1837, %dma_wait3A_1838] : memref<16x1000000xf32, #tpu.memory_space<hbm>> -> memref<16x128xf32, #tpu.memory_space<hbm>>
      %dma_wait3A_1840 = arith.constant 16 : i32
      %dma_wait3A_1841 = arith.constant 0 : i32
      %dma_wait3A_1842 = tpu.memref_slice %arg13[%dma_wait3A_1832, %dma_wait3A_1840, %dma_wait3A_1841] : memref<2x128x128xf32, #tpu.memory_space<vmem>> -> memref<1x16x128xf32, #tpu.memory_space<vmem>>
      %dma_wait3A_1843 = tpu.memref_squeeze %dma_wait3A_1842 : memref<1x16x128xf32, #tpu.memory_space<vmem>> -> memref<16x128xf32, #tpu.memory_space<vmem>>
      %dma_wait3A_1844 = arith.constant 0 : i32
      %dma_wait3A_1845 = arith.constant 0 : i32
      %dma_wait3A_1846 = tpu.memref_slice %arg3[%dma_wait3A_1844, %dma_wait3A_1845] : memref<16x1000000xf32, #tpu.memory_space<hbm>> -> memref<16x128xf32, #tpu.memory_space<hbm>>
      tpu.wait_dma2 semaphore(%arg20 : memref<!tpu.dma_semaphore, #tpu.memory_space<semaphore_mem>>) src(%dma_wait3A_1846 : memref<16x128xf32, #tpu.memory_space<hbm>>) dst(%dma_wait3A_1843 : memref<16x128xf32, #tpu.memory_space<vmem>>)
      %dma_wait3A_1847 = arith.constant 1 : i32
      %dma_wait3A_1848 = arith.constant 32 : i32
      %dma_wait3A_1849 = arith.constant 0 : i32
      %dma_wait3A_1850 = tpu.memref_slice %arg11[%dma_wait3A_1847, %dma_wait3A_1848, %dma_wait3A_1849] : memref<2x128x128xf32, #tpu.memory_space<vmem>> -> memref<1x16x128xf32, #tpu.memory_space<vmem>>
      %dma_wait3A_1851 = tpu.memref_squeeze %dma_wait3A_1850 : memref<1x16x128xf32, #tpu.memory_space<vmem>> -> memref<16x128xf32, #tpu.memory_space<vmem>>
      %dma_wait3A_1852 = arith.constant 0 : i32
      %dma_wait3A_1853 = arith.constant 0 : i32
      %dma_wait3A_1854 = tpu.memref_slice %arg2[%dma_wait3A_1852, %dma_wait3A_1853] : memref<16x1000000xf32, #tpu.memory_space<hbm>> -> memref<16x128xf32, #tpu.memory_space<hbm>>
      %dma_wait3A_1855 = arith.constant 32 : i32
      %dma_wait3A_1856 = arith.constant 0 : i32
      %dma_wait3A_1857 = tpu.memref_slice %arg11[%dma_wait3A_1847, %dma_wait3A_1855, %dma_wait3A_1856] : memref<2x128x128xf32, #tpu.memory_space<vmem>> -> memref<1x16x128xf32, #tpu.memory_space<vmem>>
      %dma_wait3A_1858 = tpu.memref_squeeze %dma_wait3A_1857 : memref<1x16x128xf32, #tpu.memory_space<vmem>> -> memref<16x128xf32, #tpu.memory_space<vmem>>
      %dma_wait3A_1859 = arith.constant 0 : i32
      %dma_wait3A_1860 = arith.constant 0 : i32
      %dma_wait3A_1861 = tpu.memref_slice %arg2[%dma_wait3A_1859, %dma_wait3A_1860] : memref<16x1000000xf32, #tpu.memory_space<hbm>> -> memref<16x128xf32, #tpu.memory_space<hbm>>
      tpu.wait_dma2 semaphore(%arg18 : memref<!tpu.dma_semaphore, #tpu.memory_space<semaphore_mem>>) src(%dma_wait3A_1861 : memref<16x128xf32, #tpu.memory_space<hbm>>) dst(%dma_wait3A_1858 : memref<16x128xf32, #tpu.memory_space<vmem>>)
      %dma_wait3A_1862 = arith.constant 1 : i32
      %dma_wait3A_1863 = arith.constant 32 : i32
      %dma_wait3A_1864 = arith.constant 0 : i32
      %dma_wait3A_1865 = tpu.memref_slice %arg12[%dma_wait3A_1862, %dma_wait3A_1863, %dma_wait3A_1864] : memref<2x128x128xf32, #tpu.memory_space<vmem>> -> memref<1x16x128xf32, #tpu.memory_space<vmem>>
      %dma_wait3A_1866 = tpu.memref_squeeze %dma_wait3A_1865 : memref<1x16x128xf32, #tpu.memory_space<vmem>> -> memref<16x128xf32, #tpu.memory_space<vmem>>
      %dma_wait3A_1867 = arith.constant 0 : i32
      %dma_wait3A_1868 = arith.constant 0 : i32
      %dma_wait3A_1869 = tpu.memref_slice %arg3[%dma_wait3A_1867, %dma_wait3A_1868] : memref<16x1000000xf32, #tpu.memory_space<hbm>> -> memref<16x128xf32, #tpu.memory_space<hbm>>
      %dma_wait3A_1870 = arith.constant 32 : i32
      %dma_wait3A_1871 = arith.constant 0 : i32
      %dma_wait3A_1872 = tpu.memref_slice %arg12[%dma_wait3A_1862, %dma_wait3A_1870, %dma_wait3A_1871] : memref<2x128x128xf32, #tpu.memory_space<vmem>> -> memref<1x16x128xf32, #tpu.memory_space<vmem>>
      %dma_wait3A_1873 = tpu.memref_squeeze %dma_wait3A_1872 : memref<1x16x128xf32, #tpu.memory_space<vmem>> -> memref<16x128xf32, #tpu.memory_space<vmem>>
      %dma_wait3A_1874 = arith.constant 0 : i32
      %dma_wait3A_1875 = arith.constant 0 : i32
      %dma_wait3A_1876 = tpu.memref_slice %arg3[%dma_wait3A_1874, %dma_wait3A_1875] : memref<16x1000000xf32, #tpu.memory_space<hbm>> -> memref<16x128xf32, #tpu.memory_space<hbm>>
      tpu.wait_dma2 semaphore(%arg19 : memref<!tpu.dma_semaphore, #tpu.memory_space<semaphore_mem>>) src(%dma_wait3A_1876 : memref<16x128xf32, #tpu.memory_space<hbm>>) dst(%dma_wait3A_1873 : memref<16x128xf32, #tpu.memory_space<vmem>>)
      %dma_wait3A_1877 = arith.constant 1 : i32
      %dma_wait3A_1878 = arith.constant 32 : i32
      %dma_wait3A_1879 = arith.constant 0 : i32
      %dma_wait3A_1880 = tpu.memref_slice %arg13[%dma_wait3A_1877, %dma_wait3A_1878, %dma_wait3A_1879] : memref<2x128x128xf32, #tpu.memory_space<vmem>> -> memref<1x16x128xf32, #tpu.memory_space<vmem>>
      %dma_wait3A_1881 = tpu.memref_squeeze %dma_wait3A_1880 : memref<1x16x128xf32, #tpu.memory_space<vmem>> -> memref<16x128xf32, #tpu.memory_space<vmem>>
      %dma_wait3A_1882 = arith.constant 0 : i32
      %dma_wait3A_1883 = arith.constant 0 : i32
      %dma_wait3A_1884 = tpu.memref_slice %arg3[%dma_wait3A_1882, %dma_wait3A_1883] : memref<16x1000000xf32, #tpu.memory_space<hbm>> -> memref<16x128xf32, #tpu.memory_space<hbm>>
      %dma_wait3A_1885 = arith.constant 32 : i32
      %dma_wait3A_1886 = arith.constant 0 : i32
      %dma_wait3A_1887 = tpu.memref_slice %arg13[%dma_wait3A_1877, %dma_wait3A_1885, %dma_wait3A_1886] : memref<2x128x128xf32, #tpu.memory_space<vmem>> -> memref<1x16x128xf32, #tpu.memory_space<vmem>>
      %dma_wait3A_1888 = tpu.memref_squeeze %dma_wait3A_1887 : memref<1x16x128xf32, #tpu.memory_space<vmem>> -> memref<16x128xf32, #tpu.memory_space<vmem>>
      %dma_wait3A_1889 = arith.constant 0 : i32
      %dma_wait3A_1890 = arith.constant 0 : i32
      %dma_wait3A_1891 = tpu.memref_slice %arg3[%dma_wait3A_1889, %dma_wait3A_1890] : memref<16x1000000xf32, #tpu.memory_space<hbm>> -> memref<16x128xf32, #tpu.memory_space<hbm>>
      tpu.wait_dma2 semaphore(%arg20 : memref<!tpu.dma_semaphore, #tpu.memory_space<semaphore_mem>>) src(%dma_wait3A_1891 : memref<16x128xf32, #tpu.memory_space<hbm>>) dst(%dma_wait3A_1888 : memref<16x128xf32, #tpu.memory_space<vmem>>)
      %dma_wait3A_1892 = arith.constant 1 : i32
      %dma_wait3A_1893 = arith.constant 48 : i32
      %dma_wait3A_1894 = arith.constant 0 : i32
      %dma_wait3A_1895 = tpu.memref_slice %arg11[%dma_wait3A_1892, %dma_wait3A_1893, %dma_wait3A_1894] : memref<2x128x128xf32, #tpu.memory_space<vmem>> -> memref<1x16x128xf32, #tpu.memory_space<vmem>>
      %dma_wait3A_1896 = tpu.memref_squeeze %dma_wait3A_1895 : memref<1x16x128xf32, #tpu.memory_space<vmem>> -> memref<16x128xf32, #tpu.memory_space<vmem>>
      %dma_wait3A_1897 = arith.constant 0 : i32
      %dma_wait3A_1898 = arith.constant 0 : i32
      %dma_wait3A_1899 = tpu.memref_slice %arg2[%dma_wait3A_1897, %dma_wait3A_1898] : memref<16x1000000xf32, #tpu.memory_space<hbm>> -> memref<16x128xf32, #tpu.memory_space<hbm>>
      %dma_wait3A_1900 = arith.constant 48 : i32
      %dma_wait3A_1901 = arith.constant 0 : i32
      %dma_wait3A_1902 = tpu.memref_slice %arg11[%dma_wait3A_1892, %dma_wait3A_1900, %dma_wait3A_1901] : memref<2x128x128xf32, #tpu.memory_space<vmem>> -> memref<1x16x128xf32, #tpu.memory_space<vmem>>
      %dma_wait3A_1903 = tpu.memref_squeeze %dma_wait3A_1902 : memref<1x16x128xf32, #tpu.memory_space<vmem>> -> memref<16x128xf32, #tpu.memory_space<vmem>>
      %dma_wait3A_1904 = arith.constant 0 : i32
      %dma_wait3A_1905 = arith.constant 0 : i32
      %dma_wait3A_1906 = tpu.memref_slice %arg2[%dma_wait3A_1904, %dma_wait3A_1905] : memref<16x1000000xf32, #tpu.memory_space<hbm>> -> memref<16x128xf32, #tpu.memory_space<hbm>>
      tpu.wait_dma2 semaphore(%arg18 : memref<!tpu.dma_semaphore, #tpu.memory_space<semaphore_mem>>) src(%dma_wait3A_1906 : memref<16x128xf32, #tpu.memory_space<hbm>>) dst(%dma_wait3A_1903 : memref<16x128xf32, #tpu.memory_space<vmem>>)
      %dma_wait3A_1907 = arith.constant 1 : i32
      %dma_wait3A_1908 = arith.constant 48 : i32
      %dma_wait3A_1909 = arith.constant 0 : i32
      %dma_wait3A_1910 = tpu.memref_slice %arg12[%dma_wait3A_1907, %dma_wait3A_1908, %dma_wait3A_1909] : memref<2x128x128xf32, #tpu.memory_space<vmem>> -> memref<1x16x128xf32, #tpu.memory_space<vmem>>
      %dma_wait3A_1911 = tpu.memref_squeeze %dma_wait3A_1910 : memref<1x16x128xf32, #tpu.memory_space<vmem>> -> memref<16x128xf32, #tpu.memory_space<vmem>>
      %dma_wait3A_1912 = arith.constant 0 : i32
      %dma_wait3A_1913 = arith.constant 0 : i32
      %dma_wait3A_1914 = tpu.memref_slice %arg3[%dma_wait3A_1912, %dma_wait3A_1913] : memref<16x1000000xf32, #tpu.memory_space<hbm>> -> memref<16x128xf32, #tpu.memory_space<hbm>>
      %dma_wait3A_1915 = arith.constant 48 : i32
      %dma_wait3A_1916 = arith.constant 0 : i32
      %dma_wait3A_1917 = tpu.memref_slice %arg12[%dma_wait3A_1907, %dma_wait3A_1915, %dma_wait3A_1916] : memref<2x128x128xf32, #tpu.memory_space<vmem>> -> memref<1x16x128xf32, #tpu.memory_space<vmem>>
      %dma_wait3A_1918 = tpu.memref_squeeze %dma_wait3A_1917 : memref<1x16x128xf32, #tpu.memory_space<vmem>> -> memref<16x128xf32, #tpu.memory_space<vmem>>
      %dma_wait3A_1919 = arith.constant 0 : i32
      %dma_wait3A_1920 = arith.constant 0 : i32
      %dma_wait3A_1921 = tpu.memref_slice %arg3[%dma_wait3A_1919, %dma_wait3A_1920] : memref<16x1000000xf32, #tpu.memory_space<hbm>> -> memref<16x128xf32, #tpu.memory_space<hbm>>
      tpu.wait_dma2 semaphore(%arg19 : memref<!tpu.dma_semaphore, #tpu.memory_space<semaphore_mem>>) src(%dma_wait3A_1921 : memref<16x128xf32, #tpu.memory_space<hbm>>) dst(%dma_wait3A_1918 : memref<16x128xf32, #tpu.memory_space<vmem>>)
      %dma_wait3A_1922 = arith.constant 1 : i32
      %dma_wait3A_1923 = arith.constant 48 : i32
      %dma_wait3A_1924 = arith.constant 0 : i32
      %dma_wait3A_1925 = tpu.memref_slice %arg13[%dma_wait3A_1922, %dma_wait3A_1923, %dma_wait3A_1924] : memref<2x128x128xf32, #tpu.memory_space<vmem>> -> memref<1x16x128xf32, #tpu.memory_space<vmem>>
      %dma_wait3A_1926 = tpu.memref_squeeze %dma_wait3A_1925 : memref<1x16x128xf32, #tpu.memory_space<vmem>> -> memref<16x128xf32, #tpu.memory_space<vmem>>
      %dma_wait3A_1927 = arith.constant 0 : i32
      %dma_wait3A_1928 = arith.constant 0 : i32
      %dma_wait3A_1929 = tpu.memref_slice %arg3[%dma_wait3A_1927, %dma_wait3A_1928] : memref<16x1000000xf32, #tpu.memory_space<hbm>> -> memref<16x128xf32, #tpu.memory_space<hbm>>
      %dma_wait3A_1930 = arith.constant 48 : i32
      %dma_wait3A_1931 = arith.constant 0 : i32
      %dma_wait3A_1932 = tpu.memref_slice %arg13[%dma_wait3A_1922, %dma_wait3A_1930, %dma_wait3A_1931] : memref<2x128x128xf32, #tpu.memory_space<vmem>> -> memref<1x16x128xf32, #tpu.memory_space<vmem>>
      %dma_wait3A_1933 = tpu.memref_squeeze %dma_wait3A_1932 : memref<1x16x128xf32, #tpu.memory_space<vmem>> -> memref<16x128xf32, #tpu.memory_space<vmem>>
      %dma_wait3A_1934 = arith.constant 0 : i32
      %dma_wait3A_1935 = arith.constant 0 : i32
      %dma_wait3A_1936 = tpu.memref_slice %arg3[%dma_wait3A_1934, %dma_wait3A_1935] : memref<16x1000000xf32, #tpu.memory_space<hbm>> -> memref<16x128xf32, #tpu.memory_space<hbm>>
      tpu.wait_dma2 semaphore(%arg20 : memref<!tpu.dma_semaphore, #tpu.memory_space<semaphore_mem>>) src(%dma_wait3A_1936 : memref<16x128xf32, #tpu.memory_space<hbm>>) dst(%dma_wait3A_1933 : memref<16x128xf32, #tpu.memory_space<vmem>>)
      %dma_wait3A_1937 = arith.constant 1 : i32
      %dma_wait3A_1938 = arith.constant 64 : i32
      %dma_wait3A_1939 = arith.constant 0 : i32
      %dma_wait3A_1940 = tpu.memref_slice %arg11[%dma_wait3A_1937, %dma_wait3A_1938, %dma_wait3A_1939] : memref<2x128x128xf32, #tpu.memory_space<vmem>> -> memref<1x16x128xf32, #tpu.memory_space<vmem>>
      %dma_wait3A_1941 = tpu.memref_squeeze %dma_wait3A_1940 : memref<1x16x128xf32, #tpu.memory_space<vmem>> -> memref<16x128xf32, #tpu.memory_space<vmem>>
      %dma_wait3A_1942 = arith.constant 0 : i32
      %dma_wait3A_1943 = arith.constant 0 : i32
      %dma_wait3A_1944 = tpu.memref_slice %arg2[%dma_wait3A_1942, %dma_wait3A_1943] : memref<16x1000000xf32, #tpu.memory_space<hbm>> -> memref<16x128xf32, #tpu.memory_space<hbm>>
      %dma_wait3A_1945 = arith.constant 64 : i32
      %dma_wait3A_1946 = arith.constant 0 : i32
      %dma_wait3A_1947 = tpu.memref_slice %arg11[%dma_wait3A_1937, %dma_wait3A_1945, %dma_wait3A_1946] : memref<2x128x128xf32, #tpu.memory_space<vmem>> -> memref<1x16x128xf32, #tpu.memory_space<vmem>>
      %dma_wait3A_1948 = tpu.memref_squeeze %dma_wait3A_1947 : memref<1x16x128xf32, #tpu.memory_space<vmem>> -> memref<16x128xf32, #tpu.memory_space<vmem>>
      %dma_wait3A_1949 = arith.constant 0 : i32
      %dma_wait3A_1950 = arith.constant 0 : i32
      %dma_wait3A_1951 = tpu.memref_slice %arg2[%dma_wait3A_1949, %dma_wait3A_1950] : memref<16x1000000xf32, #tpu.memory_space<hbm>> -> memref<16x128xf32, #tpu.memory_space<hbm>>
      tpu.wait_dma2 semaphore(%arg18 : memref<!tpu.dma_semaphore, #tpu.memory_space<semaphore_mem>>) src(%dma_wait3A_1951 : memref<16x128xf32, #tpu.memory_space<hbm>>) dst(%dma_wait3A_1948 : memref<16x128xf32, #tpu.memory_space<vmem>>)
      %dma_wait3A_1952 = arith.constant 1 : i32
      %dma_wait3A_1953 = arith.constant 64 : i32
      %dma_wait3A_1954 = arith.constant 0 : i32
      %dma_wait3A_1955 = tpu.memref_slice %arg12[%dma_wait3A_1952, %dma_wait3A_1953, %dma_wait3A_1954] : memref<2x128x128xf32, #tpu.memory_space<vmem>> -> memref<1x16x128xf32, #tpu.memory_space<vmem>>
      %dma_wait3A_1956 = tpu.memref_squeeze %dma_wait3A_1955 : memref<1x16x128xf32, #tpu.memory_space<vmem>> -> memref<16x128xf32, #tpu.memory_space<vmem>>
      %dma_wait3A_1957 = arith.constant 0 : i32
      %dma_wait3A_1958 = arith.constant 0 : i32
      %dma_wait3A_1959 = tpu.memref_slice %arg3[%dma_wait3A_1957, %dma_wait3A_1958] : memref<16x1000000xf32, #tpu.memory_space<hbm>> -> memref<16x128xf32, #tpu.memory_space<hbm>>
      %dma_wait3A_1960 = arith.constant 64 : i32
      %dma_wait3A_1961 = arith.constant 0 : i32
      %dma_wait3A_1962 = tpu.memref_slice %arg12[%dma_wait3A_1952, %dma_wait3A_1960, %dma_wait3A_1961] : memref<2x128x128xf32, #tpu.memory_space<vmem>> -> memref<1x16x128xf32, #tpu.memory_space<vmem>>
      %dma_wait3A_1963 = tpu.memref_squeeze %dma_wait3A_1962 : memref<1x16x128xf32, #tpu.memory_space<vmem>> -> memref<16x128xf32, #tpu.memory_space<vmem>>
      %dma_wait3A_1964 = arith.constant 0 : i32
      %dma_wait3A_1965 = arith.constant 0 : i32
      %dma_wait3A_1966 = tpu.memref_slice %arg3[%dma_wait3A_1964, %dma_wait3A_1965] : memref<16x1000000xf32, #tpu.memory_space<hbm>> -> memref<16x128xf32, #tpu.memory_space<hbm>>
      tpu.wait_dma2 semaphore(%arg19 : memref<!tpu.dma_semaphore, #tpu.memory_space<semaphore_mem>>) src(%dma_wait3A_1966 : memref<16x128xf32, #tpu.memory_space<hbm>>) dst(%dma_wait3A_1963 : memref<16x128xf32, #tpu.memory_space<vmem>>)
      %dma_wait3A_1967 = arith.constant 1 : i32
      %dma_wait3A_1968 = arith.constant 64 : i32
      %dma_wait3A_1969 = arith.constant 0 : i32
      %dma_wait3A_1970 = tpu.memref_slice %arg13[%dma_wait3A_1967, %dma_wait3A_1968, %dma_wait3A_1969] : memref<2x128x128xf32, #tpu.memory_space<vmem>> -> memref<1x16x128xf32, #tpu.memory_space<vmem>>
      %dma_wait3A_1971 = tpu.memref_squeeze %dma_wait3A_1970 : memref<1x16x128xf32, #tpu.memory_space<vmem>> -> memref<16x128xf32, #tpu.memory_space<vmem>>
      %dma_wait3A_1972 = arith.constant 0 : i32
      %dma_wait3A_1973 = arith.constant 0 : i32
      %dma_wait3A_1974 = tpu.memref_slice %arg3[%dma_wait3A_1972, %dma_wait3A_1973] : memref<16x1000000xf32, #tpu.memory_space<hbm>> -> memref<16x128xf32, #tpu.memory_space<hbm>>
      %dma_wait3A_1975 = arith.constant 64 : i32
      %dma_wait3A_1976 = arith.constant 0 : i32
      %dma_wait3A_1977 = tpu.memref_slice %arg13[%dma_wait3A_1967, %dma_wait3A_1975, %dma_wait3A_1976] : memref<2x128x128xf32, #tpu.memory_space<vmem>> -> memref<1x16x128xf32, #tpu.memory_space<vmem>>
      %dma_wait3A_1978 = tpu.memref_squeeze %dma_wait3A_1977 : memref<1x16x128xf32, #tpu.memory_space<vmem>> -> memref<16x128xf32, #tpu.memory_space<vmem>>
      %dma_wait3A_1979 = arith.constant 0 : i32
      %dma_wait3A_1980 = arith.constant 0 : i32
      %dma_wait3A_1981 = tpu.memref_slice %arg3[%dma_wait3A_1979, %dma_wait3A_1980] : memref<16x1000000xf32, #tpu.memory_space<hbm>> -> memref<16x128xf32, #tpu.memory_space<hbm>>
      tpu.wait_dma2 semaphore(%arg20 : memref<!tpu.dma_semaphore, #tpu.memory_space<semaphore_mem>>) src(%dma_wait3A_1981 : memref<16x128xf32, #tpu.memory_space<hbm>>) dst(%dma_wait3A_1978 : memref<16x128xf32, #tpu.memory_space<vmem>>)
      %dma_wait3A_1982 = arith.constant 1 : i32
      %dma_wait3A_1983 = arith.constant 80 : i32
      %dma_wait3A_1984 = arith.constant 0 : i32
      %dma_wait3A_1985 = tpu.memref_slice %arg11[%dma_wait3A_1982, %dma_wait3A_1983, %dma_wait3A_1984] : memref<2x128x128xf32, #tpu.memory_space<vmem>> -> memref<1x16x128xf32, #tpu.memory_space<vmem>>
      %dma_wait3A_1986 = tpu.memref_squeeze %dma_wait3A_1985 : memref<1x16x128xf32, #tpu.memory_space<vmem>> -> memref<16x128xf32, #tpu.memory_space<vmem>>
      %dma_wait3A_1987 = arith.constant 0 : i32
      %dma_wait3A_1988 = arith.constant 0 : i32
      %dma_wait3A_1989 = tpu.memref_slice %arg2[%dma_wait3A_1987, %dma_wait3A_1988] : memref<16x1000000xf32, #tpu.memory_space<hbm>> -> memref<16x128xf32, #tpu.memory_space<hbm>>
      %dma_wait3A_1990 = arith.constant 80 : i32
      %dma_wait3A_1991 = arith.constant 0 : i32
      %dma_wait3A_1992 = tpu.memref_slice %arg11[%dma_wait3A_1982, %dma_wait3A_1990, %dma_wait3A_1991] : memref<2x128x128xf32, #tpu.memory_space<vmem>> -> memref<1x16x128xf32, #tpu.memory_space<vmem>>
      %dma_wait3A_1993 = tpu.memref_squeeze %dma_wait3A_1992 : memref<1x16x128xf32, #tpu.memory_space<vmem>> -> memref<16x128xf32, #tpu.memory_space<vmem>>
      %dma_wait3A_1994 = arith.constant 0 : i32
      %dma_wait3A_1995 = arith.constant 0 : i32
      %dma_wait3A_1996 = tpu.memref_slice %arg2[%dma_wait3A_1994, %dma_wait3A_1995] : memref<16x1000000xf32, #tpu.memory_space<hbm>> -> memref<16x128xf32, #tpu.memory_space<hbm>>
      tpu.wait_dma2 semaphore(%arg18 : memref<!tpu.dma_semaphore, #tpu.memory_space<semaphore_mem>>) src(%dma_wait3A_1996 : memref<16x128xf32, #tpu.memory_space<hbm>>) dst(%dma_wait3A_1993 : memref<16x128xf32, #tpu.memory_space<vmem>>)
      %dma_wait3A_1997 = arith.constant 1 : i32
      %dma_wait3A_1998 = arith.constant 80 : i32
      %dma_wait3A_1999 = arith.constant 0 : i32
      %dma_wait3A_2000 = tpu.memref_slice %arg12[%dma_wait3A_1997, %dma_wait3A_1998, %dma_wait3A_1999] : memref<2x128x128xf32, #tpu.memory_space<vmem>> -> memref<1x16x128xf32, #tpu.memory_space<vmem>>
      %dma_wait3A_2001 = tpu.memref_squeeze %dma_wait3A_2000 : memref<1x16x128xf32, #tpu.memory_space<vmem>> -> memref<16x128xf32, #tpu.memory_space<vmem>>
      %dma_wait3A_2002 = arith.constant 0 : i32
      %dma_wait3A_2003 = arith.constant 0 : i32
      %dma_wait3A_2004 = tpu.memref_slice %arg3[%dma_wait3A_2002, %dma_wait3A_2003] : memref<16x1000000xf32, #tpu.memory_space<hbm>> -> memref<16x128xf32, #tpu.memory_space<hbm>>
      %dma_wait3A_2005 = arith.constant 80 : i32
      %dma_wait3A_2006 = arith.constant 0 : i32
      %dma_wait3A_2007 = tpu.memref_slice %arg12[%dma_wait3A_1997, %dma_wait3A_2005, %dma_wait3A_2006] : memref<2x128x128xf32, #tpu.memory_space<vmem>> -> memref<1x16x128xf32, #tpu.memory_space<vmem>>
      %dma_wait3A_2008 = tpu.memref_squeeze %dma_wait3A_2007 : memref<1x16x128xf32, #tpu.memory_space<vmem>> -> memref<16x128xf32, #tpu.memory_space<vmem>>
      %dma_wait3A_2009 = arith.constant 0 : i32
      %dma_wait3A_2010 = arith.constant 0 : i32
      %dma_wait3A_2011 = tpu.memref_slice %arg3[%dma_wait3A_2009, %dma_wait3A_2010] : memref<16x1000000xf32, #tpu.memory_space<hbm>> -> memref<16x128xf32, #tpu.memory_space<hbm>>
      tpu.wait_dma2 semaphore(%arg19 : memref<!tpu.dma_semaphore, #tpu.memory_space<semaphore_mem>>) src(%dma_wait3A_2011 : memref<16x128xf32, #tpu.memory_space<hbm>>) dst(%dma_wait3A_2008 : memref<16x128xf32, #tpu.memory_space<vmem>>)
      %dma_wait3A_2012 = arith.constant 1 : i32
      %dma_wait3A_2013 = arith.constant 80 : i32
      %dma_wait3A_2014 = arith.constant 0 : i32
      %dma_wait3A_2015 = tpu.memref_slice %arg13[%dma_wait3A_2012, %dma_wait3A_2013, %dma_wait3A_2014] : memref<2x128x128xf32, #tpu.memory_space<vmem>> -> memref<1x16x128xf32, #tpu.memory_space<vmem>>
      %dma_wait3A_2016 = tpu.memref_squeeze %dma_wait3A_2015 : memref<1x16x128xf32, #tpu.memory_space<vmem>> -> memref<16x128xf32, #tpu.memory_space<vmem>>
      %dma_wait3A_2017 = arith.constant 0 : i32
      %dma_wait3A_2018 = arith.constant 0 : i32
      %dma_wait3A_2019 = tpu.memref_slice %arg3[%dma_wait3A_2017, %dma_wait3A_2018] : memref<16x1000000xf32, #tpu.memory_space<hbm>> -> memref<16x128xf32, #tpu.memory_space<hbm>>
      %dma_wait3A_2020 = arith.constant 80 : i32
      %dma_wait3A_2021 = arith.constant 0 : i32
      %dma_wait3A_2022 = tpu.memref_slice %arg13[%dma_wait3A_2012, %dma_wait3A_2020, %dma_wait3A_2021] : memref<2x128x128xf32, #tpu.memory_space<vmem>> -> memref<1x16x128xf32, #tpu.memory_space<vmem>>
      %dma_wait3A_2023 = tpu.memref_squeeze %dma_wait3A_2022 : memref<1x16x128xf32, #tpu.memory_space<vmem>> -> memref<16x128xf32, #tpu.memory_space<vmem>>
      %dma_wait3A_2024 = arith.constant 0 : i32
      %dma_wait3A_2025 = arith.constant 0 : i32
      %dma_wait3A_2026 = tpu.memref_slice %arg3[%dma_wait3A_2024, %dma_wait3A_2025] : memref<16x1000000xf32, #tpu.memory_space<hbm>> -> memref<16x128xf32, #tpu.memory_space<hbm>>
      tpu.wait_dma2 semaphore(%arg20 : memref<!tpu.dma_semaphore, #tpu.memory_space<semaphore_mem>>) src(%dma_wait3A_2026 : memref<16x128xf32, #tpu.memory_space<hbm>>) dst(%dma_wait3A_2023 : memref<16x128xf32, #tpu.memory_space<vmem>>)
      %dma_wait3A_2027 = arith.constant 1 : i32
      %dma_wait3A_2028 = arith.constant 96 : i32
      %dma_wait3A_2029 = arith.constant 0 : i32
      %dma_wait3A_2030 = tpu.memref_slice %arg11[%dma_wait3A_2027, %dma_wait3A_2028, %dma_wait3A_2029] : memref<2x128x128xf32, #tpu.memory_space<vmem>> -> memref<1x16x128xf32, #tpu.memory_space<vmem>>
      %dma_wait3A_2031 = tpu.memref_squeeze %dma_wait3A_2030 : memref<1x16x128xf32, #tpu.memory_space<vmem>> -> memref<16x128xf32, #tpu.memory_space<vmem>>
      %dma_wait3A_2032 = arith.constant 0 : i32
      %dma_wait3A_2033 = arith.constant 0 : i32
      %dma_wait3A_2034 = tpu.memref_slice %arg2[%dma_wait3A_2032, %dma_wait3A_2033] : memref<16x1000000xf32, #tpu.memory_space<hbm>> -> memref<16x128xf32, #tpu.memory_space<hbm>>
      %dma_wait3A_2035 = arith.constant 96 : i32
      %dma_wait3A_2036 = arith.constant 0 : i32
      %dma_wait3A_2037 = tpu.memref_slice %arg11[%dma_wait3A_2027, %dma_wait3A_2035, %dma_wait3A_2036] : memref<2x128x128xf32, #tpu.memory_space<vmem>> -> memref<1x16x128xf32, #tpu.memory_space<vmem>>
      %dma_wait3A_2038 = tpu.memref_squeeze %dma_wait3A_2037 : memref<1x16x128xf32, #tpu.memory_space<vmem>> -> memref<16x128xf32, #tpu.memory_space<vmem>>
      %dma_wait3A_2039 = arith.constant 0 : i32
      %dma_wait3A_2040 = arith.constant 0 : i32
      %dma_wait3A_2041 = tpu.memref_slice %arg2[%dma_wait3A_2039, %dma_wait3A_2040] : memref<16x1000000xf32, #tpu.memory_space<hbm>> -> memref<16x128xf32, #tpu.memory_space<hbm>>
      tpu.wait_dma2 semaphore(%arg18 : memref<!tpu.dma_semaphore, #tpu.memory_space<semaphore_mem>>) src(%dma_wait3A_2041 : memref<16x128xf32, #tpu.memory_space<hbm>>) dst(%dma_wait3A_2038 : memref<16x128xf32, #tpu.memory_space<vmem>>)
      %dma_wait3A_2042 = arith.constant 1 : i32
      %dma_wait3A_2043 = arith.constant 96 : i32
      %dma_wait3A_2044 = arith.constant 0 : i32
      %dma_wait3A_2045 = tpu.memref_slice %arg12[%dma_wait3A_2042, %dma_wait3A_2043, %dma_wait3A_2044] : memref<2x128x128xf32, #tpu.memory_space<vmem>> -> memref<1x16x128xf32, #tpu.memory_space<vmem>>
      %dma_wait3A_2046 = tpu.memref_squeeze %dma_wait3A_2045 : memref<1x16x128xf32, #tpu.memory_space<vmem>> -> memref<16x128xf32, #tpu.memory_space<vmem>>
      %dma_wait3A_2047 = arith.constant 0 : i32
      %dma_wait3A_2048 = arith.constant 0 : i32
      %dma_wait3A_2049 = tpu.memref_slice %arg3[%dma_wait3A_2047, %dma_wait3A_2048] : memref<16x1000000xf32, #tpu.memory_space<hbm>> -> memref<16x128xf32, #tpu.memory_space<hbm>>
      %dma_wait3A_2050 = arith.constant 96 : i32
      %dma_wait3A_2051 = arith.constant 0 : i32
      %dma_wait3A_2052 = tpu.memref_slice %arg12[%dma_wait3A_2042, %dma_wait3A_2050, %dma_wait3A_2051] : memref<2x128x128xf32, #tpu.memory_space<vmem>> -> memref<1x16x128xf32, #tpu.memory_space<vmem>>
      %dma_wait3A_2053 = tpu.memref_squeeze %dma_wait3A_2052 : memref<1x16x128xf32, #tpu.memory_space<vmem>> -> memref<16x128xf32, #tpu.memory_space<vmem>>
      %dma_wait3A_2054 = arith.constant 0 : i32
      %dma_wait3A_2055 = arith.constant 0 : i32
      %dma_wait3A_2056 = tpu.memref_slice %arg3[%dma_wait3A_2054, %dma_wait3A_2055] : memref<16x1000000xf32, #tpu.memory_space<hbm>> -> memref<16x128xf32, #tpu.memory_space<hbm>>
      tpu.wait_dma2 semaphore(%arg19 : memref<!tpu.dma_semaphore, #tpu.memory_space<semaphore_mem>>) src(%dma_wait3A_2056 : memref<16x128xf32, #tpu.memory_space<hbm>>) dst(%dma_wait3A_2053 : memref<16x128xf32, #tpu.memory_space<vmem>>)
      %dma_wait3A_2057 = arith.constant 1 : i32
      %dma_wait3A_2058 = arith.constant 96 : i32
      %dma_wait3A_2059 = arith.constant 0 : i32
      %dma_wait3A_2060 = tpu.memref_slice %arg13[%dma_wait3A_2057, %dma_wait3A_2058, %dma_wait3A_2059] : memref<2x128x128xf32, #tpu.memory_space<vmem>> -> memref<1x16x128xf32, #tpu.memory_space<vmem>>
      %dma_wait3A_2061 = tpu.memref_squeeze %dma_wait3A_2060 : memref<1x16x128xf32, #tpu.memory_space<vmem>> -> memref<16x128xf32, #tpu.memory_space<vmem>>
      %dma_wait3A_2062 = arith.constant 0 : i32
      %dma_wait3A_2063 = arith.constant 0 : i32
      %dma_wait3A_2064 = tpu.memref_slice %arg3[%dma_wait3A_2062, %dma_wait3A_2063] : memref<16x1000000xf32, #tpu.memory_space<hbm>> -> memref<16x128xf32, #tpu.memory_space<hbm>>
      %dma_wait3A_2065 = arith.constant 96 : i32
      %dma_wait3A_2066 = arith.constant 0 : i32
      %dma_wait3A_2067 = tpu.memref_slice %arg13[%dma_wait3A_2057, %dma_wait3A_2065, %dma_wait3A_2066] : memref<2x128x128xf32, #tpu.memory_space<vmem>> -> memref<1x16x128xf32, #tpu.memory_space<vmem>>
      %dma_wait3A_2068 = tpu.memref_squeeze %dma_wait3A_2067 : memref<1x16x128xf32, #tpu.memory_space<vmem>> -> memref<16x128xf32, #tpu.memory_space<vmem>>
      %dma_wait3A_2069 = arith.constant 0 : i32
      %dma_wait3A_2070 = arith.constant 0 : i32
      %dma_wait3A_2071 = tpu.memref_slice %arg3[%dma_wait3A_2069, %dma_wait3A_2070] : memref<16x1000000xf32, #tpu.memory_space<hbm>> -> memref<16x128xf32, #tpu.memory_space<hbm>>
      tpu.wait_dma2 semaphore(%arg20 : memref<!tpu.dma_semaphore, #tpu.memory_space<semaphore_mem>>) src(%dma_wait3A_2071 : memref<16x128xf32, #tpu.memory_space<hbm>>) dst(%dma_wait3A_2068 : memref<16x128xf32, #tpu.memory_space<vmem>>)
      %dma_wait3A_2072 = arith.constant 1 : i32
      %dma_wait3A_2073 = arith.constant 112 : i32
      %dma_wait3A_2074 = arith.constant 0 : i32
      %dma_wait3A_2075 = tpu.memref_slice %arg11[%dma_wait3A_2072, %dma_wait3A_2073, %dma_wait3A_2074] : memref<2x128x128xf32, #tpu.memory_space<vmem>> -> memref<1x16x128xf32, #tpu.memory_space<vmem>>
      %dma_wait3A_2076 = tpu.memref_squeeze %dma_wait3A_2075 : memref<1x16x128xf32, #tpu.memory_space<vmem>> -> memref<16x128xf32, #tpu.memory_space<vmem>>
      %dma_wait3A_2077 = arith.constant 0 : i32
      %dma_wait3A_2078 = arith.constant 0 : i32
      %dma_wait3A_2079 = tpu.memref_slice %arg2[%dma_wait3A_2077, %dma_wait3A_2078] : memref<16x1000000xf32, #tpu.memory_space<hbm>> -> memref<16x128xf32, #tpu.memory_space<hbm>>
      %dma_wait3A_2080 = arith.constant 112 : i32
      %dma_wait3A_2081 = arith.constant 0 : i32
      %dma_wait3A_2082 = tpu.memref_slice %arg11[%dma_wait3A_2072, %dma_wait3A_2080, %dma_wait3A_2081] : memref<2x128x128xf32, #tpu.memory_space<vmem>> -> memref<1x16x128xf32, #tpu.memory_space<vmem>>
      %dma_wait3A_2083 = tpu.memref_squeeze %dma_wait3A_2082 : memref<1x16x128xf32, #tpu.memory_space<vmem>> -> memref<16x128xf32, #tpu.memory_space<vmem>>
      %dma_wait3A_2084 = arith.constant 0 : i32
      %dma_wait3A_2085 = arith.constant 0 : i32
      %dma_wait3A_2086 = tpu.memref_slice %arg2[%dma_wait3A_2084, %dma_wait3A_2085] : memref<16x1000000xf32, #tpu.memory_space<hbm>> -> memref<16x128xf32, #tpu.memory_space<hbm>>
      tpu.wait_dma2 semaphore(%arg18 : memref<!tpu.dma_semaphore, #tpu.memory_space<semaphore_mem>>) src(%dma_wait3A_2086 : memref<16x128xf32, #tpu.memory_space<hbm>>) dst(%dma_wait3A_2083 : memref<16x128xf32, #tpu.memory_space<vmem>>)
      %dma_wait3A_2087 = arith.constant 1 : i32
      %dma_wait3A_2088 = arith.constant 112 : i32
      %dma_wait3A_2089 = arith.constant 0 : i32
      %dma_wait3A_2090 = tpu.memref_slice %arg12[%dma_wait3A_2087, %dma_wait3A_2088, %dma_wait3A_2089] : memref<2x128x128xf32, #tpu.memory_space<vmem>> -> memref<1x16x128xf32, #tpu.memory_space<vmem>>
      %dma_wait3A_2091 = tpu.memref_squeeze %dma_wait3A_2090 : memref<1x16x128xf32, #tpu.memory_space<vmem>> -> memref<16x128xf32, #tpu.memory_space<vmem>>
      %dma_wait3A_2092 = arith.constant 0 : i32
      %dma_wait3A_2093 = arith.constant 0 : i32
      %dma_wait3A_2094 = tpu.memref_slice %arg3[%dma_wait3A_2092, %dma_wait3A_2093] : memref<16x1000000xf32, #tpu.memory_space<hbm>> -> memref<16x128xf32, #tpu.memory_space<hbm>>
      %dma_wait3A_2095 = arith.constant 112 : i32
      %dma_wait3A_2096 = arith.constant 0 : i32
      %dma_wait3A_2097 = tpu.memref_slice %arg12[%dma_wait3A_2087, %dma_wait3A_2095, %dma_wait3A_2096] : memref<2x128x128xf32, #tpu.memory_space<vmem>> -> memref<1x16x128xf32, #tpu.memory_space<vmem>>
      %dma_wait3A_2098 = tpu.memref_squeeze %dma_wait3A_2097 : memref<1x16x128xf32, #tpu.memory_space<vmem>> -> memref<16x128xf32, #tpu.memory_space<vmem>>
      %dma_wait3A_2099 = arith.constant 0 : i32
      %dma_wait3A_2100 = arith.constant 0 : i32
      %dma_wait3A_2101 = tpu.memref_slice %arg3[%dma_wait3A_2099, %dma_wait3A_2100] : memref<16x1000000xf32, #tpu.memory_space<hbm>> -> memref<16x128xf32, #tpu.memory_space<hbm>>
      tpu.wait_dma2 semaphore(%arg19 : memref<!tpu.dma_semaphore, #tpu.memory_space<semaphore_mem>>) src(%dma_wait3A_2101 : memref<16x128xf32, #tpu.memory_space<hbm>>) dst(%dma_wait3A_2098 : memref<16x128xf32, #tpu.memory_space<vmem>>)
      %dma_wait3A_2102 = arith.constant 1 : i32
      %dma_wait3A_2103 = arith.constant 112 : i32
      %dma_wait3A_2104 = arith.constant 0 : i32
      %dma_wait3A_2105 = tpu.memref_slice %arg13[%dma_wait3A_2102, %dma_wait3A_2103, %dma_wait3A_2104] : memref<2x128x128xf32, #tpu.memory_space<vmem>> -> memref<1x16x128xf32, #tpu.memory_space<vmem>>
      %dma_wait3A_2106 = tpu.memref_squeeze %dma_wait3A_2105 : memref<1x16x128xf32, #tpu.memory_space<vmem>> -> memref<16x128xf32, #tpu.memory_space<vmem>>
      %dma_wait3A_2107 = arith.constant 0 : i32
      %dma_wait3A_2108 = arith.constant 0 : i32
      %dma_wait3A_2109 = tpu.memref_slice %arg3[%dma_wait3A_2107, %dma_wait3A_2108] : memref<16x1000000xf32, #tpu.memory_space<hbm>> -> memref<16x128xf32, #tpu.memory_space<hbm>>
      %dma_wait3A_2110 = arith.constant 112 : i32
      %dma_wait3A_2111 = arith.constant 0 : i32
      %dma_wait3A_2112 = tpu.memref_slice %arg13[%dma_wait3A_2102, %dma_wait3A_2110, %dma_wait3A_2111] : memref<2x128x128xf32, #tpu.memory_space<vmem>> -> memref<1x16x128xf32, #tpu.memory_space<vmem>>
      %dma_wait3A_2113 = tpu.memref_squeeze %dma_wait3A_2112 : memref<1x16x128xf32, #tpu.memory_space<vmem>> -> memref<16x128xf32, #tpu.memory_space<vmem>>
      %dma_wait3A_2114 = arith.constant 0 : i32
      %dma_wait3A_2115 = arith.constant 0 : i32
      %dma_wait3A_2116 = tpu.memref_slice %arg3[%dma_wait3A_2114, %dma_wait3A_2115] : memref<16x1000000xf32, #tpu.memory_space<hbm>> -> memref<16x128xf32, #tpu.memory_space<hbm>>
      tpu.wait_dma2 semaphore(%arg20 : memref<!tpu.dma_semaphore, #tpu.memory_space<semaphore_mem>>) src(%dma_wait3A_2116 : memref<16x128xf32, #tpu.memory_space<hbm>>) dst(%dma_wait3A_2113 : memref<16x128xf32, #tpu.memory_space<vmem>>)
      %add3A_2117 = arith.constant 1 : i32
      %add3A_2118 = arith.addi %mul3A_498, %add3A_2117 : i32
      %mul3A_2119 = arith.constant 8 : i32
      %mul3A_2120 = arith.muli %add3A_2118, %mul3A_2119 : i32
      %get3A_2121 = arith.index_cast %mul3A_2120 : i32 to index
      %get3A_2122 = tpu.vector_load %arg8[%get3A_2121] {strides = array<i32>} : memref<528xi32, #tpu.memory_space<vmem>>, vector<16xi32>,
      %get3A_2123 = arith.index_cast %mul3A_2120 : i32 to index
      %get3A_2124 = tpu.vector_load %arg9[%get3A_2123] {strides = array<i32>} : memref<528xi32, #tpu.memory_space<vmem>>, vector<16xi32>,
      %get3A_2125 = arith.index_cast %mul3A_2120 : i32 to index
      %get3A_2126 = tpu.vector_load %arg10[%get3A_2125] {strides = array<i32>} : memref<528xi32, #tpu.memory_space<vmem>>, vector<16xi32>,
      %and3A_2127 = arith.constant 127 : i32
      %and3A_2128 = vector.broadcast %and3A_2127 : i32 to vector<16xi32>
      %and3A_2129 = arith.andi %get3A_2122, %and3A_2128 : vector<16xi32>
      %and3A_2130 = arith.constant 127 : i32
      %and3A_2131 = vector.broadcast %and3A_2130 : i32 to vector<16xi32>
      %and3A_2132 = arith.andi %get3A_2124, %and3A_2131 : vector<16xi32>
      %and3A_2133 = arith.constant 127 : i32
      %and3A_2134 = vector.broadcast %and3A_2133 : i32 to vector<16xi32>
      %and3A_2135 = arith.andi %get3A_2126, %and3A_2134 : vector<16xi32>
      %jit3A_2136 = arith.constant 0 : i32
      %broadcast_in_dim3A_2137 = vector.broadcast %jit3A_2136 : i32 to vector<16xi32>
      %select_n3A_2138 = arith.select %lt3A_10, %iota3A, %broadcast_in_dim3A_2137 : vector<16xi1>, vector<16xi32>
      %mul3A_2139 = arith.constant 16 : i32
      %mul3A_2140 = vector.broadcast %mul3A_2139 : i32 to vector<16xi32>
      %mul3A_2141 = arith.muli %select_n3A_2138, %mul3A_2140 : vector<16xi32>
      %broadcast_in_dim3A_2142 = arith.constant 0.000000e+00 : f32
      %broadcast_in_dim3A_2143 = vector.broadcast %broadcast_in_dim3A_2142 : f32 to vector<16xf32>
      %add3A_2144 = arith.constant 0 : i32
      %add3A_2145 = vector.broadcast %add3A_2144 : i32 to vector<16xi32>
      %add3A_2146 = arith.addi %mul3A_2141, %add3A_2145 : vector<16xi32>
      %gather3A_2147 = arith.constant 1 : i32
      %gather3A_2148 = arith.constant 0 : i32
      %gather3A_2149 = arith.constant 0 : i32
      %gather3A_2150 = tpu.memref_slice %arg11[%gather3A_2147, %gather3A_2148, %gather3A_2149] : memref<2x128x128xf32, #tpu.memory_space<vmem>> -> memref<1x128x128xf32, #tpu.memory_space<vmem>>
      %gather3A_2151 = tpu.memref_squeeze %gather3A_2150 : memref<1x128x128xf32, #tpu.memory_space<vmem>> -> memref<128x128xf32, #tpu.memory_space<vmem>>
      %gather3A_2152 = tpu.vector_load_idx %gather3A_2151[%add3A_2146, %and3A_2129] : memref<128x128xf32, #tpu.memory_space<vmem>>[vector<16xi32>, vector<16xi32>], vector<16xf32>,
      %gather3A_2153 = arith.constant 1 : i32
      %gather3A_2154 = arith.constant 0 : i32
      %gather3A_2155 = arith.constant 0 : i32
      %gather3A_2156 = tpu.memref_slice %arg12[%gather3A_2153, %gather3A_2154, %gather3A_2155] : memref<2x128x128xf32, #tpu.memory_space<vmem>> -> memref<1x128x128xf32, #tpu.memory_space<vmem>>
      %gather3A_2157 = tpu.memref_squeeze %gather3A_2156 : memref<1x128x128xf32, #tpu.memory_space<vmem>> -> memref<128x128xf32, #tpu.memory_space<vmem>>
      %gather3A_2158 = tpu.vector_load_idx %gather3A_2157[%add3A_2146, %and3A_2132] : memref<128x128xf32, #tpu.memory_space<vmem>>[vector<16xi32>, vector<16xi32>], vector<16xf32>,
      %gather3A_2159 = arith.constant 1 : i32
      %gather3A_2160 = arith.constant 0 : i32
      %gather3A_2161 = arith.constant 0 : i32
      %gather3A_2162 = tpu.memref_slice %arg13[%gather3A_2159, %gather3A_2160, %gather3A_2161] : memref<2x128x128xf32, #tpu.memory_space<vmem>> -> memref<1x128x128xf32, #tpu.memory_space<vmem>>
      %gather3A_2163 = tpu.memref_squeeze %gather3A_2162 : memref<1x128x128xf32, #tpu.memory_space<vmem>> -> memref<128x128xf32, #tpu.memory_space<vmem>>
      %gather3A_2164 = tpu.vector_load_idx %gather3A_2163[%add3A_2146, %and3A_2135] : memref<128x128xf32, #tpu.memory_space<vmem>>[vector<16xi32>, vector<16xi32>], vector<16xf32>,
      %sub3A_2165 = arith.subf %gather3A_2158, %gather3A_2164 : vector<16xf32>
      %mul3A_2166 = arith.mulf %gather3A_2152, %sub3A_2165 : vector<16xf32>
      %add3A_2167 = arith.addf %broadcast_in_dim3A_2143, %mul3A_2166 : vector<16xf32>
      %add3A_2168 = arith.constant 1 : i32
      %add3A_2169 = vector.broadcast %add3A_2168 : i32 to vector<16xi32>
      %add3A_2170 = arith.addi %mul3A_2141, %add3A_2169 : vector<16xi32>
      %gather3A_2171 = arith.constant 1 : i32
      %gather3A_2172 = arith.constant 0 : i32
      %gather3A_2173 = arith.constant 0 : i32
      %gather3A_2174 = tpu.memref_slice %arg11[%gather3A_2171, %gather3A_2172, %gather3A_2173] : memref<2x128x128xf32, #tpu.memory_space<vmem>> -> memref<1x128x128xf32, #tpu.memory_space<vmem>>
      %gather3A_2175 = tpu.memref_squeeze %gather3A_2174 : memref<1x128x128xf32, #tpu.memory_space<vmem>> -> memref<128x128xf32, #tpu.memory_space<vmem>>
      %gather3A_2176 = tpu.vector_load_idx %gather3A_2175[%add3A_2170, %and3A_2129] : memref<128x128xf32, #tpu.memory_space<vmem>>[vector<16xi32>, vector<16xi32>], vector<16xf32>,
      %gather3A_2177 = arith.constant 1 : i32
      %gather3A_2178 = arith.constant 0 : i32
      %gather3A_2179 = arith.constant 0 : i32
      %gather3A_2180 = tpu.memref_slice %arg12[%gather3A_2177, %gather3A_2178, %gather3A_2179] : memref<2x128x128xf32, #tpu.memory_space<vmem>> -> memref<1x128x128xf32, #tpu.memory_space<vmem>>
      %gather3A_2181 = tpu.memref_squeeze %gather3A_2180 : memref<1x128x128xf32, #tpu.memory_space<vmem>> -> memref<128x128xf32, #tpu.memory_space<vmem>>
      %gather3A_2182 = tpu.vector_load_idx %gather3A_2181[%add3A_2170, %and3A_2132] : memref<128x128xf32, #tpu.memory_space<vmem>>[vector<16xi32>, vector<16xi32>], vector<16xf32>,
      %gather3A_2183 = arith.constant 1 : i32
      %gather3A_2184 = arith.constant 0 : i32
      %gather3A_2185 = arith.constant 0 : i32
      %gather3A_2186 = tpu.memref_slice %arg13[%gather3A_2183, %gather3A_2184, %gather3A_2185] : memref<2x128x128xf32, #tpu.memory_space<vmem>> -> memref<1x128x128xf32, #tpu.memory_space<vmem>>
      %gather3A_2187 = tpu.memref_squeeze %gather3A_2186 : memref<1x128x128xf32, #tpu.memory_space<vmem>> -> memref<128x128xf32, #tpu.memory_space<vmem>>
      %gather3A_2188 = tpu.vector_load_idx %gather3A_2187[%add3A_2170, %and3A_2135] : memref<128x128xf32, #tpu.memory_space<vmem>>[vector<16xi32>, vector<16xi32>], vector<16xf32>,
      %sub3A_2189 = arith.subf %gather3A_2182, %gather3A_2188 : vector<16xf32>
      %mul3A_2190 = arith.mulf %gather3A_2176, %sub3A_2189 : vector<16xf32>
      %add3A_2191 = arith.addf %add3A_2167, %mul3A_2190 : vector<16xf32>
      %add3A_2192 = arith.constant 2 : i32
      %add3A_2193 = vector.broadcast %add3A_2192 : i32 to vector<16xi32>
      %add3A_2194 = arith.addi %mul3A_2141, %add3A_2193 : vector<16xi32>
      %gather3A_2195 = arith.constant 1 : i32
      %gather3A_2196 = arith.constant 0 : i32
      %gather3A_2197 = arith.constant 0 : i32
      %gather3A_2198 = tpu.memref_slice %arg11[%gather3A_2195, %gather3A_2196, %gather3A_2197] : memref<2x128x128xf32, #tpu.memory_space<vmem>> -> memref<1x128x128xf32, #tpu.memory_space<vmem>>
      %gather3A_2199 = tpu.memref_squeeze %gather3A_2198 : memref<1x128x128xf32, #tpu.memory_space<vmem>> -> memref<128x128xf32, #tpu.memory_space<vmem>>
      %gather3A_2200 = tpu.vector_load_idx %gather3A_2199[%add3A_2194, %and3A_2129] : memref<128x128xf32, #tpu.memory_space<vmem>>[vector<16xi32>, vector<16xi32>], vector<16xf32>,
      %gather3A_2201 = arith.constant 1 : i32
      %gather3A_2202 = arith.constant 0 : i32
      %gather3A_2203 = arith.constant 0 : i32
      %gather3A_2204 = tpu.memref_slice %arg12[%gather3A_2201, %gather3A_2202, %gather3A_2203] : memref<2x128x128xf32, #tpu.memory_space<vmem>> -> memref<1x128x128xf32, #tpu.memory_space<vmem>>
      %gather3A_2205 = tpu.memref_squeeze %gather3A_2204 : memref<1x128x128xf32, #tpu.memory_space<vmem>> -> memref<128x128xf32, #tpu.memory_space<vmem>>
      %gather3A_2206 = tpu.vector_load_idx %gather3A_2205[%add3A_2194, %and3A_2132] : memref<128x128xf32, #tpu.memory_space<vmem>>[vector<16xi32>, vector<16xi32>], vector<16xf32>,
      %gather3A_2207 = arith.constant 1 : i32
      %gather3A_2208 = arith.constant 0 : i32
      %gather3A_2209 = arith.constant 0 : i32
      %gather3A_2210 = tpu.memref_slice %arg13[%gather3A_2207, %gather3A_2208, %gather3A_2209] : memref<2x128x128xf32, #tpu.memory_space<vmem>> -> memref<1x128x128xf32, #tpu.memory_space<vmem>>
      %gather3A_2211 = tpu.memref_squeeze %gather3A_2210 : memref<1x128x128xf32, #tpu.memory_space<vmem>> -> memref<128x128xf32, #tpu.memory_space<vmem>>
      %gather3A_2212 = tpu.vector_load_idx %gather3A_2211[%add3A_2194, %and3A_2135] : memref<128x128xf32, #tpu.memory_space<vmem>>[vector<16xi32>, vector<16xi32>], vector<16xf32>,
      %sub3A_2213 = arith.subf %gather3A_2206, %gather3A_2212 : vector<16xf32>
      %mul3A_2214 = arith.mulf %gather3A_2200, %sub3A_2213 : vector<16xf32>
      %add3A_2215 = arith.addf %add3A_2191, %mul3A_2214 : vector<16xf32>
      %add3A_2216 = arith.constant 3 : i32
      %add3A_2217 = vector.broadcast %add3A_2216 : i32 to vector<16xi32>
      %add3A_2218 = arith.addi %mul3A_2141, %add3A_2217 : vector<16xi32>
      %gather3A_2219 = arith.constant 1 : i32
      %gather3A_2220 = arith.constant 0 : i32
      %gather3A_2221 = arith.constant 0 : i32
      %gather3A_2222 = tpu.memref_slice %arg11[%gather3A_2219, %gather3A_2220, %gather3A_2221] : memref<2x128x128xf32, #tpu.memory_space<vmem>> -> memref<1x128x128xf32, #tpu.memory_space<vmem>>
      %gather3A_2223 = tpu.memref_squeeze %gather3A_2222 : memref<1x128x128xf32, #tpu.memory_space<vmem>> -> memref<128x128xf32, #tpu.memory_space<vmem>>
      %gather3A_2224 = tpu.vector_load_idx %gather3A_2223[%add3A_2218, %and3A_2129] : memref<128x128xf32, #tpu.memory_space<vmem>>[vector<16xi32>, vector<16xi32>], vector<16xf32>,
      %gather3A_2225 = arith.constant 1 : i32
      %gather3A_2226 = arith.constant 0 : i32
      %gather3A_2227 = arith.constant 0 : i32
      %gather3A_2228 = tpu.memref_slice %arg12[%gather3A_2225, %gather3A_2226, %gather3A_2227] : memref<2x128x128xf32, #tpu.memory_space<vmem>> -> memref<1x128x128xf32, #tpu.memory_space<vmem>>
      %gather3A_2229 = tpu.memref_squeeze %gather3A_2228 : memref<1x128x128xf32, #tpu.memory_space<vmem>> -> memref<128x128xf32, #tpu.memory_space<vmem>>
      %gather3A_2230 = tpu.vector_load_idx %gather3A_2229[%add3A_2218, %and3A_2132] : memref<128x128xf32, #tpu.memory_space<vmem>>[vector<16xi32>, vector<16xi32>], vector<16xf32>,
      %gather3A_2231 = arith.constant 1 : i32
      %gather3A_2232 = arith.constant 0 : i32
      %gather3A_2233 = arith.constant 0 : i32
      %gather3A_2234 = tpu.memref_slice %arg13[%gather3A_2231, %gather3A_2232, %gather3A_2233] : memref<2x128x128xf32, #tpu.memory_space<vmem>> -> memref<1x128x128xf32, #tpu.memory_space<vmem>>
      %gather3A_2235 = tpu.memref_squeeze %gather3A_2234 : memref<1x128x128xf32, #tpu.memory_space<vmem>> -> memref<128x128xf32, #tpu.memory_space<vmem>>
      %gather3A_2236 = tpu.vector_load_idx %gather3A_2235[%add3A_2218, %and3A_2135] : memref<128x128xf32, #tpu.memory_space<vmem>>[vector<16xi32>, vector<16xi32>], vector<16xf32>,
      %sub3A_2237 = arith.subf %gather3A_2230, %gather3A_2236 : vector<16xf32>
      %mul3A_2238 = arith.mulf %gather3A_2224, %sub3A_2237 : vector<16xf32>
      %add3A_2239 = arith.addf %add3A_2215, %mul3A_2238 : vector<16xf32>
      %add3A_2240 = arith.constant 4 : i32
      %add3A_2241 = vector.broadcast %add3A_2240 : i32 to vector<16xi32>
      %add3A_2242 = arith.addi %mul3A_2141, %add3A_2241 : vector<16xi32>
      %gather3A_2243 = arith.constant 1 : i32
      %gather3A_2244 = arith.constant 0 : i32
      %gather3A_2245 = arith.constant 0 : i32
      %gather3A_2246 = tpu.memref_slice %arg11[%gather3A_2243, %gather3A_2244, %gather3A_2245] : memref<2x128x128xf32, #tpu.memory_space<vmem>> -> memref<1x128x128xf32, #tpu.memory_space<vmem>>
      %gather3A_2247 = tpu.memref_squeeze %gather3A_2246 : memref<1x128x128xf32, #tpu.memory_space<vmem>> -> memref<128x128xf32, #tpu.memory_space<vmem>>
      %gather3A_2248 = tpu.vector_load_idx %gather3A_2247[%add3A_2242, %and3A_2129] : memref<128x128xf32, #tpu.memory_space<vmem>>[vector<16xi32>, vector<16xi32>], vector<16xf32>,
      %gather3A_2249 = arith.constant 1 : i32
      %gather3A_2250 = arith.constant 0 : i32
      %gather3A_2251 = arith.constant 0 : i32
      %gather3A_2252 = tpu.memref_slice %arg12[%gather3A_2249, %gather3A_2250, %gather3A_2251] : memref<2x128x128xf32, #tpu.memory_space<vmem>> -> memref<1x128x128xf32, #tpu.memory_space<vmem>>
      %gather3A_2253 = tpu.memref_squeeze %gather3A_2252 : memref<1x128x128xf32, #tpu.memory_space<vmem>> -> memref<128x128xf32, #tpu.memory_space<vmem>>
      %gather3A_2254 = tpu.vector_load_idx %gather3A_2253[%add3A_2242, %and3A_2132] : memref<128x128xf32, #tpu.memory_space<vmem>>[vector<16xi32>, vector<16xi32>], vector<16xf32>,
      %gather3A_2255 = arith.constant 1 : i32
      %gather3A_2256 = arith.constant 0 : i32
      %gather3A_2257 = arith.constant 0 : i32
      %gather3A_2258 = tpu.memref_slice %arg13[%gather3A_2255, %gather3A_2256, %gather3A_2257] : memref<2x128x128xf32, #tpu.memory_space<vmem>> -> memref<1x128x128xf32, #tpu.memory_space<vmem>>
      %gather3A_2259 = tpu.memref_squeeze %gather3A_2258 : memref<1x128x128xf32, #tpu.memory_space<vmem>> -> memref<128x128xf32, #tpu.memory_space<vmem>>
      %gather3A_2260 = tpu.vector_load_idx %gather3A_2259[%add3A_2242, %and3A_2135] : memref<128x128xf32, #tpu.memory_space<vmem>>[vector<16xi32>, vector<16xi32>], vector<16xf32>,
      %sub3A_2261 = arith.subf %gather3A_2254, %gather3A_2260 : vector<16xf32>
      %mul3A_2262 = arith.mulf %gather3A_2248, %sub3A_2261 : vector<16xf32>
      %add3A_2263 = arith.addf %add3A_2239, %mul3A_2262 : vector<16xf32>
      %add3A_2264 = arith.constant 5 : i32
      %add3A_2265 = vector.broadcast %add3A_2264 : i32 to vector<16xi32>
      %add3A_2266 = arith.addi %mul3A_2141, %add3A_2265 : vector<16xi32>
      %gather3A_2267 = arith.constant 1 : i32
      %gather3A_2268 = arith.constant 0 : i32
      %gather3A_2269 = arith.constant 0 : i32
      %gather3A_2270 = tpu.memref_slice %arg11[%gather3A_2267, %gather3A_2268, %gather3A_2269] : memref<2x128x128xf32, #tpu.memory_space<vmem>> -> memref<1x128x128xf32, #tpu.memory_space<vmem>>
      %gather3A_2271 = tpu.memref_squeeze %gather3A_2270 : memref<1x128x128xf32, #tpu.memory_space<vmem>> -> memref<128x128xf32, #tpu.memory_space<vmem>>
      %gather3A_2272 = tpu.vector_load_idx %gather3A_2271[%add3A_2266, %and3A_2129] : memref<128x128xf32, #tpu.memory_space<vmem>>[vector<16xi32>, vector<16xi32>], vector<16xf32>,
      %gather3A_2273 = arith.constant 1 : i32
      %gather3A_2274 = arith.constant 0 : i32
      %gather3A_2275 = arith.constant 0 : i32
      %gather3A_2276 = tpu.memref_slice %arg12[%gather3A_2273, %gather3A_2274, %gather3A_2275] : memref<2x128x128xf32, #tpu.memory_space<vmem>> -> memref<1x128x128xf32, #tpu.memory_space<vmem>>
      %gather3A_2277 = tpu.memref_squeeze %gather3A_2276 : memref<1x128x128xf32, #tpu.memory_space<vmem>> -> memref<128x128xf32, #tpu.memory_space<vmem>>
      %gather3A_2278 = tpu.vector_load_idx %gather3A_2277[%add3A_2266, %and3A_2132] : memref<128x128xf32, #tpu.memory_space<vmem>>[vector<16xi32>, vector<16xi32>], vector<16xf32>,
      %gather3A_2279 = arith.constant 1 : i32
      %gather3A_2280 = arith.constant 0 : i32
      %gather3A_2281 = arith.constant 0 : i32
      %gather3A_2282 = tpu.memref_slice %arg13[%gather3A_2279, %gather3A_2280, %gather3A_2281] : memref<2x128x128xf32, #tpu.memory_space<vmem>> -> memref<1x128x128xf32, #tpu.memory_space<vmem>>
      %gather3A_2283 = tpu.memref_squeeze %gather3A_2282 : memref<1x128x128xf32, #tpu.memory_space<vmem>> -> memref<128x128xf32, #tpu.memory_space<vmem>>
      %gather3A_2284 = tpu.vector_load_idx %gather3A_2283[%add3A_2266, %and3A_2135] : memref<128x128xf32, #tpu.memory_space<vmem>>[vector<16xi32>, vector<16xi32>], vector<16xf32>,
      %sub3A_2285 = arith.subf %gather3A_2278, %gather3A_2284 : vector<16xf32>
      %mul3A_2286 = arith.mulf %gather3A_2272, %sub3A_2285 : vector<16xf32>
      %add3A_2287 = arith.addf %add3A_2263, %mul3A_2286 : vector<16xf32>
      %add3A_2288 = arith.constant 6 : i32
      %add3A_2289 = vector.broadcast %add3A_2288 : i32 to vector<16xi32>
      %add3A_2290 = arith.addi %mul3A_2141, %add3A_2289 : vector<16xi32>
      %gather3A_2291 = arith.constant 1 : i32
      %gather3A_2292 = arith.constant 0 : i32
      %gather3A_2293 = arith.constant 0 : i32
      %gather3A_2294 = tpu.memref_slice %arg11[%gather3A_2291, %gather3A_2292, %gather3A_2293] : memref<2x128x128xf32, #tpu.memory_space<vmem>> -> memref<1x128x128xf32, #tpu.memory_space<vmem>>
      %gather3A_2295 = tpu.memref_squeeze %gather3A_2294 : memref<1x128x128xf32, #tpu.memory_space<vmem>> -> memref<128x128xf32, #tpu.memory_space<vmem>>
      %gather3A_2296 = tpu.vector_load_idx %gather3A_2295[%add3A_2290, %and3A_2129] : memref<128x128xf32, #tpu.memory_space<vmem>>[vector<16xi32>, vector<16xi32>], vector<16xf32>,
      %gather3A_2297 = arith.constant 1 : i32
      %gather3A_2298 = arith.constant 0 : i32
      %gather3A_2299 = arith.constant 0 : i32
      %gather3A_2300 = tpu.memref_slice %arg12[%gather3A_2297, %gather3A_2298, %gather3A_2299] : memref<2x128x128xf32, #tpu.memory_space<vmem>> -> memref<1x128x128xf32, #tpu.memory_space<vmem>>
      %gather3A_2301 = tpu.memref_squeeze %gather3A_2300 : memref<1x128x128xf32, #tpu.memory_space<vmem>> -> memref<128x128xf32, #tpu.memory_space<vmem>>
      %gather3A_2302 = tpu.vector_load_idx %gather3A_2301[%add3A_2290, %and3A_2132] : memref<128x128xf32, #tpu.memory_space<vmem>>[vector<16xi32>, vector<16xi32>], vector<16xf32>,
      %gather3A_2303 = arith.constant 1 : i32
      %gather3A_2304 = arith.constant 0 : i32
      %gather3A_2305 = arith.constant 0 : i32
      %gather3A_2306 = tpu.memref_slice %arg13[%gather3A_2303, %gather3A_2304, %gather3A_2305] : memref<2x128x128xf32, #tpu.memory_space<vmem>> -> memref<1x128x128xf32, #tpu.memory_space<vmem>>
      %gather3A_2307 = tpu.memref_squeeze %gather3A_2306 : memref<1x128x128xf32, #tpu.memory_space<vmem>> -> memref<128x128xf32, #tpu.memory_space<vmem>>
      %gather3A_2308 = tpu.vector_load_idx %gather3A_2307[%add3A_2290, %and3A_2135] : memref<128x128xf32, #tpu.memory_space<vmem>>[vector<16xi32>, vector<16xi32>], vector<16xf32>,
      %sub3A_2309 = arith.subf %gather3A_2302, %gather3A_2308 : vector<16xf32>
      %mul3A_2310 = arith.mulf %gather3A_2296, %sub3A_2309 : vector<16xf32>
      %add3A_2311 = arith.addf %add3A_2287, %mul3A_2310 : vector<16xf32>
      %add3A_2312 = arith.constant 7 : i32
      %add3A_2313 = vector.broadcast %add3A_2312 : i32 to vector<16xi32>
      %add3A_2314 = arith.addi %mul3A_2141, %add3A_2313 : vector<16xi32>
      %gather3A_2315 = arith.constant 1 : i32
      %gather3A_2316 = arith.constant 0 : i32
      %gather3A_2317 = arith.constant 0 : i32
      %gather3A_2318 = tpu.memref_slice %arg11[%gather3A_2315, %gather3A_2316, %gather3A_2317] : memref<2x128x128xf32, #tpu.memory_space<vmem>> -> memref<1x128x128xf32, #tpu.memory_space<vmem>>
      %gather3A_2319 = tpu.memref_squeeze %gather3A_2318 : memref<1x128x128xf32, #tpu.memory_space<vmem>> -> memref<128x128xf32, #tpu.memory_space<vmem>>
      %gather3A_2320 = tpu.vector_load_idx %gather3A_2319[%add3A_2314, %and3A_2129] : memref<128x128xf32, #tpu.memory_space<vmem>>[vector<16xi32>, vector<16xi32>], vector<16xf32>,
      %gather3A_2321 = arith.constant 1 : i32
      %gather3A_2322 = arith.constant 0 : i32
      %gather3A_2323 = arith.constant 0 : i32
      %gather3A_2324 = tpu.memref_slice %arg12[%gather3A_2321, %gather3A_2322, %gather3A_2323] : memref<2x128x128xf32, #tpu.memory_space<vmem>> -> memref<1x128x128xf32, #tpu.memory_space<vmem>>
      %gather3A_2325 = tpu.memref_squeeze %gather3A_2324 : memref<1x128x128xf32, #tpu.memory_space<vmem>> -> memref<128x128xf32, #tpu.memory_space<vmem>>
      %gather3A_2326 = tpu.vector_load_idx %gather3A_2325[%add3A_2314, %and3A_2132] : memref<128x128xf32, #tpu.memory_space<vmem>>[vector<16xi32>, vector<16xi32>], vector<16xf32>,
      %gather3A_2327 = arith.constant 1 : i32
      %gather3A_2328 = arith.constant 0 : i32
      %gather3A_2329 = arith.constant 0 : i32
      %gather3A_2330 = tpu.memref_slice %arg13[%gather3A_2327, %gather3A_2328, %gather3A_2329] : memref<2x128x128xf32, #tpu.memory_space<vmem>> -> memref<1x128x128xf32, #tpu.memory_space<vmem>>
      %gather3A_2331 = tpu.memref_squeeze %gather3A_2330 : memref<1x128x128xf32, #tpu.memory_space<vmem>> -> memref<128x128xf32, #tpu.memory_space<vmem>>
      %gather3A_2332 = tpu.vector_load_idx %gather3A_2331[%add3A_2314, %and3A_2135] : memref<128x128xf32, #tpu.memory_space<vmem>>[vector<16xi32>, vector<16xi32>], vector<16xf32>,
      %sub3A_2333 = arith.subf %gather3A_2326, %gather3A_2332 : vector<16xf32>
      %mul3A_2334 = arith.mulf %gather3A_2320, %sub3A_2333 : vector<16xf32>
      %add3A_2335 = arith.addf %add3A_2311, %mul3A_2334 : vector<16xf32>
      %add3A_2336 = arith.constant 8 : i32
      %add3A_2337 = vector.broadcast %add3A_2336 : i32 to vector<16xi32>
      %add3A_2338 = arith.addi %mul3A_2141, %add3A_2337 : vector<16xi32>
      %gather3A_2339 = arith.constant 1 : i32
      %gather3A_2340 = arith.constant 0 : i32
      %gather3A_2341 = arith.constant 0 : i32
      %gather3A_2342 = tpu.memref_slice %arg11[%gather3A_2339, %gather3A_2340, %gather3A_2341] : memref<2x128x128xf32, #tpu.memory_space<vmem>> -> memref<1x128x128xf32, #tpu.memory_space<vmem>>
      %gather3A_2343 = tpu.memref_squeeze %gather3A_2342 : memref<1x128x128xf32, #tpu.memory_space<vmem>> -> memref<128x128xf32, #tpu.memory_space<vmem>>
      %gather3A_2344 = tpu.vector_load_idx %gather3A_2343[%add3A_2338, %and3A_2129] : memref<128x128xf32, #tpu.memory_space<vmem>>[vector<16xi32>, vector<16xi32>], vector<16xf32>,
      %gather3A_2345 = arith.constant 1 : i32
      %gather3A_2346 = arith.constant 0 : i32
      %gather3A_2347 = arith.constant 0 : i32
      %gather3A_2348 = tpu.memref_slice %arg12[%gather3A_2345, %gather3A_2346, %gather3A_2347] : memref<2x128x128xf32, #tpu.memory_space<vmem>> -> memref<1x128x128xf32, #tpu.memory_space<vmem>>
      %gather3A_2349 = tpu.memref_squeeze %gather3A_2348 : memref<1x128x128xf32, #tpu.memory_space<vmem>> -> memref<128x128xf32, #tpu.memory_space<vmem>>
      %gather3A_2350 = tpu.vector_load_idx %gather3A_2349[%add3A_2338, %and3A_2132] : memref<128x128xf32, #tpu.memory_space<vmem>>[vector<16xi32>, vector<16xi32>], vector<16xf32>,
      %gather3A_2351 = arith.constant 1 : i32
      %gather3A_2352 = arith.constant 0 : i32
      %gather3A_2353 = arith.constant 0 : i32
      %gather3A_2354 = tpu.memref_slice %arg13[%gather3A_2351, %gather3A_2352, %gather3A_2353] : memref<2x128x128xf32, #tpu.memory_space<vmem>> -> memref<1x128x128xf32, #tpu.memory_space<vmem>>
      %gather3A_2355 = tpu.memref_squeeze %gather3A_2354 : memref<1x128x128xf32, #tpu.memory_space<vmem>> -> memref<128x128xf32, #tpu.memory_space<vmem>>
      %gather3A_2356 = tpu.vector_load_idx %gather3A_2355[%add3A_2338, %and3A_2135] : memref<128x128xf32, #tpu.memory_space<vmem>>[vector<16xi32>, vector<16xi32>], vector<16xf32>,
      %sub3A_2357 = arith.subf %gather3A_2350, %gather3A_2356 : vector<16xf32>
      %mul3A_2358 = arith.mulf %gather3A_2344, %sub3A_2357 : vector<16xf32>
      %add3A_2359 = arith.addf %add3A_2335, %mul3A_2358 : vector<16xf32>
      %add3A_2360 = arith.constant 9 : i32
      %add3A_2361 = vector.broadcast %add3A_2360 : i32 to vector<16xi32>
      %add3A_2362 = arith.addi %mul3A_2141, %add3A_2361 : vector<16xi32>
      %gather3A_2363 = arith.constant 1 : i32
      %gather3A_2364 = arith.constant 0 : i32
      %gather3A_2365 = arith.constant 0 : i32
      %gather3A_2366 = tpu.memref_slice %arg11[%gather3A_2363, %gather3A_2364, %gather3A_2365] : memref<2x128x128xf32, #tpu.memory_space<vmem>> -> memref<1x128x128xf32, #tpu.memory_space<vmem>>
      %gather3A_2367 = tpu.memref_squeeze %gather3A_2366 : memref<1x128x128xf32, #tpu.memory_space<vmem>> -> memref<128x128xf32, #tpu.memory_space<vmem>>
      %gather3A_2368 = tpu.vector_load_idx %gather3A_2367[%add3A_2362, %and3A_2129] : memref<128x128xf32, #tpu.memory_space<vmem>>[vector<16xi32>, vector<16xi32>], vector<16xf32>,
      %gather3A_2369 = arith.constant 1 : i32
      %gather3A_2370 = arith.constant 0 : i32
      %gather3A_2371 = arith.constant 0 : i32
      %gather3A_2372 = tpu.memref_slice %arg12[%gather3A_2369, %gather3A_2370, %gather3A_2371] : memref<2x128x128xf32, #tpu.memory_space<vmem>> -> memref<1x128x128xf32, #tpu.memory_space<vmem>>
      %gather3A_2373 = tpu.memref_squeeze %gather3A_2372 : memref<1x128x128xf32, #tpu.memory_space<vmem>> -> memref<128x128xf32, #tpu.memory_space<vmem>>
      %gather3A_2374 = tpu.vector_load_idx %gather3A_2373[%add3A_2362, %and3A_2132] : memref<128x128xf32, #tpu.memory_space<vmem>>[vector<16xi32>, vector<16xi32>], vector<16xf32>,
      %gather3A_2375 = arith.constant 1 : i32
      %gather3A_2376 = arith.constant 0 : i32
      %gather3A_2377 = arith.constant 0 : i32
      %gather3A_2378 = tpu.memref_slice %arg13[%gather3A_2375, %gather3A_2376, %gather3A_2377] : memref<2x128x128xf32, #tpu.memory_space<vmem>> -> memref<1x128x128xf32, #tpu.memory_space<vmem>>
      %gather3A_2379 = tpu.memref_squeeze %gather3A_2378 : memref<1x128x128xf32, #tpu.memory_space<vmem>> -> memref<128x128xf32, #tpu.memory_space<vmem>>
      %gather3A_2380 = tpu.vector_load_idx %gather3A_2379[%add3A_2362, %and3A_2135] : memref<128x128xf32, #tpu.memory_space<vmem>>[vector<16xi32>, vector<16xi32>], vector<16xf32>,
      %sub3A_2381 = arith.subf %gather3A_2374, %gather3A_2380 : vector<16xf32>
      %mul3A_2382 = arith.mulf %gather3A_2368, %sub3A_2381 : vector<16xf32>
      %add3A_2383 = arith.addf %add3A_2359, %mul3A_2382 : vector<16xf32>
      %add3A_2384 = arith.constant 10 : i32
      %add3A_2385 = vector.broadcast %add3A_2384 : i32 to vector<16xi32>
      %add3A_2386 = arith.addi %mul3A_2141, %add3A_2385 : vector<16xi32>
      %gather3A_2387 = arith.constant 1 : i32
      %gather3A_2388 = arith.constant 0 : i32
      %gather3A_2389 = arith.constant 0 : i32
      %gather3A_2390 = tpu.memref_slice %arg11[%gather3A_2387, %gather3A_2388, %gather3A_2389] : memref<2x128x128xf32, #tpu.memory_space<vmem>> -> memref<1x128x128xf32, #tpu.memory_space<vmem>>
      %gather3A_2391 = tpu.memref_squeeze %gather3A_2390 : memref<1x128x128xf32, #tpu.memory_space<vmem>> -> memref<128x128xf32, #tpu.memory_space<vmem>>
      %gather3A_2392 = tpu.vector_load_idx %gather3A_2391[%add3A_2386, %and3A_2129] : memref<128x128xf32, #tpu.memory_space<vmem>>[vector<16xi32>, vector<16xi32>], vector<16xf32>,
      %gather3A_2393 = arith.constant 1 : i32
      %gather3A_2394 = arith.constant 0 : i32
      %gather3A_2395 = arith.constant 0 : i32
      %gather3A_2396 = tpu.memref_slice %arg12[%gather3A_2393, %gather3A_2394, %gather3A_2395] : memref<2x128x128xf32, #tpu.memory_space<vmem>> -> memref<1x128x128xf32, #tpu.memory_space<vmem>>
      %gather3A_2397 = tpu.memref_squeeze %gather3A_2396 : memref<1x128x128xf32, #tpu.memory_space<vmem>> -> memref<128x128xf32, #tpu.memory_space<vmem>>
      %gather3A_2398 = tpu.vector_load_idx %gather3A_2397[%add3A_2386, %and3A_2132] : memref<128x128xf32, #tpu.memory_space<vmem>>[vector<16xi32>, vector<16xi32>], vector<16xf32>,
      %gather3A_2399 = arith.constant 1 : i32
      %gather3A_2400 = arith.constant 0 : i32
      %gather3A_2401 = arith.constant 0 : i32
      %gather3A_2402 = tpu.memref_slice %arg13[%gather3A_2399, %gather3A_2400, %gather3A_2401] : memref<2x128x128xf32, #tpu.memory_space<vmem>> -> memref<1x128x128xf32, #tpu.memory_space<vmem>>
      %gather3A_2403 = tpu.memref_squeeze %gather3A_2402 : memref<1x128x128xf32, #tpu.memory_space<vmem>> -> memref<128x128xf32, #tpu.memory_space<vmem>>
      %gather3A_2404 = tpu.vector_load_idx %gather3A_2403[%add3A_2386, %and3A_2135] : memref<128x128xf32, #tpu.memory_space<vmem>>[vector<16xi32>, vector<16xi32>], vector<16xf32>,
      %sub3A_2405 = arith.subf %gather3A_2398, %gather3A_2404 : vector<16xf32>
      %mul3A_2406 = arith.mulf %gather3A_2392, %sub3A_2405 : vector<16xf32>
      %add3A_2407 = arith.addf %add3A_2383, %mul3A_2406 : vector<16xf32>
      %add3A_2408 = arith.constant 11 : i32
      %add3A_2409 = vector.broadcast %add3A_2408 : i32 to vector<16xi32>
      %add3A_2410 = arith.addi %mul3A_2141, %add3A_2409 : vector<16xi32>
      %gather3A_2411 = arith.constant 1 : i32
      %gather3A_2412 = arith.constant 0 : i32
      %gather3A_2413 = arith.constant 0 : i32
      %gather3A_2414 = tpu.memref_slice %arg11[%gather3A_2411, %gather3A_2412, %gather3A_2413] : memref<2x128x128xf32, #tpu.memory_space<vmem>> -> memref<1x128x128xf32, #tpu.memory_space<vmem>>
      %gather3A_2415 = tpu.memref_squeeze %gather3A_2414 : memref<1x128x128xf32, #tpu.memory_space<vmem>> -> memref<128x128xf32, #tpu.memory_space<vmem>>
      %gather3A_2416 = tpu.vector_load_idx %gather3A_2415[%add3A_2410, %and3A_2129] : memref<128x128xf32, #tpu.memory_space<vmem>>[vector<16xi32>, vector<16xi32>], vector<16xf32>,
      %gather3A_2417 = arith.constant 1 : i32
      %gather3A_2418 = arith.constant 0 : i32
      %gather3A_2419 = arith.constant 0 : i32
      %gather3A_2420 = tpu.memref_slice %arg12[%gather3A_2417, %gather3A_2418, %gather3A_2419] : memref<2x128x128xf32, #tpu.memory_space<vmem>> -> memref<1x128x128xf32, #tpu.memory_space<vmem>>
      %gather3A_2421 = tpu.memref_squeeze %gather3A_2420 : memref<1x128x128xf32, #tpu.memory_space<vmem>> -> memref<128x128xf32, #tpu.memory_space<vmem>>
      %gather3A_2422 = tpu.vector_load_idx %gather3A_2421[%add3A_2410, %and3A_2132] : memref<128x128xf32, #tpu.memory_space<vmem>>[vector<16xi32>, vector<16xi32>], vector<16xf32>,
      %gather3A_2423 = arith.constant 1 : i32
      %gather3A_2424 = arith.constant 0 : i32
      %gather3A_2425 = arith.constant 0 : i32
      %gather3A_2426 = tpu.memref_slice %arg13[%gather3A_2423, %gather3A_2424, %gather3A_2425] : memref<2x128x128xf32, #tpu.memory_space<vmem>> -> memref<1x128x128xf32, #tpu.memory_space<vmem>>
      %gather3A_2427 = tpu.memref_squeeze %gather3A_2426 : memref<1x128x128xf32, #tpu.memory_space<vmem>> -> memref<128x128xf32, #tpu.memory_space<vmem>>
      %gather3A_2428 = tpu.vector_load_idx %gather3A_2427[%add3A_2410, %and3A_2135] : memref<128x128xf32, #tpu.memory_space<vmem>>[vector<16xi32>, vector<16xi32>], vector<16xf32>,
      %sub3A_2429 = arith.subf %gather3A_2422, %gather3A_2428 : vector<16xf32>
      %mul3A_2430 = arith.mulf %gather3A_2416, %sub3A_2429 : vector<16xf32>
      %add3A_2431 = arith.addf %add3A_2407, %mul3A_2430 : vector<16xf32>
      %add3A_2432 = arith.constant 12 : i32
      %add3A_2433 = vector.broadcast %add3A_2432 : i32 to vector<16xi32>
      %add3A_2434 = arith.addi %mul3A_2141, %add3A_2433 : vector<16xi32>
      %gather3A_2435 = arith.constant 1 : i32
      %gather3A_2436 = arith.constant 0 : i32
      %gather3A_2437 = arith.constant 0 : i32
      %gather3A_2438 = tpu.memref_slice %arg11[%gather3A_2435, %gather3A_2436, %gather3A_2437] : memref<2x128x128xf32, #tpu.memory_space<vmem>> -> memref<1x128x128xf32, #tpu.memory_space<vmem>>
      %gather3A_2439 = tpu.memref_squeeze %gather3A_2438 : memref<1x128x128xf32, #tpu.memory_space<vmem>> -> memref<128x128xf32, #tpu.memory_space<vmem>>
      %gather3A_2440 = tpu.vector_load_idx %gather3A_2439[%add3A_2434, %and3A_2129] : memref<128x128xf32, #tpu.memory_space<vmem>>[vector<16xi32>, vector<16xi32>], vector<16xf32>,
      %gather3A_2441 = arith.constant 1 : i32
      %gather3A_2442 = arith.constant 0 : i32
      %gather3A_2443 = arith.constant 0 : i32
      %gather3A_2444 = tpu.memref_slice %arg12[%gather3A_2441, %gather3A_2442, %gather3A_2443] : memref<2x128x128xf32, #tpu.memory_space<vmem>> -> memref<1x128x128xf32, #tpu.memory_space<vmem>>
      %gather3A_2445 = tpu.memref_squeeze %gather3A_2444 : memref<1x128x128xf32, #tpu.memory_space<vmem>> -> memref<128x128xf32, #tpu.memory_space<vmem>>
      %gather3A_2446 = tpu.vector_load_idx %gather3A_2445[%add3A_2434, %and3A_2132] : memref<128x128xf32, #tpu.memory_space<vmem>>[vector<16xi32>, vector<16xi32>], vector<16xf32>,
      %gather3A_2447 = arith.constant 1 : i32
      %gather3A_2448 = arith.constant 0 : i32
      %gather3A_2449 = arith.constant 0 : i32
      %gather3A_2450 = tpu.memref_slice %arg13[%gather3A_2447, %gather3A_2448, %gather3A_2449] : memref<2x128x128xf32, #tpu.memory_space<vmem>> -> memref<1x128x128xf32, #tpu.memory_space<vmem>>
      %gather3A_2451 = tpu.memref_squeeze %gather3A_2450 : memref<1x128x128xf32, #tpu.memory_space<vmem>> -> memref<128x128xf32, #tpu.memory_space<vmem>>
      %gather3A_2452 = tpu.vector_load_idx %gather3A_2451[%add3A_2434, %and3A_2135] : memref<128x128xf32, #tpu.memory_space<vmem>>[vector<16xi32>, vector<16xi32>], vector<16xf32>,
      %sub3A_2453 = arith.subf %gather3A_2446, %gather3A_2452 : vector<16xf32>
      %mul3A_2454 = arith.mulf %gather3A_2440, %sub3A_2453 : vector<16xf32>
      %add3A_2455 = arith.addf %add3A_2431, %mul3A_2454 : vector<16xf32>
      %add3A_2456 = arith.constant 13 : i32
      %add3A_2457 = vector.broadcast %add3A_2456 : i32 to vector<16xi32>
      %add3A_2458 = arith.addi %mul3A_2141, %add3A_2457 : vector<16xi32>
      %gather3A_2459 = arith.constant 1 : i32
      %gather3A_2460 = arith.constant 0 : i32
      %gather3A_2461 = arith.constant 0 : i32
      %gather3A_2462 = tpu.memref_slice %arg11[%gather3A_2459, %gather3A_2460, %gather3A_2461] : memref<2x128x128xf32, #tpu.memory_space<vmem>> -> memref<1x128x128xf32, #tpu.memory_space<vmem>>
      %gather3A_2463 = tpu.memref_squeeze %gather3A_2462 : memref<1x128x128xf32, #tpu.memory_space<vmem>> -> memref<128x128xf32, #tpu.memory_space<vmem>>
      %gather3A_2464 = tpu.vector_load_idx %gather3A_2463[%add3A_2458, %and3A_2129] : memref<128x128xf32, #tpu.memory_space<vmem>>[vector<16xi32>, vector<16xi32>], vector<16xf32>,
      %gather3A_2465 = arith.constant 1 : i32
      %gather3A_2466 = arith.constant 0 : i32
      %gather3A_2467 = arith.constant 0 : i32
      %gather3A_2468 = tpu.memref_slice %arg12[%gather3A_2465, %gather3A_2466, %gather3A_2467] : memref<2x128x128xf32, #tpu.memory_space<vmem>> -> memref<1x128x128xf32, #tpu.memory_space<vmem>>
      %gather3A_2469 = tpu.memref_squeeze %gather3A_2468 : memref<1x128x128xf32, #tpu.memory_space<vmem>> -> memref<128x128xf32, #tpu.memory_space<vmem>>
      %gather3A_2470 = tpu.vector_load_idx %gather3A_2469[%add3A_2458, %and3A_2132] : memref<128x128xf32, #tpu.memory_space<vmem>>[vector<16xi32>, vector<16xi32>], vector<16xf32>,
      %gather3A_2471 = arith.constant 1 : i32
      %gather3A_2472 = arith.constant 0 : i32
      %gather3A_2473 = arith.constant 0 : i32
      %gather3A_2474 = tpu.memref_slice %arg13[%gather3A_2471, %gather3A_2472, %gather3A_2473] : memref<2x128x128xf32, #tpu.memory_space<vmem>> -> memref<1x128x128xf32, #tpu.memory_space<vmem>>
      %gather3A_2475 = tpu.memref_squeeze %gather3A_2474 : memref<1x128x128xf32, #tpu.memory_space<vmem>> -> memref<128x128xf32, #tpu.memory_space<vmem>>
      %gather3A_2476 = tpu.vector_load_idx %gather3A_2475[%add3A_2458, %and3A_2135] : memref<128x128xf32, #tpu.memory_space<vmem>>[vector<16xi32>, vector<16xi32>], vector<16xf32>,
      %sub3A_2477 = arith.subf %gather3A_2470, %gather3A_2476 : vector<16xf32>
      %mul3A_2478 = arith.mulf %gather3A_2464, %sub3A_2477 : vector<16xf32>
      %add3A_2479 = arith.addf %add3A_2455, %mul3A_2478 : vector<16xf32>
      %add3A_2480 = arith.constant 14 : i32
      %add3A_2481 = vector.broadcast %add3A_2480 : i32 to vector<16xi32>
      %add3A_2482 = arith.addi %mul3A_2141, %add3A_2481 : vector<16xi32>
      %gather3A_2483 = arith.constant 1 : i32
      %gather3A_2484 = arith.constant 0 : i32
      %gather3A_2485 = arith.constant 0 : i32
      %gather3A_2486 = tpu.memref_slice %arg11[%gather3A_2483, %gather3A_2484, %gather3A_2485] : memref<2x128x128xf32, #tpu.memory_space<vmem>> -> memref<1x128x128xf32, #tpu.memory_space<vmem>>
      %gather3A_2487 = tpu.memref_squeeze %gather3A_2486 : memref<1x128x128xf32, #tpu.memory_space<vmem>> -> memref<128x128xf32, #tpu.memory_space<vmem>>
      %gather3A_2488 = tpu.vector_load_idx %gather3A_2487[%add3A_2482, %and3A_2129] : memref<128x128xf32, #tpu.memory_space<vmem>>[vector<16xi32>, vector<16xi32>], vector<16xf32>,
      %gather3A_2489 = arith.constant 1 : i32
      %gather3A_2490 = arith.constant 0 : i32
      %gather3A_2491 = arith.constant 0 : i32
      %gather3A_2492 = tpu.memref_slice %arg12[%gather3A_2489, %gather3A_2490, %gather3A_2491] : memref<2x128x128xf32, #tpu.memory_space<vmem>> -> memref<1x128x128xf32, #tpu.memory_space<vmem>>
      %gather3A_2493 = tpu.memref_squeeze %gather3A_2492 : memref<1x128x128xf32, #tpu.memory_space<vmem>> -> memref<128x128xf32, #tpu.memory_space<vmem>>
      %gather3A_2494 = tpu.vector_load_idx %gather3A_2493[%add3A_2482, %and3A_2132] : memref<128x128xf32, #tpu.memory_space<vmem>>[vector<16xi32>, vector<16xi32>], vector<16xf32>,
      %gather3A_2495 = arith.constant 1 : i32
      %gather3A_2496 = arith.constant 0 : i32
      %gather3A_2497 = arith.constant 0 : i32
      %gather3A_2498 = tpu.memref_slice %arg13[%gather3A_2495, %gather3A_2496, %gather3A_2497] : memref<2x128x128xf32, #tpu.memory_space<vmem>> -> memref<1x128x128xf32, #tpu.memory_space<vmem>>
      %gather3A_2499 = tpu.memref_squeeze %gather3A_2498 : memref<1x128x128xf32, #tpu.memory_space<vmem>> -> memref<128x128xf32, #tpu.memory_space<vmem>>
      %gather3A_2500 = tpu.vector_load_idx %gather3A_2499[%add3A_2482, %and3A_2135] : memref<128x128xf32, #tpu.memory_space<vmem>>[vector<16xi32>, vector<16xi32>], vector<16xf32>,
      %sub3A_2501 = arith.subf %gather3A_2494, %gather3A_2500 : vector<16xf32>
      %mul3A_2502 = arith.mulf %gather3A_2488, %sub3A_2501 : vector<16xf32>
      %add3A_2503 = arith.addf %add3A_2479, %mul3A_2502 : vector<16xf32>
      %add3A_2504 = arith.constant 15 : i32
      %add3A_2505 = vector.broadcast %add3A_2504 : i32 to vector<16xi32>
      %add3A_2506 = arith.addi %mul3A_2141, %add3A_2505 : vector<16xi32>
      %gather3A_2507 = arith.constant 1 : i32
      %gather3A_2508 = arith.constant 0 : i32
      %gather3A_2509 = arith.constant 0 : i32
      %gather3A_2510 = tpu.memref_slice %arg11[%gather3A_2507, %gather3A_2508, %gather3A_2509] : memref<2x128x128xf32, #tpu.memory_space<vmem>> -> memref<1x128x128xf32, #tpu.memory_space<vmem>>
      %gather3A_2511 = tpu.memref_squeeze %gather3A_2510 : memref<1x128x128xf32, #tpu.memory_space<vmem>> -> memref<128x128xf32, #tpu.memory_space<vmem>>
      %gather3A_2512 = tpu.vector_load_idx %gather3A_2511[%add3A_2506, %and3A_2129] : memref<128x128xf32, #tpu.memory_space<vmem>>[vector<16xi32>, vector<16xi32>], vector<16xf32>,
      %gather3A_2513 = arith.constant 1 : i32
      %gather3A_2514 = arith.constant 0 : i32
      %gather3A_2515 = arith.constant 0 : i32
      %gather3A_2516 = tpu.memref_slice %arg12[%gather3A_2513, %gather3A_2514, %gather3A_2515] : memref<2x128x128xf32, #tpu.memory_space<vmem>> -> memref<1x128x128xf32, #tpu.memory_space<vmem>>
      %gather3A_2517 = tpu.memref_squeeze %gather3A_2516 : memref<1x128x128xf32, #tpu.memory_space<vmem>> -> memref<128x128xf32, #tpu.memory_space<vmem>>
      %gather3A_2518 = tpu.vector_load_idx %gather3A_2517[%add3A_2506, %and3A_2132] : memref<128x128xf32, #tpu.memory_space<vmem>>[vector<16xi32>, vector<16xi32>], vector<16xf32>,
      %gather3A_2519 = arith.constant 1 : i32
      %gather3A_2520 = arith.constant 0 : i32
      %gather3A_2521 = arith.constant 0 : i32
      %gather3A_2522 = tpu.memref_slice %arg13[%gather3A_2519, %gather3A_2520, %gather3A_2521] : memref<2x128x128xf32, #tpu.memory_space<vmem>> -> memref<1x128x128xf32, #tpu.memory_space<vmem>>
      %gather3A_2523 = tpu.memref_squeeze %gather3A_2522 : memref<1x128x128xf32, #tpu.memory_space<vmem>> -> memref<128x128xf32, #tpu.memory_space<vmem>>
      %gather3A_2524 = tpu.vector_load_idx %gather3A_2523[%add3A_2506, %and3A_2135] : memref<128x128xf32, #tpu.memory_space<vmem>>[vector<16xi32>, vector<16xi32>], vector<16xf32>,
      %sub3A_2525 = arith.subf %gather3A_2518, %gather3A_2524 : vector<16xf32>
      %mul3A_2526 = arith.mulf %gather3A_2512, %sub3A_2525 : vector<16xf32>
      %add3A_2527 = arith.addf %add3A_2503, %mul3A_2526 : vector<16xf32>
      %add3A_2528 = vector.broadcast %mul3A_2120 : i32 to vector<16xi32>
      %add3A_2529 = arith.addi %add3A_2528, %iota3A : vector<16xi32>
      tpu.vector_store_idx %arg14[%add3A_2529], %add3A_2527 masked %lt3A_10 : memref<512xf32, #tpu.memory_space<vmem>>[vector<16xi32>], vector<16xf32>, vector<16xi1>
    }
    %scan3A_495 = arith.constant 32 : i32
    "tpu.region"() ({
      %run_scoped3A = tpu.sem_alloc : memref<!tpu.dma_semaphore, #tpu.memory_space<semaphore_mem>>
      %dma_start3A_496 = tpu.memref_slice %arg7[%mul3A_2] : memref<16384xf32, #tpu.memory_space<hbm>> -> memref<512xf32, #tpu.memory_space<hbm>>
      %dma_start3A_497 = tpu.memref_slice %arg7[%mul3A_2] : memref<16384xf32, #tpu.memory_space<hbm>> -> memref<512xf32, #tpu.memory_space<hbm>>
      tpu.enqueue_dma source(%arg14 : memref<512xf32, #tpu.memory_space<vmem>>) target(%dma_start3A_497 : memref<512xf32, #tpu.memory_space<hbm>>) target_semaphore(%run_scoped3A : memref<!tpu.dma_semaphore, #tpu.memory_space<semaphore_mem>>)
      %dma_wait3A = tpu.memref_slice %arg7[%mul3A_2] : memref<16384xf32, #tpu.memory_space<hbm>> -> memref<512xf32, #tpu.memory_space<hbm>>
      %dma_wait3A_498 = tpu.memref_slice %arg7[%mul3A_2] : memref<16384xf32, #tpu.memory_space<hbm>> -> memref<512xf32, #tpu.memory_space<hbm>>
      tpu.wait_dma2 semaphore(%run_scoped3A : memref<!tpu.dma_semaphore, #tpu.memory_space<semaphore_mem>>) src(%arg14 : memref<512xf32, #tpu.memory_space<vmem>>) dst(%dma_wait3A_498 : memref<512xf32, #tpu.memory_space<hbm>>)
      tpu.yield
    }) : () -> ()
    return
  }
}

</mosaic_0001>

<sc_bundles>
// kernel: kernel.3.cloned.1.call-start
scs
__scs_entry_jumppad:
0x0: {  	(pc) =	sbr.rel $0x88, $3  }
0x1: {  	(tag) =	ssettag $0x0;
	lr =	simm.s32 $0x1  }
0x2: {  	[smem:$0x3F9C] =	sst lr;
	_ =	strace $0xD0000000  }
0x3: {  	_ = 	snop  }
0x4: {  	_ = 	snop  }
0x5: {  	_ = 	snop  }
0x6: {  	_ = 	snop  }
0x7: {  	_ = 	snop  }
__scs_overlays_trampoline_lowered:
0x8: {  	[smem:$0x3FAB] =	sst s0  }
0x9: {  	[smem:$0x3FAC] =	sst s1  }
0xa: {  	[smem:$0x3FAD] =	sst s2  }
0xb: {  	[smem:$0x3FAE] =	sst s3  }
0xc: {  	[smem:$0x3FAF] =	sst s4  }
0xd: {  	[smem:$0x3FB0] =	sst s5  }
0xe: {  	[smem:$0x3FB1] =	sst s6  }
0xf: {  	[smem:$0x3FB2] =	sst s7  }
0x10: {  	[smem:$0x3FB3] =	sst s8  }
0x11: {  	[smem:$0x3FB4] =	sst s9;
	s0 =	simm.s32 @!p0 $0x0  }
0x12: {  	s1 =	sld [smem:$0x3F9A];
	s0 =	simm.s32 @p0 $0x1  }
0x13: {  	[smem:$0x3FB5] =	sst s0;
	s0 =	simm.s32 @!p1 $0x0  }
0x14: {  	s2 =	sld [smem:$0x3F99];
	s0 =	simm.s32 @p1 $0x1  }
0x15: {  	[smem:$0x3FB6] =	sst s0;
	s0 =	simm.s32 @!p2 $0x0  }
0x16: {  	s3 =	sld [smem:$0x3FDB];
	s0 =	simm.s32 @p2 $0x1  }
0x17: {  	s4 =	simm.s32 $0x1BF5;
	[smem:$0x3FB8] =	sst s0  }
0x18: {  	s0 =	sld [smem:$0x3F9B];
	_ =	swait.ge [sflag:s4], $0x0  }
0x19: {  	s7 =	sld [smem:$0x3F9C]  }
0x1a: {  	s8 =	sadd.s32 $0xFFFFE003, lr  }
0x1b: {  	s9 =	sadd.s32 $0xFFFFFEF7, lr;
	s5 =	simm.s32 $0xFFFFFFFF;
	p2 =	slt.u32 s8, $0xFFFFF086  }
0x1c: {  	p1 =	slt.u32 s9, $0xF7A;
	s5 =	simm.s32 @!p2 $0x0  }
0x1d: {  	s5 =	simm.s32 @p1 $0x1;
	p0 =	seq.s32 s7, s2  }
0x1e: {  	s7 =	smul.u32 @!p0 $0xF7A, s2;
	p2 =	seq.s32 @!p0 s5, $0x0  }
0x1f: {  	s9 =	smul.u32 $0xF7A, s1;
	s8 =	simm.s32 @!p0 $0x1BF5;
	p2 =	por !p2, p0  }
0x20: {  	[sflag:s8] =	ssyncset.s32 @!p0 $0xFFFFF086;
	s6 =	sadd.s32 @!p0 s3, s7;
	s7 =	simm.s32 @!p0 $0x108  }
0x21: {  	s3 =	sadd.s32 s3, s9;
	s6 =	sadd.s32 @!p0 $0x88, s6;
	s7 =	simm.s32 @p2 $0x1082  }
0x22: {  	[simem:s7], [sflag:s8] =	dma.local @!p0 [hbm:s6], $0xF7A  }
0x23: {  	s9 =	sor.u32 $0xD0000000, s2;
	s6 =	simm.s32 $0x108;
	_ =	swait.ge @!p0 [sflag:s8], $0x0  }
0x24: {  	s3 =	sadd.s32 $0x88, s3;
	s6 =	simm.s32 @!p1 $0x1082;
	[sflag:s4] =	ssyncset.s32 $0xFFFFF086  }
0x25: {  	[simem:s6], [sflag:s4] =	dma.local [hbm:s3], $0xF7A  }
0x26: {  	[smem:$0x3F9C] =	sst s1;
	(tag) =	ssettag s2;
	_ =	strace s9  }
0x27: {  	s1 =	sld [smem:$0x3FAC]  }
0x28: {  	s2 =	sld [smem:$0x3FAD]  }
0x29: {  	s4 =	sld [smem:$0x3FAF]  }
0x2a: {  	p0 =	seq.s32 s5, $0x0;
	s5 =	sld [smem:$0x3FB0]  }
0x2b: {  	s6 =	sld [smem:$0x3FB1]  }
0x2c: {  	s7 =	sld [smem:$0x3FB2]  }
0x2d: {  	s3 =	simm.s32 $0x108;
	s8 =	sld [smem:$0x3FB3]  }
0x2e: {  	s3 =	simm.s32 @!p0 $0x1082;
	s9 =	sld [smem:$0x3FB4]  }
0x2f: {  	lr =	sadd.s32 s0, s3;
	s0 =	sld [smem:$0x3FAB]  }
0x30: {  	s3 =	sld [smem:$0x3FAE]  }
0x31: {  	[smem:$0x3FB7] =	sst s10  }
0x32: {  	s10 =	sld [smem:$0x3FB5];
	_ =	sdelay $0x3  }
0x33: {  	p0 =	seq.s32 s10, $0x1;
	s10 =	sld [smem:$0x3FB7];
	_ =	sdelay $0x3  }
0x34: {  	[smem:$0x3FB7] =	sst s10  }
0x35: {  	s10 =	sld [smem:$0x3FB6];
	_ =	sdelay $0x3  }
0x36: {  	p1 =	seq.s32 s10, $0x1;
	s10 =	sld [smem:$0x3FB7];
	_ =	sdelay $0x3  }
0x37: {  	[smem:$0x3FB7] =	sst s10  }
0x38: {  	s10 =	sld [smem:$0x3FB8]  }
0x39: {  	_ = 	snop;
	(pc) =	sbr.ind lr, $3  }
0x3a: {  	_ = 	snop  }
0x3b: {  	_ = 	snop  }
0x3c: {  	p2 =	seq.s32 s10, $0x1;
	s10 =	sld [smem:$0x3FB7]  }
0x3d: {  	_ =	shalt  }
0x3e: {  	_ =	shalt  }
0x3f: {  	_ =	shalt  }
0x40: {  	_ =	shalt  }
0x41: {  	_ =	shalt  }
0x42: {  	_ =	shalt  }
0x43: {  	_ =	shalt  }
0x44: {  	_ =	shalt  }
0x45: {  	_ =	shalt  }
0x46: {  	_ =	shalt  }
0x47: {  	_ =	shalt  }
0x48: {  	_ =	shalt  }
0x49: {  	_ =	shalt  }
0x4a: {  	_ =	shalt  }
0x4b: {  	_ =	shalt  }
0x4c: {  	_ =	shalt  }
0x4d: {  	_ =	shalt  }
0x4e: {  	_ =	shalt  }
0x4f: {  	_ =	shalt  }
0x50: {  	_ =	shalt  }
0x51: {  	_ =	shalt  }
0x52: {  	_ =	shalt  }
0x53: {  	_ =	shalt  }
0x54: {  	_ =	shalt  }
0x55: {  	_ =	shalt  }
0x56: {  	_ =	shalt  }
0x57: {  	_ =	shalt  }
0x58: {  	_ =	shalt  }
0x59: {  	_ =	shalt  }
0x5a: {  	_ =	shalt  }
0x5b: {  	_ =	shalt  }
0x5c: {  	_ =	shalt  }
0x5d: {  	_ =	shalt  }
0x5e: {  	_ =	shalt  }
0x5f: {  	_ =	shalt  }
0x60: {  	_ =	shalt  }
0x61: {  	_ =	shalt  }
0x62: {  	_ =	shalt  }
0x63: {  	_ =	shalt  }
0x64: {  	_ =	shalt  }
0x65: {  	_ =	shalt  }
0x66: {  	_ =	shalt  }
0x67: {  	_ =	shalt  }
0x68: {  	_ =	shalt  }
0x69: {  	_ =	shalt  }
0x6a: {  	_ =	shalt  }
0x6b: {  	_ =	shalt  }
0x6c: {  	_ =	shalt  }
0x6d: {  	_ =	shalt  }
0x6e: {  	_ =	shalt  }
0x6f: {  	_ =	shalt  }
0x70: {  	_ =	shalt  }
0x71: {  	_ =	shalt  }
0x72: {  	_ =	shalt  }
0x73: {  	_ =	shalt  }
0x74: {  	_ =	shalt  }
0x75: {  	_ =	shalt  }
0x76: {  	_ =	shalt  }
0x77: {  	_ =	shalt  }
0x78: {  	_ =	shalt  }
0x79: {  	_ =	shalt  }
0x7a: {  	_ =	shalt  }
0x7b: {  	_ =	shalt  }
0x7c: {  	_ =	shalt  }
0x7d: {  	_ =	shalt  }
0x7e: {  	_ =	shalt  }
0x7f: {  	_ =	shalt  }
0x80: {  	_ =	shalt  }
0x81: {  	_ =	shalt  }
0x82: {  	_ =	shalt  }
0x83: {  	_ =	shalt  }
0x84: {  	_ =	shalt  }
0x85: {  	_ =	shalt  }
0x86: {  	_ =	shalt  }
0x87: {  	_ =	shalt  }
.Lfunc_end0:
.L_simem_size_0:
called_computation_lowered:
.L_overlay_start_0:
0x88: {  	s2 =	sld [smem:$0x3FD9]  }
0x89: {  	s3 =	sld [smem:$0x3FFE];
	_ =	sdelay $0x1  }
0x8a: {  	s1 =	srdreg.scid  }
0x8b: {  	s0 =	sand.u32 $0x1, s1  }
0x8c: {  	s18 =	sshll.u32 s0, $0xA;
	s2 =	sadd.s32 s3, s2  }
0x8d: {  	s2 =	sadd.s32 s2, s18  }
0x8e: {  	[smem:$0x3FC3] =	sst s2  }
0x8f: {  	_ = 	snop  }
0x90: {  	s2 =	sld [smem:$0x3FC9]  }
0x91: {  	s19 =	sld [smem:$0x3FC8]  }
0x92: {  	s4 =	sld [smem:$0x3FC7]  }
0x93: {  	s5 =	sld [smem:$0x3FC6]  }
0x94: {  	s6 =	sld [smem:$0x3FC5]  }
0x95: {  	s7 =	sld [smem:$0x3FD0];
	(tm) =	ssettm $0x1  }
0x96: {  	s8 =	sld [smem:$0x3FFB];
	_ =	sdelay $0x3  }
0x97: {  	_ =	strace s8  }
0x98: {  	s8 =	sld [smem:$0x3FFC];
	_ =	sdelay $0x3  }
0x99: {  	_ =	strace s8  }
0x9a: {  	s8 =	sld [smem:$0x3FFD];
	_ =	sdelay $0x3  }
0x9b: {  	_ =	strace s8  }
0x9c: {  	_ =	strace $0x8FFFFFFF  }
0x9d: {  	s20 =	sld [smem:$0x3FDB];
	_ =	sdelay $0x1  }
0x9e: {  	s9 =	simm.s32 $_scs_section_size  }
0x9f: {  	s10 =	simm.s32 $_size__tile_overlayer_lowered;
	s11 =	simm.s32 $_tile_overlayer_lowered  }
0xa0: {  	s23 =	simm.s32 $0x1BFF;
	s22 =	sshll.u32 s11, $0x1;
	s8 =	sadd.s32 s9, s20  }
0xa1: {  	s12 =	simm.s32 $0x0;
	s21 =	sshll.u32 s10, $0x1;
	s10 =	sadd.s32 s22, s8  }
0xa2: {  	[timem:s12], [sflag:s23] =	dma.local [hbm:s10], s21  }
0xa3: {  	_ =	swait.ge [sflag:s23], s21  }
0xa4: {  	s9 =	ssub.s32 $0x0, s21;
	[sflag:s23] =	ssyncset.done $0x0  }
0xa5: {  	[sflag:s23] =	ssyncadd.s32 s9;
	_ =	sdelay $0x1  }
0xa6: {  	s24 =	simm.s32 $0x1B8B  }
0xa7: {  	_ =	swait.ge [sflag:s24], $0x1  }
0xa8: {  	[sflag:s24] =	ssyncset.done $0x0  }
0xa9: {  	s25 =	simm.s32 $0x1B8E;
	[sflag:s24] =	ssyncadd.s32 $0xFFFFFFFF  }
0xaa: {  	s26 =	simm.s32 $execute0_lowered;
	[smem:$0x3FD2] =	sst s25  }
0xab: {  	s9 =	sshll.u32 s26, $0x1;
	_ =	strace $0x80000046;
	[dreg:$0x1] =	wrdreg $0xFFFFFFFF  }
0xac: {  	s28 =	simm.s32 $_size_execute0_lowered;
	s8 =	sadd.s32 s8, s9;
	[dreg:$0x0] =	wrdreg $0x0  }
0xad: {  	s9 =	sshll.u32 s28, $0x1;
	[dreg:$0x2] =	wrdreg s8  }
0xae: {  	[dreg:$0x3] =	wrdreg s9  }
0xaf: {  	[dreg:$0x4] =	wrdreg $0xC0  }
0xb0: {  	_ =	task [dreg:s12], $0x5FFFF  }
0xb1: {  	[dreg:$0x1] =	wrdreg $0xFFFFFFFF  }
0xb2: {  	[dreg:$0x0] =	wrdreg $0x60  }
0xb3: {  	[dreg:$0x2] =	wrdreg s2  }
0xb4: {  	[dreg:$0x3] =	wrdreg s19  }
0xb5: {  	[dreg:$0x4] =	wrdreg s4  }
0xb6: {  	[dreg:$0x5] =	wrdreg s5  }
0xb7: {  	[dreg:$0x6] =	wrdreg s6  }
0xb8: {  	[dreg:$0x7] =	wrdreg s7  }
0xb9: {  	[dreg:$0x8] =	wrdreg $0x9  }
0xba: {  	_ =	task.clear_ibuf [dreg:s12], $0x9FFFF;
	_ =	strace $0x90000046  }
0xbb: {  	s29 =	simm.s32 $0x9;
	_ =	strace $0x80000048  }
0xbc: {  	_ =	swait.ge [sflag:s29], $0x1  }
0xbd: {  	[sflag:s29] =	ssyncadd.s32 $0xFFFFFFFF  }
0xbe: {  	_ =	strace $0x90000048  }
0xbf: {  	_ =	sfence  }
0xc0: {  	s30 =	sld [smem:$0x0];
	_ =	sdelay $0x2  }
0xc1: {  	s31 =	sshll.u32 s1, $0xD;
	s1 =	sshrl.u32 s1, $0x2  }
0xc2: {  	s3 =	sand.u32 $0x4000, s31;
	s1 =	sadd.s32 s1, s30  }
0xc3: {  	s0 =	sor.u32 s3, s0;
	s1 =	sshll.u32 s1, $0x11  }
0xc4: {  	s0 =	sor.u32 s1, s0  }
0xc5: {  	s0 =	sadd.s32 $0x8F2B, s0  }
0xc6: {  	[sflag:s0] =	ssyncadd.remote.s32 $0x1  }
0xc7: {  	_ =	sfence.sel $0xFFFF  }
0xc8: {  	[dreg:$0x0] =	wrdreg $0xFFFFFFFF;
	(pc) =	sbr.abs _section_cstart, $3  }
0xc9: {  	[dreg:$0x1] =	wrdreg $0xFFFFFFFF  }
0xca: {  	_ =	task.clear_ibuf [dreg:s12], $0x2FFFF;
	_ =	strace $0x9FFFFFFF  }
0xcb: {  	(tm) =	ssettm $0x7FFFFFFF  }
tec
execute0_lowered:
.L_overlay_start_1:
0x0: {  	(tag) =	ssettag $0x1  }
0x1: {  	v0 =	vimm.s32 $0x0  }
0x2: {  	vm6 =	vcmask $0x704;
	vm5 =	vcmask $0xB08;
	vm4 =	vcmask $0xF0C  }
0x3: {  	vm3 =	vcmask $0x1310;
	vm2 =	vcmask $0x1714;
	vm1 =	vcmask $0x1B18  }
0x4: {  	vm0 =	vcmask $0x1F1C;
	v2 =	vimm.s32 $0x80;
	v3 =	vimm.s32 $0x100  }
0x5: {  	v4 =	vimm.s32 $0x180;
	v5 =	vimm.s32 $0x200;
	v6 =	vimm.s32 $0x280  }
0x6: {  	v7 =	vimm.s32 $0x300;
	v8 =	vimm.s32 $0x380;
	v9 =	vimm.s32 $0x400  }
0x7: {  	v10 =	vimm.s32 $0x480;
	v11 =	vimm.s32 $0x500;
	v12 =	vimm.s32 $0x580  }
0x8: {  	v13 =	vimm.s32 $0x600;
	v14 =	vimm.s32 $0x680;
	v15 =	vimm.s32 $0x700  }
0x9: {  	v16 =	vimm.s32 $0x780;
	v17 =	vlaneseq.u32;
	v1 =	vsel vm6, $0x800, v0  }
0xa: {  	v2 =	vsel vm6, $0x880, v2;
	v3 =	vsel vm6, $0x900, v3;
	v4 =	vsel vm6, $0x980, v4  }
0xb: {  	v5 =	vsel vm6, $0xA00, v5;
	v6 =	vsel vm6, $0xA80, v6;
	v7 =	vsel vm6, $0xB00, v7  }
0xc: {  	v8 =	vsel vm6, $0xB80, v8;
	v9 =	vsel vm6, $0xC00, v9;
	v10 =	vsel vm6, $0xC80, v10  }
0xd: {  	v11 =	vsel vm6, $0xD00, v11;
	v12 =	vsel vm6, $0xD80, v12;
	v13 =	vsel vm6, $0xE00, v13  }
0xe: {  	v14 =	vsel vm6, $0xE80, v14;
	v15 =	vsel vm6, $0xF00, v15;
	v16 =	vsel vm6, $0xF80, v16  }
0xf: {  	v1 =	vsel vm5, $0x1000, v1;
	v2 =	vsel vm5, $0x1080, v2;
	v3 =	vsel vm5, $0x1100, v3  }
0x10: {  	v4 =	vsel vm5, $0x1180, v4;
	v5 =	vsel vm5, $0x1200, v5;
	v6 =	vsel vm5, $0x1280, v6  }
0x11: {  	v7 =	vsel vm5, $0x1300, v7;
	v8 =	vsel vm5, $0x1380, v8;
	v9 =	vsel vm5, $0x1400, v9  }
0x12: {  	v10 =	vsel vm5, $0x1480, v10;
	v11 =	vsel vm5, $0x1500, v11;
	v12 =	vsel vm5, $0x1580, v12  }
0x13: {  	v13 =	vsel vm5, $0x1600, v13;
	v14 =	vsel vm5, $0x1680, v14;
	v15 =	vsel vm5, $0x1700, v15  }
0x14: {  	v16 =	vsel vm5, $0x1780, v16;
	v1 =	vsel vm4, $0x1800, v1;
	v2 =	vsel vm4, $0x1880, v2  }
0x15: {  	v3 =	vsel vm4, $0x1900, v3;
	v4 =	vsel vm4, $0x1980, v4;
	v5 =	vsel vm4, $0x1A00, v5  }
0x16: {  	v6 =	vsel vm4, $0x1A80, v6;
	v7 =	vsel vm4, $0x1B00, v7;
	v8 =	vsel vm4, $0x1B80, v8  }
0x17: {  	v9 =	vsel vm4, $0x1C00, v9;
	v10 =	vsel vm4, $0x1C80, v10;
	v11 =	vsel vm4, $0x1D00, v11  }
0x18: {  	v12 =	vsel vm4, $0x1D80, v12;
	v13 =	vsel vm4, $0x1E00, v13;
	v14 =	vsel vm4, $0x1E80, v14  }
0x19: {  	s0 =	rddreg [dreg:$0x0];
	v15 =	vsel vm4, $0x1F00, v15;
	v16 =	vsel vm4, $0x1F80, v16;
	v1 =	vsel vm3, $0x2000, v1  }
0x1a: {  	s1 =	rddreg [dreg:$0x1];
	v2 =	vsel vm3, $0x2080, v2;
	v3 =	vsel vm3, $0x2100, v3;
	v4 =	vsel vm3, $0x2180, v4  }
0x1b: {  	s2 =	rddreg [dreg:$0x2];
	v5 =	vsel vm3, $0x2200, v5;
	v6 =	vsel vm3, $0x2280, v6;
	v7 =	vsel vm3, $0x2300, v7  }
0x1c: {  	s3 =	rddreg [dreg:$0x3];
	v8 =	vsel vm3, $0x2380, v8;
	v9 =	vsel vm3, $0x2400, v9;
	v10 =	vsel vm3, $0x2480, v10  }
0x1d: {  	s4 =	rddreg [dreg:$0x4];
	v11 =	vsel vm3, $0x2500, v11;
	v12 =	vsel vm3, $0x2580, v12;
	v13 =	vsel vm3, $0x2600, v13  }
0x1e: {  	s5 =	rddreg [dreg:$0x5];
	v14 =	vsel vm3, $0x2680, v14;
	v15 =	vsel vm3, $0x2700, v15;
	v16 =	vsel vm3, $0x2780, v16  }
0x1f: {  	s6 =	srdreg.scid;
	s25 =	simm.s32 $0x0;
	s9 =	stileid.u32;
	v1 =	vsel vm2, $0x2800, v1;
	v2 =	vsel vm2, $0x2880, v2;
	v3 =	vsel vm2, $0x2900, v3  }
0x20: {  	s29 =	simm.s32 $0x7;
	s13 =	simm.s32 $0x7A1400;
	s14 =	simm.s32 $0x400;
	v4 =	vsel vm2, $0x2980, v4;
	v5 =	vsel vm2, $0x2A00, v5;
	v6 =	vsel vm2, $0x2A80, v6  }
0x21: {  	s15 =	simm.s32 $0x780;
	s16 =	simm.s32 $0x8780;
	s17 =	simm.s32 $0x10780;
	v7 =	vsel vm2, $0x2B00, v7;
	v8 =	vsel vm2, $0x2B80, v8;
	v9 =	vsel vm2, $0x2C00, v9  }
0x22: {  	s11 =	simm.s32 $0x14780;
	s31 =	simm.s32 $0x4F80;
	s10 =	simm.s32 $0x7780;
	v10 =	vsel vm2, $0x2C80, v10;
	v11 =	vsel vm2, $0x2D00, v11;
	v12 =	vsel vm2, $0x2D80, v12  }
0x23: {  	s12 =	simm.s32 $0xF780;
	s18 =	simm.s32 $0x1;
	s19 =	simm.s32 $0x2;
	v13 =	vsel vm2, $0x2E00, v13;
	v14 =	vsel vm2, $0x2E80, v14;
	v15 =	vsel vm2, $0x2F00, v15  }
0x24: {  	s20 =	simm.s32 $0x3;
	s21 =	simm.s32 $0x18780;
	s22 =	simm.s32 $0x4;
	v16 =	vsel vm2, $0x2F80, v16;
	v1 =	vsel vm1, $0x3000, v1;
	v2 =	vsel vm1, $0x3080, v2  }
0x25: {  	s23 =	simm.s32 $0x5;
	s6 =	sand.u32 $0x1, s6;
	[smem:$0x7FF] =	sst s25;
	v3 =	vsel vm1, $0x3100, v3;
	v4 =	vsel vm1, $0x3180, v4;
	v5 =	vsel vm1, $0x3200, v5  }
0x26: {  	s9 =	sshll.u32 s9, $0x7;
	s7 =	ssub.s32 $0x2, s6;
	s6 =	sshll.u32 s6, $0x6;
	v6 =	vsel vm1, $0x3280, v6;
	v7 =	vsel vm1, $0x3300, v7;
	v8 =	vsel vm1, $0x3380, v8  }
0x27: {  	_ =	strace $0x80000047;
	s8 =	sshrl.u32 s7, $0x1;
	s6 =	sor.u32 s6, s9;
	v9 =	vsel vm1, $0x3400, v9;
	v10 =	vsel vm1, $0x3480, v10;
	v11 =	vsel vm1, $0x3500, v11  }
0x28: {  	s9 =	simm.s32 $0x4780;
	s7 =	ssub.s32 s7, s8;
	s2 =	sadd.s32 s2, s6;
	v12 =	vsel vm1, $0x3580, v12;
	v13 =	vsel vm1, $0x3600, v13;
	v14 =	vsel vm1, $0x3680, v14  }
0x29: {  	s24 =	sadd.s32 s3, s6;
	s26 =	sadd.s32 s4, s6;
	s28 =	sadd.s32 s5, s6;
	v15 =	vsel vm1, $0x3700, v15;
	v16 =	vsel vm1, $0x3780, v16;
	v1 =	vsel vm0, $0x3800, v1  }
.Ltmp0:
0x2a: {  	s3 =	simm.s32 $0xC780;
	[dreg:$0x7] =	wrdreg s2;
	v2 =	vsel vm0, $0x3880, v2;
	v3 =	vsel vm0, $0x3900, v3;
	v4 =	vsel vm0, $0x3980, v4;
	(pc) =	sbr.rel .LBB2_1-.Ltmp0, $4  }
0x2b: {  	s4 =	simm.s32 $0x16F80;
	s5 =	simm.s32 $0x17780;
	[dreg:$0x8] =	wrdreg s24;
	v5 =	vsel vm0, $0x3A00, v5;
	v6 =	vsel vm0, $0x3A80, v6;
	v7 =	vsel vm0, $0x3B00, v7  }
0x2c: {  	s6 =	simm.s32 $0x7F80;
	s8 =	simm.s32 $0x17F80;
	[dreg:$0x9] =	wrdreg s26;
	v8 =	vsel vm0, $0x3B80, v8;
	v9 =	vsel vm0, $0x3C00, v9;
	v10 =	vsel vm0, $0x3C80, v10  }
0x2d: {  	[dreg:$0xa] =	wrdreg s28;
	s30 =	smax.u32 s7, $0x1;
	s7 =	simm.s32 $0xFF80;
	v11 =	vsel vm0, $0x3D00, v11;
	v12 =	vsel vm0, $0x3D80, v12;
	v13 =	vsel vm0, $0x3E00, v13  }
0x2e: {  	s24 =	simm.s32 $0x6;
	s2 =	simm.s32 $0x0;
	[dreg:$0xb] =	wrdreg s30;
	v14 =	vsel vm0, $0x3E80, v14;
	v15 =	vsel vm0, $0x3F00, v15;
	v16 =	vsel vm0, $0x3F80, v16  }
.LBB2_5:
0x2f: {  	s25 =	simm.s32 $0x0;
	s26 =	rddreg [dreg:$0xa];
	s29 =	simm.s32 $0x7  }
0x30: {  	[hbm4b:s26+s25] =	stream.linear.scatter [tilespmem:s21], [sflag:$0x7], $0x200, $0x38;
	[tilespmem:$0x18980] =	vst v63  }
0x31: {  	_ =	swait.ge [sflag:s29], $0x200  }
0x32: {  	s2 =	rddreg [dreg:$0xc]  }
0x33: {  	s30 =	rddreg [dreg:$0xb];
	s2 =	sadd.s32 $0x1, s2  }
0x34: {  	p0 =	sne.s32 s2, s30  }
.Ltmp1:
0x35: {  	_ = 	snop;
	(pc) =	sbr.rel @!p0 .LBB2_6-.Ltmp1, $3  }
0x36: {  	_ =	sdelay $0x1  }
0x37: {  	[sflag:s29] =	ssyncset.done $0x0  }
0x38: {  	[sflag:s29] =	ssyncadd.s32 $0xFFFFFE00  }
.LBB2_1:
0x39: {  	[dreg:$0xc] =	wrdreg s2  }
0x3a: {  	s26 =	rddreg [dreg:$0x7]  }
0x3b: {  	[tilespmem:s25], [sflag:$0x7] =	stream.linear.gather [hbm4b:s26+s25], $0x200, $0x38;
	[tilespmem:$0x18980] =	vst v63  }
0x3c: {  	_ =	swait.ge [sflag:s29], $0x200  }
0x3d: {  	[sflag:s29] =	ssyncset.done $0x0  }
0x3e: {  	s28 =	simm.s32 $0x280;
	s2 =	rddreg [dreg:$0x8];
	[sflag:s29] =	ssyncadd.s32 $0xFFFFFE00  }
0x3f: {  	[tilespmem:s28], [sflag:$0x7] =	stream.linear.gather [hbm4b:s2+s25], $0x200, $0x38;
	[tilespmem:$0x18980] =	vst v63  }
0x40: {  	_ =	swait.ge [sflag:s29], $0x200  }
0x41: {  	[sflag:s29] =	ssyncset.done $0x0  }
0x42: {  	s2 =	simm.s32 $0x500;
	s30 =	rddreg [dreg:$0x9];
	[sflag:s29] =	ssyncadd.s32 $0xFFFFFE00  }
0x43: {  	[tilespmem:s2], [sflag:$0x7] =	stream.linear.gather [hbm4b:s30+s25], $0x200, $0x38;
	[tilespmem:$0x18980] =	vst v63  }
0x44: {  	_ =	swait.ge [sflag:s29], $0x200  }
0x45: {  	[sflag:s29] =	ssyncset.done $0x0  }
0x46: {  	[sflag:s29] =	ssyncadd.s32 $0xFFFFFE00  }
0x47: {  	v18 =	vld [tilespmem:$0x500]  }
0x48: {  	v19 =	vld [tilespmem:$0x0];
	_ =	sdelay $0x1  }
0x49: {  	v20 =	vld [tilespmem:$0x280];
	_ =	sdelay $0x1  }
0x4a: {  	(v2sf) =	vpush v18, $0x0  }
0x4b: {  	(v2sf) =	vpush v19, $0x0;
	_ =	sdelay $0x1  }
0x4c: {  	(v2sf) =	vpush v20, $0x0;
	_ =	sdelay $0x6  }
0x4d: {  	(v2sf) =	vpush v18, $0x1;
	_ =	sdelay $0x1  }
0x4e: {  	(v2sf) =	vpush v19, $0x1;
	_ =	sdelay $0x2  }
0x4f: {  	s29 =	spop (v2sf)  }
0x50: {  	[tilespmem:$0x200] =	vst v0;
	(v2sf) =	vpush v20, $0x1;
	s30 =	spop (v2sf)  }
0x51: {  	[tilespmem:$0x480] =	vst v0;
	s26 =	sand.u32 $0xFFFFF80, s30  }
0x52: {  	[tilespmem:$0x700] =	vst v0;
	s2 =	spop (v2sf);
	s26 =	sadd.s32 s0, s26  }
0x53: {  	[tilespmem:s15], [sflag:$0x1] =	stream.strided.gather [hbm4b:s26+s14], $0x800, s13, s14, $0x38;
	[tilespmem:$0x18980] =	vst v63  }
0x54: {  	s26 =	sand.u32 $0xFFFFF80, s2  }
0x55: {  	s25 =	sand.u32 $0xFFFFF80, s29;
	s26 =	sadd.s32 s1, s26  }
0x56: {  	(v2sf) =	vpush v18, $0x2;
	[tilespmem:s16], [sflag:$0x2] =	stream.strided.gather [hbm4b:s26+s14], $0x800, s13, s14, $0x38;
	[tilespmem:$0x18980] =	vst v63  }
0x57: {  	s25 =	sadd.s32 s1, s25;
	(v2sf) =	vpush v19, $0x2  }
0x58: {  	[tilespmem:s17], [sflag:$0x3] =	stream.strided.gather [hbm4b:s25+s14], $0x800, s13, s14, $0x38;
	[tilespmem:$0x18980] =	vst v63  }
0x59: {  	s25 =	spop (v2sf);
	(v2sf) =	vpush v20, $0x2;
	_ =	sdelay $0x1  }
0x5a: {  	s28 =	spop (v2sf)  }
0x5b: {  	s26 =	sand.u32 $0xFFFFF80, s28  }
0x5c: {  	s29 =	simm.s32 $0xF80;
	s26 =	sadd.s32 s0, s26  }
0x5d: {  	[tilespmem:s29], [sflag:$0x1] =	stream.strided.gather [hbm4b:s26+s14], $0x800, s13, s14, $0x38;
	[tilespmem:$0x18980] =	vst v63  }
0x5e: {  	s30 =	spop (v2sf)  }
0x5f: {  	(v2sf) =	vpush v18, $0x3;
	s26 =	sand.u32 $0xFFFFF80, s30  }
0x60: {  	s2 =	simm.s32 $0x8F80;
	s25 =	sand.u32 $0xFFFFF80, s25;
	(v2sf) =	vpush v19, $0x3;
	s26 =	sadd.s32 s1, s26  }
0x61: {  	[tilespmem:s2], [sflag:$0x2] =	stream.strided.gather [hbm4b:s26+s14], $0x800, s13, s14, $0x38;
	[tilespmem:$0x18980] =	vst v63  }
0x62: {  	s25 =	sadd.s32 s1, s25;
	s29 =	simm.s32 $0x10F80  }
0x63: {  	[tilespmem:s29], [sflag:$0x3] =	stream.strided.gather [hbm4b:s25+s14], $0x800, s13, s14, $0x38;
	[tilespmem:$0x18980] =	vst v63  }
0x64: {  	s25 =	spop (v2sf);
	(v2sf) =	vpush v20, $0x3  }
0x65: {  	s30 =	spop (v2sf)  }
0x66: {  	s26 =	sand.u32 $0xFFFFF80, s30  }
0x67: {  	s2 =	simm.s32 $0x1780;
	s26 =	sadd.s32 s0, s26;
	s29 =	spop (v2sf)  }
0x68: {  	[tilespmem:s2], [sflag:$0x1] =	stream.strided.gather [hbm4b:s26+s14], $0x800, s13, s14, $0x38;
	[tilespmem:$0x18980] =	vst v63  }
0x69: {  	s26 =	sand.u32 $0xFFFFF80, s29  }
0x6a: {  	s25 =	sand.u32 $0xFFFFF80, s25;
	(v2sf) =	vpush v18, $0x4;
	s30 =	simm.s32 $0x9780;
	s26 =	sadd.s32 s1, s26  }
0x6b: {  	(v2sf) =	vpush v19, $0x4;
	[tilespmem:s30], [sflag:$0x2] =	stream.strided.gather [hbm4b:s26+s14], $0x800, s13, s14, $0x38;
	[tilespmem:$0x18980] =	vst v63  }
0x6c: {  	s25 =	sadd.s32 s1, s25;
	s2 =	simm.s32 $0x11780  }
0x6d: {  	[tilespmem:s2], [sflag:$0x3] =	stream.strided.gather [hbm4b:s25+s14], $0x800, s13, s14, $0x38;
	[tilespmem:$0x18980] =	vst v63  }
0x6e: {  	s25 =	spop (v2sf)  }
0x6f: {  	(v2sf) =	vpush v20, $0x4;
	s28 =	spop (v2sf)  }
0x70: {  	s26 =	sand.u32 $0xFFFFF80, s28  }
0x71: {  	s29 =	simm.s32 $0x1F80;
	s26 =	sadd.s32 s0, s26  }
0x72: {  	[tilespmem:s29], [sflag:$0x1] =	stream.strided.gather [hbm4b:s26+s14], $0x800, s13, s14, $0x38;
	[tilespmem:$0x18980] =	vst v63  }
0x73: {  	s30 =	spop (v2sf)  }
0x74: {  	s26 =	sand.u32 $0xFFFFF80, s30  }
0x75: {  	s2 =	simm.s32 $0x9F80;
	s25 =	sand.u32 $0xFFFFF80, s25;
	(v2sf) =	vpush v18, $0x5;
	s26 =	sadd.s32 s1, s26  }
0x76: {  	[tilespmem:s2], [sflag:$0x2] =	stream.strided.gather [hbm4b:s26+s14], $0x800, s13, s14, $0x38;
	[tilespmem:$0x18980] =	vst v63  }
0x77: {  	s25 =	sadd.s32 s1, s25;
	s29 =	simm.s32 $0x11F80;
	(v2sf) =	vpush v19, $0x5  }
0x78: {  	[tilespmem:s29], [sflag:$0x3] =	stream.strided.gather [hbm4b:s25+s14], $0x800, s13, s14, $0x38;
	[tilespmem:$0x18980] =	vst v63  }
0x79: {  	s25 =	spop (v2sf);
	(v2sf) =	vpush v20, $0x5  }
0x7a: {  	s30 =	spop (v2sf)  }
0x7b: {  	s26 =	sand.u32 $0xFFFFF80, s30  }
0x7c: {  	s2 =	simm.s32 $0x2780;
	s26 =	sadd.s32 s0, s26  }
0x7d: {  	[tilespmem:s2], [sflag:$0x1] =	stream.strided.gather [hbm4b:s26+s14], $0x800, s13, s14, $0x38;
	[tilespmem:$0x18980] =	vst v63  }
0x7e: {  	s29 =	spop (v2sf);
	(v2sf) =	vpush v18, $0x6  }
0x7f: {  	s26 =	sand.u32 $0xFFFFF80, s29  }
0x80: {  	s25 =	sand.u32 $0xFFFFF80, s25;
	s30 =	simm.s32 $0xA780;
	(v2sf) =	vpush v19, $0x6;
	s26 =	sadd.s32 s1, s26  }
0x81: {  	[tilespmem:s30], [sflag:$0x2] =	stream.strided.gather [hbm4b:s26+s14], $0x800, s13, s14, $0x38;
	[tilespmem:$0x18980] =	vst v63  }
0x82: {  	s25 =	sadd.s32 s1, s25;
	s2 =	simm.s32 $0x12780  }
0x83: {  	[tilespmem:s2], [sflag:$0x3] =	stream.strided.gather [hbm4b:s25+s14], $0x800, s13, s14, $0x38;
	[tilespmem:$0x18980] =	vst v63  }
0x84: {  	s25 =	spop (v2sf);
	(v2sf) =	vpush v20, $0x6;
	_ =	sdelay $0x1  }
0x85: {  	s28 =	spop (v2sf)  }
0x86: {  	s26 =	sand.u32 $0xFFFFF80, s28  }
0x87: {  	s29 =	simm.s32 $0x2F80;
	s26 =	sadd.s32 s0, s26;
	s30 =	spop (v2sf);
	(v2sf) =	vpush v18, $0x7  }
0x88: {  	[tilespmem:s29], [sflag:$0x1] =	stream.strided.gather [hbm4b:s26+s14], $0x800, s13, s14, $0x38;
	[tilespmem:$0x18980] =	vst v63  }
0x89: {  	s26 =	sand.u32 $0xFFFFF80, s30;
	(v2sf) =	vpush v19, $0x7  }
0x8a: {  	s2 =	simm.s32 $0xAF80;
	s25 =	sand.u32 $0xFFFFF80, s25;
	s26 =	sadd.s32 s1, s26  }
0x8b: {  	[tilespmem:s2], [sflag:$0x2] =	stream.strided.gather [hbm4b:s26+s14], $0x800, s13, s14, $0x38;
	[tilespmem:$0x18980] =	vst v63  }
0x8c: {  	s25 =	sadd.s32 s1, s25;
	s29 =	simm.s32 $0x12F80;
	s26 =	spop (v2sf)  }
0x8d: {  	[tilespmem:s29], [sflag:$0x3] =	stream.strided.gather [hbm4b:s25+s14], $0x800, s13, s14, $0x38;
	(v2sf) =	vpush v20, $0x7;
	[tilespmem:$0x18980] =	vst v63  }
0x8e: {  	s30 =	spop (v2sf)  }
0x8f: {  	s25 =	sand.u32 $0xFFFFF80, s30  }
0x90: {  	s2 =	simm.s32 $0x3780;
	s25 =	sadd.s32 s0, s25  }
0x91: {  	[tilespmem:s2], [sflag:$0x1] =	stream.strided.gather [hbm4b:s25+s14], $0x800, s13, s14, $0x38;
	[tilespmem:$0x18980] =	vst v63  }
0x92: {  	s28 =	spop (v2sf)  }
0x93: {  	s25 =	sand.u32 $0xFFFFF80, s28  }
0x94: {  	s29 =	simm.s32 $0xB780;
	s30 =	sand.u32 $0xFFFFF80, s26;
	s25 =	sadd.s32 s1, s25  }
0x95: {  	[tilespmem:s29], [sflag:$0x2] =	stream.strided.gather [hbm4b:s25+s14], $0x800, s13, s14, $0x38;
	[tilespmem:$0x18980] =	vst v63  }
0x96: {  	s2 =	simm.s32 $0x13780;
	s25 =	sadd.s32 s1, s30;
	s26 =	spop (v2sf)  }
0x97: {  	[tilespmem:s2], [sflag:$0x3] =	stream.strided.gather [hbm4b:s25+s14], $0x800, s13, s14, $0x38;
	[tilespmem:$0x18980] =	vst v63  }
0x98: {  	s28 =	spop (v2sf)  }
0x99: {  	s25 =	sand.u32 $0xFFFFF80, s28  }
0x9a: {  	s29 =	simm.s32 $0x3F80;
	s25 =	sadd.s32 s0, s25  }
0x9b: {  	[tilespmem:s29], [sflag:$0x1] =	stream.strided.gather [hbm4b:s25+s14], $0x800, s13, s14, $0x38;
	[tilespmem:$0x18980] =	vst v63  }
0x9c: {  	s30 =	spop (v2sf)  }
0x9d: {  	s2 =	simm.s32 $0xBF80;
	s25 =	sand.u32 $0xFFFFF80, s30  }
.Ltmp2:
0x9e: {  	s29 =	sand.u32 $0xFFFFF80, s26;
	s25 =	sadd.s32 s1, s25;
	(pc) =	sbr.rel .LBB2_2-.Ltmp2, $4  }
0x9f: {  	[tilespmem:s2], [sflag:$0x2] =	stream.strided.gather [hbm4b:s25+s14], $0x800, s13, s14, $0x38;
	[tilespmem:$0x18980] =	vst v63  }
0xa0: {  	s30 =	simm.s32 $0x13F80;
	s25 =	sadd.s32 s1, s29  }
0xa1: {  	[tilespmem:s30], [sflag:$0x3] =	stream.strided.gather [hbm4b:s25+s14], $0x800, s13, s14, $0x38;
	[tilespmem:$0x18980] =	vst v63  }
0xa2: {  	s26 =	simm.s32 $0x0;
	s25 =	simm.s32 $0x0  }
.LBB2_4:
0xa3: {  	_ =	swait.ge [sflag:s22], $0x800  }
0xa4: {  	[sflag:s22] =	ssyncset.done $0x0  }
0xa5: {  	[sflag:s22] =	ssyncadd.s32 $0xFFFFF800  }
0xa6: {  	_ =	swait.ge [sflag:s23], $0x800  }
0xa7: {  	[sflag:s23] =	ssyncset.done $0x0  }
0xa8: {  	[sflag:s23] =	ssyncadd.s32 $0xFFFFF800  }
0xa9: {  	_ =	swait.ge [sflag:s24], $0x800  }
0xaa: {  	[sflag:s24] =	ssyncset.done $0x0  }
0xab: {  	[sflag:s24] =	ssyncadd.s32 $0xFFFFF800  }
0xac: {  	_ =	swait.ge [sflag:s22], $0x800  }
0xad: {  	[sflag:s22] =	ssyncset.done $0x0  }
0xae: {  	[sflag:s22] =	ssyncadd.s32 $0xFFFFF800  }
0xaf: {  	_ =	swait.ge [sflag:s23], $0x800  }
0xb0: {  	[sflag:s23] =	ssyncset.done $0x0  }
0xb1: {  	[sflag:s23] =	ssyncadd.s32 $0xFFFFF800  }
0xb2: {  	_ =	swait.ge [sflag:s24], $0x800  }
0xb3: {  	[sflag:s24] =	ssyncset.done $0x0  }
0xb4: {  	[sflag:s24] =	ssyncadd.s32 $0xFFFFF800  }
0xb5: {  	_ =	swait.ge [sflag:s22], $0x800  }
0xb6: {  	[sflag:s22] =	ssyncset.done $0x0  }
0xb7: {  	[sflag:s22] =	ssyncadd.s32 $0xFFFFF800  }
0xb8: {  	_ =	swait.ge [sflag:s23], $0x800  }
0xb9: {  	[sflag:s23] =	ssyncset.done $0x0  }
0xba: {  	[sflag:s23] =	ssyncadd.s32 $0xFFFFF800  }
0xbb: {  	_ =	swait.ge [sflag:s24], $0x800  }
0xbc: {  	[sflag:s24] =	ssyncset.done $0x0  }
0xbd: {  	[sflag:s24] =	ssyncadd.s32 $0xFFFFF800  }
0xbe: {  	_ =	swait.ge [sflag:s22], $0x800  }
0xbf: {  	[sflag:s22] =	ssyncset.done $0x0  }
0xc0: {  	[sflag:s22] =	ssyncadd.s32 $0xFFFFF800  }
0xc1: {  	_ =	swait.ge [sflag:s23], $0x800  }
0xc2: {  	[sflag:s23] =	ssyncset.done $0x0  }
0xc3: {  	[sflag:s23] =	ssyncadd.s32 $0xFFFFF800  }
0xc4: {  	_ =	swait.ge [sflag:s24], $0x800  }
0xc5: {  	[sflag:s24] =	ssyncset.done $0x0  }
0xc6: {  	[sflag:s24] =	ssyncadd.s32 $0xFFFFF800  }
0xc7: {  	_ =	swait.ge [sflag:s22], $0x800  }
0xc8: {  	[sflag:s22] =	ssyncset.done $0x0  }
0xc9: {  	[sflag:s22] =	ssyncadd.s32 $0xFFFFF800  }
0xca: {  	_ =	swait.ge [sflag:s23], $0x800  }
0xcb: {  	[sflag:s23] =	ssyncset.done $0x0  }
0xcc: {  	[sflag:s23] =	ssyncadd.s32 $0xFFFFF800  }
0xcd: {  	_ =	swait.ge [sflag:s24], $0x800  }
0xce: {  	[sflag:s24] =	ssyncset.done $0x0  }
0xcf: {  	[sflag:s24] =	ssyncadd.s32 $0xFFFFF800  }
0xd0: {  	_ =	swait.ge [sflag:s22], $0x800  }
0xd1: {  	[sflag:s22] =	ssyncset.done $0x0  }
0xd2: {  	[sflag:s22] =	ssyncadd.s32 $0xFFFFF800  }
0xd3: {  	_ =	swait.ge [sflag:s23], $0x800  }
0xd4: {  	[sflag:s23] =	ssyncset.done $0x0  }
0xd5: {  	[sflag:s23] =	ssyncadd.s32 $0xFFFFF800  }
0xd6: {  	_ =	swait.ge [sflag:s24], $0x800  }
0xd7: {  	[sflag:s24] =	ssyncset.done $0x0  }
0xd8: {  	[sflag:s24] =	ssyncadd.s32 $0xFFFFF800  }
0xd9: {  	_ =	swait.ge [sflag:s22], $0x800  }
0xda: {  	[sflag:s22] =	ssyncset.done $0x0  }
0xdb: {  	[sflag:s22] =	ssyncadd.s32 $0xFFFFF800  }
0xdc: {  	_ =	swait.ge [sflag:s23], $0x800  }
0xdd: {  	[sflag:s23] =	ssyncset.done $0x0  }
0xde: {  	[sflag:s23] =	ssyncadd.s32 $0xFFFFF800  }
0xdf: {  	_ =	swait.ge [sflag:s24], $0x800  }
0xe0: {  	[sflag:s24] =	ssyncset.done $0x0  }
0xe1: {  	[sflag:s24] =	ssyncadd.s32 $0xFFFFF800  }
0xe2: {  	_ =	swait.ge [sflag:s22], $0x800  }
0xe3: {  	[sflag:s22] =	ssyncset.done $0x0  }
0xe4: {  	[sflag:s22] =	ssyncadd.s32 $0xFFFFF800  }
0xe5: {  	_ =	swait.ge [sflag:s23], $0x800  }
0xe6: {  	[sflag:s23] =	ssyncset.done $0x0  }
0xe7: {  	[sflag:s23] =	ssyncadd.s32 $0xFFFFF800  }
0xe8: {  	_ =	swait.ge [sflag:s24], $0x800  }
0xe9: {  	[sflag:s24] =	ssyncset.done $0x0  }
0xea: {  	[sflag:s24] =	ssyncadd.s32 $0xFFFFF800  }
0xeb: {  	v18 =	vld [tilespmem:s28+$0x8]  }
0xec: {  	v19 =	vld [tilespmem:s28+$0x288]  }
0xed: {  	v20 =	vld [tilespmem:s28+$0x508];
	_ =	sdelay $0x2  }
0xee: {  	v18 =	vand.u32 $0x7F, v18  }
0xef: {  	v19 =	vand.u32 $0x7F, v19;
	v21 =	vor.u32 v1, v18  }
0xf0: {  	v20 =	vand.u32 $0x7F, v20;
	v22 =	vor.u32 v1, v19  }
0xf1: {  	v23 =	vor.u32 v1, v20  }
0xf2: {  	v24 =	vor.u32 v2, v18  }
0xf3: {  	v25 =	vor.u32 v2, v19  }
0xf4: {  	v26 =	vor.u32 v2, v20;
	v21 =	vld.idx.msk [tilespmem:v21+s9+$0x0], $0xffff  }
0xf5: {  	v27 =	vor.u32 v3, v18;
	v22 =	vld.idx.msk [tilespmem:v22+s3+$0x0], $0xffff  }
0xf6: {  	v28 =	vor.u32 v3, v19;
	v23 =	vld.idx.msk [tilespmem:v23+s11+$0x0], $0xffff  }
0xf7: {  	v29 =	vor.u32 v3, v20;
	v24 =	vld.idx.msk [tilespmem:v24+s9+$0x0], $0xffff  }
0xf8: {  	v30 =	vor.u32 v4, v18;
	v25 =	vld.idx.msk [tilespmem:v25+s3+$0x0], $0xffff  }
0xf9: {  	v31 =	vor.u32 v4, v19;
	v26 =	vld.idx.msk [tilespmem:v26+s11+$0x0], $0xffff  }
0xfa: {  	v32 =	vor.u32 v4, v20;
	v27 =	vld.idx.msk [tilespmem:v27+s9+$0x0], $0xffff  }
0xfb: {  	v33 =	vor.u32 v5, v18;
	v28 =	vld.idx.msk [tilespmem:v28+s3+$0x0], $0xffff  }
0xfc: {  	v34 =	vor.u32 v5, v19;
	v29 =	vld.idx.msk [tilespmem:v29+s11+$0x0], $0xffff  }
0xfd: {  	v35 =	vor.u32 v5, v20;
	v30 =	vld.idx.msk [tilespmem:v30+s9+$0x0], $0xffff  }
0xfe: {  	v36 =	vor.u32 v6, v18;
	v31 =	vld.idx.msk [tilespmem:v31+s3+$0x0], $0xffff  }
0xff: {  	v37 =	vor.u32 v6, v19;
	v32 =	vld.idx.msk [tilespmem:v32+s11+$0x0], $0xffff  }
0x100: {  	v38 =	vor.u32 v6, v20;
	v33 =	vld.idx.msk [tilespmem:v33+s9+$0x0], $0xffff  }
0x101: {  	v40 =	vor.u32 v7, v19;
	v34 =	vld.idx.msk [tilespmem:v34+s3+$0x0], $0xffff  }
0x102: {  	v41 =	vor.u32 v7, v20;
	v35 =	vld.idx.msk [tilespmem:v35+s11+$0x0], $0xffff  }
0x103: {  	v42 =	vor.u32 v8, v19;
	v36 =	vld.idx.msk [tilespmem:v36+s9+$0x0], $0xffff  }
0x104: {  	v59 =	vor.u32 v9, v19;
	v52 =	vld.idx.msk [tilespmem:v37+s3+$0x0], $0xffff  }
0x105: {  	v60 =	vor.u32 v9, v20;
	v38 =	vld.idx.msk [tilespmem:v38+s11+$0x0], $0xffff  }
0x106: {  	v39 =	vor.u32 v7, v18;
	v56 =	vld.idx.msk [tilespmem:v40+s3+$0x0], $0xffff  }
0x107: {  	v53 =	vor.u32 v8, v18;
	v58 =	vld.idx.msk [tilespmem:v41+s11+$0x0], $0xffff  }
0x108: {  	v55 =	vor.u32 v8, v20;
	v61 =	vld.idx.msk [tilespmem:v42+s3+$0x0], $0xffff  }
0x109: {  	v57 =	vor.u32 v9, v18;
	v47 =	vld.idx.msk [tilespmem:v59+s3+$0x0], $0xffff;
	v22 =	vsub.f32 v22, v23  }
0x10a: {  	v44 =	vor.u32 v10, v19;
	v49 =	vld.idx.msk [tilespmem:v60+s11+$0x0], $0xffff  }
0x10b: {  	v45 =	vor.u32 v10, v20;
	v54 =	vsub.f32 v25, v26;
	v25 =	vld.idx.msk [tilespmem:v39+s9+$0x0], $0xffff;
	v21 =	vmul.f32 v22, v21  }
0x10c: {  	v48 =	vor.u32 v11, v18;
	v28 =	vsub.f32 v28, v29;
	v29 =	vld.idx.msk [tilespmem:v53+s9+$0x0], $0xffff  }
0x10d: {  	v50 =	vor.u32 v11, v19;
	v26 =	vld.idx.msk [tilespmem:v55+s11+$0x0], $0xffff;
	v22 =	vmul.f32 v54, v24;
	v21 =	vadd.f32 $0.0e+00, v21  }
0x10e: {  	v51 =	vor.u32 v11, v20;
	v63 =	vsub.f32 v31, v32;
	v32 =	vld.idx.msk [tilespmem:v57+s9+$0x0], $0xffff  }
0x10f: {  	v59 =	vor.u32 v13, v19;
	v31 =	vld.idx.msk [tilespmem:v44+s3+$0x0], $0xffff;
	v27 =	vmul.f32 v28, v27;
	v21 =	vadd.f32 v22, v21  }
0x110: {  	v34 =	vsub.f32 v34, v35;
	v23 =	vsub.f32 v52, v38;
	v52 =	vor.u32 v12, v18;
	v53 =	vld.idx.msk [tilespmem:v45+s11+$0x0], $0xffff  }
0x111: {  	v55 =	vor.u32 v12, v20;
	v46 =	vmul.f32 v63, v30;
	v30 =	vld.idx.msk [tilespmem:v48+s9+$0x0], $0xffff;
	v21 =	vadd.f32 v27, v21  }
0x112: {  	v45 =	vor.u32 v14, v19;
	v24 =	vsub.f32 v56, v58;
	v56 =	vld.idx.msk [tilespmem:v50+s3+$0x0], $0xffff  }
0x113: {  	v62 =	vor.u32 v10, v18;
	v33 =	vmul.f32 v34, v33;
	v58 =	vld.idx.msk [tilespmem:v51+s11+$0x0], $0xffff;
	v21 =	vadd.f32 v46, v21  }
0x114: {  	v54 =	vor.u32 v12, v19;
	v63 =	vor.u32 v14, v18;
	v48 =	vld.idx.msk [tilespmem:v59+s3+$0x0], $0xffff  }
0x115: {  	v23 =	vmul.f32 v23, v36;
	v28 =	vsub.f32 v47, v49;
	v60 =	vld.idx.msk [tilespmem:v52+s9+$0x0], $0xffff;
	v21 =	vadd.f32 v33, v21  }
0x116: {  	v49 =	vor.u32 v15, v18;
	v24 =	vmul.f32 v24, v25;
	v44 =	vld.idx.msk [tilespmem:v55+s11+$0x0], $0xffff;
	v31 =	vsub.f32 v31, v53  }
0x117: {  	v53 =	vld.idx.msk [tilespmem:v45+s3+$0x0], $0xffff;
	v22 =	vsub.f32 v61, v26;
	v61 =	vor.u32 v13, v20;
	v21 =	vadd.f32 v23, v21  }
0x118: {  	v47 =	vor.u32 v14, v20;
	v27 =	vld.idx.msk [tilespmem:v62+s9+$0x0], $0xffff  }
0x119: {  	v57 =	vor.u32 v13, v18;
	v51 =	vld.idx.msk [tilespmem:v63+s9+$0x0], $0xffff;
	v22 =	vmul.f32 v22, v29;
	v21 =	vadd.f32 v24, v21  }
0x11a: {  	v52 =	vor.u32 v15, v20;
	v62 =	vld.idx.msk [tilespmem:v54+s3+$0x0], $0xffff  }
0x11b: {  	v50 =	vor.u32 v15, v19;
	v28 =	vmul.f32 v28, v32;
	v55 =	vld.idx.msk [tilespmem:v49+s9+$0x0], $0xffff;
	v21 =	vadd.f32 v22, v21  }
0x11c: {  	v19 =	vor.u32 v16, v19;
	v20 =	vor.u32 v16, v20;
	v26 =	vld.idx.msk [tilespmem:v61+s11+$0x0], $0xffff  }
0x11d: {  	v54 =	vld.idx.msk [tilespmem:v47+s11+$0x0], $0xffff;
	v27 =	vmul.f32 v31, v27;
	v23 =	vsub.f32 v56, v58;
	v21 =	vadd.f32 v28, v21  }
0x11e: {  	v18 =	vor.u32 v16, v18;
	v46 =	vld.idx.msk [tilespmem:v57+s9+$0x0], $0xffff  }
0x11f: {  	v57 =	vld.idx.msk [tilespmem:v52+s11+$0x0], $0xffff;
	v23 =	vmul.f32 v23, v30;
	v24 =	vsub.f32 v62, v44;
	v21 =	vadd.f32 v27, v21  }
0x120: {  	v56 =	vld.idx.msk [tilespmem:v50+s3+$0x0], $0xffff  }
0x121: {  	v19 =	vld.idx.msk [tilespmem:v19+s3+$0x0], $0xffff;
	v58 =	vmul.f32 v24, v60;
	v22 =	vsub.f32 v48, v26;
	v21 =	vadd.f32 v23, v21  }
0x122: {  	v20 =	vld.idx.msk [tilespmem:v20+s11+$0x0], $0xffff  }
0x123: {  	v59 =	vsub.f32 v53, v54;
	v22 =	vmul.f32 v22, v46;
	v21 =	vadd.f32 v58, v21  }
0x124: {  	v18 =	vld.idx.msk [tilespmem:v18+s9+$0x0], $0xffff  }
0x125: {  	v60 =	vmul.f32 v59, v51;
	v61 =	vsub.f32 v56, v57;
	v21 =	vadd.f32 v22, v21;
	_ =	sdelay $0x1  }
0x126: {  	s30 =	sadd.s32 $0x8, s25;
	s26 =	sadd.s32 $0x40, s26;
	v19 =	vsub.f32 v19, v20;
	v62 =	vmul.f32 v61, v55;
	v21 =	vadd.f32 v60, v21  }
0x127: {  	p0 =	sne.s32 s26, $0x800;
	v63 =	vadd.s32 s30, v17  }
.Ltmp3:
0x128: {  	v18 =	vmul.f32 v19, v18;
	v21 =	vadd.f32 v62, v21;
	(pc) =	sbr.rel @!p0 .LBB2_5-.Ltmp3, $3  }
0x129: {  	_ = 	snop  }
0x12a: {  	v18 =	vadd.f32 v18, v21;
	_ =	sdelay $0x1  }
0x12b: {  	s25 =	sadd.s32 $0x10, s25;
	[tilespmem:v63+s21+$0x0] =	vst.idx.msk $0xff, v18  }
.LBB2_2:
0x12c: {  	s28 =	sshra.s32 s26, $0x2  }
0x12d: {  	v18 =	vld [tilespmem:s28+$0x508]  }
0x12e: {  	v19 =	vld [tilespmem:s28+$0x8];
	_ =	sdelay $0x1  }
0x12f: {  	v20 =	vld [tilespmem:s28+$0x288];
	_ =	sdelay $0x1  }
0x130: {  	(v2sf) =	vpush v18, $0x0  }
0x131: {  	(v2sf) =	vpush v19, $0x0;
	_ =	sdelay $0x1  }
0x132: {  	(v2sf) =	vpush v20, $0x0;
	_ =	sdelay $0x6  }
0x133: {  	(v2sf) =	vpush v18, $0x1  }
0x134: {  	(v2sf) =	vpush v19, $0x1;
	_ =	sdelay $0x3  }
0x135: {  	s29 =	spop (v2sf);
	(v2sf) =	vpush v20, $0x1  }
0x136: {  	s30 =	spop (v2sf)  }
0x137: {  	s30 =	sand.u32 $0xFFFFF80, s30  }
0x138: {  	s2 =	spop (v2sf);
	s30 =	sadd.s32 s0, s30  }
0x139: {  	[tilespmem:s9], [sflag:$0x4] =	stream.strided.gather [hbm4b:s30+s14], $0x800, s13, s14, $0x38;
	[tilespmem:$0x18980] =	vst v63  }
0x13a: {  	s30 =	sand.u32 $0xFFFFF80, s2  }
0x13b: {  	s29 =	sand.u32 $0xFFFFF80, s29;
	(v2sf) =	vpush v18, $0x2;
	s30 =	sadd.s32 s1, s30  }
0x13c: {  	(v2sf) =	vpush v19, $0x2;
	[tilespmem:s3], [sflag:$0x5] =	stream.strided.gather [hbm4b:s30+s14], $0x800, s13, s14, $0x38;
	[tilespmem:$0x18980] =	vst v63  }
0x13d: {  	s29 =	sadd.s32 s1, s29  }
0x13e: {  	[tilespmem:s11], [sflag:$0x6] =	stream.strided.gather [hbm4b:s29+s14], $0x800, s13, s14, $0x38;
	[tilespmem:$0x18980] =	vst v63  }
0x13f: {  	s29 =	spop (v2sf)  }
0x140: {  	(v2sf) =	vpush v20, $0x2;
	s2 =	spop (v2sf)  }
0x141: {  	s30 =	sand.u32 $0xFFFFF80, s2  }
0x142: {  	s30 =	sadd.s32 s0, s30  }
0x143: {  	[tilespmem:s31], [sflag:$0x4] =	stream.strided.gather [hbm4b:s30+s14], $0x800, s13, s14, $0x38;
	[tilespmem:$0x18980] =	vst v63  }
0x144: {  	s2 =	spop (v2sf)  }
0x145: {  	s30 =	sand.u32 $0xFFFFF80, s2  }
0x146: {  	s29 =	sand.u32 $0xFFFFF80, s29;
	(v2sf) =	vpush v18, $0x3;
	s2 =	simm.s32 $0xCF80;
	s30 =	sadd.s32 s1, s30  }
0x147: {  	(v2sf) =	vpush v19, $0x3;
	[tilespmem:s2], [sflag:$0x5] =	stream.strided.gather [hbm4b:s30+s14], $0x800, s13, s14, $0x38;
	[tilespmem:$0x18980] =	vst v63  }
0x148: {  	s29 =	sadd.s32 s1, s29;
	s30 =	simm.s32 $0x14F80  }
0x149: {  	[tilespmem:s30], [sflag:$0x6] =	stream.strided.gather [hbm4b:s29+s14], $0x800, s13, s14, $0x38;
	[tilespmem:$0x18980] =	vst v63  }
0x14a: {  	s29 =	spop (v2sf)  }
0x14b: {  	(v2sf) =	vpush v20, $0x3;
	s2 =	spop (v2sf)  }
0x14c: {  	s30 =	sand.u32 $0xFFFFF80, s2  }
0x14d: {  	s2 =	simm.s32 $0x5780;
	s30 =	sadd.s32 s0, s30  }
0x14e: {  	[tilespmem:s2], [sflag:$0x4] =	stream.strided.gather [hbm4b:s30+s14], $0x800, s13, s14, $0x38;
	[tilespmem:$0x18980] =	vst v63  }
0x14f: {  	s2 =	spop (v2sf)  }
0x150: {  	s30 =	sand.u32 $0xFFFFF80, s2  }
0x151: {  	s29 =	sand.u32 $0xFFFFF80, s29;
	(v2sf) =	vpush v18, $0x4;
	s2 =	simm.s32 $0xD780;
	s30 =	sadd.s32 s1, s30  }
0x152: {  	(v2sf) =	vpush v19, $0x4;
	[tilespmem:s2], [sflag:$0x5] =	stream.strided.gather [hbm4b:s30+s14], $0x800, s13, s14, $0x38;
	[tilespmem:$0x18980] =	vst v63  }
0x153: {  	s29 =	sadd.s32 s1, s29;
	s30 =	simm.s32 $0x15780  }
0x154: {  	[tilespmem:s30], [sflag:$0x6] =	stream.strided.gather [hbm4b:s29+s14], $0x800, s13, s14, $0x38;
	[tilespmem:$0x18980] =	vst v63  }
0x155: {  	s29 =	spop (v2sf)  }
0x156: {  	(v2sf) =	vpush v20, $0x4;
	s2 =	spop (v2sf)  }
0x157: {  	s30 =	sand.u32 $0xFFFFF80, s2  }
0x158: {  	s2 =	simm.s32 $0x5F80;
	s30 =	sadd.s32 s0, s30  }
0x159: {  	[tilespmem:s2], [sflag:$0x4] =	stream.strided.gather [hbm4b:s30+s14], $0x800, s13, s14, $0x38;
	[tilespmem:$0x18980] =	vst v63  }
0x15a: {  	s2 =	spop (v2sf)  }
0x15b: {  	s30 =	sand.u32 $0xFFFFF80, s2  }
0x15c: {  	s29 =	sand.u32 $0xFFFFF80, s29;
	(v2sf) =	vpush v18, $0x5;
	s2 =	simm.s32 $0xDF80;
	s30 =	sadd.s32 s1, s30  }
0x15d: {  	(v2sf) =	vpush v19, $0x5;
	[tilespmem:s2], [sflag:$0x5] =	stream.strided.gather [hbm4b:s30+s14], $0x800, s13, s14, $0x38;
	[tilespmem:$0x18980] =	vst v63  }
0x15e: {  	s29 =	sadd.s32 s1, s29;
	s30 =	simm.s32 $0x15F80  }
0x15f: {  	[tilespmem:s30], [sflag:$0x6] =	stream.strided.gather [hbm4b:s29+s14], $0x800, s13, s14, $0x38;
	[tilespmem:$0x18980] =	vst v63  }
0x160: {  	s29 =	spop (v2sf)  }
0x161: {  	(v2sf) =	vpush v20, $0x5;
	s2 =	spop (v2sf)  }
0x162: {  	s30 =	sand.u32 $0xFFFFF80, s2  }
0x163: {  	s2 =	simm.s32 $0x6780;
	s30 =	sadd.s32 s0, s30  }
0x164: {  	[tilespmem:s2], [sflag:$0x4] =	stream.strided.gather [hbm4b:s30+s14], $0x800, s13, s14, $0x38;
	[tilespmem:$0x18980] =	vst v63  }
0x165: {  	s2 =	spop (v2sf)  }
0x166: {  	(v2sf) =	vpush v18, $0x6;
	s30 =	sand.u32 $0xFFFFF80, s2  }
0x167: {  	s29 =	sand.u32 $0xFFFFF80, s29;
	s2 =	simm.s32 $0xE780;
	s30 =	sadd.s32 s1, s30  }
0x168: {  	(v2sf) =	vpush v19, $0x6;
	[tilespmem:s2], [sflag:$0x5] =	stream.strided.gather [hbm4b:s30+s14], $0x800, s13, s14, $0x38;
	[tilespmem:$0x18980] =	vst v63  }
0x169: {  	s29 =	sadd.s32 s1, s29;
	s30 =	simm.s32 $0x16780  }
0x16a: {  	[tilespmem:s30], [sflag:$0x6] =	stream.strided.gather [hbm4b:s29+s14], $0x800, s13, s14, $0x38;
	[tilespmem:$0x18980] =	vst v63  }
0x16b: {  	s29 =	spop (v2sf)  }
0x16c: {  	(v2sf) =	vpush v20, $0x6;
	s2 =	spop (v2sf)  }
0x16d: {  	s30 =	sand.u32 $0xFFFFF80, s2  }
0x16e: {  	s2 =	simm.s32 $0x6F80;
	s30 =	sadd.s32 s0, s30  }
0x16f: {  	[tilespmem:s2], [sflag:$0x4] =	stream.strided.gather [hbm4b:s30+s14], $0x800, s13, s14, $0x38;
	[tilespmem:$0x18980] =	vst v63  }
0x170: {  	s2 =	spop (v2sf);
	(v2sf) =	vpush v18, $0x7;
	_ =	sdelay $0x1  }
0x171: {  	s30 =	sand.u32 $0xFFFFF80, s2;
	(v2sf) =	vpush v19, $0x7  }
0x172: {  	s29 =	sand.u32 $0xFFFFF80, s29;
	s2 =	simm.s32 $0xEF80;
	s30 =	sadd.s32 s1, s30  }
0x173: {  	[tilespmem:s2], [sflag:$0x5] =	stream.strided.gather [hbm4b:s30+s14], $0x800, s13, s14, $0x38;
	[tilespmem:$0x18980] =	vst v63  }
0x174: {  	s29 =	sadd.s32 s1, s29;
	s30 =	spop (v2sf)  }
0x175: {  	[tilespmem:s4], [sflag:$0x6] =	stream.strided.gather [hbm4b:s29+s14], $0x800, s13, s14, $0x38;
	(v2sf) =	vpush v20, $0x7;
	[tilespmem:$0x18980] =	vst v63  }
0x176: {  	s2 =	spop (v2sf)  }
0x177: {  	s29 =	sand.u32 $0xFFFFF80, s2  }
0x178: {  	s29 =	sadd.s32 s0, s29  }
0x179: {  	[tilespmem:s10], [sflag:$0x4] =	stream.strided.gather [hbm4b:s29+s14], $0x800, s13, s14, $0x38;
	[tilespmem:$0x18980] =	vst v63  }
0x17a: {  	s2 =	spop (v2sf)  }
0x17b: {  	s29 =	sand.u32 $0xFFFFF80, s2  }
0x17c: {  	s2 =	sand.u32 $0xFFFFF80, s30;
	s29 =	sadd.s32 s1, s29  }
0x17d: {  	[tilespmem:s12], [sflag:$0x5] =	stream.strided.gather [hbm4b:s29+s14], $0x800, s13, s14, $0x38;
	[tilespmem:$0x18980] =	vst v63  }
0x17e: {  	s29 =	sadd.s32 s1, s2;
	s30 =	spop (v2sf)  }
0x17f: {  	[tilespmem:s5], [sflag:$0x6] =	stream.strided.gather [hbm4b:s29+s14], $0x800, s13, s14, $0x38;
	[tilespmem:$0x18980] =	vst v63  }
0x180: {  	s2 =	spop (v2sf)  }
0x181: {  	s29 =	sand.u32 $0xFFFFF80, s2  }
0x182: {  	s29 =	sadd.s32 s0, s29  }
0x183: {  	[tilespmem:s6], [sflag:$0x4] =	stream.strided.gather [hbm4b:s29+s14], $0x800, s13, s14, $0x38;
	[tilespmem:$0x18980] =	vst v63  }
0x184: {  	s2 =	spop (v2sf)  }
0x185: {  	s29 =	sand.u32 $0xFFFFF80, s2  }
0x186: {  	s30 =	sand.u32 $0xFFFFF80, s30;
	s29 =	sadd.s32 s1, s29  }
0x187: {  	[tilespmem:s7], [sflag:$0x5] =	stream.strided.gather [hbm4b:s29+s14], $0x800, s13, s14, $0x38;
	[tilespmem:$0x18980] =	vst v63  }
0x188: {  	s29 =	sadd.s32 s1, s30  }
0x189: {  	[tilespmem:s8], [sflag:$0x6] =	stream.strided.gather [hbm4b:s29+s14], $0x800, s13, s14, $0x38;
	[tilespmem:$0x18980] =	vst v63  }
0x18a: {  	_ =	swait.ge [sflag:s18], $0x800  }
0x18b: {  	[sflag:s18] =	ssyncset.done $0x0  }
0x18c: {  	[sflag:s18] =	ssyncadd.s32 $0xFFFFF800  }
0x18d: {  	_ =	swait.ge [sflag:s19], $0x800  }
0x18e: {  	[sflag:s19] =	ssyncset.done $0x0  }
0x18f: {  	[sflag:s19] =	ssyncadd.s32 $0xFFFFF800  }
0x190: {  	_ =	swait.ge [sflag:s20], $0x800  }
0x191: {  	[sflag:s20] =	ssyncset.done $0x0  }
0x192: {  	[sflag:s20] =	ssyncadd.s32 $0xFFFFF800  }
0x193: {  	_ =	swait.ge [sflag:s18], $0x800  }
0x194: {  	[sflag:s18] =	ssyncset.done $0x0  }
0x195: {  	[sflag:s18] =	ssyncadd.s32 $0xFFFFF800  }
0x196: {  	_ =	swait.ge [sflag:s19], $0x800  }
0x197: {  	[sflag:s19] =	ssyncset.done $0x0  }
0x198: {  	[sflag:s19] =	ssyncadd.s32 $0xFFFFF800  }
0x199: {  	_ =	swait.ge [sflag:s20], $0x800  }
0x19a: {  	[sflag:s20] =	ssyncset.done $0x0  }
0x19b: {  	[sflag:s20] =	ssyncadd.s32 $0xFFFFF800  }
0x19c: {  	_ =	swait.ge [sflag:s18], $0x800  }
0x19d: {  	[sflag:s18] =	ssyncset.done $0x0  }
0x19e: {  	[sflag:s18] =	ssyncadd.s32 $0xFFFFF800  }
0x19f: {  	_ =	swait.ge [sflag:s19], $0x800  }
0x1a0: {  	[sflag:s19] =	ssyncset.done $0x0  }
0x1a1: {  	[sflag:s19] =	ssyncadd.s32 $0xFFFFF800  }
0x1a2: {  	_ =	swait.ge [sflag:s20], $0x800  }
0x1a3: {  	[sflag:s20] =	ssyncset.done $0x0  }
0x1a4: {  	[sflag:s20] =	ssyncadd.s32 $0xFFFFF800  }
0x1a5: {  	_ =	swait.ge [sflag:s18], $0x800  }
0x1a6: {  	[sflag:s18] =	ssyncset.done $0x0  }
0x1a7: {  	[sflag:s18] =	ssyncadd.s32 $0xFFFFF800  }
0x1a8: {  	_ =	swait.ge [sflag:s19], $0x800  }
0x1a9: {  	[sflag:s19] =	ssyncset.done $0x0  }
0x1aa: {  	[sflag:s19] =	ssyncadd.s32 $0xFFFFF800  }
0x1ab: {  	_ =	swait.ge [sflag:s20], $0x800  }
0x1ac: {  	[sflag:s20] =	ssyncset.done $0x0  }
0x1ad: {  	[sflag:s20] =	ssyncadd.s32 $0xFFFFF800  }
0x1ae: {  	_ =	swait.ge [sflag:s18], $0x800  }
0x1af: {  	[sflag:s18] =	ssyncset.done $0x0  }
0x1b0: {  	[sflag:s18] =	ssyncadd.s32 $0xFFFFF800  }
0x1b1: {  	_ =	swait.ge [sflag:s19], $0x800  }
0x1b2: {  	[sflag:s19] =	ssyncset.done $0x0  }
0x1b3: {  	[sflag:s19] =	ssyncadd.s32 $0xFFFFF800  }
0x1b4: {  	_ =	swait.ge [sflag:s20], $0x800  }
0x1b5: {  	[sflag:s20] =	ssyncset.done $0x0  }
0x1b6: {  	[sflag:s20] =	ssyncadd.s32 $0xFFFFF800  }
0x1b7: {  	_ =	swait.ge [sflag:s18], $0x800  }
0x1b8: {  	[sflag:s18] =	ssyncset.done $0x0  }
0x1b9: {  	[sflag:s18] =	ssyncadd.s32 $0xFFFFF800  }
0x1ba: {  	_ =	swait.ge [sflag:s19], $0x800  }
0x1bb: {  	[sflag:s19] =	ssyncset.done $0x0  }
0x1bc: {  	[sflag:s19] =	ssyncadd.s32 $0xFFFFF800  }
0x1bd: {  	_ =	swait.ge [sflag:s20], $0x800  }
0x1be: {  	[sflag:s20] =	ssyncset.done $0x0  }
0x1bf: {  	[sflag:s20] =	ssyncadd.s32 $0xFFFFF800  }
0x1c0: {  	_ =	swait.ge [sflag:s18], $0x800  }
0x1c1: {  	[sflag:s18] =	ssyncset.done $0x0  }
0x1c2: {  	[sflag:s18] =	ssyncadd.s32 $0xFFFFF800  }
0x1c3: {  	_ =	swait.ge [sflag:s19], $0x800  }
0x1c4: {  	[sflag:s19] =	ssyncset.done $0x0  }
0x1c5: {  	[sflag:s19] =	ssyncadd.s32 $0xFFFFF800  }
0x1c6: {  	_ =	swait.ge [sflag:s20], $0x800  }
0x1c7: {  	[sflag:s20] =	ssyncset.done $0x0  }
0x1c8: {  	[sflag:s20] =	ssyncadd.s32 $0xFFFFF800  }
0x1c9: {  	_ =	swait.ge [sflag:s18], $0x800  }
0x1ca: {  	[sflag:s18] =	ssyncset.done $0x0  }
0x1cb: {  	[sflag:s18] =	ssyncadd.s32 $0xFFFFF800  }
0x1cc: {  	_ =	swait.ge [sflag:s19], $0x800  }
0x1cd: {  	[sflag:s19] =	ssyncset.done $0x0  }
0x1ce: {  	[sflag:s19] =	ssyncadd.s32 $0xFFFFF800  }
0x1cf: {  	_ =	swait.ge [sflag:s20], $0x800  }
0x1d0: {  	[sflag:s20] =	ssyncset.done $0x0  }
0x1d1: {  	[sflag:s20] =	ssyncadd.s32 $0xFFFFF800  }
0x1d2: {  	v18 =	vld [tilespmem:s28+$0x0]  }
0x1d3: {  	v19 =	vld [tilespmem:s28+$0x280]  }
0x1d4: {  	v51 =	vld [tilespmem:s28+$0x500];
	_ =	sdelay $0x2  }
0x1d5: {  	v18 =	vand.u32 $0x7F, v18  }
0x1d6: {  	v19 =	vand.u32 $0x7F, v19;
	v21 =	vor.u32 v1, v18  }
0x1d7: {  	v20 =	vand.u32 $0x7F, v51;
	v22 =	vor.u32 v1, v19  }
0x1d8: {  	v23 =	vor.u32 v1, v20  }
0x1d9: {  	v24 =	vor.u32 v2, v18  }
0x1da: {  	v25 =	vor.u32 v2, v19  }
0x1db: {  	v26 =	vor.u32 v2, v20;
	v21 =	vld.idx.msk [tilespmem:v21+s15+$0x0], $0xffff  }
0x1dc: {  	v27 =	vor.u32 v3, v18;
	v22 =	vld.idx.msk [tilespmem:v22+s16+$0x0], $0xffff  }
0x1dd: {  	v28 =	vor.u32 v3, v19;
	v23 =	vld.idx.msk [tilespmem:v23+s17+$0x0], $0xffff  }
0x1de: {  	v29 =	vor.u32 v3, v20;
	v24 =	vld.idx.msk [tilespmem:v24+s15+$0x0], $0xffff  }
0x1df: {  	v30 =	vor.u32 v4, v18;
	v25 =	vld.idx.msk [tilespmem:v25+s16+$0x0], $0xffff  }
0x1e0: {  	v31 =	vor.u32 v4, v19;
	v26 =	vld.idx.msk [tilespmem:v26+s17+$0x0], $0xffff  }
0x1e1: {  	v32 =	vor.u32 v4, v20;
	v27 =	vld.idx.msk [tilespmem:v27+s15+$0x0], $0xffff  }
0x1e2: {  	v33 =	vor.u32 v5, v18;
	v28 =	vld.idx.msk [tilespmem:v28+s16+$0x0], $0xffff  }
0x1e3: {  	v34 =	vor.u32 v5, v19;
	v29 =	vld.idx.msk [tilespmem:v29+s17+$0x0], $0xffff  }
0x1e4: {  	v35 =	vor.u32 v5, v20;
	v30 =	vld.idx.msk [tilespmem:v30+s15+$0x0], $0xffff  }
0x1e5: {  	v36 =	vor.u32 v6, v18;
	v31 =	vld.idx.msk [tilespmem:v31+s16+$0x0], $0xffff  }
0x1e6: {  	v37 =	vor.u32 v6, v19;
	v32 =	vld.idx.msk [tilespmem:v32+s17+$0x0], $0xffff  }
0x1e7: {  	v38 =	vor.u32 v6, v20;
	v33 =	vld.idx.msk [tilespmem:v33+s15+$0x0], $0xffff  }
0x1e8: {  	v40 =	vor.u32 v7, v19;
	v34 =	vld.idx.msk [tilespmem:v34+s16+$0x0], $0xffff  }
0x1e9: {  	v41 =	vor.u32 v7, v20;
	v35 =	vld.idx.msk [tilespmem:v35+s17+$0x0], $0xffff  }
0x1ea: {  	v42 =	vor.u32 v8, v19;
	v36 =	vld.idx.msk [tilespmem:v36+s15+$0x0], $0xffff  }
0x1eb: {  	v59 =	vor.u32 v9, v19;
	v52 =	vld.idx.msk [tilespmem:v37+s16+$0x0], $0xffff  }
0x1ec: {  	v60 =	vor.u32 v9, v20;
	v38 =	vld.idx.msk [tilespmem:v38+s17+$0x0], $0xffff  }
0x1ed: {  	v39 =	vor.u32 v7, v18;
	v56 =	vld.idx.msk [tilespmem:v40+s16+$0x0], $0xffff  }
0x1ee: {  	v53 =	vor.u32 v8, v18;
	v58 =	vld.idx.msk [tilespmem:v41+s17+$0x0], $0xffff  }
0x1ef: {  	v55 =	vor.u32 v8, v20;
	v61 =	vld.idx.msk [tilespmem:v42+s16+$0x0], $0xffff  }
0x1f0: {  	v57 =	vor.u32 v9, v18;
	v47 =	vld.idx.msk [tilespmem:v59+s16+$0x0], $0xffff;
	v22 =	vsub.f32 v22, v23  }
0x1f1: {  	v44 =	vor.u32 v10, v19;
	v49 =	vld.idx.msk [tilespmem:v60+s17+$0x0], $0xffff  }
0x1f2: {  	v45 =	vor.u32 v10, v20;
	v54 =	vsub.f32 v25, v26;
	v25 =	vld.idx.msk [tilespmem:v39+s15+$0x0], $0xffff;
	v21 =	vmul.f32 v22, v21  }
0x1f3: {  	v48 =	vor.u32 v11, v18;
	v28 =	vsub.f32 v28, v29;
	v29 =	vld.idx.msk [tilespmem:v53+s15+$0x0], $0xffff  }
0x1f4: {  	v50 =	vor.u32 v11, v19;
	v26 =	vld.idx.msk [tilespmem:v55+s17+$0x0], $0xffff;
	v22 =	vmul.f32 v54, v24;
	v21 =	vadd.f32 $0.0e+00, v21  }
0x1f5: {  	v51 =	vor.u32 v11, v20;
	v63 =	vsub.f32 v31, v32;
	v32 =	vld.idx.msk [tilespmem:v57+s15+$0x0], $0xffff  }
0x1f6: {  	v59 =	vor.u32 v13, v19;
	v31 =	vld.idx.msk [tilespmem:v44+s16+$0x0], $0xffff;
	v27 =	vmul.f32 v28, v27;
	v21 =	vadd.f32 v22, v21  }
0x1f7: {  	v34 =	vsub.f32 v34, v35;
	v23 =	vsub.f32 v52, v38;
	v52 =	vor.u32 v12, v18;
	v53 =	vld.idx.msk [tilespmem:v45+s17+$0x0], $0xffff  }
0x1f8: {  	v55 =	vor.u32 v12, v20;
	v46 =	vmul.f32 v63, v30;
	v30 =	vld.idx.msk [tilespmem:v48+s15+$0x0], $0xffff;
	v21 =	vadd.f32 v27, v21  }
0x1f9: {  	v45 =	vor.u32 v14, v19;
	v24 =	vsub.f32 v56, v58;
	v56 =	vld.idx.msk [tilespmem:v50+s16+$0x0], $0xffff  }
0x1fa: {  	v62 =	vor.u32 v10, v18;
	v33 =	vmul.f32 v34, v33;
	v58 =	vld.idx.msk [tilespmem:v51+s17+$0x0], $0xffff;
	v21 =	vadd.f32 v46, v21  }
0x1fb: {  	v54 =	vor.u32 v12, v19;
	v63 =	vor.u32 v14, v18;
	v48 =	vld.idx.msk [tilespmem:v59+s16+$0x0], $0xffff  }
0x1fc: {  	v23 =	vmul.f32 v23, v36;
	v28 =	vsub.f32 v47, v49;
	v60 =	vld.idx.msk [tilespmem:v52+s15+$0x0], $0xffff;
	v21 =	vadd.f32 v33, v21  }
0x1fd: {  	v49 =	vor.u32 v15, v18;
	v24 =	vmul.f32 v24, v25;
	v44 =	vld.idx.msk [tilespmem:v55+s17+$0x0], $0xffff;
	v31 =	vsub.f32 v31, v53  }
0x1fe: {  	v53 =	vld.idx.msk [tilespmem:v45+s16+$0x0], $0xffff;
	v22 =	vsub.f32 v61, v26;
	v61 =	vor.u32 v13, v20;
	v21 =	vadd.f32 v23, v21  }
0x1ff: {  	v47 =	vor.u32 v14, v20;
	v27 =	vld.idx.msk [tilespmem:v62+s15+$0x0], $0xffff  }
0x200: {  	v57 =	vor.u32 v13, v18;
	v51 =	vld.idx.msk [tilespmem:v63+s15+$0x0], $0xffff;
	v22 =	vmul.f32 v22, v29;
	v21 =	vadd.f32 v24, v21  }
0x201: {  	v52 =	vor.u32 v15, v20;
	v62 =	vld.idx.msk [tilespmem:v54+s16+$0x0], $0xffff  }
0x202: {  	v50 =	vor.u32 v15, v19;
	v28 =	vmul.f32 v28, v32;
	v55 =	vld.idx.msk [tilespmem:v49+s15+$0x0], $0xffff;
	v21 =	vadd.f32 v22, v21  }
0x203: {  	v19 =	vor.u32 v16, v19;
	v20 =	vor.u32 v16, v20;
	v26 =	vld.idx.msk [tilespmem:v61+s17+$0x0], $0xffff  }
0x204: {  	v54 =	vld.idx.msk [tilespmem:v47+s17+$0x0], $0xffff;
	v27 =	vmul.f32 v31, v27;
	v23 =	vsub.f32 v56, v58;
	v21 =	vadd.f32 v28, v21  }
0x205: {  	v18 =	vor.u32 v16, v18;
	v46 =	vld.idx.msk [tilespmem:v57+s15+$0x0], $0xffff  }
0x206: {  	v57 =	vld.idx.msk [tilespmem:v52+s17+$0x0], $0xffff;
	v23 =	vmul.f32 v23, v30;
	v24 =	vsub.f32 v62, v44;
	v21 =	vadd.f32 v27, v21  }
0x207: {  	v56 =	vld.idx.msk [tilespmem:v50+s16+$0x0], $0xffff  }
0x208: {  	v19 =	vld.idx.msk [tilespmem:v19+s16+$0x0], $0xffff;
	v58 =	vmul.f32 v24, v60;
	v22 =	vsub.f32 v48, v26;
	v21 =	vadd.f32 v23, v21  }
0x209: {  	v20 =	vld.idx.msk [tilespmem:v20+s17+$0x0], $0xffff  }
0x20a: {  	v59 =	vsub.f32 v53, v54;
	v22 =	vmul.f32 v22, v46;
	v21 =	vadd.f32 v58, v21  }
0x20b: {  	v18 =	vld.idx.msk [tilespmem:v18+s15+$0x0], $0xffff  }
0x20c: {  	v60 =	vmul.f32 v59, v51;
	v61 =	vsub.f32 v56, v57;
	v21 =	vadd.f32 v22, v21;
	_ =	sdelay $0x1  }
0x20d: {  	v19 =	vsub.f32 v19, v20;
	v62 =	vmul.f32 v61, v55;
	v21 =	vadd.f32 v60, v21  }
0x20e: {  	p0 =	seq.s32 s26, $0x7C0;
	v63 =	vor.u32 s25, v17  }
.Ltmp4:
0x20f: {  	v18 =	vmul.f32 v19, v18;
	v21 =	vadd.f32 v62, v21;
	(pc) =	sbr.rel @p0 .LBB2_4-.Ltmp4, $3  }
0x210: {  	_ = 	snop  }
0x211: {  	v18 =	vadd.f32 v18, v21;
	_ =	sdelay $0x1  }
0x212: {  	[tilespmem:v63+s21+$0x0] =	vst.idx.msk $0xff, v18  }
0x213: {  	v18 =	vld [tilespmem:s28+$0x510]  }
0x214: {  	v19 =	vld [tilespmem:s28+$0x10];
	_ =	sdelay $0x1  }
0x215: {  	v20 =	vld [tilespmem:s28+$0x290];
	_ =	sdelay $0x1  }
0x216: {  	(v2sf) =	vpush v18, $0x0  }
0x217: {  	(v2sf) =	vpush v19, $0x0;
	_ =	sdelay $0x1  }
0x218: {  	(v2sf) =	vpush v20, $0x0;
	_ =	sdelay $0x6  }
0x219: {  	(v2sf) =	vpush v18, $0x1;
	_ =	sdelay $0x1  }
0x21a: {  	(v2sf) =	vpush v19, $0x1;
	_ =	sdelay $0x2  }
0x21b: {  	s29 =	spop (v2sf)  }
0x21c: {  	(v2sf) =	vpush v20, $0x1;
	s30 =	spop (v2sf)  }
0x21d: {  	s30 =	sand.u32 $0xFFFFF80, s30  }
0x21e: {  	s2 =	spop (v2sf);
	s30 =	sadd.s32 s0, s30  }
0x21f: {  	[tilespmem:s15], [sflag:$0x1] =	stream.strided.gather [hbm4b:s30+s14], $0x800, s13, s14, $0x38;
	[tilespmem:$0x18980] =	vst v63  }
0x220: {  	s30 =	sand.u32 $0xFFFFF80, s2  }
0x221: {  	s29 =	sand.u32 $0xFFFFF80, s29;
	s30 =	sadd.s32 s1, s30  }
0x222: {  	(v2sf) =	vpush v18, $0x2;
	[tilespmem:s16], [sflag:$0x2] =	stream.strided.gather [hbm4b:s30+s14], $0x800, s13, s14, $0x38;
	[tilespmem:$0x18980] =	vst v63  }
0x223: {  	s29 =	sadd.s32 s1, s29;
	(v2sf) =	vpush v19, $0x2  }
0x224: {  	[tilespmem:s17], [sflag:$0x3] =	stream.strided.gather [hbm4b:s29+s14], $0x800, s13, s14, $0x38;
	[tilespmem:$0x18980] =	vst v63  }
0x225: {  	s29 =	spop (v2sf);
	(v2sf) =	vpush v20, $0x2;
	_ =	sdelay $0x1  }
0x226: {  	s2 =	spop (v2sf)  }
0x227: {  	s30 =	sand.u32 $0xFFFFF80, s2  }
0x228: {  	s31 =	simm.s32 $0xF80;
	s30 =	sadd.s32 s0, s30  }
0x229: {  	[tilespmem:s31], [sflag:$0x1] =	stream.strided.gather [hbm4b:s30+s14], $0x800, s13, s14, $0x38;
	[tilespmem:$0x18980] =	vst v63  }
0x22a: {  	s2 =	spop (v2sf)  }
0x22b: {  	(v2sf) =	vpush v18, $0x3;
	s30 =	sand.u32 $0xFFFFF80, s2  }
0x22c: {  	s29 =	sand.u32 $0xFFFFF80, s29;
	s31 =	simm.s32 $0x8F80;
	(v2sf) =	vpush v19, $0x3;
	s30 =	sadd.s32 s1, s30  }
0x22d: {  	[tilespmem:s31], [sflag:$0x2] =	stream.strided.gather [hbm4b:s30+s14], $0x800, s13, s14, $0x38;
	[tilespmem:$0x18980] =	vst v63  }
0x22e: {  	s29 =	sadd.s32 s1, s29;
	s2 =	simm.s32 $0x10F80  }
0x22f: {  	[tilespmem:s2], [sflag:$0x3] =	stream.strided.gather [hbm4b:s29+s14], $0x800, s13, s14, $0x38;
	[tilespmem:$0x18980] =	vst v63  }
0x230: {  	s29 =	spop (v2sf);
	(v2sf) =	vpush v20, $0x3  }
0x231: {  	s2 =	spop (v2sf)  }
0x232: {  	s30 =	sand.u32 $0xFFFFF80, s2  }
0x233: {  	s31 =	simm.s32 $0x1780;
	s30 =	sadd.s32 s0, s30;
	s2 =	spop (v2sf)  }
0x234: {  	[tilespmem:s31], [sflag:$0x1] =	stream.strided.gather [hbm4b:s30+s14], $0x800, s13, s14, $0x38;
	[tilespmem:$0x18980] =	vst v63  }
0x235: {  	s30 =	sand.u32 $0xFFFFF80, s2  }
0x236: {  	s29 =	sand.u32 $0xFFFFF80, s29;
	(v2sf) =	vpush v18, $0x4;
	s31 =	simm.s32 $0x9780;
	s30 =	sadd.s32 s1, s30  }
0x237: {  	(v2sf) =	vpush v19, $0x4;
	[tilespmem:s31], [sflag:$0x2] =	stream.strided.gather [hbm4b:s30+s14], $0x800, s13, s14, $0x38;
	[tilespmem:$0x18980] =	vst v63  }
0x238: {  	s29 =	sadd.s32 s1, s29;
	s2 =	simm.s32 $0x11780  }
0x239: {  	[tilespmem:s2], [sflag:$0x3] =	stream.strided.gather [hbm4b:s29+s14], $0x800, s13, s14, $0x38;
	[tilespmem:$0x18980] =	vst v63  }
0x23a: {  	s29 =	spop (v2sf)  }
0x23b: {  	(v2sf) =	vpush v20, $0x4;
	s2 =	spop (v2sf)  }
0x23c: {  	s30 =	sand.u32 $0xFFFFF80, s2  }
0x23d: {  	s31 =	simm.s32 $0x1F80;
	s30 =	sadd.s32 s0, s30  }
0x23e: {  	[tilespmem:s31], [sflag:$0x1] =	stream.strided.gather [hbm4b:s30+s14], $0x800, s13, s14, $0x38;
	[tilespmem:$0x18980] =	vst v63  }
0x23f: {  	s2 =	spop (v2sf)  }
0x240: {  	s30 =	sand.u32 $0xFFFFF80, s2  }
0x241: {  	s29 =	sand.u32 $0xFFFFF80, s29;
	s31 =	simm.s32 $0x9F80;
	(v2sf) =	vpush v18, $0x5;
	s30 =	sadd.s32 s1, s30  }
0x242: {  	[tilespmem:s31], [sflag:$0x2] =	stream.strided.gather [hbm4b:s30+s14], $0x800, s13, s14, $0x38;
	[tilespmem:$0x18980] =	vst v63  }
0x243: {  	s29 =	sadd.s32 s1, s29;
	(v2sf) =	vpush v19, $0x5;
	s2 =	simm.s32 $0x11F80  }
0x244: {  	[tilespmem:s2], [sflag:$0x3] =	stream.strided.gather [hbm4b:s29+s14], $0x800, s13, s14, $0x38;
	[tilespmem:$0x18980] =	vst v63  }
0x245: {  	s29 =	spop (v2sf);
	(v2sf) =	vpush v20, $0x5  }
0x246: {  	s2 =	spop (v2sf)  }
0x247: {  	s30 =	sand.u32 $0xFFFFF80, s2  }
0x248: {  	s31 =	simm.s32 $0x2780;
	s30 =	sadd.s32 s0, s30  }
0x249: {  	[tilespmem:s31], [sflag:$0x1] =	stream.strided.gather [hbm4b:s30+s14], $0x800, s13, s14, $0x38;
	[tilespmem:$0x18980] =	vst v63  }
0x24a: {  	s2 =	spop (v2sf);
	(v2sf) =	vpush v18, $0x6  }
0x24b: {  	s30 =	sand.u32 $0xFFFFF80, s2  }
0x24c: {  	s29 =	sand.u32 $0xFFFFF80, s29;
	s31 =	simm.s32 $0xA780;
	(v2sf) =	vpush v19, $0x6;
	s30 =	sadd.s32 s1, s30  }
0x24d: {  	[tilespmem:s31], [sflag:$0x2] =	stream.strided.gather [hbm4b:s30+s14], $0x800, s13, s14, $0x38;
	[tilespmem:$0x18980] =	vst v63  }
0x24e: {  	s29 =	sadd.s32 s1, s29;
	s2 =	simm.s32 $0x12780  }
0x24f: {  	[tilespmem:s2], [sflag:$0x3] =	stream.strided.gather [hbm4b:s29+s14], $0x800, s13, s14, $0x38;
	[tilespmem:$0x18980] =	vst v63  }
0x250: {  	s29 =	spop (v2sf);
	(v2sf) =	vpush v20, $0x6;
	_ =	sdelay $0x1  }
0x251: {  	s2 =	spop (v2sf)  }
0x252: {  	s30 =	sand.u32 $0xFFFFF80, s2  }
0x253: {  	s31 =	simm.s32 $0x2F80;
	s30 =	sadd.s32 s0, s30;
	s2 =	spop (v2sf);
	(v2sf) =	vpush v18, $0x7  }
0x254: {  	[tilespmem:s31], [sflag:$0x1] =	stream.strided.gather [hbm4b:s30+s14], $0x800, s13, s14, $0x38;
	[tilespmem:$0x18980] =	vst v63  }
0x255: {  	s30 =	sand.u32 $0xFFFFF80, s2;
	(v2sf) =	vpush v19, $0x7  }
0x256: {  	s29 =	sand.u32 $0xFFFFF80, s29;
	s31 =	simm.s32 $0xAF80;
	s30 =	sadd.s32 s1, s30  }
0x257: {  	[tilespmem:s31], [sflag:$0x2] =	stream.strided.gather [hbm4b:s30+s14], $0x800, s13, s14, $0x38;
	[tilespmem:$0x18980] =	vst v63  }
0x258: {  	s29 =	sadd.s32 s1, s29;
	s31 =	simm.s32 $0x12F80;
	s30 =	spop (v2sf)  }
0x259: {  	[tilespmem:s31], [sflag:$0x3] =	stream.strided.gather [hbm4b:s29+s14], $0x800, s13, s14, $0x38;
	(v2sf) =	vpush v20, $0x7;
	[tilespmem:$0x18980] =	vst v63  }
0x25a: {  	s2 =	spop (v2sf)  }
0x25b: {  	s29 =	sand.u32 $0xFFFFF80, s2  }
0x25c: {  	s31 =	simm.s32 $0x3780;
	s29 =	sadd.s32 s0, s29  }
0x25d: {  	[tilespmem:s31], [sflag:$0x1] =	stream.strided.gather [hbm4b:s29+s14], $0x800, s13, s14, $0x38;
	[tilespmem:$0x18980] =	vst v63  }
0x25e: {  	s2 =	spop (v2sf)  }
0x25f: {  	s29 =	sand.u32 $0xFFFFF80, s2  }
0x260: {  	s31 =	simm.s32 $0xB780;
	s2 =	sand.u32 $0xFFFFF80, s30;
	s29 =	sadd.s32 s1, s29  }
0x261: {  	[tilespmem:s31], [sflag:$0x2] =	stream.strided.gather [hbm4b:s29+s14], $0x800, s13, s14, $0x38;
	[tilespmem:$0x18980] =	vst v63  }
0x262: {  	s29 =	sadd.s32 s1, s2;
	s31 =	simm.s32 $0x13780;
	s30 =	spop (v2sf)  }
0x263: {  	[tilespmem:s31], [sflag:$0x3] =	stream.strided.gather [hbm4b:s29+s14], $0x800, s13, s14, $0x38;
	[tilespmem:$0x18980] =	vst v63  }
0x264: {  	s2 =	spop (v2sf)  }
0x265: {  	s29 =	sand.u32 $0xFFFFF80, s2  }
0x266: {  	s31 =	simm.s32 $0x3F80;
	s29 =	sadd.s32 s0, s29  }
0x267: {  	[tilespmem:s31], [sflag:$0x1] =	stream.strided.gather [hbm4b:s29+s14], $0x800, s13, s14, $0x38;
	[tilespmem:$0x18980] =	vst v63  }
0x268: {  	s2 =	spop (v2sf)  }
.Ltmp5:
0x269: {  	s29 =	sand.u32 $0xFFFFF80, s2;
	(pc) =	sbr.rel .LBB2_4-.Ltmp5, $4  }
0x26a: {  	s30 =	sand.u32 $0xFFFFF80, s30;
	s31 =	simm.s32 $0xBF80;
	s29 =	sadd.s32 s1, s29  }
0x26b: {  	[tilespmem:s31], [sflag:$0x2] =	stream.strided.gather [hbm4b:s29+s14], $0x800, s13, s14, $0x38;
	[tilespmem:$0x18980] =	vst v63  }
0x26c: {  	s2 =	simm.s32 $0x13F80;
	s31 =	simm.s32 $0x4F80;
	s29 =	sadd.s32 s1, s30  }
0x26d: {  	[tilespmem:s2], [sflag:$0x3] =	stream.strided.gather [hbm4b:s29+s14], $0x800, s13, s14, $0x38;
	[tilespmem:$0x18980] =	vst v63  }
.LBB2_6:
0x26e: {  	_ =	sfence.sel $0x180000  }
0x26f: {  	[bflag:$0x0] =	sbarrier.arrive $0xFFFF  }
0x270: {  	_ =	strace $0x90000047  }
0x271: {  	s0 =	stileid.u32;
	[bflag:$0x2] =	sbarrier.arrive $0xFFFF  }
0x272: {  	p0 =	sne.s32 s0, $0x0;
	s0 =	rddreg [dreg:$0x6]  }
0x273: {  	s0 =	sadd.s32 @!p0 $0x100000, s0  }
0x274: {  	[sflag:s0] =	ssyncadd.tile.s32 @!p0 $0x1;
	_ =	shalt  }
.Lfunc_end2:
_tile_overlayer_lowered:
.L_overlay_start_2:
0x275: {  	(tag) =	ssettag $0x2  }
0x276: {  	s0 =	rddreg [dreg:$0x0];
	s2 =	stileid.u32  }
0x277: {  	s1 =	rddreg [dreg:$0x1];
	p0 =	sne.s32 s2, $0x0  }
0x278: {  	s3 =	rddreg [dreg:$0x2];
	[bflag:$0x3] =	sbarrier.arrive $0xFFFF;
	s2 =	simm.s32 @!p0 $0x1C07  }
0x279: {  	[timem:s3], [sflag:s2] =	dma.local @!p0 [hbm:s0], s1  }
0x27a: {  	s0 =	simm.s32 @!p0 $0x7  }
0x27b: {  	_ =	swait.ge @!p0 [sflag:s0], s1  }
0x27c: {  	s1 =	ssub.s32 @!p0 $0x0, s1;
	[sflag:s0] =	ssyncset.done @!p0 $0x0  }
0x27d: {  	[sflag:s0] =	ssyncadd.s32 @!p0 s1  }
0x27e: {  	[bflag:$0x3] =	sbarrier.arrive $0xFFFF  }
0x27f: {  	_ =	shalt  }

</sc_bundles>
